<compile_context>
chip_gen: v7x
topology: tpu7x:2x2x1
jax: 0.10.2.dev20260603
libtpu: 0.0.44.dev20260713+nightly
codegen_flags: <defaults>
</compile_context>

<pallas_src>
import functools

import jax
import jax.numpy as jnp
from jax import lax
from jax.experimental import pallas as pl
from jax.experimental.pallas import tpu as pltpu
from jax.experimental.pallas import tpu_sc as plsc

BATCH = 4096
EBD = 32
NUM_WORKERS = 32
BPW = BATCH // NUM_WORKERS
BT = 512
K1 = 4096
K2 = 16
NBUF = 4


def _sc_gather_add(len_tab, ipd_tab, len_idx, ipd_idx, n):
    mesh = plsc.VectorSubcoreMesh(core_axis_name="c", subcore_axis_name="s")
    bpw = n // NUM_WORKERS

    @functools.partial(
        pl.kernel,
        out_type=jax.ShapeDtypeStruct((n, EBD), jnp.float32),
        mesh=mesh,
        scratch_types=(
            [
                pltpu.VMEM((bpw,), jnp.int32),
                pltpu.VMEM((bpw,), jnp.int32),
                pltpu.VMEM((bpw, EBD), jnp.float32),
            ]
            + [pltpu.VMEM((EBD, 128), jnp.float32) for _ in range(2 * NBUF)]
            + [pltpu.SemaphoreType.DMA for _ in range(2 * NBUF)]
        ),
        compiler_params=pltpu.CompilerParams(needs_layout_passes=False),
    )
    def k(lent_hbm, ipdt_hbm, li_hbm, ii_hbm, out_hbm,
          li_v, ii_v, eb, *bufsem):
        bufa = bufsem[0:NBUF]
        bufb = bufsem[NBUF:2 * NBUF]
        sema = bufsem[2 * NBUF:3 * NBUF]
        semb = bufsem[3 * NBUF:4 * NBUF]
        wid = lax.axis_index("s") * 2 + lax.axis_index("c")
        base = wid * bpw
        pltpu.sync_copy(li_hbm.at[pl.ds(base, bpw)], li_v)
        pltpu.sync_copy(ii_hbm.at[pl.ds(base, bpw)], ii_v)
        iota16 = lax.iota(jnp.int32, 16)

        def ridx(ref, i):
            lane = lax.bitwise_and(i, 15)
            onlane = iota16 == lane
            return jnp.max(jnp.where(onlane, ref[pl.ds(i - lane, 16)], 0))

        def fire(i, j):
            r1 = ridx(li_v, i)
            r2 = ridx(ii_v, i)
            b1 = pl.multiple_of(lax.bitwise_and(r1, ~127), 128)
            b2 = pl.multiple_of(lax.bitwise_and(r2, ~127), 128)
            pltpu.async_copy(lent_hbm.at[:, pl.ds(b1, 128)], bufa[j], sema[j])
            pltpu.async_copy(ipdt_hbm.at[:, pl.ds(b2, 128)], bufb[j], semb[j])

        for j in range(NBUF):
            fire(j, j)

        def step(g, carry):
            i0 = g * NBUF
            for j in range(NBUF):
                i = i0 + j
                pltpu.make_async_copy(
                    lent_hbm.at[:, pl.ds(0, 128)], bufa[j], sema[j]).wait()
                pltpu.make_async_copy(
                    ipdt_hbm.at[:, pl.ds(0, 128)], bufb[j], semb[j]).wait()
                l1 = jnp.full((16,), lax.bitwise_and(ridx(li_v, i), 127),
                              jnp.int32)
                l2 = jnp.full((16,), lax.bitwise_and(ridx(ii_v, i), 127),
                              jnp.int32)
                lo = (plsc.load_gather(bufa[j], [iota16, l1])
                      + plsc.load_gather(bufb[j], [iota16, l2]))
                hi = (plsc.load_gather(bufa[j], [iota16 + 16, l1])
                      + plsc.load_gather(bufb[j], [iota16 + 16, l2]))
                eb[i, pl.ds(0, 16)] = lo
                eb[i, pl.ds(16, 16)] = hi

                @pl.when(i + NBUF < bpw)
                def _():
                    fire(i + NBUF, j)

            return carry

        lax.fori_loop(0, bpw // NBUF, step, 0)
        pltpu.sync_copy(eb, out_hbm.at[pl.ds(base, bpw)])

    return k(len_tab.T, ipd_tab.T, len_idx, ipd_idx)


def _dense_body(e_ref, w1_ref, t1_ref, h1_ref, lut1_ref, w2_ref, t2_ref,
                h2_ref, lut2_ref, out_ref):
    e = e_ref[...]

    y1 = lax.dot_general(e, w1_ref[...], (((1,), (0,)), ((), ())))
    y1 = y1 - t1_ref[...] - jnp.float32(0.0001)
    t = jnp.tanh(y1)
    s = jnp.sign(y1)
    v = (s - t) + t

    acc = jnp.zeros((BT, EBD), jnp.float32)
    for g in range(5):
        vg = v[:, 45 * g:45 * g + 45]
        sc = lax.dot_general(vg, h1_ref[...], (((1,), (0,)), ((), ())))
        m = jnp.max(sc, axis=1, keepdims=True)
        oh = (sc == m).astype(jnp.float32)
        acc = acc + lax.dot_general(oh, lut1_ref[g], (((1,), (0,)), ((), ())))

    y2 = lax.dot_general(e, w2_ref[...], (((1,), (0,)), ((), ())))
    y2 = y2 - t2_ref[...]
    y2 = jnp.where(y2 == 0.0, jnp.float32(-1.0), y2)
    s2 = jnp.sign(y2)
    sc2 = lax.dot_general(s2, h2_ref[...], (((1,), (0,)), ((), ())))
    iota2 = lax.broadcasted_iota(jnp.int32, (BT, K2), 1)
    m2 = jnp.max(sc2, axis=1, keepdims=True)
    idx2 = jnp.min(jnp.where(sc2 == m2, iota2, K2), axis=1, keepdims=True)
    oh2 = (iota2 == idx2).astype(jnp.float32)
    acc = acc + lax.dot_general(oh2, lut2_ref[0], (((1,), (0,)), ((), ())))

    out_ref[...] = acc


def kernel(x, lenebdLUT, ipdebdLUT, S1, H1, T1, LUT1, S2, H2, T2, LUT2):
    idx = x.reshape(BATCH, 2)
    len_idx = idx[:, 0].astype(jnp.int32)
    ipd_idx = idx[:, 1].astype(jnp.int32)

    eye15 = jnp.eye(15, dtype=jnp.float32)
    w1 = (S1[:, :, None, :] * eye15[:, None, :, None]).reshape(30, 225)
    w1 = jnp.concatenate([w1, jnp.zeros((2, 225), jnp.float32)], axis=0)
    t1 = T1.reshape(1, 225)
    w2 = jnp.concatenate([jnp.zeros((30, 15), jnp.float32), S2[0]], axis=0)
    t2 = T2.reshape(1, 15)

    const = lambda *_: (0, 0)
    half = BATCH // 2

    def dense(e):
        n = e.shape[0]
        return pl.pallas_call(
            _dense_body,
            grid=(n // BT,),
            in_specs=[
                pl.BlockSpec((BT, EBD), lambda i: (i, 0)),
                pl.BlockSpec((32, 225), const),
                pl.BlockSpec((1, 225), const),
                pl.BlockSpec((45, K1), const),
                pl.BlockSpec((5, K1, EBD), lambda i: (0, 0, 0)),
                pl.BlockSpec((32, 15), const),
                pl.BlockSpec((1, 15), const),
                pl.BlockSpec((15, K2), const),
                pl.BlockSpec((1, K2, EBD), lambda i: (0, 0, 0)),
            ],
            out_specs=pl.BlockSpec((BT, EBD), lambda i: (i, 0)),
            out_shape=jax.ShapeDtypeStruct((n, EBD), jnp.float32),
        )(e, w1, t1, H1, LUT1, w2, t2, H2, LUT2)

    nsplit = 4
    cs = BATCH // nsplit
    es = [_sc_gather_add(lenebdLUT, ipdebdLUT,
                         len_idx[i * cs:(i + 1) * cs],
                         ipd_idx[i * cs:(i + 1) * cs], cs)
          for i in range(nsplit)]
    rs = [dense(e) for e in es]
    reconstruct = jnp.concatenate(rs, axis=0)
    ebd = jnp.concatenate(es, axis=0)
    return (reconstruct, ebd)

# --- scband reference (transcript-rebuilt; emitter-appended) ---
"""Pipeline reference for scband-table-splitautoencoder-template-77180562309401 (READ-ONLY COPY).

The authoritative reference and input builder live on the scoring server;
editing this copy changes nothing except your own understanding.
"""

import jax, jax.numpy as jnp
import numpy as np

BATCH = 4096
LEN_VOCAB = 1000000
IPD_VOCAB = 1000000
EBDIN = 32


def setup_inputs(seed: int = 0) -> dict:
    key = jax.random.key(seed)
    ks = jax.random.split(key, 12)
    return {
        "x": jax.random.randint(ks[0], (BATCH, 1, 2), 0, LEN_VOCAB, dtype=jnp.int32),
        "lenebdLUT": jax.random.normal(ks[1], (LEN_VOCAB, EBDIN), dtype=jnp.float32),
        "ipdebdLUT": jax.random.normal(ks[2], (IPD_VOCAB, EBDIN), dtype=jnp.float32),
        "S1": jax.random.normal(ks[3], (15, 2, 15), dtype=jnp.float32),
        "H1": jax.random.normal(ks[4], (45, 4096), dtype=jnp.float32),
        "T1": jax.random.normal(ks[5], (15, 15), dtype=jnp.float32),
        "LUT1": jax.random.normal(ks[6], (5, 4096, 32), dtype=jnp.float32),
        "S2": jax.random.normal(ks[7], (1, 2, 15), dtype=jnp.float32),
        "H2": jax.random.normal(ks[8], (15, 16), dtype=jnp.float32),
        "T2": jax.random.normal(ks[9], (1, 15), dtype=jnp.float32),
        "LUT2": jax.random.normal(ks[10], (1, 16, 32), dtype=jnp.float32),
    }


def _mm1(x, S, H, T, LUT):
    # newMM: C=5, D=6
    x = x.reshape(-1, 1, 15, 2)
    x = jnp.einsum('abcd,cdk->abck', x, S)
    x = x - T - 0.0001
    t = jnp.tanh(x)
    s = jnp.sign(x)
    x = jax.lax.stop_gradient(s - t) + t  # straight-through estimator
    x = x.reshape(-1, 1, 5, 3, 15)
    x = x.reshape(-1, 1, 5, 45)
    x = x.reshape(-1, 5, 45)
    x = jnp.einsum('bcd,dk->bck', x, H)
    one_hot = jax.nn.one_hot(jnp.argmax(x, axis=-1), 4096, dtype=jnp.float32)
    x = jnp.einsum('bck,ckd->bcd', one_hot, LUT)
    return x  # [N, 5, 32]


def _mm2(x, S, H, T, LUT):
    # MM_final: C=1, D=2, output_size=32
    x = x.reshape(-1, 1, 2)
    x = jnp.einsum('bcd,cdk->bck', x, S)
    x = x - T
    x = jnp.where(x == 0, jnp.float32(-1.0), x)  # x[x==0] = -1
    x = jnp.sign(x)
    x = jnp.einsum('bcd,dk->bck', x, H)
    one_hot = jax.nn.one_hot(jnp.argmax(x, axis=-1), 16, dtype=jnp.float32)
    x = jnp.einsum('bck,cko->bco', one_hot, LUT)
    x = jnp.sum(x, axis=1)
    return x  # [N, 32]


def reference(x, lenebdLUT, ipdebdLUT, S1, H1, T1, LUT1, S2, H2, T2, LUT2):
    len_idx = x[:, :, 0].astype(jnp.int32)
    ipd_idx = x[:, :, 1].astype(jnp.int32)
    len_e = jnp.take(lenebdLUT, len_idx, axis=0)   # [B, 1, 32]
    ipd_e = jnp.take(ipdebdLUT, ipd_idx, axis=0)   # [B, 1, 32]
    e = ipd_e + len_e
    batch = e.shape[0]
    e = e.reshape(-1, 32)
    ebd = e
    x1 = e[:, 0:30]
    x2 = e[:, 30:32]
    x1 = _mm1(x1, S1, H1, T1, LUT1)           # [B, 5, 32]
    x2 = _mm2(x2, S2, H2, T2, LUT2)           # [B, 32]
    x2 = x2.reshape(batch, 1, 32)
    reconstruct = jnp.concatenate([x1, x2], axis=1)  # [B, 6, 32]
    reconstruct = jnp.sum(reconstruct, axis=1)       # [B, 32]
    return (reconstruct, ebd)

if __name__ == "__main__":
    import jax
    _d = setup_inputs()
    print(jax.jit(kernel)(*tuple(_d.values())))

</pallas_src>

<mosaic_0001>
#map = affine_map<(d0, d1) -> (0, 0)>
#map1 = affine_map<(d0, d1) -> (0)>
module attributes {stable_mosaic.version = 14 : i64} {
  func.func @k(%arg0: i32, %arg1: i32, %arg2: memref<32x1000000xf32, #tpu.memory_space<hbm>>, %arg3: memref<32x1000000xf32, #tpu.memory_space<hbm>>, %arg4: memref<1024xi32, #tpu.memory_space<hbm>>, %arg5: memref<1024xi32, #tpu.memory_space<hbm>>, %arg6: memref<1024x32xf32, #tpu.memory_space<hbm>>, %arg7: memref<32xi32, #tpu.memory_space<vmem>>, %arg8: memref<32xi32, #tpu.memory_space<vmem>>, %arg9: memref<32x32xf32, #tpu.memory_space<vmem>>, %arg10: memref<32x128xf32, #tpu.memory_space<vmem>>, %arg11: memref<32x128xf32, #tpu.memory_space<vmem>>, %arg12: memref<32x128xf32, #tpu.memory_space<vmem>>, %arg13: memref<32x128xf32, #tpu.memory_space<vmem>>, %arg14: memref<32x128xf32, #tpu.memory_space<vmem>>, %arg15: memref<32x128xf32, #tpu.memory_space<vmem>>, %arg16: memref<32x128xf32, #tpu.memory_space<vmem>>, %arg17: memref<32x128xf32, #tpu.memory_space<vmem>>, %arg18: memref<!tpu.dma_semaphore, #tpu.memory_space<semaphore_mem>>, %arg19: memref<!tpu.dma_semaphore, #tpu.memory_space<semaphore_mem>>, %arg20: memref<!tpu.dma_semaphore, #tpu.memory_space<semaphore_mem>>, %arg21: memref<!tpu.dma_semaphore, #tpu.memory_space<semaphore_mem>>, %arg22: memref<!tpu.dma_semaphore, #tpu.memory_space<semaphore_mem>>, %arg23: memref<!tpu.dma_semaphore, #tpu.memory_space<semaphore_mem>>, %arg24: memref<!tpu.dma_semaphore, #tpu.memory_space<semaphore_mem>>, %arg25: memref<!tpu.dma_semaphore, #tpu.memory_space<semaphore_mem>>) attributes {dimension_semantics = [#tpu.dimension_semantics<core_parallel>, #tpu.dimension_semantics<subcore_parallel>], iteration_bounds = array<i64: 2, 16>, scalar_prefetch = 0 : i64, scratch_operands = 19 : i64, tpu.core_type = #tpu.core_type<sc_vector_subcore>, window_params = [{transform_indices = #map}, {transform_indices = #map}, {transform_indices = #map1}, {transform_indices = #map1}, {transform_indices = #map}]} {
    %mul3A = arith.constant 2 : i32
    %mul3A_0 = arith.muli %arg1, %mul3A : i32
    %add3A = arith.addi %mul3A_0, %arg0 : i32
    %mul3A_1 = arith.constant 32 : i32
    %mul3A_2 = arith.muli %add3A, %mul3A_1 : i32
    "tpu.region"() ({
      %run_scoped3A = tpu.sem_alloc : memref<!tpu.dma_semaphore, #tpu.memory_space<semaphore_mem>>
      %dma_start3A_214 = tpu.memref_slice %arg4[%mul3A_2] : memref<1024xi32, #tpu.memory_space<hbm>> -> memref<32xi32, #tpu.memory_space<hbm>>
      %dma_start3A_215 = tpu.memref_slice %arg4[%mul3A_2] : memref<1024xi32, #tpu.memory_space<hbm>> -> memref<32xi32, #tpu.memory_space<hbm>>
      tpu.enqueue_dma source(%dma_start3A_215 : memref<32xi32, #tpu.memory_space<hbm>>) target(%arg7 : memref<32xi32, #tpu.memory_space<vmem>>) target_semaphore(%run_scoped3A : memref<!tpu.dma_semaphore, #tpu.memory_space<semaphore_mem>>)
      %dma_wait3A = tpu.memref_slice %arg4[%mul3A_2] : memref<1024xi32, #tpu.memory_space<hbm>> -> memref<32xi32, #tpu.memory_space<hbm>>
      %dma_wait3A_216 = tpu.memref_slice %arg4[%mul3A_2] : memref<1024xi32, #tpu.memory_space<hbm>> -> memref<32xi32, #tpu.memory_space<hbm>>
      tpu.wait_dma2 semaphore(%run_scoped3A : memref<!tpu.dma_semaphore, #tpu.memory_space<semaphore_mem>>) src(%dma_wait3A_216 : memref<32xi32, #tpu.memory_space<hbm>>) dst(%arg7 : memref<32xi32, #tpu.memory_space<vmem>>)
      tpu.yield
    }) : () -> ()
    "tpu.region"() ({
      %run_scoped3A = tpu.sem_alloc : memref<!tpu.dma_semaphore, #tpu.memory_space<semaphore_mem>>
      %dma_start3A_214 = tpu.memref_slice %arg5[%mul3A_2] : memref<1024xi32, #tpu.memory_space<hbm>> -> memref<32xi32, #tpu.memory_space<hbm>>
      %dma_start3A_215 = tpu.memref_slice %arg5[%mul3A_2] : memref<1024xi32, #tpu.memory_space<hbm>> -> memref<32xi32, #tpu.memory_space<hbm>>
      tpu.enqueue_dma source(%dma_start3A_215 : memref<32xi32, #tpu.memory_space<hbm>>) target(%arg8 : memref<32xi32, #tpu.memory_space<vmem>>) target_semaphore(%run_scoped3A : memref<!tpu.dma_semaphore, #tpu.memory_space<semaphore_mem>>)
      %dma_wait3A = tpu.memref_slice %arg5[%mul3A_2] : memref<1024xi32, #tpu.memory_space<hbm>> -> memref<32xi32, #tpu.memory_space<hbm>>
      %dma_wait3A_216 = tpu.memref_slice %arg5[%mul3A_2] : memref<1024xi32, #tpu.memory_space<hbm>> -> memref<32xi32, #tpu.memory_space<hbm>>
      tpu.wait_dma2 semaphore(%run_scoped3A : memref<!tpu.dma_semaphore, #tpu.memory_space<semaphore_mem>>) src(%dma_wait3A_216 : memref<32xi32, #tpu.memory_space<hbm>>) dst(%arg8 : memref<32xi32, #tpu.memory_space<vmem>>)
      tpu.yield
    }) : () -> ()
    %iota3A = tpu.iota {dimensions = array<i32: 0>} : vector<16xi32>
    %and3A = arith.constant 0 : i32
    %and3A_3 = arith.constant 15 : i32
    %and3A_4 = arith.andi %and3A, %and3A_3 : i32
    %eq3A = vector.broadcast %and3A_4 : i32 to vector<16xi32>
    %eq3A_5 = arith.cmpi eq, %iota3A, %eq3A : vector<16xi32>
    %sub3A = arith.constant 0 : i32
    %sub3A_6 = arith.subi %sub3A, %and3A_4 : i32
    %get3A = arith.index_cast %sub3A_6 : i32 to index
    %get3A_7 = tpu.vector_load %arg7[%get3A] {strides = array<i32>} : memref<32xi32, #tpu.memory_space<vmem>>, vector<16xi32>,
    %jit3A = arith.constant 0 : i32
    %broadcast_in_dim3A = vector.broadcast %jit3A : i32 to vector<16xi32>
    %select_n3A = arith.select %eq3A_5, %get3A_7, %broadcast_in_dim3A : vector<16xi1>, vector<16xi32>
    %reduce_max3A = arith.constant true
    %reduce_max3A_8 = vector.broadcast %reduce_max3A : i1 to vector<16xi1>
    %reduce_max3A_9 = arith.constant -2147483648 : i32
    %reduce_max3A_10 = vector.broadcast %reduce_max3A_9 : i32 to vector<16xi32>
    %reduce_max3A_11 = arith.xori %select_n3A, %reduce_max3A_10 : vector<16xi32>
    %reduce_max3A_12 = tpu.scan <max>, %reduce_max3A_11 masked %reduce_max3A_8 : vector<16xi32>, vector<16xi1> -> vector<16xi32>
    %reduce_max3A_13 = arith.xori %reduce_max3A_12, %reduce_max3A_10 : vector<16xi32>
    %reduce_max3A_14 = vector.extract %reduce_max3A_13[15] : i32 from vector<16xi32>
    %and3A_15 = arith.constant 0 : i32
    %and3A_16 = arith.constant 15 : i32
    %and3A_17 = arith.andi %and3A_15, %and3A_16 : i32
    %eq3A_18 = vector.broadcast %and3A_17 : i32 to vector<16xi32>
    %eq3A_19 = arith.cmpi eq, %iota3A, %eq3A_18 : vector<16xi32>
    %sub3A_20 = arith.constant 0 : i32
    %sub3A_21 = arith.subi %sub3A_20, %and3A_17 : i32
    %get3A_22 = arith.index_cast %sub3A_21 : i32 to index
    %get3A_23 = tpu.vector_load %arg8[%get3A_22] {strides = array<i32>} : memref<32xi32, #tpu.memory_space<vmem>>, vector<16xi32>,
    %jit3A_24 = arith.constant 0 : i32
    %broadcast_in_dim3A_25 = vector.broadcast %jit3A_24 : i32 to vector<16xi32>
    %select_n3A_26 = arith.select %eq3A_19, %get3A_23, %broadcast_in_dim3A_25 : vector<16xi1>, vector<16xi32>
    %reduce_max3A_27 = arith.constant true
    %reduce_max3A_28 = vector.broadcast %reduce_max3A_27 : i1 to vector<16xi1>
    %reduce_max3A_29 = arith.constant -2147483648 : i32
    %reduce_max3A_30 = vector.broadcast %reduce_max3A_29 : i32 to vector<16xi32>
    %reduce_max3A_31 = arith.xori %select_n3A_26, %reduce_max3A_30 : vector<16xi32>
    %reduce_max3A_32 = tpu.scan <max>, %reduce_max3A_31 masked %reduce_max3A_28 : vector<16xi32>, vector<16xi1> -> vector<16xi32>
    %reduce_max3A_33 = arith.xori %reduce_max3A_32, %reduce_max3A_30 : vector<16xi32>
    %reduce_max3A_34 = vector.extract %reduce_max3A_33[15] : i32 from vector<16xi32>
    %and3A_35 = arith.constant -128 : i32
    %and3A_36 = arith.andi %reduce_max3A_14, %and3A_35 : i32
    %multiple_of3A = tpu.assume_multiple %and3A_36, 128 : i32
    %and3A_37 = arith.constant -128 : i32
    %and3A_38 = arith.andi %reduce_max3A_34, %and3A_37 : i32
    %multiple_of3A_39 = tpu.assume_multiple %and3A_38, 128 : i32
    %dma_start3A = arith.constant 0 : i32
    %dma_start3A_40 = tpu.memref_slice %arg2[%dma_start3A, %multiple_of3A] : memref<32x1000000xf32, #tpu.memory_space<hbm>> -> memref<32x128xf32, #tpu.memory_space<hbm>>
    %dma_start3A_41 = arith.constant 0 : i32
    %dma_start3A_42 = tpu.memref_slice %arg2[%dma_start3A_41, %multiple_of3A] : memref<32x1000000xf32, #tpu.memory_space<hbm>> -> memref<32x128xf32, #tpu.memory_space<hbm>>
    tpu.enqueue_dma source(%dma_start3A_42 : memref<32x128xf32, #tpu.memory_space<hbm>>) target(%arg10 : memref<32x128xf32, #tpu.memory_space<vmem>>) target_semaphore(%arg18 : memref<!tpu.dma_semaphore, #tpu.memory_space<semaphore_mem>>)
    %dma_start3A_43 = arith.constant 0 : i32
    %dma_start3A_44 = tpu.memref_slice %arg3[%dma_start3A_43, %multiple_of3A_39] : memref<32x1000000xf32, #tpu.memory_space<hbm>> -> memref<32x128xf32, #tpu.memory_space<hbm>>
    %dma_start3A_45 = arith.constant 0 : i32
    %dma_start3A_46 = tpu.memref_slice %arg3[%dma_start3A_45, %multiple_of3A_39] : memref<32x1000000xf32, #tpu.memory_space<hbm>> -> memref<32x128xf32, #tpu.memory_space<hbm>>
    tpu.enqueue_dma source(%dma_start3A_46 : memref<32x128xf32, #tpu.memory_space<hbm>>) target(%arg14 : memref<32x128xf32, #tpu.memory_space<vmem>>) target_semaphore(%arg22 : memref<!tpu.dma_semaphore, #tpu.memory_space<semaphore_mem>>)
    %and3A_47 = arith.constant 1 : i32
    %and3A_48 = arith.constant 15 : i32
    %and3A_49 = arith.andi %and3A_47, %and3A_48 : i32
    %eq3A_50 = vector.broadcast %and3A_49 : i32 to vector<16xi32>
    %eq3A_51 = arith.cmpi eq, %iota3A, %eq3A_50 : vector<16xi32>
    %sub3A_52 = arith.constant 1 : i32
    %sub3A_53 = arith.subi %sub3A_52, %and3A_49 : i32
    %get3A_54 = arith.index_cast %sub3A_53 : i32 to index
    %get3A_55 = tpu.vector_load %arg7[%get3A_54] {strides = array<i32>} : memref<32xi32, #tpu.memory_space<vmem>>, vector<16xi32>,
    %jit3A_56 = arith.constant 0 : i32
    %broadcast_in_dim3A_57 = vector.broadcast %jit3A_56 : i32 to vector<16xi32>
    %select_n3A_58 = arith.select %eq3A_51, %get3A_55, %broadcast_in_dim3A_57 : vector<16xi1>, vector<16xi32>
    %reduce_max3A_59 = arith.constant true
    %reduce_max3A_60 = vector.broadcast %reduce_max3A_59 : i1 to vector<16xi1>
    %reduce_max3A_61 = arith.constant -2147483648 : i32
    %reduce_max3A_62 = vector.broadcast %reduce_max3A_61 : i32 to vector<16xi32>
    %reduce_max3A_63 = arith.xori %select_n3A_58, %reduce_max3A_62 : vector<16xi32>
    %reduce_max3A_64 = tpu.scan <max>, %reduce_max3A_63 masked %reduce_max3A_60 : vector<16xi32>, vector<16xi1> -> vector<16xi32>
    %reduce_max3A_65 = arith.xori %reduce_max3A_64, %reduce_max3A_62 : vector<16xi32>
    %reduce_max3A_66 = vector.extract %reduce_max3A_65[15] : i32 from vector<16xi32>
    %and3A_67 = arith.constant 1 : i32
    %and3A_68 = arith.constant 15 : i32
    %and3A_69 = arith.andi %and3A_67, %and3A_68 : i32
    %eq3A_70 = vector.broadcast %and3A_69 : i32 to vector<16xi32>
    %eq3A_71 = arith.cmpi eq, %iota3A, %eq3A_70 : vector<16xi32>
    %sub3A_72 = arith.constant 1 : i32
    %sub3A_73 = arith.subi %sub3A_72, %and3A_69 : i32
    %get3A_74 = arith.index_cast %sub3A_73 : i32 to index
    %get3A_75 = tpu.vector_load %arg8[%get3A_74] {strides = array<i32>} : memref<32xi32, #tpu.memory_space<vmem>>, vector<16xi32>,
    %jit3A_76 = arith.constant 0 : i32
    %broadcast_in_dim3A_77 = vector.broadcast %jit3A_76 : i32 to vector<16xi32>
    %select_n3A_78 = arith.select %eq3A_71, %get3A_75, %broadcast_in_dim3A_77 : vector<16xi1>, vector<16xi32>
    %reduce_max3A_79 = arith.constant true
    %reduce_max3A_80 = vector.broadcast %reduce_max3A_79 : i1 to vector<16xi1>
    %reduce_max3A_81 = arith.constant -2147483648 : i32
    %reduce_max3A_82 = vector.broadcast %reduce_max3A_81 : i32 to vector<16xi32>
    %reduce_max3A_83 = arith.xori %select_n3A_78, %reduce_max3A_82 : vector<16xi32>
    %reduce_max3A_84 = tpu.scan <max>, %reduce_max3A_83 masked %reduce_max3A_80 : vector<16xi32>, vector<16xi1> -> vector<16xi32>
    %reduce_max3A_85 = arith.xori %reduce_max3A_84, %reduce_max3A_82 : vector<16xi32>
    %reduce_max3A_86 = vector.extract %reduce_max3A_85[15] : i32 from vector<16xi32>
    %and3A_87 = arith.constant -128 : i32
    %and3A_88 = arith.andi %reduce_max3A_66, %and3A_87 : i32
    %multiple_of3A_89 = tpu.assume_multiple %and3A_88, 128 : i32
    %and3A_90 = arith.constant -128 : i32
    %and3A_91 = arith.andi %reduce_max3A_86, %and3A_90 : i32
    %multiple_of3A_92 = tpu.assume_multiple %and3A_91, 128 : i32
    %dma_start3A_93 = arith.constant 0 : i32
    %dma_start3A_94 = tpu.memref_slice %arg2[%dma_start3A_93, %multiple_of3A_89] : memref<32x1000000xf32, #tpu.memory_space<hbm>> -> memref<32x128xf32, #tpu.memory_space<hbm>>
    %dma_start3A_95 = arith.constant 0 : i32
    %dma_start3A_96 = tpu.memref_slice %arg2[%dma_start3A_95, %multiple_of3A_89] : memref<32x1000000xf32, #tpu.memory_space<hbm>> -> memref<32x128xf32, #tpu.memory_space<hbm>>
    tpu.enqueue_dma source(%dma_start3A_96 : memref<32x128xf32, #tpu.memory_space<hbm>>) target(%arg11 : memref<32x128xf32, #tpu.memory_space<vmem>>) target_semaphore(%arg19 : memref<!tpu.dma_semaphore, #tpu.memory_space<semaphore_mem>>)
    %dma_start3A_97 = arith.constant 0 : i32
    %dma_start3A_98 = tpu.memref_slice %arg3[%dma_start3A_97, %multiple_of3A_92] : memref<32x1000000xf32, #tpu.memory_space<hbm>> -> memref<32x128xf32, #tpu.memory_space<hbm>>
    %dma_start3A_99 = arith.constant 0 : i32
    %dma_start3A_100 = tpu.memref_slice %arg3[%dma_start3A_99, %multiple_of3A_92] : memref<32x1000000xf32, #tpu.memory_space<hbm>> -> memref<32x128xf32, #tpu.memory_space<hbm>>
    tpu.enqueue_dma source(%dma_start3A_100 : memref<32x128xf32, #tpu.memory_space<hbm>>) target(%arg15 : memref<32x128xf32, #tpu.memory_space<vmem>>) target_semaphore(%arg23 : memref<!tpu.dma_semaphore, #tpu.memory_space<semaphore_mem>>)
    %and3A_101 = arith.constant 2 : i32
    %and3A_102 = arith.constant 15 : i32
    %and3A_103 = arith.andi %and3A_101, %and3A_102 : i32
    %eq3A_104 = vector.broadcast %and3A_103 : i32 to vector<16xi32>
    %eq3A_105 = arith.cmpi eq, %iota3A, %eq3A_104 : vector<16xi32>
    %sub3A_106 = arith.constant 2 : i32
    %sub3A_107 = arith.subi %sub3A_106, %and3A_103 : i32
    %get3A_108 = arith.index_cast %sub3A_107 : i32 to index
    %get3A_109 = tpu.vector_load %arg7[%get3A_108] {strides = array<i32>} : memref<32xi32, #tpu.memory_space<vmem>>, vector<16xi32>,
    %jit3A_110 = arith.constant 0 : i32
    %broadcast_in_dim3A_111 = vector.broadcast %jit3A_110 : i32 to vector<16xi32>
    %select_n3A_112 = arith.select %eq3A_105, %get3A_109, %broadcast_in_dim3A_111 : vector<16xi1>, vector<16xi32>
    %reduce_max3A_113 = arith.constant true
    %reduce_max3A_114 = vector.broadcast %reduce_max3A_113 : i1 to vector<16xi1>
    %reduce_max3A_115 = arith.constant -2147483648 : i32
    %reduce_max3A_116 = vector.broadcast %reduce_max3A_115 : i32 to vector<16xi32>
    %reduce_max3A_117 = arith.xori %select_n3A_112, %reduce_max3A_116 : vector<16xi32>
    %reduce_max3A_118 = tpu.scan <max>, %reduce_max3A_117 masked %reduce_max3A_114 : vector<16xi32>, vector<16xi1> -> vector<16xi32>
    %reduce_max3A_119 = arith.xori %reduce_max3A_118, %reduce_max3A_116 : vector<16xi32>
    %reduce_max3A_120 = vector.extract %reduce_max3A_119[15] : i32 from vector<16xi32>
    %and3A_121 = arith.constant 2 : i32
    %and3A_122 = arith.constant 15 : i32
    %and3A_123 = arith.andi %and3A_121, %and3A_122 : i32
    %eq3A_124 = vector.broadcast %and3A_123 : i32 to vector<16xi32>
    %eq3A_125 = arith.cmpi eq, %iota3A, %eq3A_124 : vector<16xi32>
    %sub3A_126 = arith.constant 2 : i32
    %sub3A_127 = arith.subi %sub3A_126, %and3A_123 : i32
    %get3A_128 = arith.index_cast %sub3A_127 : i32 to index
    %get3A_129 = tpu.vector_load %arg8[%get3A_128] {strides = array<i32>} : memref<32xi32, #tpu.memory_space<vmem>>, vector<16xi32>,
    %jit3A_130 = arith.constant 0 : i32
    %broadcast_in_dim3A_131 = vector.broadcast %jit3A_130 : i32 to vector<16xi32>
    %select_n3A_132 = arith.select %eq3A_125, %get3A_129, %broadcast_in_dim3A_131 : vector<16xi1>, vector<16xi32>
    %reduce_max3A_133 = arith.constant true
    %reduce_max3A_134 = vector.broadcast %reduce_max3A_133 : i1 to vector<16xi1>
    %reduce_max3A_135 = arith.constant -2147483648 : i32
    %reduce_max3A_136 = vector.broadcast %reduce_max3A_135 : i32 to vector<16xi32>
    %reduce_max3A_137 = arith.xori %select_n3A_132, %reduce_max3A_136 : vector<16xi32>
    %reduce_max3A_138 = tpu.scan <max>, %reduce_max3A_137 masked %reduce_max3A_134 : vector<16xi32>, vector<16xi1> -> vector<16xi32>
    %reduce_max3A_139 = arith.xori %reduce_max3A_138, %reduce_max3A_136 : vector<16xi32>
    %reduce_max3A_140 = vector.extract %reduce_max3A_139[15] : i32 from vector<16xi32>
    %and3A_141 = arith.constant -128 : i32
    %and3A_142 = arith.andi %reduce_max3A_120, %and3A_141 : i32
    %multiple_of3A_143 = tpu.assume_multiple %and3A_142, 128 : i32
    %and3A_144 = arith.constant -128 : i32
    %and3A_145 = arith.andi %reduce_max3A_140, %and3A_144 : i32
    %multiple_of3A_146 = tpu.assume_multiple %and3A_145, 128 : i32
    %dma_start3A_147 = arith.constant 0 : i32
    %dma_start3A_148 = tpu.memref_slice %arg2[%dma_start3A_147, %multiple_of3A_143] : memref<32x1000000xf32, #tpu.memory_space<hbm>> -> memref<32x128xf32, #tpu.memory_space<hbm>>
    %dma_start3A_149 = arith.constant 0 : i32
    %dma_start3A_150 = tpu.memref_slice %arg2[%dma_start3A_149, %multiple_of3A_143] : memref<32x1000000xf32, #tpu.memory_space<hbm>> -> memref<32x128xf32, #tpu.memory_space<hbm>>
    tpu.enqueue_dma source(%dma_start3A_150 : memref<32x128xf32, #tpu.memory_space<hbm>>) target(%arg12 : memref<32x128xf32, #tpu.memory_space<vmem>>) target_semaphore(%arg20 : memref<!tpu.dma_semaphore, #tpu.memory_space<semaphore_mem>>)
    %dma_start3A_151 = arith.constant 0 : i32
    %dma_start3A_152 = tpu.memref_slice %arg3[%dma_start3A_151, %multiple_of3A_146] : memref<32x1000000xf32, #tpu.memory_space<hbm>> -> memref<32x128xf32, #tpu.memory_space<hbm>>
    %dma_start3A_153 = arith.constant 0 : i32
    %dma_start3A_154 = tpu.memref_slice %arg3[%dma_start3A_153, %multiple_of3A_146] : memref<32x1000000xf32, #tpu.memory_space<hbm>> -> memref<32x128xf32, #tpu.memory_space<hbm>>
    tpu.enqueue_dma source(%dma_start3A_154 : memref<32x128xf32, #tpu.memory_space<hbm>>) target(%arg16 : memref<32x128xf32, #tpu.memory_space<vmem>>) target_semaphore(%arg24 : memref<!tpu.dma_semaphore, #tpu.memory_space<semaphore_mem>>)
    %and3A_155 = arith.constant 3 : i32
    %and3A_156 = arith.constant 15 : i32
    %and3A_157 = arith.andi %and3A_155, %and3A_156 : i32
    %eq3A_158 = vector.broadcast %and3A_157 : i32 to vector<16xi32>
    %eq3A_159 = arith.cmpi eq, %iota3A, %eq3A_158 : vector<16xi32>
    %sub3A_160 = arith.constant 3 : i32
    %sub3A_161 = arith.subi %sub3A_160, %and3A_157 : i32
    %get3A_162 = arith.index_cast %sub3A_161 : i32 to index
    %get3A_163 = tpu.vector_load %arg7[%get3A_162] {strides = array<i32>} : memref<32xi32, #tpu.memory_space<vmem>>, vector<16xi32>,
    %jit3A_164 = arith.constant 0 : i32
    %broadcast_in_dim3A_165 = vector.broadcast %jit3A_164 : i32 to vector<16xi32>
    %select_n3A_166 = arith.select %eq3A_159, %get3A_163, %broadcast_in_dim3A_165 : vector<16xi1>, vector<16xi32>
    %reduce_max3A_167 = arith.constant true
    %reduce_max3A_168 = vector.broadcast %reduce_max3A_167 : i1 to vector<16xi1>
    %reduce_max3A_169 = arith.constant -2147483648 : i32
    %reduce_max3A_170 = vector.broadcast %reduce_max3A_169 : i32 to vector<16xi32>
    %reduce_max3A_171 = arith.xori %select_n3A_166, %reduce_max3A_170 : vector<16xi32>
    %reduce_max3A_172 = tpu.scan <max>, %reduce_max3A_171 masked %reduce_max3A_168 : vector<16xi32>, vector<16xi1> -> vector<16xi32>
    %reduce_max3A_173 = arith.xori %reduce_max3A_172, %reduce_max3A_170 : vector<16xi32>
    %reduce_max3A_174 = vector.extract %reduce_max3A_173[15] : i32 from vector<16xi32>
    %and3A_175 = arith.constant 3 : i32
    %and3A_176 = arith.constant 15 : i32
    %and3A_177 = arith.andi %and3A_175, %and3A_176 : i32
    %eq3A_178 = vector.broadcast %and3A_177 : i32 to vector<16xi32>
    %eq3A_179 = arith.cmpi eq, %iota3A, %eq3A_178 : vector<16xi32>
    %sub3A_180 = arith.constant 3 : i32
    %sub3A_181 = arith.subi %sub3A_180, %and3A_177 : i32
    %get3A_182 = arith.index_cast %sub3A_181 : i32 to index
    %get3A_183 = tpu.vector_load %arg8[%get3A_182] {strides = array<i32>} : memref<32xi32, #tpu.memory_space<vmem>>, vector<16xi32>,
    %jit3A_184 = arith.constant 0 : i32
    %broadcast_in_dim3A_185 = vector.broadcast %jit3A_184 : i32 to vector<16xi32>
    %select_n3A_186 = arith.select %eq3A_179, %get3A_183, %broadcast_in_dim3A_185 : vector<16xi1>, vector<16xi32>
    %reduce_max3A_187 = arith.constant true
    %reduce_max3A_188 = vector.broadcast %reduce_max3A_187 : i1 to vector<16xi1>
    %reduce_max3A_189 = arith.constant -2147483648 : i32
    %reduce_max3A_190 = vector.broadcast %reduce_max3A_189 : i32 to vector<16xi32>
    %reduce_max3A_191 = arith.xori %select_n3A_186, %reduce_max3A_190 : vector<16xi32>
    %reduce_max3A_192 = tpu.scan <max>, %reduce_max3A_191 masked %reduce_max3A_188 : vector<16xi32>, vector<16xi1> -> vector<16xi32>
    %reduce_max3A_193 = arith.xori %reduce_max3A_192, %reduce_max3A_190 : vector<16xi32>
    %reduce_max3A_194 = vector.extract %reduce_max3A_193[15] : i32 from vector<16xi32>
    %and3A_195 = arith.constant -128 : i32
    %and3A_196 = arith.andi %reduce_max3A_174, %and3A_195 : i32
    %multiple_of3A_197 = tpu.assume_multiple %and3A_196, 128 : i32
    %and3A_198 = arith.constant -128 : i32
    %and3A_199 = arith.andi %reduce_max3A_194, %and3A_198 : i32
    %multiple_of3A_200 = tpu.assume_multiple %and3A_199, 128 : i32
    %dma_start3A_201 = arith.constant 0 : i32
    %dma_start3A_202 = tpu.memref_slice %arg2[%dma_start3A_201, %multiple_of3A_197] : memref<32x1000000xf32, #tpu.memory_space<hbm>> -> memref<32x128xf32, #tpu.memory_space<hbm>>
    %dma_start3A_203 = arith.constant 0 : i32
    %dma_start3A_204 = tpu.memref_slice %arg2[%dma_start3A_203, %multiple_of3A_197] : memref<32x1000000xf32, #tpu.memory_space<hbm>> -> memref<32x128xf32, #tpu.memory_space<hbm>>
    tpu.enqueue_dma source(%dma_start3A_204 : memref<32x128xf32, #tpu.memory_space<hbm>>) target(%arg13 : memref<32x128xf32, #tpu.memory_space<vmem>>) target_semaphore(%arg21 : memref<!tpu.dma_semaphore, #tpu.memory_space<semaphore_mem>>)
    %dma_start3A_205 = arith.constant 0 : i32
    %dma_start3A_206 = tpu.memref_slice %arg3[%dma_start3A_205, %multiple_of3A_200] : memref<32x1000000xf32, #tpu.memory_space<hbm>> -> memref<32x128xf32, #tpu.memory_space<hbm>>
    %dma_start3A_207 = arith.constant 0 : i32
    %dma_start3A_208 = tpu.memref_slice %arg3[%dma_start3A_207, %multiple_of3A_200] : memref<32x1000000xf32, #tpu.memory_space<hbm>> -> memref<32x128xf32, #tpu.memory_space<hbm>>
    tpu.enqueue_dma source(%dma_start3A_208 : memref<32x128xf32, #tpu.memory_space<hbm>>) target(%arg17 : memref<32x128xf32, #tpu.memory_space<vmem>>) target_semaphore(%arg25 : memref<!tpu.dma_semaphore, #tpu.memory_space<semaphore_mem>>)
    %scan3A = arith.constant 0 : i32
    %scan3A_209 = arith.constant 0 : i32
    %scan3A_210 = arith.constant 8 : i32
    %scan3A_211 = arith.addi %scan3A_209, %scan3A_210 : i32
    %scan3A_212 = arith.constant 1 : i32
    scf.for %scan3A_214 = %scan3A_209 to %scan3A_211 step %scan3A_212  : i32 {
      %mul3A_215 = arith.constant 4 : i32
      %mul3A_216 = arith.muli %scan3A_214, %mul3A_215 : i32
      %add3A_217 = arith.constant 0 : i32
      %add3A_218 = arith.addi %mul3A_216, %add3A_217 : i32
      %dma_wait3A = arith.constant 0 : i32
      %dma_wait3A_219 = arith.constant 0 : i32
      %dma_wait3A_220 = tpu.memref_slice %arg2[%dma_wait3A, %dma_wait3A_219] : memref<32x1000000xf32, #tpu.memory_space<hbm>> -> memref<32x128xf32, #tpu.memory_space<hbm>>
      %dma_wait3A_221 = arith.constant 0 : i32
      %dma_wait3A_222 = arith.constant 0 : i32
      %dma_wait3A_223 = tpu.memref_slice %arg2[%dma_wait3A_221, %dma_wait3A_222] : memref<32x1000000xf32, #tpu.memory_space<hbm>> -> memref<32x128xf32, #tpu.memory_space<hbm>>
      tpu.wait_dma2 semaphore(%arg18 : memref<!tpu.dma_semaphore, #tpu.memory_space<semaphore_mem>>) src(%dma_wait3A_223 : memref<32x128xf32, #tpu.memory_space<hbm>>) dst(%arg10 : memref<32x128xf32, #tpu.memory_space<vmem>>)
      %dma_wait3A_224 = arith.constant 0 : i32
      %dma_wait3A_225 = arith.constant 0 : i32
      %dma_wait3A_226 = tpu.memref_slice %arg3[%dma_wait3A_224, %dma_wait3A_225] : memref<32x1000000xf32, #tpu.memory_space<hbm>> -> memref<32x128xf32, #tpu.memory_space<hbm>>
      %dma_wait3A_227 = arith.constant 0 : i32
      %dma_wait3A_228 = arith.constant 0 : i32
      %dma_wait3A_229 = tpu.memref_slice %arg3[%dma_wait3A_227, %dma_wait3A_228] : memref<32x1000000xf32, #tpu.memory_space<hbm>> -> memref<32x128xf32, #tpu.memory_space<hbm>>
      tpu.wait_dma2 semaphore(%arg22 : memref<!tpu.dma_semaphore, #tpu.memory_space<semaphore_mem>>) src(%dma_wait3A_229 : memref<32x128xf32, #tpu.memory_space<hbm>>) dst(%arg14 : memref<32x128xf32, #tpu.memory_space<vmem>>)
      %and3A_230 = arith.constant 15 : i32
      %and3A_231 = arith.andi %add3A_218, %and3A_230 : i32
      %eq3A_232 = vector.broadcast %and3A_231 : i32 to vector<16xi32>
      %eq3A_233 = arith.cmpi eq, %iota3A, %eq3A_232 : vector<16xi32>
      %sub3A_234 = arith.subi %add3A_218, %and3A_231 : i32
      %get3A_235 = arith.index_cast %sub3A_234 : i32 to index
      %get3A_236 = tpu.vector_load %arg7[%get3A_235] {strides = array<i32>} : memref<32xi32, #tpu.memory_space<vmem>>, vector<16xi32>,
      %jit3A_237 = arith.constant 0 : i32
      %broadcast_in_dim3A_238 = vector.broadcast %jit3A_237 : i32 to vector<16xi32>
      %select_n3A_239 = arith.select %eq3A_233, %get3A_236, %broadcast_in_dim3A_238 : vector<16xi1>, vector<16xi32>
      %reduce_max3A_240 = arith.constant true
      %reduce_max3A_241 = vector.broadcast %reduce_max3A_240 : i1 to vector<16xi1>
      %reduce_max3A_242 = arith.constant -2147483648 : i32
      %reduce_max3A_243 = vector.broadcast %reduce_max3A_242 : i32 to vector<16xi32>
      %reduce_max3A_244 = arith.xori %select_n3A_239, %reduce_max3A_243 : vector<16xi32>
      %reduce_max3A_245 = tpu.scan <max>, %reduce_max3A_244 masked %reduce_max3A_241 : vector<16xi32>, vector<16xi1> -> vector<16xi32>
      %reduce_max3A_246 = arith.xori %reduce_max3A_245, %reduce_max3A_243 : vector<16xi32>
      %reduce_max3A_247 = vector.extract %reduce_max3A_246[15] : i32 from vector<16xi32>
      %and3A_248 = arith.constant 127 : i32
      %and3A_249 = arith.andi %reduce_max3A_247, %and3A_248 : i32
      %broadcast_in_dim3A_250 = vector.broadcast %and3A_249 : i32 to vector<16xi32>
      %and3A_251 = arith.constant 15 : i32
      %and3A_252 = arith.andi %add3A_218, %and3A_251 : i32
      %eq3A_253 = vector.broadcast %and3A_252 : i32 to vector<16xi32>
      %eq3A_254 = arith.cmpi eq, %iota3A, %eq3A_253 : vector<16xi32>
      %sub3A_255 = arith.subi %add3A_218, %and3A_252 : i32
      %get3A_256 = arith.index_cast %sub3A_255 : i32 to index
      %get3A_257 = tpu.vector_load %arg8[%get3A_256] {strides = array<i32>} : memref<32xi32, #tpu.memory_space<vmem>>, vector<16xi32>,
      %jit3A_258 = arith.constant 0 : i32
      %broadcast_in_dim3A_259 = vector.broadcast %jit3A_258 : i32 to vector<16xi32>
      %select_n3A_260 = arith.select %eq3A_254, %get3A_257, %broadcast_in_dim3A_259 : vector<16xi1>, vector<16xi32>
      %reduce_max3A_261 = arith.constant true
      %reduce_max3A_262 = vector.broadcast %reduce_max3A_261 : i1 to vector<16xi1>
      %reduce_max3A_263 = arith.constant -2147483648 : i32
      %reduce_max3A_264 = vector.broadcast %reduce_max3A_263 : i32 to vector<16xi32>
      %reduce_max3A_265 = arith.xori %select_n3A_260, %reduce_max3A_264 : vector<16xi32>
      %reduce_max3A_266 = tpu.scan <max>, %reduce_max3A_265 masked %reduce_max3A_262 : vector<16xi32>, vector<16xi1> -> vector<16xi32>
      %reduce_max3A_267 = arith.xori %reduce_max3A_266, %reduce_max3A_264 : vector<16xi32>
      %reduce_max3A_268 = vector.extract %reduce_max3A_267[15] : i32 from vector<16xi32>
      %and3A_269 = arith.constant 127 : i32
      %and3A_270 = arith.andi %reduce_max3A_268, %and3A_269 : i32
      %broadcast_in_dim3A_271 = vector.broadcast %and3A_270 : i32 to vector<16xi32>
      %gather3A = tpu.vector_load_idx %arg10[%iota3A, %broadcast_in_dim3A_250] : memref<32x128xf32, #tpu.memory_space<vmem>>[vector<16xi32>, vector<16xi32>], vector<16xf32>,
      %gather3A_272 = tpu.vector_load_idx %arg14[%iota3A, %broadcast_in_dim3A_271] : memref<32x128xf32, #tpu.memory_space<vmem>>[vector<16xi32>, vector<16xi32>], vector<16xf32>,
      %add3A_273 = arith.addf %gather3A, %gather3A_272 : vector<16xf32>
      %add3A_274 = arith.constant 16 : i32
      %add3A_275 = vector.broadcast %add3A_274 : i32 to vector<16xi32>
      %add3A_276 = arith.addi %iota3A, %add3A_275 : vector<16xi32>
      %gather3A_277 = tpu.vector_load_idx %arg10[%add3A_276, %broadcast_in_dim3A_250] : memref<32x128xf32, #tpu.memory_space<vmem>>[vector<16xi32>, vector<16xi32>], vector<16xf32>,
      %add3A_278 = arith.constant 16 : i32
      %add3A_279 = vector.broadcast %add3A_278 : i32 to vector<16xi32>
      %add3A_280 = arith.addi %iota3A, %add3A_279 : vector<16xi32>
      %gather3A_281 = tpu.vector_load_idx %arg14[%add3A_280, %broadcast_in_dim3A_271] : memref<32x128xf32, #tpu.memory_space<vmem>>[vector<16xi32>, vector<16xi32>], vector<16xf32>,
      %add3A_282 = arith.addf %gather3A_277, %gather3A_281 : vector<16xf32>
      %swap3A = arith.index_cast %add3A_218 : i32 to index
      %swap3A_283 = arith.constant 0 : index
      %swap3A_284 = tpu.vector_load %arg9[%swap3A, %swap3A_283] {strides = array<i32>} : memref<32x32xf32, #tpu.memory_space<vmem>>, vector<16xf32>,
      tpu.vector_store %arg9[%swap3A, %swap3A_283], %add3A_273 {strides = array<i32>} : memref<32x32xf32, #tpu.memory_space<vmem>>, vector<16xf32>,
      %swap3A_285 = arith.index_cast %add3A_218 : i32 to index
      %swap3A_286 = arith.constant 16 : index
      %swap3A_287 = tpu.vector_load %arg9[%swap3A_285, %swap3A_286] {strides = array<i32>} : memref<32x32xf32, #tpu.memory_space<vmem>>, vector<16xf32>,
      tpu.vector_store %arg9[%swap3A_285, %swap3A_286], %add3A_282 {strides = array<i32>} : memref<32x32xf32, #tpu.memory_space<vmem>>, vector<16xf32>,
      %add3A_288 = arith.constant 4 : i32
      %add3A_289 = arith.addi %add3A_218, %add3A_288 : i32
      %lt3A = arith.constant 32 : i32
      %lt3A_290 = arith.cmpi slt, %add3A_289, %lt3A : i32
      %convert_element_type3A = arith.extui %lt3A_290 : i1 to i32
      %cond3A = arith.constant 0 : i32
      %cond3A_291 = arith.cmpi ne, %convert_element_type3A, %cond3A : i32
      scf.if %cond3A_291 {
        %add3A_535 = arith.constant 4 : i32
        %add3A_536 = arith.addi %add3A_218, %add3A_535 : i32
        %and3A_537 = arith.constant 15 : i32
        %and3A_538 = arith.andi %add3A_536, %and3A_537 : i32
        %eq3A_539 = vector.broadcast %and3A_538 : i32 to vector<16xi32>
        %eq3A_540 = arith.cmpi eq, %iota3A, %eq3A_539 : vector<16xi32>
        %sub3A_541 = arith.subi %add3A_536, %and3A_538 : i32
        %get3A_542 = arith.index_cast %sub3A_541 : i32 to index
        %get3A_543 = tpu.vector_load %arg7[%get3A_542] {strides = array<i32>} : memref<32xi32, #tpu.memory_space<vmem>>, vector<16xi32>,
        %jit3A_544 = arith.constant 0 : i32
        %broadcast_in_dim3A_545 = vector.broadcast %jit3A_544 : i32 to vector<16xi32>
        %select_n3A_546 = arith.select %eq3A_540, %get3A_543, %broadcast_in_dim3A_545 : vector<16xi1>, vector<16xi32>
        %reduce_max3A_547 = arith.constant true
        %reduce_max3A_548 = vector.broadcast %reduce_max3A_547 : i1 to vector<16xi1>
        %reduce_max3A_549 = arith.constant -2147483648 : i32
        %reduce_max3A_550 = vector.broadcast %reduce_max3A_549 : i32 to vector<16xi32>
        %reduce_max3A_551 = arith.xori %select_n3A_546, %reduce_max3A_550 : vector<16xi32>
        %reduce_max3A_552 = tpu.scan <max>, %reduce_max3A_551 masked %reduce_max3A_548 : vector<16xi32>, vector<16xi1> -> vector<16xi32>
        %reduce_max3A_553 = arith.xori %reduce_max3A_552, %reduce_max3A_550 : vector<16xi32>
        %reduce_max3A_554 = vector.extract %reduce_max3A_553[15] : i32 from vector<16xi32>
        %and3A_555 = arith.constant 15 : i32
        %and3A_556 = arith.andi %add3A_536, %and3A_555 : i32
        %eq3A_557 = vector.broadcast %and3A_556 : i32 to vector<16xi32>
        %eq3A_558 = arith.cmpi eq, %iota3A, %eq3A_557 : vector<16xi32>
        %sub3A_559 = arith.subi %add3A_536, %and3A_556 : i32
        %get3A_560 = arith.index_cast %sub3A_559 : i32 to index
        %get3A_561 = tpu.vector_load %arg8[%get3A_560] {strides = array<i32>} : memref<32xi32, #tpu.memory_space<vmem>>, vector<16xi32>,
        %jit3A_562 = arith.constant 0 : i32
        %broadcast_in_dim3A_563 = vector.broadcast %jit3A_562 : i32 to vector<16xi32>
        %select_n3A_564 = arith.select %eq3A_558, %get3A_561, %broadcast_in_dim3A_563 : vector<16xi1>, vector<16xi32>
        %reduce_max3A_565 = arith.constant true
        %reduce_max3A_566 = vector.broadcast %reduce_max3A_565 : i1 to vector<16xi1>
        %reduce_max3A_567 = arith.constant -2147483648 : i32
        %reduce_max3A_568 = vector.broadcast %reduce_max3A_567 : i32 to vector<16xi32>
        %reduce_max3A_569 = arith.xori %select_n3A_564, %reduce_max3A_568 : vector<16xi32>
        %reduce_max3A_570 = tpu.scan <max>, %reduce_max3A_569 masked %reduce_max3A_566 : vector<16xi32>, vector<16xi1> -> vector<16xi32>
        %reduce_max3A_571 = arith.xori %reduce_max3A_570, %reduce_max3A_568 : vector<16xi32>
        %reduce_max3A_572 = vector.extract %reduce_max3A_571[15] : i32 from vector<16xi32>
        %and3A_573 = arith.constant -128 : i32
        %and3A_574 = arith.andi %reduce_max3A_554, %and3A_573 : i32
        %multiple_of3A_575 = tpu.assume_multiple %and3A_574, 128 : i32
        %and3A_576 = arith.constant -128 : i32
        %and3A_577 = arith.andi %reduce_max3A_572, %and3A_576 : i32
        %multiple_of3A_578 = tpu.assume_multiple %and3A_577, 128 : i32
        %dma_start3A_579 = arith.constant 0 : i32
        %dma_start3A_580 = tpu.memref_slice %arg2[%dma_start3A_579, %multiple_of3A_575] : memref<32x1000000xf32, #tpu.memory_space<hbm>> -> memref<32x128xf32, #tpu.memory_space<hbm>>
        %dma_start3A_581 = arith.constant 0 : i32
        %dma_start3A_582 = tpu.memref_slice %arg2[%dma_start3A_581, %multiple_of3A_575] : memref<32x1000000xf32, #tpu.memory_space<hbm>> -> memref<32x128xf32, #tpu.memory_space<hbm>>
        tpu.enqueue_dma source(%dma_start3A_582 : memref<32x128xf32, #tpu.memory_space<hbm>>) target(%arg10 : memref<32x128xf32, #tpu.memory_space<vmem>>) target_semaphore(%arg18 : memref<!tpu.dma_semaphore, #tpu.memory_space<semaphore_mem>>)
        %dma_start3A_583 = arith.constant 0 : i32
        %dma_start3A_584 = tpu.memref_slice %arg3[%dma_start3A_583, %multiple_of3A_578] : memref<32x1000000xf32, #tpu.memory_space<hbm>> -> memref<32x128xf32, #tpu.memory_space<hbm>>
        %dma_start3A_585 = arith.constant 0 : i32
        %dma_start3A_586 = tpu.memref_slice %arg3[%dma_start3A_585, %multiple_of3A_578] : memref<32x1000000xf32, #tpu.memory_space<hbm>> -> memref<32x128xf32, #tpu.memory_space<hbm>>
        tpu.enqueue_dma source(%dma_start3A_586 : memref<32x128xf32, #tpu.memory_space<hbm>>) target(%arg14 : memref<32x128xf32, #tpu.memory_space<vmem>>) target_semaphore(%arg22 : memref<!tpu.dma_semaphore, #tpu.memory_space<semaphore_mem>>)
      } else {
      }
      %add3A_292 = arith.constant 1 : i32
      %add3A_293 = arith.addi %mul3A_216, %add3A_292 : i32
      %dma_wait3A_294 = arith.constant 0 : i32
      %dma_wait3A_295 = arith.constant 0 : i32
      %dma_wait3A_296 = tpu.memref_slice %arg2[%dma_wait3A_294, %dma_wait3A_295] : memref<32x1000000xf32, #tpu.memory_space<hbm>> -> memref<32x128xf32, #tpu.memory_space<hbm>>
      %dma_wait3A_297 = arith.constant 0 : i32
      %dma_wait3A_298 = arith.constant 0 : i32
      %dma_wait3A_299 = tpu.memref_slice %arg2[%dma_wait3A_297, %dma_wait3A_298] : memref<32x1000000xf32, #tpu.memory_space<hbm>> -> memref<32x128xf32, #tpu.memory_space<hbm>>
      tpu.wait_dma2 semaphore(%arg19 : memref<!tpu.dma_semaphore, #tpu.memory_space<semaphore_mem>>) src(%dma_wait3A_299 : memref<32x128xf32, #tpu.memory_space<hbm>>) dst(%arg11 : memref<32x128xf32, #tpu.memory_space<vmem>>)
      %dma_wait3A_300 = arith.constant 0 : i32
      %dma_wait3A_301 = arith.constant 0 : i32
      %dma_wait3A_302 = tpu.memref_slice %arg3[%dma_wait3A_300, %dma_wait3A_301] : memref<32x1000000xf32, #tpu.memory_space<hbm>> -> memref<32x128xf32, #tpu.memory_space<hbm>>
      %dma_wait3A_303 = arith.constant 0 : i32
      %dma_wait3A_304 = arith.constant 0 : i32
      %dma_wait3A_305 = tpu.memref_slice %arg3[%dma_wait3A_303, %dma_wait3A_304] : memref<32x1000000xf32, #tpu.memory_space<hbm>> -> memref<32x128xf32, #tpu.memory_space<hbm>>
      tpu.wait_dma2 semaphore(%arg23 : memref<!tpu.dma_semaphore, #tpu.memory_space<semaphore_mem>>) src(%dma_wait3A_305 : memref<32x128xf32, #tpu.memory_space<hbm>>) dst(%arg15 : memref<32x128xf32, #tpu.memory_space<vmem>>)
      %and3A_306 = arith.constant 15 : i32
      %and3A_307 = arith.andi %add3A_293, %and3A_306 : i32
      %eq3A_308 = vector.broadcast %and3A_307 : i32 to vector<16xi32>
      %eq3A_309 = arith.cmpi eq, %iota3A, %eq3A_308 : vector<16xi32>
      %sub3A_310 = arith.subi %add3A_293, %and3A_307 : i32
      %get3A_311 = arith.index_cast %sub3A_310 : i32 to index
      %get3A_312 = tpu.vector_load %arg7[%get3A_311] {strides = array<i32>} : memref<32xi32, #tpu.memory_space<vmem>>, vector<16xi32>,
      %jit3A_313 = arith.constant 0 : i32
      %broadcast_in_dim3A_314 = vector.broadcast %jit3A_313 : i32 to vector<16xi32>
      %select_n3A_315 = arith.select %eq3A_309, %get3A_312, %broadcast_in_dim3A_314 : vector<16xi1>, vector<16xi32>
      %reduce_max3A_316 = arith.constant true
      %reduce_max3A_317 = vector.broadcast %reduce_max3A_316 : i1 to vector<16xi1>
      %reduce_max3A_318 = arith.constant -2147483648 : i32
      %reduce_max3A_319 = vector.broadcast %reduce_max3A_318 : i32 to vector<16xi32>
      %reduce_max3A_320 = arith.xori %select_n3A_315, %reduce_max3A_319 : vector<16xi32>
      %reduce_max3A_321 = tpu.scan <max>, %reduce_max3A_320 masked %reduce_max3A_317 : vector<16xi32>, vector<16xi1> -> vector<16xi32>
      %reduce_max3A_322 = arith.xori %reduce_max3A_321, %reduce_max3A_319 : vector<16xi32>
      %reduce_max3A_323 = vector.extract %reduce_max3A_322[15] : i32 from vector<16xi32>
      %and3A_324 = arith.constant 127 : i32
      %and3A_325 = arith.andi %reduce_max3A_323, %and3A_324 : i32
      %broadcast_in_dim3A_326 = vector.broadcast %and3A_325 : i32 to vector<16xi32>
      %and3A_327 = arith.constant 15 : i32
      %and3A_328 = arith.andi %add3A_293, %and3A_327 : i32
      %eq3A_329 = vector.broadcast %and3A_328 : i32 to vector<16xi32>
      %eq3A_330 = arith.cmpi eq, %iota3A, %eq3A_329 : vector<16xi32>
      %sub3A_331 = arith.subi %add3A_293, %and3A_328 : i32
      %get3A_332 = arith.index_cast %sub3A_331 : i32 to index
      %get3A_333 = tpu.vector_load %arg8[%get3A_332] {strides = array<i32>} : memref<32xi32, #tpu.memory_space<vmem>>, vector<16xi32>,
      %jit3A_334 = arith.constant 0 : i32
      %broadcast_in_dim3A_335 = vector.broadcast %jit3A_334 : i32 to vector<16xi32>
      %select_n3A_336 = arith.select %eq3A_330, %get3A_333, %broadcast_in_dim3A_335 : vector<16xi1>, vector<16xi32>
      %reduce_max3A_337 = arith.constant true
      %reduce_max3A_338 = vector.broadcast %reduce_max3A_337 : i1 to vector<16xi1>
      %reduce_max3A_339 = arith.constant -2147483648 : i32
      %reduce_max3A_340 = vector.broadcast %reduce_max3A_339 : i32 to vector<16xi32>
      %reduce_max3A_341 = arith.xori %select_n3A_336, %reduce_max3A_340 : vector<16xi32>
      %reduce_max3A_342 = tpu.scan <max>, %reduce_max3A_341 masked %reduce_max3A_338 : vector<16xi32>, vector<16xi1> -> vector<16xi32>
      %reduce_max3A_343 = arith.xori %reduce_max3A_342, %reduce_max3A_340 : vector<16xi32>
      %reduce_max3A_344 = vector.extract %reduce_max3A_343[15] : i32 from vector<16xi32>
      %and3A_345 = arith.constant 127 : i32
      %and3A_346 = arith.andi %reduce_max3A_344, %and3A_345 : i32
      %broadcast_in_dim3A_347 = vector.broadcast %and3A_346 : i32 to vector<16xi32>
      %gather3A_348 = tpu.vector_load_idx %arg11[%iota3A, %broadcast_in_dim3A_326] : memref<32x128xf32, #tpu.memory_space<vmem>>[vector<16xi32>, vector<16xi32>], vector<16xf32>,
      %gather3A_349 = tpu.vector_load_idx %arg15[%iota3A, %broadcast_in_dim3A_347] : memref<32x128xf32, #tpu.memory_space<vmem>>[vector<16xi32>, vector<16xi32>], vector<16xf32>,
      %add3A_350 = arith.addf %gather3A_348, %gather3A_349 : vector<16xf32>
      %add3A_351 = arith.constant 16 : i32
      %add3A_352 = vector.broadcast %add3A_351 : i32 to vector<16xi32>
      %add3A_353 = arith.addi %iota3A, %add3A_352 : vector<16xi32>
      %gather3A_354 = tpu.vector_load_idx %arg11[%add3A_353, %broadcast_in_dim3A_326] : memref<32x128xf32, #tpu.memory_space<vmem>>[vector<16xi32>, vector<16xi32>], vector<16xf32>,
      %add3A_355 = arith.constant 16 : i32
      %add3A_356 = vector.broadcast %add3A_355 : i32 to vector<16xi32>
      %add3A_357 = arith.addi %iota3A, %add3A_356 : vector<16xi32>
      %gather3A_358 = tpu.vector_load_idx %arg15[%add3A_357, %broadcast_in_dim3A_347] : memref<32x128xf32, #tpu.memory_space<vmem>>[vector<16xi32>, vector<16xi32>], vector<16xf32>,
      %add3A_359 = arith.addf %gather3A_354, %gather3A_358 : vector<16xf32>
      %swap3A_360 = arith.index_cast %add3A_293 : i32 to index
      %swap3A_361 = arith.constant 0 : index
      %swap3A_362 = tpu.vector_load %arg9[%swap3A_360, %swap3A_361] {strides = array<i32>} : memref<32x32xf32, #tpu.memory_space<vmem>>, vector<16xf32>,
      tpu.vector_store %arg9[%swap3A_360, %swap3A_361], %add3A_350 {strides = array<i32>} : memref<32x32xf32, #tpu.memory_space<vmem>>, vector<16xf32>,
      %swap3A_363 = arith.index_cast %add3A_293 : i32 to index
      %swap3A_364 = arith.constant 16 : index
      %swap3A_365 = tpu.vector_load %arg9[%swap3A_363, %swap3A_364] {strides = array<i32>} : memref<32x32xf32, #tpu.memory_space<vmem>>, vector<16xf32>,
      tpu.vector_store %arg9[%swap3A_363, %swap3A_364], %add3A_359 {strides = array<i32>} : memref<32x32xf32, #tpu.memory_space<vmem>>, vector<16xf32>,
      %add3A_366 = arith.constant 4 : i32
      %add3A_367 = arith.addi %add3A_293, %add3A_366 : i32
      %lt3A_368 = arith.constant 32 : i32
      %lt3A_369 = arith.cmpi slt, %add3A_367, %lt3A_368 : i32
      %convert_element_type3A_370 = arith.extui %lt3A_369 : i1 to i32
      %cond3A_371 = arith.constant 0 : i32
      %cond3A_372 = arith.cmpi ne, %convert_element_type3A_370, %cond3A_371 : i32
      scf.if %cond3A_372 {
        %add3A_535 = arith.constant 4 : i32
        %add3A_536 = arith.addi %add3A_293, %add3A_535 : i32
        %and3A_537 = arith.constant 15 : i32
        %and3A_538 = arith.andi %add3A_536, %and3A_537 : i32
        %eq3A_539 = vector.broadcast %and3A_538 : i32 to vector<16xi32>
        %eq3A_540 = arith.cmpi eq, %iota3A, %eq3A_539 : vector<16xi32>
        %sub3A_541 = arith.subi %add3A_536, %and3A_538 : i32
        %get3A_542 = arith.index_cast %sub3A_541 : i32 to index
        %get3A_543 = tpu.vector_load %arg7[%get3A_542] {strides = array<i32>} : memref<32xi32, #tpu.memory_space<vmem>>, vector<16xi32>,
        %jit3A_544 = arith.constant 0 : i32
        %broadcast_in_dim3A_545 = vector.broadcast %jit3A_544 : i32 to vector<16xi32>
        %select_n3A_546 = arith.select %eq3A_540, %get3A_543, %broadcast_in_dim3A_545 : vector<16xi1>, vector<16xi32>
        %reduce_max3A_547 = arith.constant true
        %reduce_max3A_548 = vector.broadcast %reduce_max3A_547 : i1 to vector<16xi1>
        %reduce_max3A_549 = arith.constant -2147483648 : i32
        %reduce_max3A_550 = vector.broadcast %reduce_max3A_549 : i32 to vector<16xi32>
        %reduce_max3A_551 = arith.xori %select_n3A_546, %reduce_max3A_550 : vector<16xi32>
        %reduce_max3A_552 = tpu.scan <max>, %reduce_max3A_551 masked %reduce_max3A_548 : vector<16xi32>, vector<16xi1> -> vector<16xi32>
        %reduce_max3A_553 = arith.xori %reduce_max3A_552, %reduce_max3A_550 : vector<16xi32>
        %reduce_max3A_554 = vector.extract %reduce_max3A_553[15] : i32 from vector<16xi32>
        %and3A_555 = arith.constant 15 : i32
        %and3A_556 = arith.andi %add3A_536, %and3A_555 : i32
        %eq3A_557 = vector.broadcast %and3A_556 : i32 to vector<16xi32>
        %eq3A_558 = arith.cmpi eq, %iota3A, %eq3A_557 : vector<16xi32>
        %sub3A_559 = arith.subi %add3A_536, %and3A_556 : i32
        %get3A_560 = arith.index_cast %sub3A_559 : i32 to index
        %get3A_561 = tpu.vector_load %arg8[%get3A_560] {strides = array<i32>} : memref<32xi32, #tpu.memory_space<vmem>>, vector<16xi32>,
        %jit3A_562 = arith.constant 0 : i32
        %broadcast_in_dim3A_563 = vector.broadcast %jit3A_562 : i32 to vector<16xi32>
        %select_n3A_564 = arith.select %eq3A_558, %get3A_561, %broadcast_in_dim3A_563 : vector<16xi1>, vector<16xi32>
        %reduce_max3A_565 = arith.constant true
        %reduce_max3A_566 = vector.broadcast %reduce_max3A_565 : i1 to vector<16xi1>
        %reduce_max3A_567 = arith.constant -2147483648 : i32
        %reduce_max3A_568 = vector.broadcast %reduce_max3A_567 : i32 to vector<16xi32>
        %reduce_max3A_569 = arith.xori %select_n3A_564, %reduce_max3A_568 : vector<16xi32>
        %reduce_max3A_570 = tpu.scan <max>, %reduce_max3A_569 masked %reduce_max3A_566 : vector<16xi32>, vector<16xi1> -> vector<16xi32>
        %reduce_max3A_571 = arith.xori %reduce_max3A_570, %reduce_max3A_568 : vector<16xi32>
        %reduce_max3A_572 = vector.extract %reduce_max3A_571[15] : i32 from vector<16xi32>
        %and3A_573 = arith.constant -128 : i32
        %and3A_574 = arith.andi %reduce_max3A_554, %and3A_573 : i32
        %multiple_of3A_575 = tpu.assume_multiple %and3A_574, 128 : i32
        %and3A_576 = arith.constant -128 : i32
        %and3A_577 = arith.andi %reduce_max3A_572, %and3A_576 : i32
        %multiple_of3A_578 = tpu.assume_multiple %and3A_577, 128 : i32
        %dma_start3A_579 = arith.constant 0 : i32
        %dma_start3A_580 = tpu.memref_slice %arg2[%dma_start3A_579, %multiple_of3A_575] : memref<32x1000000xf32, #tpu.memory_space<hbm>> -> memref<32x128xf32, #tpu.memory_space<hbm>>
        %dma_start3A_581 = arith.constant 0 : i32
        %dma_start3A_582 = tpu.memref_slice %arg2[%dma_start3A_581, %multiple_of3A_575] : memref<32x1000000xf32, #tpu.memory_space<hbm>> -> memref<32x128xf32, #tpu.memory_space<hbm>>
        tpu.enqueue_dma source(%dma_start3A_582 : memref<32x128xf32, #tpu.memory_space<hbm>>) target(%arg11 : memref<32x128xf32, #tpu.memory_space<vmem>>) target_semaphore(%arg19 : memref<!tpu.dma_semaphore, #tpu.memory_space<semaphore_mem>>)
        %dma_start3A_583 = arith.constant 0 : i32
        %dma_start3A_584 = tpu.memref_slice %arg3[%dma_start3A_583, %multiple_of3A_578] : memref<32x1000000xf32, #tpu.memory_space<hbm>> -> memref<32x128xf32, #tpu.memory_space<hbm>>
        %dma_start3A_585 = arith.constant 0 : i32
        %dma_start3A_586 = tpu.memref_slice %arg3[%dma_start3A_585, %multiple_of3A_578] : memref<32x1000000xf32, #tpu.memory_space<hbm>> -> memref<32x128xf32, #tpu.memory_space<hbm>>
        tpu.enqueue_dma source(%dma_start3A_586 : memref<32x128xf32, #tpu.memory_space<hbm>>) target(%arg15 : memref<32x128xf32, #tpu.memory_space<vmem>>) target_semaphore(%arg23 : memref<!tpu.dma_semaphore, #tpu.memory_space<semaphore_mem>>)
      } else {
      }
      %add3A_373 = arith.constant 2 : i32
      %add3A_374 = arith.addi %mul3A_216, %add3A_373 : i32
      %dma_wait3A_375 = arith.constant 0 : i32
      %dma_wait3A_376 = arith.constant 0 : i32
      %dma_wait3A_377 = tpu.memref_slice %arg2[%dma_wait3A_375, %dma_wait3A_376] : memref<32x1000000xf32, #tpu.memory_space<hbm>> -> memref<32x128xf32, #tpu.memory_space<hbm>>
      %dma_wait3A_378 = arith.constant 0 : i32
      %dma_wait3A_379 = arith.constant 0 : i32
      %dma_wait3A_380 = tpu.memref_slice %arg2[%dma_wait3A_378, %dma_wait3A_379] : memref<32x1000000xf32, #tpu.memory_space<hbm>> -> memref<32x128xf32, #tpu.memory_space<hbm>>
      tpu.wait_dma2 semaphore(%arg20 : memref<!tpu.dma_semaphore, #tpu.memory_space<semaphore_mem>>) src(%dma_wait3A_380 : memref<32x128xf32, #tpu.memory_space<hbm>>) dst(%arg12 : memref<32x128xf32, #tpu.memory_space<vmem>>)
      %dma_wait3A_381 = arith.constant 0 : i32
      %dma_wait3A_382 = arith.constant 0 : i32
      %dma_wait3A_383 = tpu.memref_slice %arg3[%dma_wait3A_381, %dma_wait3A_382] : memref<32x1000000xf32, #tpu.memory_space<hbm>> -> memref<32x128xf32, #tpu.memory_space<hbm>>
      %dma_wait3A_384 = arith.constant 0 : i32
      %dma_wait3A_385 = arith.constant 0 : i32
      %dma_wait3A_386 = tpu.memref_slice %arg3[%dma_wait3A_384, %dma_wait3A_385] : memref<32x1000000xf32, #tpu.memory_space<hbm>> -> memref<32x128xf32, #tpu.memory_space<hbm>>
      tpu.wait_dma2 semaphore(%arg24 : memref<!tpu.dma_semaphore, #tpu.memory_space<semaphore_mem>>) src(%dma_wait3A_386 : memref<32x128xf32, #tpu.memory_space<hbm>>) dst(%arg16 : memref<32x128xf32, #tpu.memory_space<vmem>>)
      %and3A_387 = arith.constant 15 : i32
      %and3A_388 = arith.andi %add3A_374, %and3A_387 : i32
      %eq3A_389 = vector.broadcast %and3A_388 : i32 to vector<16xi32>
      %eq3A_390 = arith.cmpi eq, %iota3A, %eq3A_389 : vector<16xi32>
      %sub3A_391 = arith.subi %add3A_374, %and3A_388 : i32
      %get3A_392 = arith.index_cast %sub3A_391 : i32 to index
      %get3A_393 = tpu.vector_load %arg7[%get3A_392] {strides = array<i32>} : memref<32xi32, #tpu.memory_space<vmem>>, vector<16xi32>,
      %jit3A_394 = arith.constant 0 : i32
      %broadcast_in_dim3A_395 = vector.broadcast %jit3A_394 : i32 to vector<16xi32>
      %select_n3A_396 = arith.select %eq3A_390, %get3A_393, %broadcast_in_dim3A_395 : vector<16xi1>, vector<16xi32>
      %reduce_max3A_397 = arith.constant true
      %reduce_max3A_398 = vector.broadcast %reduce_max3A_397 : i1 to vector<16xi1>
      %reduce_max3A_399 = arith.constant -2147483648 : i32
      %reduce_max3A_400 = vector.broadcast %reduce_max3A_399 : i32 to vector<16xi32>
      %reduce_max3A_401 = arith.xori %select_n3A_396, %reduce_max3A_400 : vector<16xi32>
      %reduce_max3A_402 = tpu.scan <max>, %reduce_max3A_401 masked %reduce_max3A_398 : vector<16xi32>, vector<16xi1> -> vector<16xi32>
      %reduce_max3A_403 = arith.xori %reduce_max3A_402, %reduce_max3A_400 : vector<16xi32>
      %reduce_max3A_404 = vector.extract %reduce_max3A_403[15] : i32 from vector<16xi32>
      %and3A_405 = arith.constant 127 : i32
      %and3A_406 = arith.andi %reduce_max3A_404, %and3A_405 : i32
      %broadcast_in_dim3A_407 = vector.broadcast %and3A_406 : i32 to vector<16xi32>
      %and3A_408 = arith.constant 15 : i32
      %and3A_409 = arith.andi %add3A_374, %and3A_408 : i32
      %eq3A_410 = vector.broadcast %and3A_409 : i32 to vector<16xi32>
      %eq3A_411 = arith.cmpi eq, %iota3A, %eq3A_410 : vector<16xi32>
      %sub3A_412 = arith.subi %add3A_374, %and3A_409 : i32
      %get3A_413 = arith.index_cast %sub3A_412 : i32 to index
      %get3A_414 = tpu.vector_load %arg8[%get3A_413] {strides = array<i32>} : memref<32xi32, #tpu.memory_space<vmem>>, vector<16xi32>,
      %jit3A_415 = arith.constant 0 : i32
      %broadcast_in_dim3A_416 = vector.broadcast %jit3A_415 : i32 to vector<16xi32>
      %select_n3A_417 = arith.select %eq3A_411, %get3A_414, %broadcast_in_dim3A_416 : vector<16xi1>, vector<16xi32>
      %reduce_max3A_418 = arith.constant true
      %reduce_max3A_419 = vector.broadcast %reduce_max3A_418 : i1 to vector<16xi1>
      %reduce_max3A_420 = arith.constant -2147483648 : i32
      %reduce_max3A_421 = vector.broadcast %reduce_max3A_420 : i32 to vector<16xi32>
      %reduce_max3A_422 = arith.xori %select_n3A_417, %reduce_max3A_421 : vector<16xi32>
      %reduce_max3A_423 = tpu.scan <max>, %reduce_max3A_422 masked %reduce_max3A_419 : vector<16xi32>, vector<16xi1> -> vector<16xi32>
      %reduce_max3A_424 = arith.xori %reduce_max3A_423, %reduce_max3A_421 : vector<16xi32>
      %reduce_max3A_425 = vector.extract %reduce_max3A_424[15] : i32 from vector<16xi32>
      %and3A_426 = arith.constant 127 : i32
      %and3A_427 = arith.andi %reduce_max3A_425, %and3A_426 : i32
      %broadcast_in_dim3A_428 = vector.broadcast %and3A_427 : i32 to vector<16xi32>
      %gather3A_429 = tpu.vector_load_idx %arg12[%iota3A, %broadcast_in_dim3A_407] : memref<32x128xf32, #tpu.memory_space<vmem>>[vector<16xi32>, vector<16xi32>], vector<16xf32>,
      %gather3A_430 = tpu.vector_load_idx %arg16[%iota3A, %broadcast_in_dim3A_428] : memref<32x128xf32, #tpu.memory_space<vmem>>[vector<16xi32>, vector<16xi32>], vector<16xf32>,
      %add3A_431 = arith.addf %gather3A_429, %gather3A_430 : vector<16xf32>
      %add3A_432 = arith.constant 16 : i32
      %add3A_433 = vector.broadcast %add3A_432 : i32 to vector<16xi32>
      %add3A_434 = arith.addi %iota3A, %add3A_433 : vector<16xi32>
      %gather3A_435 = tpu.vector_load_idx %arg12[%add3A_434, %broadcast_in_dim3A_407] : memref<32x128xf32, #tpu.memory_space<vmem>>[vector<16xi32>, vector<16xi32>], vector<16xf32>,
      %add3A_436 = arith.constant 16 : i32
      %add3A_437 = vector.broadcast %add3A_436 : i32 to vector<16xi32>
      %add3A_438 = arith.addi %iota3A, %add3A_437 : vector<16xi32>
      %gather3A_439 = tpu.vector_load_idx %arg16[%add3A_438, %broadcast_in_dim3A_428] : memref<32x128xf32, #tpu.memory_space<vmem>>[vector<16xi32>, vector<16xi32>], vector<16xf32>,
      %add3A_440 = arith.addf %gather3A_435, %gather3A_439 : vector<16xf32>
      %swap3A_441 = arith.index_cast %add3A_374 : i32 to index
      %swap3A_442 = arith.constant 0 : index
      %swap3A_443 = tpu.vector_load %arg9[%swap3A_441, %swap3A_442] {strides = array<i32>} : memref<32x32xf32, #tpu.memory_space<vmem>>, vector<16xf32>,
      tpu.vector_store %arg9[%swap3A_441, %swap3A_442], %add3A_431 {strides = array<i32>} : memref<32x32xf32, #tpu.memory_space<vmem>>, vector<16xf32>,
      %swap3A_444 = arith.index_cast %add3A_374 : i32 to index
      %swap3A_445 = arith.constant 16 : index
      %swap3A_446 = tpu.vector_load %arg9[%swap3A_444, %swap3A_445] {strides = array<i32>} : memref<32x32xf32, #tpu.memory_space<vmem>>, vector<16xf32>,
      tpu.vector_store %arg9[%swap3A_444, %swap3A_445], %add3A_440 {strides = array<i32>} : memref<32x32xf32, #tpu.memory_space<vmem>>, vector<16xf32>,
      %add3A_447 = arith.constant 4 : i32
      %add3A_448 = arith.addi %add3A_374, %add3A_447 : i32
      %lt3A_449 = arith.constant 32 : i32
      %lt3A_450 = arith.cmpi slt, %add3A_448, %lt3A_449 : i32
      %convert_element_type3A_451 = arith.extui %lt3A_450 : i1 to i32
      %cond3A_452 = arith.constant 0 : i32
      %cond3A_453 = arith.cmpi ne, %convert_element_type3A_451, %cond3A_452 : i32
      scf.if %cond3A_453 {
        %add3A_535 = arith.constant 4 : i32
        %add3A_536 = arith.addi %add3A_374, %add3A_535 : i32
        %and3A_537 = arith.constant 15 : i32
        %and3A_538 = arith.andi %add3A_536, %and3A_537 : i32
        %eq3A_539 = vector.broadcast %and3A_538 : i32 to vector<16xi32>
        %eq3A_540 = arith.cmpi eq, %iota3A, %eq3A_539 : vector<16xi32>
        %sub3A_541 = arith.subi %add3A_536, %and3A_538 : i32
        %get3A_542 = arith.index_cast %sub3A_541 : i32 to index
        %get3A_543 = tpu.vector_load %arg7[%get3A_542] {strides = array<i32>} : memref<32xi32, #tpu.memory_space<vmem>>, vector<16xi32>,
        %jit3A_544 = arith.constant 0 : i32
        %broadcast_in_dim3A_545 = vector.broadcast %jit3A_544 : i32 to vector<16xi32>
        %select_n3A_546 = arith.select %eq3A_540, %get3A_543, %broadcast_in_dim3A_545 : vector<16xi1>, vector<16xi32>
        %reduce_max3A_547 = arith.constant true
        %reduce_max3A_548 = vector.broadcast %reduce_max3A_547 : i1 to vector<16xi1>
        %reduce_max3A_549 = arith.constant -2147483648 : i32
        %reduce_max3A_550 = vector.broadcast %reduce_max3A_549 : i32 to vector<16xi32>
        %reduce_max3A_551 = arith.xori %select_n3A_546, %reduce_max3A_550 : vector<16xi32>
        %reduce_max3A_552 = tpu.scan <max>, %reduce_max3A_551 masked %reduce_max3A_548 : vector<16xi32>, vector<16xi1> -> vector<16xi32>
        %reduce_max3A_553 = arith.xori %reduce_max3A_552, %reduce_max3A_550 : vector<16xi32>
        %reduce_max3A_554 = vector.extract %reduce_max3A_553[15] : i32 from vector<16xi32>
        %and3A_555 = arith.constant 15 : i32
        %and3A_556 = arith.andi %add3A_536, %and3A_555 : i32
        %eq3A_557 = vector.broadcast %and3A_556 : i32 to vector<16xi32>
        %eq3A_558 = arith.cmpi eq, %iota3A, %eq3A_557 : vector<16xi32>
        %sub3A_559 = arith.subi %add3A_536, %and3A_556 : i32
        %get3A_560 = arith.index_cast %sub3A_559 : i32 to index
        %get3A_561 = tpu.vector_load %arg8[%get3A_560] {strides = array<i32>} : memref<32xi32, #tpu.memory_space<vmem>>, vector<16xi32>,
        %jit3A_562 = arith.constant 0 : i32
        %broadcast_in_dim3A_563 = vector.broadcast %jit3A_562 : i32 to vector<16xi32>
        %select_n3A_564 = arith.select %eq3A_558, %get3A_561, %broadcast_in_dim3A_563 : vector<16xi1>, vector<16xi32>
        %reduce_max3A_565 = arith.constant true
        %reduce_max3A_566 = vector.broadcast %reduce_max3A_565 : i1 to vector<16xi1>
        %reduce_max3A_567 = arith.constant -2147483648 : i32
        %reduce_max3A_568 = vector.broadcast %reduce_max3A_567 : i32 to vector<16xi32>
        %reduce_max3A_569 = arith.xori %select_n3A_564, %reduce_max3A_568 : vector<16xi32>
        %reduce_max3A_570 = tpu.scan <max>, %reduce_max3A_569 masked %reduce_max3A_566 : vector<16xi32>, vector<16xi1> -> vector<16xi32>
        %reduce_max3A_571 = arith.xori %reduce_max3A_570, %reduce_max3A_568 : vector<16xi32>
        %reduce_max3A_572 = vector.extract %reduce_max3A_571[15] : i32 from vector<16xi32>
        %and3A_573 = arith.constant -128 : i32
        %and3A_574 = arith.andi %reduce_max3A_554, %and3A_573 : i32
        %multiple_of3A_575 = tpu.assume_multiple %and3A_574, 128 : i32
        %and3A_576 = arith.constant -128 : i32
        %and3A_577 = arith.andi %reduce_max3A_572, %and3A_576 : i32
        %multiple_of3A_578 = tpu.assume_multiple %and3A_577, 128 : i32
        %dma_start3A_579 = arith.constant 0 : i32
        %dma_start3A_580 = tpu.memref_slice %arg2[%dma_start3A_579, %multiple_of3A_575] : memref<32x1000000xf32, #tpu.memory_space<hbm>> -> memref<32x128xf32, #tpu.memory_space<hbm>>
        %dma_start3A_581 = arith.constant 0 : i32
        %dma_start3A_582 = tpu.memref_slice %arg2[%dma_start3A_581, %multiple_of3A_575] : memref<32x1000000xf32, #tpu.memory_space<hbm>> -> memref<32x128xf32, #tpu.memory_space<hbm>>
        tpu.enqueue_dma source(%dma_start3A_582 : memref<32x128xf32, #tpu.memory_space<hbm>>) target(%arg12 : memref<32x128xf32, #tpu.memory_space<vmem>>) target_semaphore(%arg20 : memref<!tpu.dma_semaphore, #tpu.memory_space<semaphore_mem>>)
        %dma_start3A_583 = arith.constant 0 : i32
        %dma_start3A_584 = tpu.memref_slice %arg3[%dma_start3A_583, %multiple_of3A_578] : memref<32x1000000xf32, #tpu.memory_space<hbm>> -> memref<32x128xf32, #tpu.memory_space<hbm>>
        %dma_start3A_585 = arith.constant 0 : i32
        %dma_start3A_586 = tpu.memref_slice %arg3[%dma_start3A_585, %multiple_of3A_578] : memref<32x1000000xf32, #tpu.memory_space<hbm>> -> memref<32x128xf32, #tpu.memory_space<hbm>>
        tpu.enqueue_dma source(%dma_start3A_586 : memref<32x128xf32, #tpu.memory_space<hbm>>) target(%arg16 : memref<32x128xf32, #tpu.memory_space<vmem>>) target_semaphore(%arg24 : memref<!tpu.dma_semaphore, #tpu.memory_space<semaphore_mem>>)
      } else {
      }
      %add3A_454 = arith.constant 3 : i32
      %add3A_455 = arith.addi %mul3A_216, %add3A_454 : i32
      %dma_wait3A_456 = arith.constant 0 : i32
      %dma_wait3A_457 = arith.constant 0 : i32
      %dma_wait3A_458 = tpu.memref_slice %arg2[%dma_wait3A_456, %dma_wait3A_457] : memref<32x1000000xf32, #tpu.memory_space<hbm>> -> memref<32x128xf32, #tpu.memory_space<hbm>>
      %dma_wait3A_459 = arith.constant 0 : i32
      %dma_wait3A_460 = arith.constant 0 : i32
      %dma_wait3A_461 = tpu.memref_slice %arg2[%dma_wait3A_459, %dma_wait3A_460] : memref<32x1000000xf32, #tpu.memory_space<hbm>> -> memref<32x128xf32, #tpu.memory_space<hbm>>
      tpu.wait_dma2 semaphore(%arg21 : memref<!tpu.dma_semaphore, #tpu.memory_space<semaphore_mem>>) src(%dma_wait3A_461 : memref<32x128xf32, #tpu.memory_space<hbm>>) dst(%arg13 : memref<32x128xf32, #tpu.memory_space<vmem>>)
      %dma_wait3A_462 = arith.constant 0 : i32
      %dma_wait3A_463 = arith.constant 0 : i32
      %dma_wait3A_464 = tpu.memref_slice %arg3[%dma_wait3A_462, %dma_wait3A_463] : memref<32x1000000xf32, #tpu.memory_space<hbm>> -> memref<32x128xf32, #tpu.memory_space<hbm>>
      %dma_wait3A_465 = arith.constant 0 : i32
      %dma_wait3A_466 = arith.constant 0 : i32
      %dma_wait3A_467 = tpu.memref_slice %arg3[%dma_wait3A_465, %dma_wait3A_466] : memref<32x1000000xf32, #tpu.memory_space<hbm>> -> memref<32x128xf32, #tpu.memory_space<hbm>>
      tpu.wait_dma2 semaphore(%arg25 : memref<!tpu.dma_semaphore, #tpu.memory_space<semaphore_mem>>) src(%dma_wait3A_467 : memref<32x128xf32, #tpu.memory_space<hbm>>) dst(%arg17 : memref<32x128xf32, #tpu.memory_space<vmem>>)
      %and3A_468 = arith.constant 15 : i32
      %and3A_469 = arith.andi %add3A_455, %and3A_468 : i32
      %eq3A_470 = vector.broadcast %and3A_469 : i32 to vector<16xi32>
      %eq3A_471 = arith.cmpi eq, %iota3A, %eq3A_470 : vector<16xi32>
      %sub3A_472 = arith.subi %add3A_455, %and3A_469 : i32
      %get3A_473 = arith.index_cast %sub3A_472 : i32 to index
      %get3A_474 = tpu.vector_load %arg7[%get3A_473] {strides = array<i32>} : memref<32xi32, #tpu.memory_space<vmem>>, vector<16xi32>,
      %jit3A_475 = arith.constant 0 : i32
      %broadcast_in_dim3A_476 = vector.broadcast %jit3A_475 : i32 to vector<16xi32>
      %select_n3A_477 = arith.select %eq3A_471, %get3A_474, %broadcast_in_dim3A_476 : vector<16xi1>, vector<16xi32>
      %reduce_max3A_478 = arith.constant true
      %reduce_max3A_479 = vector.broadcast %reduce_max3A_478 : i1 to vector<16xi1>
      %reduce_max3A_480 = arith.constant -2147483648 : i32
      %reduce_max3A_481 = vector.broadcast %reduce_max3A_480 : i32 to vector<16xi32>
      %reduce_max3A_482 = arith.xori %select_n3A_477, %reduce_max3A_481 : vector<16xi32>
      %reduce_max3A_483 = tpu.scan <max>, %reduce_max3A_482 masked %reduce_max3A_479 : vector<16xi32>, vector<16xi1> -> vector<16xi32>
      %reduce_max3A_484 = arith.xori %reduce_max3A_483, %reduce_max3A_481 : vector<16xi32>
      %reduce_max3A_485 = vector.extract %reduce_max3A_484[15] : i32 from vector<16xi32>
      %and3A_486 = arith.constant 127 : i32
      %and3A_487 = arith.andi %reduce_max3A_485, %and3A_486 : i32
      %broadcast_in_dim3A_488 = vector.broadcast %and3A_487 : i32 to vector<16xi32>
      %and3A_489 = arith.constant 15 : i32
      %and3A_490 = arith.andi %add3A_455, %and3A_489 : i32
      %eq3A_491 = vector.broadcast %and3A_490 : i32 to vector<16xi32>
      %eq3A_492 = arith.cmpi eq, %iota3A, %eq3A_491 : vector<16xi32>
      %sub3A_493 = arith.subi %add3A_455, %and3A_490 : i32
      %get3A_494 = arith.index_cast %sub3A_493 : i32 to index
      %get3A_495 = tpu.vector_load %arg8[%get3A_494] {strides = array<i32>} : memref<32xi32, #tpu.memory_space<vmem>>, vector<16xi32>,
      %jit3A_496 = arith.constant 0 : i32
      %broadcast_in_dim3A_497 = vector.broadcast %jit3A_496 : i32 to vector<16xi32>
      %select_n3A_498 = arith.select %eq3A_492, %get3A_495, %broadcast_in_dim3A_497 : vector<16xi1>, vector<16xi32>
      %reduce_max3A_499 = arith.constant true
      %reduce_max3A_500 = vector.broadcast %reduce_max3A_499 : i1 to vector<16xi1>
      %reduce_max3A_501 = arith.constant -2147483648 : i32
      %reduce_max3A_502 = vector.broadcast %reduce_max3A_501 : i32 to vector<16xi32>
      %reduce_max3A_503 = arith.xori %select_n3A_498, %reduce_max3A_502 : vector<16xi32>
      %reduce_max3A_504 = tpu.scan <max>, %reduce_max3A_503 masked %reduce_max3A_500 : vector<16xi32>, vector<16xi1> -> vector<16xi32>
      %reduce_max3A_505 = arith.xori %reduce_max3A_504, %reduce_max3A_502 : vector<16xi32>
      %reduce_max3A_506 = vector.extract %reduce_max3A_505[15] : i32 from vector<16xi32>
      %and3A_507 = arith.constant 127 : i32
      %and3A_508 = arith.andi %reduce_max3A_506, %and3A_507 : i32
      %broadcast_in_dim3A_509 = vector.broadcast %and3A_508 : i32 to vector<16xi32>
      %gather3A_510 = tpu.vector_load_idx %arg13[%iota3A, %broadcast_in_dim3A_488] : memref<32x128xf32, #tpu.memory_space<vmem>>[vector<16xi32>, vector<16xi32>], vector<16xf32>,
      %gather3A_511 = tpu.vector_load_idx %arg17[%iota3A, %broadcast_in_dim3A_509] : memref<32x128xf32, #tpu.memory_space<vmem>>[vector<16xi32>, vector<16xi32>], vector<16xf32>,
      %add3A_512 = arith.addf %gather3A_510, %gather3A_511 : vector<16xf32>
      %add3A_513 = arith.constant 16 : i32
      %add3A_514 = vector.broadcast %add3A_513 : i32 to vector<16xi32>
      %add3A_515 = arith.addi %iota3A, %add3A_514 : vector<16xi32>
      %gather3A_516 = tpu.vector_load_idx %arg13[%add3A_515, %broadcast_in_dim3A_488] : memref<32x128xf32, #tpu.memory_space<vmem>>[vector<16xi32>, vector<16xi32>], vector<16xf32>,
      %add3A_517 = arith.constant 16 : i32
      %add3A_518 = vector.broadcast %add3A_517 : i32 to vector<16xi32>
      %add3A_519 = arith.addi %iota3A, %add3A_518 : vector<16xi32>
      %gather3A_520 = tpu.vector_load_idx %arg17[%add3A_519, %broadcast_in_dim3A_509] : memref<32x128xf32, #tpu.memory_space<vmem>>[vector<16xi32>, vector<16xi32>], vector<16xf32>,
      %add3A_521 = arith.addf %gather3A_516, %gather3A_520 : vector<16xf32>
      %swap3A_522 = arith.index_cast %add3A_455 : i32 to index
      %swap3A_523 = arith.constant 0 : index
      %swap3A_524 = tpu.vector_load %arg9[%swap3A_522, %swap3A_523] {strides = array<i32>} : memref<32x32xf32, #tpu.memory_space<vmem>>, vector<16xf32>,
      tpu.vector_store %arg9[%swap3A_522, %swap3A_523], %add3A_512 {strides = array<i32>} : memref<32x32xf32, #tpu.memory_space<vmem>>, vector<16xf32>,
      %swap3A_525 = arith.index_cast %add3A_455 : i32 to index
      %swap3A_526 = arith.constant 16 : index
      %swap3A_527 = tpu.vector_load %arg9[%swap3A_525, %swap3A_526] {strides = array<i32>} : memref<32x32xf32, #tpu.memory_space<vmem>>, vector<16xf32>,
      tpu.vector_store %arg9[%swap3A_525, %swap3A_526], %add3A_521 {strides = array<i32>} : memref<32x32xf32, #tpu.memory_space<vmem>>, vector<16xf32>,
      %add3A_528 = arith.constant 4 : i32
      %add3A_529 = arith.addi %add3A_455, %add3A_528 : i32
      %lt3A_530 = arith.constant 32 : i32
      %lt3A_531 = arith.cmpi slt, %add3A_529, %lt3A_530 : i32
      %convert_element_type3A_532 = arith.extui %lt3A_531 : i1 to i32
      %cond3A_533 = arith.constant 0 : i32
      %cond3A_534 = arith.cmpi ne, %convert_element_type3A_532, %cond3A_533 : i32
      scf.if %cond3A_534 {
        %add3A_535 = arith.constant 4 : i32
        %add3A_536 = arith.addi %add3A_455, %add3A_535 : i32
        %and3A_537 = arith.constant 15 : i32
        %and3A_538 = arith.andi %add3A_536, %and3A_537 : i32
        %eq3A_539 = vector.broadcast %and3A_538 : i32 to vector<16xi32>
        %eq3A_540 = arith.cmpi eq, %iota3A, %eq3A_539 : vector<16xi32>
        %sub3A_541 = arith.subi %add3A_536, %and3A_538 : i32
        %get3A_542 = arith.index_cast %sub3A_541 : i32 to index
        %get3A_543 = tpu.vector_load %arg7[%get3A_542] {strides = array<i32>} : memref<32xi32, #tpu.memory_space<vmem>>, vector<16xi32>,
        %jit3A_544 = arith.constant 0 : i32
        %broadcast_in_dim3A_545 = vector.broadcast %jit3A_544 : i32 to vector<16xi32>
        %select_n3A_546 = arith.select %eq3A_540, %get3A_543, %broadcast_in_dim3A_545 : vector<16xi1>, vector<16xi32>
        %reduce_max3A_547 = arith.constant true
        %reduce_max3A_548 = vector.broadcast %reduce_max3A_547 : i1 to vector<16xi1>
        %reduce_max3A_549 = arith.constant -2147483648 : i32
        %reduce_max3A_550 = vector.broadcast %reduce_max3A_549 : i32 to vector<16xi32>
        %reduce_max3A_551 = arith.xori %select_n3A_546, %reduce_max3A_550 : vector<16xi32>
        %reduce_max3A_552 = tpu.scan <max>, %reduce_max3A_551 masked %reduce_max3A_548 : vector<16xi32>, vector<16xi1> -> vector<16xi32>
        %reduce_max3A_553 = arith.xori %reduce_max3A_552, %reduce_max3A_550 : vector<16xi32>
        %reduce_max3A_554 = vector.extract %reduce_max3A_553[15] : i32 from vector<16xi32>
        %and3A_555 = arith.constant 15 : i32
        %and3A_556 = arith.andi %add3A_536, %and3A_555 : i32
        %eq3A_557 = vector.broadcast %and3A_556 : i32 to vector<16xi32>
        %eq3A_558 = arith.cmpi eq, %iota3A, %eq3A_557 : vector<16xi32>
        %sub3A_559 = arith.subi %add3A_536, %and3A_556 : i32
        %get3A_560 = arith.index_cast %sub3A_559 : i32 to index
        %get3A_561 = tpu.vector_load %arg8[%get3A_560] {strides = array<i32>} : memref<32xi32, #tpu.memory_space<vmem>>, vector<16xi32>,
        %jit3A_562 = arith.constant 0 : i32
        %broadcast_in_dim3A_563 = vector.broadcast %jit3A_562 : i32 to vector<16xi32>
        %select_n3A_564 = arith.select %eq3A_558, %get3A_561, %broadcast_in_dim3A_563 : vector<16xi1>, vector<16xi32>
        %reduce_max3A_565 = arith.constant true
        %reduce_max3A_566 = vector.broadcast %reduce_max3A_565 : i1 to vector<16xi1>
        %reduce_max3A_567 = arith.constant -2147483648 : i32
        %reduce_max3A_568 = vector.broadcast %reduce_max3A_567 : i32 to vector<16xi32>
        %reduce_max3A_569 = arith.xori %select_n3A_564, %reduce_max3A_568 : vector<16xi32>
        %reduce_max3A_570 = tpu.scan <max>, %reduce_max3A_569 masked %reduce_max3A_566 : vector<16xi32>, vector<16xi1> -> vector<16xi32>
        %reduce_max3A_571 = arith.xori %reduce_max3A_570, %reduce_max3A_568 : vector<16xi32>
        %reduce_max3A_572 = vector.extract %reduce_max3A_571[15] : i32 from vector<16xi32>
        %and3A_573 = arith.constant -128 : i32
        %and3A_574 = arith.andi %reduce_max3A_554, %and3A_573 : i32
        %multiple_of3A_575 = tpu.assume_multiple %and3A_574, 128 : i32
        %and3A_576 = arith.constant -128 : i32
        %and3A_577 = arith.andi %reduce_max3A_572, %and3A_576 : i32
        %multiple_of3A_578 = tpu.assume_multiple %and3A_577, 128 : i32
        %dma_start3A_579 = arith.constant 0 : i32
        %dma_start3A_580 = tpu.memref_slice %arg2[%dma_start3A_579, %multiple_of3A_575] : memref<32x1000000xf32, #tpu.memory_space<hbm>> -> memref<32x128xf32, #tpu.memory_space<hbm>>
        %dma_start3A_581 = arith.constant 0 : i32
        %dma_start3A_582 = tpu.memref_slice %arg2[%dma_start3A_581, %multiple_of3A_575] : memref<32x1000000xf32, #tpu.memory_space<hbm>> -> memref<32x128xf32, #tpu.memory_space<hbm>>
        tpu.enqueue_dma source(%dma_start3A_582 : memref<32x128xf32, #tpu.memory_space<hbm>>) target(%arg13 : memref<32x128xf32, #tpu.memory_space<vmem>>) target_semaphore(%arg21 : memref<!tpu.dma_semaphore, #tpu.memory_space<semaphore_mem>>)
        %dma_start3A_583 = arith.constant 0 : i32
        %dma_start3A_584 = tpu.memref_slice %arg3[%dma_start3A_583, %multiple_of3A_578] : memref<32x1000000xf32, #tpu.memory_space<hbm>> -> memref<32x128xf32, #tpu.memory_space<hbm>>
        %dma_start3A_585 = arith.constant 0 : i32
        %dma_start3A_586 = tpu.memref_slice %arg3[%dma_start3A_585, %multiple_of3A_578] : memref<32x1000000xf32, #tpu.memory_space<hbm>> -> memref<32x128xf32, #tpu.memory_space<hbm>>
        tpu.enqueue_dma source(%dma_start3A_586 : memref<32x128xf32, #tpu.memory_space<hbm>>) target(%arg17 : memref<32x128xf32, #tpu.memory_space<vmem>>) target_semaphore(%arg25 : memref<!tpu.dma_semaphore, #tpu.memory_space<semaphore_mem>>)
      } else {
      }
    }
    %scan3A_213 = arith.constant 8 : i32
    "tpu.region"() ({
      %run_scoped3A = tpu.sem_alloc : memref<!tpu.dma_semaphore, #tpu.memory_space<semaphore_mem>>
      %dma_start3A_214 = arith.constant 0 : i32
      %dma_start3A_215 = tpu.memref_slice %arg6[%mul3A_2, %dma_start3A_214] : memref<1024x32xf32, #tpu.memory_space<hbm>> -> memref<32x32xf32, #tpu.memory_space<hbm>>
      %dma_start3A_216 = arith.constant 0 : i32
      %dma_start3A_217 = tpu.memref_slice %arg6[%mul3A_2, %dma_start3A_216] : memref<1024x32xf32, #tpu.memory_space<hbm>> -> memref<32x32xf32, #tpu.memory_space<hbm>>
      tpu.enqueue_dma source(%arg9 : memref<32x32xf32, #tpu.memory_space<vmem>>) target(%dma_start3A_217 : memref<32x32xf32, #tpu.memory_space<hbm>>) target_semaphore(%run_scoped3A : memref<!tpu.dma_semaphore, #tpu.memory_space<semaphore_mem>>)
      %dma_wait3A = arith.constant 0 : i32
      %dma_wait3A_218 = tpu.memref_slice %arg6[%mul3A_2, %dma_wait3A] : memref<1024x32xf32, #tpu.memory_space<hbm>> -> memref<32x32xf32, #tpu.memory_space<hbm>>
      %dma_wait3A_219 = arith.constant 0 : i32
      %dma_wait3A_220 = tpu.memref_slice %arg6[%mul3A_2, %dma_wait3A_219] : memref<1024x32xf32, #tpu.memory_space<hbm>> -> memref<32x32xf32, #tpu.memory_space<hbm>>
      tpu.wait_dma2 semaphore(%run_scoped3A : memref<!tpu.dma_semaphore, #tpu.memory_space<semaphore_mem>>) src(%arg9 : memref<32x32xf32, #tpu.memory_space<vmem>>) dst(%dma_wait3A_220 : memref<32x32xf32, #tpu.memory_space<hbm>>)
      tpu.yield
    }) : () -> ()
    return
  }
}

#map = affine_map<(d0, d1) -> (0, 0)>
#map1 = affine_map<(d0, d1) -> (0)>
module attributes {stable_mosaic.version = 14 : i64} {
  func.func @k(%arg0: i32, %arg1: i32, %arg2: memref<32x1000000xf32, #tpu.memory_space<hbm>>, %arg3: memref<32x1000000xf32, #tpu.memory_space<hbm>>, %arg4: memref<1024xi32, #tpu.memory_space<hbm>>, %arg5: memref<1024xi32, #tpu.memory_space<hbm>>, %arg6: memref<1024x32xf32, #tpu.memory_space<hbm>>, %arg7: memref<32xi32, #tpu.memory_space<vmem>>, %arg8: memref<32xi32, #tpu.memory_space<vmem>>, %arg9: memref<32x32xf32, #tpu.memory_space<vmem>>, %arg10: memref<32x128xf32, #tpu.memory_space<vmem>>, %arg11: memref<32x128xf32, #tpu.memory_space<vmem>>, %arg12: memref<32x128xf32, #tpu.memory_space<vmem>>, %arg13: memref<32x128xf32, #tpu.memory_space<vmem>>, %arg14: memref<32x128xf32, #tpu.memory_space<vmem>>, %arg15: memref<32x128xf32, #tpu.memory_space<vmem>>, %arg16: memref<32x128xf32, #tpu.memory_space<vmem>>, %arg17: memref<32x128xf32, #tpu.memory_space<vmem>>, %arg18: memref<!tpu.dma_semaphore, #tpu.memory_space<semaphore_mem>>, %arg19: memref<!tpu.dma_semaphore, #tpu.memory_space<semaphore_mem>>, %arg20: memref<!tpu.dma_semaphore, #tpu.memory_space<semaphore_mem>>, %arg21: memref<!tpu.dma_semaphore, #tpu.memory_space<semaphore_mem>>, %arg22: memref<!tpu.dma_semaphore, #tpu.memory_space<semaphore_mem>>, %arg23: memref<!tpu.dma_semaphore, #tpu.memory_space<semaphore_mem>>, %arg24: memref<!tpu.dma_semaphore, #tpu.memory_space<semaphore_mem>>, %arg25: memref<!tpu.dma_semaphore, #tpu.memory_space<semaphore_mem>>) attributes {dimension_semantics = [#tpu.dimension_semantics<core_parallel>, #tpu.dimension_semantics<subcore_parallel>], iteration_bounds = array<i64: 2, 16>, scalar_prefetch = 0 : i64, scratch_operands = 19 : i64, tpu.core_type = #tpu.core_type<sc_vector_subcore>, window_params = [{transform_indices = #map}, {transform_indices = #map}, {transform_indices = #map1}, {transform_indices = #map1}, {transform_indices = #map}]} {
    %mul3A = arith.constant 2 : i32
    %mul3A_0 = arith.muli %arg1, %mul3A : i32
    %add3A = arith.addi %mul3A_0, %arg0 : i32
    %mul3A_1 = arith.constant 32 : i32
    %mul3A_2 = arith.muli %add3A, %mul3A_1 : i32
    "tpu.region"() ({
      %run_scoped3A = tpu.sem_alloc : memref<!tpu.dma_semaphore, #tpu.memory_space<semaphore_mem>>
      %dma_start3A_214 = tpu.memref_slice %arg4[%mul3A_2] : memref<1024xi32, #tpu.memory_space<hbm>> -> memref<32xi32, #tpu.memory_space<hbm>>
      %dma_start3A_215 = tpu.memref_slice %arg4[%mul3A_2] : memref<1024xi32, #tpu.memory_space<hbm>> -> memref<32xi32, #tpu.memory_space<hbm>>
      tpu.enqueue_dma source(%dma_start3A_215 : memref<32xi32, #tpu.memory_space<hbm>>) target(%arg7 : memref<32xi32, #tpu.memory_space<vmem>>) target_semaphore(%run_scoped3A : memref<!tpu.dma_semaphore, #tpu.memory_space<semaphore_mem>>)
      %dma_wait3A = tpu.memref_slice %arg4[%mul3A_2] : memref<1024xi32, #tpu.memory_space<hbm>> -> memref<32xi32, #tpu.memory_space<hbm>>
      %dma_wait3A_216 = tpu.memref_slice %arg4[%mul3A_2] : memref<1024xi32, #tpu.memory_space<hbm>> -> memref<32xi32, #tpu.memory_space<hbm>>
      tpu.wait_dma2 semaphore(%run_scoped3A : memref<!tpu.dma_semaphore, #tpu.memory_space<semaphore_mem>>) src(%dma_wait3A_216 : memref<32xi32, #tpu.memory_space<hbm>>) dst(%arg7 : memref<32xi32, #tpu.memory_space<vmem>>)
      tpu.yield
    }) : () -> ()
    "tpu.region"() ({
      %run_scoped3A = tpu.sem_alloc : memref<!tpu.dma_semaphore, #tpu.memory_space<semaphore_mem>>
      %dma_start3A_214 = tpu.memref_slice %arg5[%mul3A_2] : memref<1024xi32, #tpu.memory_space<hbm>> -> memref<32xi32, #tpu.memory_space<hbm>>
      %dma_start3A_215 = tpu.memref_slice %arg5[%mul3A_2] : memref<1024xi32, #tpu.memory_space<hbm>> -> memref<32xi32, #tpu.memory_space<hbm>>
      tpu.enqueue_dma source(%dma_start3A_215 : memref<32xi32, #tpu.memory_space<hbm>>) target(%arg8 : memref<32xi32, #tpu.memory_space<vmem>>) target_semaphore(%run_scoped3A : memref<!tpu.dma_semaphore, #tpu.memory_space<semaphore_mem>>)
      %dma_wait3A = tpu.memref_slice %arg5[%mul3A_2] : memref<1024xi32, #tpu.memory_space<hbm>> -> memref<32xi32, #tpu.memory_space<hbm>>
      %dma_wait3A_216 = tpu.memref_slice %arg5[%mul3A_2] : memref<1024xi32, #tpu.memory_space<hbm>> -> memref<32xi32, #tpu.memory_space<hbm>>
      tpu.wait_dma2 semaphore(%run_scoped3A : memref<!tpu.dma_semaphore, #tpu.memory_space<semaphore_mem>>) src(%dma_wait3A_216 : memref<32xi32, #tpu.memory_space<hbm>>) dst(%arg8 : memref<32xi32, #tpu.memory_space<vmem>>)
      tpu.yield
    }) : () -> ()
    %iota3A = tpu.iota {dimensions = array<i32: 0>} : vector<16xi32>
    %and3A = arith.constant 0 : i32
    %and3A_3 = arith.constant 15 : i32
    %and3A_4 = arith.andi %and3A, %and3A_3 : i32
    %eq3A = vector.broadcast %and3A_4 : i32 to vector<16xi32>
    %eq3A_5 = arith.cmpi eq, %iota3A, %eq3A : vector<16xi32>
    %sub3A = arith.constant 0 : i32
    %sub3A_6 = arith.subi %sub3A, %and3A_4 : i32
    %get3A = arith.index_cast %sub3A_6 : i32 to index
    %get3A_7 = tpu.vector_load %arg7[%get3A] {strides = array<i32>} : memref<32xi32, #tpu.memory_space<vmem>>, vector<16xi32>,
    %jit3A = arith.constant 0 : i32
    %broadcast_in_dim3A = vector.broadcast %jit3A : i32 to vector<16xi32>
    %select_n3A = arith.select %eq3A_5, %get3A_7, %broadcast_in_dim3A : vector<16xi1>, vector<16xi32>
    %reduce_max3A = arith.constant true
    %reduce_max3A_8 = vector.broadcast %reduce_max3A : i1 to vector<16xi1>
    %reduce_max3A_9 = arith.constant -2147483648 : i32
    %reduce_max3A_10 = vector.broadcast %reduce_max3A_9 : i32 to vector<16xi32>
    %reduce_max3A_11 = arith.xori %select_n3A, %reduce_max3A_10 : vector<16xi32>
    %reduce_max3A_12 = tpu.scan <max>, %reduce_max3A_11 masked %reduce_max3A_8 : vector<16xi32>, vector<16xi1> -> vector<16xi32>
    %reduce_max3A_13 = arith.xori %reduce_max3A_12, %reduce_max3A_10 : vector<16xi32>
    %reduce_max3A_14 = vector.extract %reduce_max3A_13[15] : i32 from vector<16xi32>
    %and3A_15 = arith.constant 0 : i32
    %and3A_16 = arith.constant 15 : i32
    %and3A_17 = arith.andi %and3A_15, %and3A_16 : i32
    %eq3A_18 = vector.broadcast %and3A_17 : i32 to vector<16xi32>
    %eq3A_19 = arith.cmpi eq, %iota3A, %eq3A_18 : vector<16xi32>
    %sub3A_20 = arith.constant 0 : i32
    %sub3A_21 = arith.subi %sub3A_20, %and3A_17 : i32
    %get3A_22 = arith.index_cast %sub3A_21 : i32 to index
    %get3A_23 = tpu.vector_load %arg8[%get3A_22] {strides = array<i32>} : memref<32xi32, #tpu.memory_space<vmem>>, vector<16xi32>,
    %jit3A_24 = arith.constant 0 : i32
    %broadcast_in_dim3A_25 = vector.broadcast %jit3A_24 : i32 to vector<16xi32>
    %select_n3A_26 = arith.select %eq3A_19, %get3A_23, %broadcast_in_dim3A_25 : vector<16xi1>, vector<16xi32>
    %reduce_max3A_27 = arith.constant true
    %reduce_max3A_28 = vector.broadcast %reduce_max3A_27 : i1 to vector<16xi1>
    %reduce_max3A_29 = arith.constant -2147483648 : i32
    %reduce_max3A_30 = vector.broadcast %reduce_max3A_29 : i32 to vector<16xi32>
    %reduce_max3A_31 = arith.xori %select_n3A_26, %reduce_max3A_30 : vector<16xi32>
    %reduce_max3A_32 = tpu.scan <max>, %reduce_max3A_31 masked %reduce_max3A_28 : vector<16xi32>, vector<16xi1> -> vector<16xi32>
    %reduce_max3A_33 = arith.xori %reduce_max3A_32, %reduce_max3A_30 : vector<16xi32>
    %reduce_max3A_34 = vector.extract %reduce_max3A_33[15] : i32 from vector<16xi32>
    %and3A_35 = arith.constant -128 : i32
    %and3A_36 = arith.andi %reduce_max3A_14, %and3A_35 : i32
    %multiple_of3A = tpu.assume_multiple %and3A_36, 128 : i32
    %and3A_37 = arith.constant -128 : i32
    %and3A_38 = arith.andi %reduce_max3A_34, %and3A_37 : i32
    %multiple_of3A_39 = tpu.assume_multiple %and3A_38, 128 : i32
    %dma_start3A = arith.constant 0 : i32
    %dma_start3A_40 = tpu.memref_slice %arg2[%dma_start3A, %multiple_of3A] : memref<32x1000000xf32, #tpu.memory_space<hbm>> -> memref<32x128xf32, #tpu.memory_space<hbm>>
    %dma_start3A_41 = arith.constant 0 : i32
    %dma_start3A_42 = tpu.memref_slice %arg2[%dma_start3A_41, %multiple_of3A] : memref<32x1000000xf32, #tpu.memory_space<hbm>> -> memref<32x128xf32, #tpu.memory_space<hbm>>
    tpu.enqueue_dma source(%dma_start3A_42 : memref<32x128xf32, #tpu.memory_space<hbm>>) target(%arg10 : memref<32x128xf32, #tpu.memory_space<vmem>>) target_semaphore(%arg18 : memref<!tpu.dma_semaphore, #tpu.memory_space<semaphore_mem>>)
    %dma_start3A_43 = arith.constant 0 : i32
    %dma_start3A_44 = tpu.memref_slice %arg3[%dma_start3A_43, %multiple_of3A_39] : memref<32x1000000xf32, #tpu.memory_space<hbm>> -> memref<32x128xf32, #tpu.memory_space<hbm>>
    %dma_start3A_45 = arith.constant 0 : i32
    %dma_start3A_46 = tpu.memref_slice %arg3[%dma_start3A_45, %multiple_of3A_39] : memref<32x1000000xf32, #tpu.memory_space<hbm>> -> memref<32x128xf32, #tpu.memory_space<hbm>>
    tpu.enqueue_dma source(%dma_start3A_46 : memref<32x128xf32, #tpu.memory_space<hbm>>) target(%arg14 : memref<32x128xf32, #tpu.memory_space<vmem>>) target_semaphore(%arg22 : memref<!tpu.dma_semaphore, #tpu.memory_space<semaphore_mem>>)
    %and3A_47 = arith.constant 1 : i32
    %and3A_48 = arith.constant 15 : i32
    %and3A_49 = arith.andi %and3A_47, %and3A_48 : i32
    %eq3A_50 = vector.broadcast %and3A_49 : i32 to vector<16xi32>
    %eq3A_51 = arith.cmpi eq, %iota3A, %eq3A_50 : vector<16xi32>
    %sub3A_52 = arith.constant 1 : i32
    %sub3A_53 = arith.subi %sub3A_52, %and3A_49 : i32
    %get3A_54 = arith.index_cast %sub3A_53 : i32 to index
    %get3A_55 = tpu.vector_load %arg7[%get3A_54] {strides = array<i32>} : memref<32xi32, #tpu.memory_space<vmem>>, vector<16xi32>,
    %jit3A_56 = arith.constant 0 : i32
    %broadcast_in_dim3A_57 = vector.broadcast %jit3A_56 : i32 to vector<16xi32>
    %select_n3A_58 = arith.select %eq3A_51, %get3A_55, %broadcast_in_dim3A_57 : vector<16xi1>, vector<16xi32>
    %reduce_max3A_59 = arith.constant true
    %reduce_max3A_60 = vector.broadcast %reduce_max3A_59 : i1 to vector<16xi1>
    %reduce_max3A_61 = arith.constant -2147483648 : i32
    %reduce_max3A_62 = vector.broadcast %reduce_max3A_61 : i32 to vector<16xi32>
    %reduce_max3A_63 = arith.xori %select_n3A_58, %reduce_max3A_62 : vector<16xi32>
    %reduce_max3A_64 = tpu.scan <max>, %reduce_max3A_63 masked %reduce_max3A_60 : vector<16xi32>, vector<16xi1> -> vector<16xi32>
    %reduce_max3A_65 = arith.xori %reduce_max3A_64, %reduce_max3A_62 : vector<16xi32>
    %reduce_max3A_66 = vector.extract %reduce_max3A_65[15] : i32 from vector<16xi32>
    %and3A_67 = arith.constant 1 : i32
    %and3A_68 = arith.constant 15 : i32
    %and3A_69 = arith.andi %and3A_67, %and3A_68 : i32
    %eq3A_70 = vector.broadcast %and3A_69 : i32 to vector<16xi32>
    %eq3A_71 = arith.cmpi eq, %iota3A, %eq3A_70 : vector<16xi32>
    %sub3A_72 = arith.constant 1 : i32
    %sub3A_73 = arith.subi %sub3A_72, %and3A_69 : i32
    %get3A_74 = arith.index_cast %sub3A_73 : i32 to index
    %get3A_75 = tpu.vector_load %arg8[%get3A_74] {strides = array<i32>} : memref<32xi32, #tpu.memory_space<vmem>>, vector<16xi32>,
    %jit3A_76 = arith.constant 0 : i32
    %broadcast_in_dim3A_77 = vector.broadcast %jit3A_76 : i32 to vector<16xi32>
    %select_n3A_78 = arith.select %eq3A_71, %get3A_75, %broadcast_in_dim3A_77 : vector<16xi1>, vector<16xi32>
    %reduce_max3A_79 = arith.constant true
    %reduce_max3A_80 = vector.broadcast %reduce_max3A_79 : i1 to vector<16xi1>
    %reduce_max3A_81 = arith.constant -2147483648 : i32
    %reduce_max3A_82 = vector.broadcast %reduce_max3A_81 : i32 to vector<16xi32>
    %reduce_max3A_83 = arith.xori %select_n3A_78, %reduce_max3A_82 : vector<16xi32>
    %reduce_max3A_84 = tpu.scan <max>, %reduce_max3A_83 masked %reduce_max3A_80 : vector<16xi32>, vector<16xi1> -> vector<16xi32>
    %reduce_max3A_85 = arith.xori %reduce_max3A_84, %reduce_max3A_82 : vector<16xi32>
    %reduce_max3A_86 = vector.extract %reduce_max3A_85[15] : i32 from vector<16xi32>
    %and3A_87 = arith.constant -128 : i32
    %and3A_88 = arith.andi %reduce_max3A_66, %and3A_87 : i32
    %multiple_of3A_89 = tpu.assume_multiple %and3A_88, 128 : i32
    %and3A_90 = arith.constant -128 : i32
    %and3A_91 = arith.andi %reduce_max3A_86, %and3A_90 : i32
    %multiple_of3A_92 = tpu.assume_multiple %and3A_91, 128 : i32
    %dma_start3A_93 = arith.constant 0 : i32
    %dma_start3A_94 = tpu.memref_slice %arg2[%dma_start3A_93, %multiple_of3A_89] : memref<32x1000000xf32, #tpu.memory_space<hbm>> -> memref<32x128xf32, #tpu.memory_space<hbm>>
    %dma_start3A_95 = arith.constant 0 : i32
    %dma_start3A_96 = tpu.memref_slice %arg2[%dma_start3A_95, %multiple_of3A_89] : memref<32x1000000xf32, #tpu.memory_space<hbm>> -> memref<32x128xf32, #tpu.memory_space<hbm>>
    tpu.enqueue_dma source(%dma_start3A_96 : memref<32x128xf32, #tpu.memory_space<hbm>>) target(%arg11 : memref<32x128xf32, #tpu.memory_space<vmem>>) target_semaphore(%arg19 : memref<!tpu.dma_semaphore, #tpu.memory_space<semaphore_mem>>)
    %dma_start3A_97 = arith.constant 0 : i32
    %dma_start3A_98 = tpu.memref_slice %arg3[%dma_start3A_97, %multiple_of3A_92] : memref<32x1000000xf32, #tpu.memory_space<hbm>> -> memref<32x128xf32, #tpu.memory_space<hbm>>
    %dma_start3A_99 = arith.constant 0 : i32
    %dma_start3A_100 = tpu.memref_slice %arg3[%dma_start3A_99, %multiple_of3A_92] : memref<32x1000000xf32, #tpu.memory_space<hbm>> -> memref<32x128xf32, #tpu.memory_space<hbm>>
    tpu.enqueue_dma source(%dma_start3A_100 : memref<32x128xf32, #tpu.memory_space<hbm>>) target(%arg15 : memref<32x128xf32, #tpu.memory_space<vmem>>) target_semaphore(%arg23 : memref<!tpu.dma_semaphore, #tpu.memory_space<semaphore_mem>>)
    %and3A_101 = arith.constant 2 : i32
    %and3A_102 = arith.constant 15 : i32
    %and3A_103 = arith.andi %and3A_101, %and3A_102 : i32
    %eq3A_104 = vector.broadcast %and3A_103 : i32 to vector<16xi32>
    %eq3A_105 = arith.cmpi eq, %iota3A, %eq3A_104 : vector<16xi32>
    %sub3A_106 = arith.constant 2 : i32
    %sub3A_107 = arith.subi %sub3A_106, %and3A_103 : i32
    %get3A_108 = arith.index_cast %sub3A_107 : i32 to index
    %get3A_109 = tpu.vector_load %arg7[%get3A_108] {strides = array<i32>} : memref<32xi32, #tpu.memory_space<vmem>>, vector<16xi32>,
    %jit3A_110 = arith.constant 0 : i32
    %broadcast_in_dim3A_111 = vector.broadcast %jit3A_110 : i32 to vector<16xi32>
    %select_n3A_112 = arith.select %eq3A_105, %get3A_109, %broadcast_in_dim3A_111 : vector<16xi1>, vector<16xi32>
    %reduce_max3A_113 = arith.constant true
    %reduce_max3A_114 = vector.broadcast %reduce_max3A_113 : i1 to vector<16xi1>
    %reduce_max3A_115 = arith.constant -2147483648 : i32
    %reduce_max3A_116 = vector.broadcast %reduce_max3A_115 : i32 to vector<16xi32>
    %reduce_max3A_117 = arith.xori %select_n3A_112, %reduce_max3A_116 : vector<16xi32>
    %reduce_max3A_118 = tpu.scan <max>, %reduce_max3A_117 masked %reduce_max3A_114 : vector<16xi32>, vector<16xi1> -> vector<16xi32>
    %reduce_max3A_119 = arith.xori %reduce_max3A_118, %reduce_max3A_116 : vector<16xi32>
    %reduce_max3A_120 = vector.extract %reduce_max3A_119[15] : i32 from vector<16xi32>
    %and3A_121 = arith.constant 2 : i32
    %and3A_122 = arith.constant 15 : i32
    %and3A_123 = arith.andi %and3A_121, %and3A_122 : i32
    %eq3A_124 = vector.broadcast %and3A_123 : i32 to vector<16xi32>
    %eq3A_125 = arith.cmpi eq, %iota3A, %eq3A_124 : vector<16xi32>
    %sub3A_126 = arith.constant 2 : i32
    %sub3A_127 = arith.subi %sub3A_126, %and3A_123 : i32
    %get3A_128 = arith.index_cast %sub3A_127 : i32 to index
    %get3A_129 = tpu.vector_load %arg8[%get3A_128] {strides = array<i32>} : memref<32xi32, #tpu.memory_space<vmem>>, vector<16xi32>,
    %jit3A_130 = arith.constant 0 : i32
    %broadcast_in_dim3A_131 = vector.broadcast %jit3A_130 : i32 to vector<16xi32>
    %select_n3A_132 = arith.select %eq3A_125, %get3A_129, %broadcast_in_dim3A_131 : vector<16xi1>, vector<16xi32>
    %reduce_max3A_133 = arith.constant true
    %reduce_max3A_134 = vector.broadcast %reduce_max3A_133 : i1 to vector<16xi1>
    %reduce_max3A_135 = arith.constant -2147483648 : i32
    %reduce_max3A_136 = vector.broadcast %reduce_max3A_135 : i32 to vector<16xi32>
    %reduce_max3A_137 = arith.xori %select_n3A_132, %reduce_max3A_136 : vector<16xi32>
    %reduce_max3A_138 = tpu.scan <max>, %reduce_max3A_137 masked %reduce_max3A_134 : vector<16xi32>, vector<16xi1> -> vector<16xi32>
    %reduce_max3A_139 = arith.xori %reduce_max3A_138, %reduce_max3A_136 : vector<16xi32>
    %reduce_max3A_140 = vector.extract %reduce_max3A_139[15] : i32 from vector<16xi32>
    %and3A_141 = arith.constant -128 : i32
    %and3A_142 = arith.andi %reduce_max3A_120, %and3A_141 : i32
    %multiple_of3A_143 = tpu.assume_multiple %and3A_142, 128 : i32
    %and3A_144 = arith.constant -128 : i32
    %and3A_145 = arith.andi %reduce_max3A_140, %and3A_144 : i32
    %multiple_of3A_146 = tpu.assume_multiple %and3A_145, 128 : i32
    %dma_start3A_147 = arith.constant 0 : i32
    %dma_start3A_148 = tpu.memref_slice %arg2[%dma_start3A_147, %multiple_of3A_143] : memref<32x1000000xf32, #tpu.memory_space<hbm>> -> memref<32x128xf32, #tpu.memory_space<hbm>>
    %dma_start3A_149 = arith.constant 0 : i32
    %dma_start3A_150 = tpu.memref_slice %arg2[%dma_start3A_149, %multiple_of3A_143] : memref<32x1000000xf32, #tpu.memory_space<hbm>> -> memref<32x128xf32, #tpu.memory_space<hbm>>
    tpu.enqueue_dma source(%dma_start3A_150 : memref<32x128xf32, #tpu.memory_space<hbm>>) target(%arg12 : memref<32x128xf32, #tpu.memory_space<vmem>>) target_semaphore(%arg20 : memref<!tpu.dma_semaphore, #tpu.memory_space<semaphore_mem>>)
    %dma_start3A_151 = arith.constant 0 : i32
    %dma_start3A_152 = tpu.memref_slice %arg3[%dma_start3A_151, %multiple_of3A_146] : memref<32x1000000xf32, #tpu.memory_space<hbm>> -> memref<32x128xf32, #tpu.memory_space<hbm>>
    %dma_start3A_153 = arith.constant 0 : i32
    %dma_start3A_154 = tpu.memref_slice %arg3[%dma_start3A_153, %multiple_of3A_146] : memref<32x1000000xf32, #tpu.memory_space<hbm>> -> memref<32x128xf32, #tpu.memory_space<hbm>>
    tpu.enqueue_dma source(%dma_start3A_154 : memref<32x128xf32, #tpu.memory_space<hbm>>) target(%arg16 : memref<32x128xf32, #tpu.memory_space<vmem>>) target_semaphore(%arg24 : memref<!tpu.dma_semaphore, #tpu.memory_space<semaphore_mem>>)
    %and3A_155 = arith.constant 3 : i32
    %and3A_156 = arith.constant 15 : i32
    %and3A_157 = arith.andi %and3A_155, %and3A_156 : i32
    %eq3A_158 = vector.broadcast %and3A_157 : i32 to vector<16xi32>
    %eq3A_159 = arith.cmpi eq, %iota3A, %eq3A_158 : vector<16xi32>
    %sub3A_160 = arith.constant 3 : i32
    %sub3A_161 = arith.subi %sub3A_160, %and3A_157 : i32
    %get3A_162 = arith.index_cast %sub3A_161 : i32 to index
    %get3A_163 = tpu.vector_load %arg7[%get3A_162] {strides = array<i32>} : memref<32xi32, #tpu.memory_space<vmem>>, vector<16xi32>,
    %jit3A_164 = arith.constant 0 : i32
    %broadcast_in_dim3A_165 = vector.broadcast %jit3A_164 : i32 to vector<16xi32>
    %select_n3A_166 = arith.select %eq3A_159, %get3A_163, %broadcast_in_dim3A_165 : vector<16xi1>, vector<16xi32>
    %reduce_max3A_167 = arith.constant true
    %reduce_max3A_168 = vector.broadcast %reduce_max3A_167 : i1 to vector<16xi1>
    %reduce_max3A_169 = arith.constant -2147483648 : i32
    %reduce_max3A_170 = vector.broadcast %reduce_max3A_169 : i32 to vector<16xi32>
    %reduce_max3A_171 = arith.xori %select_n3A_166, %reduce_max3A_170 : vector<16xi32>
    %reduce_max3A_172 = tpu.scan <max>, %reduce_max3A_171 masked %reduce_max3A_168 : vector<16xi32>, vector<16xi1> -> vector<16xi32>
    %reduce_max3A_173 = arith.xori %reduce_max3A_172, %reduce_max3A_170 : vector<16xi32>
    %reduce_max3A_174 = vector.extract %reduce_max3A_173[15] : i32 from vector<16xi32>
    %and3A_175 = arith.constant 3 : i32
    %and3A_176 = arith.constant 15 : i32
    %and3A_177 = arith.andi %and3A_175, %and3A_176 : i32
    %eq3A_178 = vector.broadcast %and3A_177 : i32 to vector<16xi32>
    %eq3A_179 = arith.cmpi eq, %iota3A, %eq3A_178 : vector<16xi32>
    %sub3A_180 = arith.constant 3 : i32
    %sub3A_181 = arith.subi %sub3A_180, %and3A_177 : i32
    %get3A_182 = arith.index_cast %sub3A_181 : i32 to index
    %get3A_183 = tpu.vector_load %arg8[%get3A_182] {strides = array<i32>} : memref<32xi32, #tpu.memory_space<vmem>>, vector<16xi32>,
    %jit3A_184 = arith.constant 0 : i32
    %broadcast_in_dim3A_185 = vector.broadcast %jit3A_184 : i32 to vector<16xi32>
    %select_n3A_186 = arith.select %eq3A_179, %get3A_183, %broadcast_in_dim3A_185 : vector<16xi1>, vector<16xi32>
    %reduce_max3A_187 = arith.constant true
    %reduce_max3A_188 = vector.broadcast %reduce_max3A_187 : i1 to vector<16xi1>
    %reduce_max3A_189 = arith.constant -2147483648 : i32
    %reduce_max3A_190 = vector.broadcast %reduce_max3A_189 : i32 to vector<16xi32>
    %reduce_max3A_191 = arith.xori %select_n3A_186, %reduce_max3A_190 : vector<16xi32>
    %reduce_max3A_192 = tpu.scan <max>, %reduce_max3A_191 masked %reduce_max3A_188 : vector<16xi32>, vector<16xi1> -> vector<16xi32>
    %reduce_max3A_193 = arith.xori %reduce_max3A_192, %reduce_max3A_190 : vector<16xi32>
    %reduce_max3A_194 = vector.extract %reduce_max3A_193[15] : i32 from vector<16xi32>
    %and3A_195 = arith.constant -128 : i32
    %and3A_196 = arith.andi %reduce_max3A_174, %and3A_195 : i32
    %multiple_of3A_197 = tpu.assume_multiple %and3A_196, 128 : i32
    %and3A_198 = arith.constant -128 : i32
    %and3A_199 = arith.andi %reduce_max3A_194, %and3A_198 : i32
    %multiple_of3A_200 = tpu.assume_multiple %and3A_199, 128 : i32
    %dma_start3A_201 = arith.constant 0 : i32
    %dma_start3A_202 = tpu.memref_slice %arg2[%dma_start3A_201, %multiple_of3A_197] : memref<32x1000000xf32, #tpu.memory_space<hbm>> -> memref<32x128xf32, #tpu.memory_space<hbm>>
    %dma_start3A_203 = arith.constant 0 : i32
    %dma_start3A_204 = tpu.memref_slice %arg2[%dma_start3A_203, %multiple_of3A_197] : memref<32x1000000xf32, #tpu.memory_space<hbm>> -> memref<32x128xf32, #tpu.memory_space<hbm>>
    tpu.enqueue_dma source(%dma_start3A_204 : memref<32x128xf32, #tpu.memory_space<hbm>>) target(%arg13 : memref<32x128xf32, #tpu.memory_space<vmem>>) target_semaphore(%arg21 : memref<!tpu.dma_semaphore, #tpu.memory_space<semaphore_mem>>)
    %dma_start3A_205 = arith.constant 0 : i32
    %dma_start3A_206 = tpu.memref_slice %arg3[%dma_start3A_205, %multiple_of3A_200] : memref<32x1000000xf32, #tpu.memory_space<hbm>> -> memref<32x128xf32, #tpu.memory_space<hbm>>
    %dma_start3A_207 = arith.constant 0 : i32
    %dma_start3A_208 = tpu.memref_slice %arg3[%dma_start3A_207, %multiple_of3A_200] : memref<32x1000000xf32, #tpu.memory_space<hbm>> -> memref<32x128xf32, #tpu.memory_space<hbm>>
    tpu.enqueue_dma source(%dma_start3A_208 : memref<32x128xf32, #tpu.memory_space<hbm>>) target(%arg17 : memref<32x128xf32, #tpu.memory_space<vmem>>) target_semaphore(%arg25 : memref<!tpu.dma_semaphore, #tpu.memory_space<semaphore_mem>>)
    %scan3A = arith.constant 0 : i32
    %scan3A_209 = arith.constant 0 : i32
    %scan3A_210 = arith.constant 8 : i32
    %scan3A_211 = arith.addi %scan3A_209, %scan3A_210 : i32
    %scan3A_212 = arith.constant 1 : i32
    scf.for %scan3A_214 = %scan3A_209 to %scan3A_211 step %scan3A_212  : i32 {
      %mul3A_215 = arith.constant 4 : i32
      %mul3A_216 = arith.muli %scan3A_214, %mul3A_215 : i32
      %add3A_217 = arith.constant 0 : i32
      %add3A_218 = arith.addi %mul3A_216, %add3A_217 : i32
      %dma_wait3A = arith.constant 0 : i32
      %dma_wait3A_219 = arith.constant 0 : i32
      %dma_wait3A_220 = tpu.memref_slice %arg2[%dma_wait3A, %dma_wait3A_219] : memref<32x1000000xf32, #tpu.memory_space<hbm>> -> memref<32x128xf32, #tpu.memory_space<hbm>>
      %dma_wait3A_221 = arith.constant 0 : i32
      %dma_wait3A_222 = arith.constant 0 : i32
      %dma_wait3A_223 = tpu.memref_slice %arg2[%dma_wait3A_221, %dma_wait3A_222] : memref<32x1000000xf32, #tpu.memory_space<hbm>> -> memref<32x128xf32, #tpu.memory_space<hbm>>
      tpu.wait_dma2 semaphore(%arg18 : memref<!tpu.dma_semaphore, #tpu.memory_space<semaphore_mem>>) src(%dma_wait3A_223 : memref<32x128xf32, #tpu.memory_space<hbm>>) dst(%arg10 : memref<32x128xf32, #tpu.memory_space<vmem>>)
      %dma_wait3A_224 = arith.constant 0 : i32
      %dma_wait3A_225 = arith.constant 0 : i32
      %dma_wait3A_226 = tpu.memref_slice %arg3[%dma_wait3A_224, %dma_wait3A_225] : memref<32x1000000xf32, #tpu.memory_space<hbm>> -> memref<32x128xf32, #tpu.memory_space<hbm>>
      %dma_wait3A_227 = arith.constant 0 : i32
      %dma_wait3A_228 = arith.constant 0 : i32
      %dma_wait3A_229 = tpu.memref_slice %arg3[%dma_wait3A_227, %dma_wait3A_228] : memref<32x1000000xf32, #tpu.memory_space<hbm>> -> memref<32x128xf32, #tpu.memory_space<hbm>>
      tpu.wait_dma2 semaphore(%arg22 : memref<!tpu.dma_semaphore, #tpu.memory_space<semaphore_mem>>) src(%dma_wait3A_229 : memref<32x128xf32, #tpu.memory_space<hbm>>) dst(%arg14 : memref<32x128xf32, #tpu.memory_space<vmem>>)
      %and3A_230 = arith.constant 15 : i32
      %and3A_231 = arith.andi %add3A_218, %and3A_230 : i32
      %eq3A_232 = vector.broadcast %and3A_231 : i32 to vector<16xi32>
      %eq3A_233 = arith.cmpi eq, %iota3A, %eq3A_232 : vector<16xi32>
      %sub3A_234 = arith.subi %add3A_218, %and3A_231 : i32
      %get3A_235 = arith.index_cast %sub3A_234 : i32 to index
      %get3A_236 = tpu.vector_load %arg7[%get3A_235] {strides = array<i32>} : memref<32xi32, #tpu.memory_space<vmem>>, vector<16xi32>,
      %jit3A_237 = arith.constant 0 : i32
      %broadcast_in_dim3A_238 = vector.broadcast %jit3A_237 : i32 to vector<16xi32>
      %select_n3A_239 = arith.select %eq3A_233, %get3A_236, %broadcast_in_dim3A_238 : vector<16xi1>, vector<16xi32>
      %reduce_max3A_240 = arith.constant true
      %reduce_max3A_241 = vector.broadcast %reduce_max3A_240 : i1 to vector<16xi1>
      %reduce_max3A_242 = arith.constant -2147483648 : i32
      %reduce_max3A_243 = vector.broadcast %reduce_max3A_242 : i32 to vector<16xi32>
      %reduce_max3A_244 = arith.xori %select_n3A_239, %reduce_max3A_243 : vector<16xi32>
      %reduce_max3A_245 = tpu.scan <max>, %reduce_max3A_244 masked %reduce_max3A_241 : vector<16xi32>, vector<16xi1> -> vector<16xi32>
      %reduce_max3A_246 = arith.xori %reduce_max3A_245, %reduce_max3A_243 : vector<16xi32>
      %reduce_max3A_247 = vector.extract %reduce_max3A_246[15] : i32 from vector<16xi32>
      %and3A_248 = arith.constant 127 : i32
      %and3A_249 = arith.andi %reduce_max3A_247, %and3A_248 : i32
      %broadcast_in_dim3A_250 = vector.broadcast %and3A_249 : i32 to vector<16xi32>
      %and3A_251 = arith.constant 15 : i32
      %and3A_252 = arith.andi %add3A_218, %and3A_251 : i32
      %eq3A_253 = vector.broadcast %and3A_252 : i32 to vector<16xi32>
      %eq3A_254 = arith.cmpi eq, %iota3A, %eq3A_253 : vector<16xi32>
      %sub3A_255 = arith.subi %add3A_218, %and3A_252 : i32
      %get3A_256 = arith.index_cast %sub3A_255 : i32 to index
      %get3A_257 = tpu.vector_load %arg8[%get3A_256] {strides = array<i32>} : memref<32xi32, #tpu.memory_space<vmem>>, vector<16xi32>,
      %jit3A_258 = arith.constant 0 : i32
      %broadcast_in_dim3A_259 = vector.broadcast %jit3A_258 : i32 to vector<16xi32>
      %select_n3A_260 = arith.select %eq3A_254, %get3A_257, %broadcast_in_dim3A_259 : vector<16xi1>, vector<16xi32>
      %reduce_max3A_261 = arith.constant true
      %reduce_max3A_262 = vector.broadcast %reduce_max3A_261 : i1 to vector<16xi1>
      %reduce_max3A_263 = arith.constant -2147483648 : i32
      %reduce_max3A_264 = vector.broadcast %reduce_max3A_263 : i32 to vector<16xi32>
      %reduce_max3A_265 = arith.xori %select_n3A_260, %reduce_max3A_264 : vector<16xi32>
      %reduce_max3A_266 = tpu.scan <max>, %reduce_max3A_265 masked %reduce_max3A_262 : vector<16xi32>, vector<16xi1> -> vector<16xi32>
      %reduce_max3A_267 = arith.xori %reduce_max3A_266, %reduce_max3A_264 : vector<16xi32>
      %reduce_max3A_268 = vector.extract %reduce_max3A_267[15] : i32 from vector<16xi32>
      %and3A_269 = arith.constant 127 : i32
      %and3A_270 = arith.andi %reduce_max3A_268, %and3A_269 : i32
      %broadcast_in_dim3A_271 = vector.broadcast %and3A_270 : i32 to vector<16xi32>
      %gather3A = tpu.vector_load_idx %arg10[%iota3A, %broadcast_in_dim3A_250] : memref<32x128xf32, #tpu.memory_space<vmem>>[vector<16xi32>, vector<16xi32>], vector<16xf32>,
      %gather3A_272 = tpu.vector_load_idx %arg14[%iota3A, %broadcast_in_dim3A_271] : memref<32x128xf32, #tpu.memory_space<vmem>>[vector<16xi32>, vector<16xi32>], vector<16xf32>,
      %add3A_273 = arith.addf %gather3A, %gather3A_272 : vector<16xf32>
      %add3A_274 = arith.constant 16 : i32
      %add3A_275 = vector.broadcast %add3A_274 : i32 to vector<16xi32>
      %add3A_276 = arith.addi %iota3A, %add3A_275 : vector<16xi32>
      %gather3A_277 = tpu.vector_load_idx %arg10[%add3A_276, %broadcast_in_dim3A_250] : memref<32x128xf32, #tpu.memory_space<vmem>>[vector<16xi32>, vector<16xi32>], vector<16xf32>,
      %add3A_278 = arith.constant 16 : i32
      %add3A_279 = vector.broadcast %add3A_278 : i32 to vector<16xi32>
      %add3A_280 = arith.addi %iota3A, %add3A_279 : vector<16xi32>
      %gather3A_281 = tpu.vector_load_idx %arg14[%add3A_280, %broadcast_in_dim3A_271] : memref<32x128xf32, #tpu.memory_space<vmem>>[vector<16xi32>, vector<16xi32>], vector<16xf32>,
      %add3A_282 = arith.addf %gather3A_277, %gather3A_281 : vector<16xf32>
      %swap3A = arith.index_cast %add3A_218 : i32 to index
      %swap3A_283 = arith.constant 0 : index
      %swap3A_284 = tpu.vector_load %arg9[%swap3A, %swap3A_283] {strides = array<i32>} : memref<32x32xf32, #tpu.memory_space<vmem>>, vector<16xf32>,
      tpu.vector_store %arg9[%swap3A, %swap3A_283], %add3A_273 {strides = array<i32>} : memref<32x32xf32, #tpu.memory_space<vmem>>, vector<16xf32>,
      %swap3A_285 = arith.index_cast %add3A_218 : i32 to index
      %swap3A_286 = arith.constant 16 : index
      %swap3A_287 = tpu.vector_load %arg9[%swap3A_285, %swap3A_286] {strides = array<i32>} : memref<32x32xf32, #tpu.memory_space<vmem>>, vector<16xf32>,
      tpu.vector_store %arg9[%swap3A_285, %swap3A_286], %add3A_282 {strides = array<i32>} : memref<32x32xf32, #tpu.memory_space<vmem>>, vector<16xf32>,
      %add3A_288 = arith.constant 4 : i32
      %add3A_289 = arith.addi %add3A_218, %add3A_288 : i32
      %lt3A = arith.constant 32 : i32
      %lt3A_290 = arith.cmpi slt, %add3A_289, %lt3A : i32
      %convert_element_type3A = arith.extui %lt3A_290 : i1 to i32
      %cond3A = arith.constant 0 : i32
      %cond3A_291 = arith.cmpi ne, %convert_element_type3A, %cond3A : i32
      scf.if %cond3A_291 {
        %add3A_535 = arith.constant 4 : i32
        %add3A_536 = arith.addi %add3A_218, %add3A_535 : i32
        %and3A_537 = arith.constant 15 : i32
        %and3A_538 = arith.andi %add3A_536, %and3A_537 : i32
        %eq3A_539 = vector.broadcast %and3A_538 : i32 to vector<16xi32>
        %eq3A_540 = arith.cmpi eq, %iota3A, %eq3A_539 : vector<16xi32>
        %sub3A_541 = arith.subi %add3A_536, %and3A_538 : i32
        %get3A_542 = arith.index_cast %sub3A_541 : i32 to index
        %get3A_543 = tpu.vector_load %arg7[%get3A_542] {strides = array<i32>} : memref<32xi32, #tpu.memory_space<vmem>>, vector<16xi32>,
        %jit3A_544 = arith.constant 0 : i32
        %broadcast_in_dim3A_545 = vector.broadcast %jit3A_544 : i32 to vector<16xi32>
        %select_n3A_546 = arith.select %eq3A_540, %get3A_543, %broadcast_in_dim3A_545 : vector<16xi1>, vector<16xi32>
        %reduce_max3A_547 = arith.constant true
        %reduce_max3A_548 = vector.broadcast %reduce_max3A_547 : i1 to vector<16xi1>
        %reduce_max3A_549 = arith.constant -2147483648 : i32
        %reduce_max3A_550 = vector.broadcast %reduce_max3A_549 : i32 to vector<16xi32>
        %reduce_max3A_551 = arith.xori %select_n3A_546, %reduce_max3A_550 : vector<16xi32>
        %reduce_max3A_552 = tpu.scan <max>, %reduce_max3A_551 masked %reduce_max3A_548 : vector<16xi32>, vector<16xi1> -> vector<16xi32>
        %reduce_max3A_553 = arith.xori %reduce_max3A_552, %reduce_max3A_550 : vector<16xi32>
        %reduce_max3A_554 = vector.extract %reduce_max3A_553[15] : i32 from vector<16xi32>
        %and3A_555 = arith.constant 15 : i32
        %and3A_556 = arith.andi %add3A_536, %and3A_555 : i32
        %eq3A_557 = vector.broadcast %and3A_556 : i32 to vector<16xi32>
        %eq3A_558 = arith.cmpi eq, %iota3A, %eq3A_557 : vector<16xi32>
        %sub3A_559 = arith.subi %add3A_536, %and3A_556 : i32
        %get3A_560 = arith.index_cast %sub3A_559 : i32 to index
        %get3A_561 = tpu.vector_load %arg8[%get3A_560] {strides = array<i32>} : memref<32xi32, #tpu.memory_space<vmem>>, vector<16xi32>,
        %jit3A_562 = arith.constant 0 : i32
        %broadcast_in_dim3A_563 = vector.broadcast %jit3A_562 : i32 to vector<16xi32>
        %select_n3A_564 = arith.select %eq3A_558, %get3A_561, %broadcast_in_dim3A_563 : vector<16xi1>, vector<16xi32>
        %reduce_max3A_565 = arith.constant true
        %reduce_max3A_566 = vector.broadcast %reduce_max3A_565 : i1 to vector<16xi1>
        %reduce_max3A_567 = arith.constant -2147483648 : i32
        %reduce_max3A_568 = vector.broadcast %reduce_max3A_567 : i32 to vector<16xi32>
        %reduce_max3A_569 = arith.xori %select_n3A_564, %reduce_max3A_568 : vector<16xi32>
        %reduce_max3A_570 = tpu.scan <max>, %reduce_max3A_569 masked %reduce_max3A_566 : vector<16xi32>, vector<16xi1> -> vector<16xi32>
        %reduce_max3A_571 = arith.xori %reduce_max3A_570, %reduce_max3A_568 : vector<16xi32>
        %reduce_max3A_572 = vector.extract %reduce_max3A_571[15] : i32 from vector<16xi32>
        %and3A_573 = arith.constant -128 : i32
        %and3A_574 = arith.andi %reduce_max3A_554, %and3A_573 : i32
        %multiple_of3A_575 = tpu.assume_multiple %and3A_574, 128 : i32
        %and3A_576 = arith.constant -128 : i32
        %and3A_577 = arith.andi %reduce_max3A_572, %and3A_576 : i32
        %multiple_of3A_578 = tpu.assume_multiple %and3A_577, 128 : i32
        %dma_start3A_579 = arith.constant 0 : i32
        %dma_start3A_580 = tpu.memref_slice %arg2[%dma_start3A_579, %multiple_of3A_575] : memref<32x1000000xf32, #tpu.memory_space<hbm>> -> memref<32x128xf32, #tpu.memory_space<hbm>>
        %dma_start3A_581 = arith.constant 0 : i32
        %dma_start3A_582 = tpu.memref_slice %arg2[%dma_start3A_581, %multiple_of3A_575] : memref<32x1000000xf32, #tpu.memory_space<hbm>> -> memref<32x128xf32, #tpu.memory_space<hbm>>
        tpu.enqueue_dma source(%dma_start3A_582 : memref<32x128xf32, #tpu.memory_space<hbm>>) target(%arg10 : memref<32x128xf32, #tpu.memory_space<vmem>>) target_semaphore(%arg18 : memref<!tpu.dma_semaphore, #tpu.memory_space<semaphore_mem>>)
        %dma_start3A_583 = arith.constant 0 : i32
        %dma_start3A_584 = tpu.memref_slice %arg3[%dma_start3A_583, %multiple_of3A_578] : memref<32x1000000xf32, #tpu.memory_space<hbm>> -> memref<32x128xf32, #tpu.memory_space<hbm>>
        %dma_start3A_585 = arith.constant 0 : i32
        %dma_start3A_586 = tpu.memref_slice %arg3[%dma_start3A_585, %multiple_of3A_578] : memref<32x1000000xf32, #tpu.memory_space<hbm>> -> memref<32x128xf32, #tpu.memory_space<hbm>>
        tpu.enqueue_dma source(%dma_start3A_586 : memref<32x128xf32, #tpu.memory_space<hbm>>) target(%arg14 : memref<32x128xf32, #tpu.memory_space<vmem>>) target_semaphore(%arg22 : memref<!tpu.dma_semaphore, #tpu.memory_space<semaphore_mem>>)
      } else {
      }
      %add3A_292 = arith.constant 1 : i32
      %add3A_293 = arith.addi %mul3A_216, %add3A_292 : i32
      %dma_wait3A_294 = arith.constant 0 : i32
      %dma_wait3A_295 = arith.constant 0 : i32
      %dma_wait3A_296 = tpu.memref_slice %arg2[%dma_wait3A_294, %dma_wait3A_295] : memref<32x1000000xf32, #tpu.memory_space<hbm>> -> memref<32x128xf32, #tpu.memory_space<hbm>>
      %dma_wait3A_297 = arith.constant 0 : i32
      %dma_wait3A_298 = arith.constant 0 : i32
      %dma_wait3A_299 = tpu.memref_slice %arg2[%dma_wait3A_297, %dma_wait3A_298] : memref<32x1000000xf32, #tpu.memory_space<hbm>> -> memref<32x128xf32, #tpu.memory_space<hbm>>
      tpu.wait_dma2 semaphore(%arg19 : memref<!tpu.dma_semaphore, #tpu.memory_space<semaphore_mem>>) src(%dma_wait3A_299 : memref<32x128xf32, #tpu.memory_space<hbm>>) dst(%arg11 : memref<32x128xf32, #tpu.memory_space<vmem>>)
      %dma_wait3A_300 = arith.constant 0 : i32
      %dma_wait3A_301 = arith.constant 0 : i32
      %dma_wait3A_302 = tpu.memref_slice %arg3[%dma_wait3A_300, %dma_wait3A_301] : memref<32x1000000xf32, #tpu.memory_space<hbm>> -> memref<32x128xf32, #tpu.memory_space<hbm>>
      %dma_wait3A_303 = arith.constant 0 : i32
      %dma_wait3A_304 = arith.constant 0 : i32
      %dma_wait3A_305 = tpu.memref_slice %arg3[%dma_wait3A_303, %dma_wait3A_304] : memref<32x1000000xf32, #tpu.memory_space<hbm>> -> memref<32x128xf32, #tpu.memory_space<hbm>>
      tpu.wait_dma2 semaphore(%arg23 : memref<!tpu.dma_semaphore, #tpu.memory_space<semaphore_mem>>) src(%dma_wait3A_305 : memref<32x128xf32, #tpu.memory_space<hbm>>) dst(%arg15 : memref<32x128xf32, #tpu.memory_space<vmem>>)
      %and3A_306 = arith.constant 15 : i32
      %and3A_307 = arith.andi %add3A_293, %and3A_306 : i32
      %eq3A_308 = vector.broadcast %and3A_307 : i32 to vector<16xi32>
      %eq3A_309 = arith.cmpi eq, %iota3A, %eq3A_308 : vector<16xi32>
      %sub3A_310 = arith.subi %add3A_293, %and3A_307 : i32
      %get3A_311 = arith.index_cast %sub3A_310 : i32 to index
      %get3A_312 = tpu.vector_load %arg7[%get3A_311] {strides = array<i32>} : memref<32xi32, #tpu.memory_space<vmem>>, vector<16xi32>,
      %jit3A_313 = arith.constant 0 : i32
      %broadcast_in_dim3A_314 = vector.broadcast %jit3A_313 : i32 to vector<16xi32>
      %select_n3A_315 = arith.select %eq3A_309, %get3A_312, %broadcast_in_dim3A_314 : vector<16xi1>, vector<16xi32>
      %reduce_max3A_316 = arith.constant true
      %reduce_max3A_317 = vector.broadcast %reduce_max3A_316 : i1 to vector<16xi1>
      %reduce_max3A_318 = arith.constant -2147483648 : i32
      %reduce_max3A_319 = vector.broadcast %reduce_max3A_318 : i32 to vector<16xi32>
      %reduce_max3A_320 = arith.xori %select_n3A_315, %reduce_max3A_319 : vector<16xi32>
      %reduce_max3A_321 = tpu.scan <max>, %reduce_max3A_320 masked %reduce_max3A_317 : vector<16xi32>, vector<16xi1> -> vector<16xi32>
      %reduce_max3A_322 = arith.xori %reduce_max3A_321, %reduce_max3A_319 : vector<16xi32>
      %reduce_max3A_323 = vector.extract %reduce_max3A_322[15] : i32 from vector<16xi32>
      %and3A_324 = arith.constant 127 : i32
      %and3A_325 = arith.andi %reduce_max3A_323, %and3A_324 : i32
      %broadcast_in_dim3A_326 = vector.broadcast %and3A_325 : i32 to vector<16xi32>
      %and3A_327 = arith.constant 15 : i32
      %and3A_328 = arith.andi %add3A_293, %and3A_327 : i32
      %eq3A_329 = vector.broadcast %and3A_328 : i32 to vector<16xi32>
      %eq3A_330 = arith.cmpi eq, %iota3A, %eq3A_329 : vector<16xi32>
      %sub3A_331 = arith.subi %add3A_293, %and3A_328 : i32
      %get3A_332 = arith.index_cast %sub3A_331 : i32 to index
      %get3A_333 = tpu.vector_load %arg8[%get3A_332] {strides = array<i32>} : memref<32xi32, #tpu.memory_space<vmem>>, vector<16xi32>,
      %jit3A_334 = arith.constant 0 : i32
      %broadcast_in_dim3A_335 = vector.broadcast %jit3A_334 : i32 to vector<16xi32>
      %select_n3A_336 = arith.select %eq3A_330, %get3A_333, %broadcast_in_dim3A_335 : vector<16xi1>, vector<16xi32>
      %reduce_max3A_337 = arith.constant true
      %reduce_max3A_338 = vector.broadcast %reduce_max3A_337 : i1 to vector<16xi1>
      %reduce_max3A_339 = arith.constant -2147483648 : i32
      %reduce_max3A_340 = vector.broadcast %reduce_max3A_339 : i32 to vector<16xi32>
      %reduce_max3A_341 = arith.xori %select_n3A_336, %reduce_max3A_340 : vector<16xi32>
      %reduce_max3A_342 = tpu.scan <max>, %reduce_max3A_341 masked %reduce_max3A_338 : vector<16xi32>, vector<16xi1> -> vector<16xi32>
      %reduce_max3A_343 = arith.xori %reduce_max3A_342, %reduce_max3A_340 : vector<16xi32>
      %reduce_max3A_344 = vector.extract %reduce_max3A_343[15] : i32 from vector<16xi32>
      %and3A_345 = arith.constant 127 : i32
      %and3A_346 = arith.andi %reduce_max3A_344, %and3A_345 : i32
      %broadcast_in_dim3A_347 = vector.broadcast %and3A_346 : i32 to vector<16xi32>
      %gather3A_348 = tpu.vector_load_idx %arg11[%iota3A, %broadcast_in_dim3A_326] : memref<32x128xf32, #tpu.memory_space<vmem>>[vector<16xi32>, vector<16xi32>], vector<16xf32>,
      %gather3A_349 = tpu.vector_load_idx %arg15[%iota3A, %broadcast_in_dim3A_347] : memref<32x128xf32, #tpu.memory_space<vmem>>[vector<16xi32>, vector<16xi32>], vector<16xf32>,
      %add3A_350 = arith.addf %gather3A_348, %gather3A_349 : vector<16xf32>
      %add3A_351 = arith.constant 16 : i32
      %add3A_352 = vector.broadcast %add3A_351 : i32 to vector<16xi32>
      %add3A_353 = arith.addi %iota3A, %add3A_352 : vector<16xi32>
      %gather3A_354 = tpu.vector_load_idx %arg11[%add3A_353, %broadcast_in_dim3A_326] : memref<32x128xf32, #tpu.memory_space<vmem>>[vector<16xi32>, vector<16xi32>], vector<16xf32>,
      %add3A_355 = arith.constant 16 : i32
      %add3A_356 = vector.broadcast %add3A_355 : i32 to vector<16xi32>
      %add3A_357 = arith.addi %iota3A, %add3A_356 : vector<16xi32>
      %gather3A_358 = tpu.vector_load_idx %arg15[%add3A_357, %broadcast_in_dim3A_347] : memref<32x128xf32, #tpu.memory_space<vmem>>[vector<16xi32>, vector<16xi32>], vector<16xf32>,
      %add3A_359 = arith.addf %gather3A_354, %gather3A_358 : vector<16xf32>
      %swap3A_360 = arith.index_cast %add3A_293 : i32 to index
      %swap3A_361 = arith.constant 0 : index
      %swap3A_362 = tpu.vector_load %arg9[%swap3A_360, %swap3A_361] {strides = array<i32>} : memref<32x32xf32, #tpu.memory_space<vmem>>, vector<16xf32>,
      tpu.vector_store %arg9[%swap3A_360, %swap3A_361], %add3A_350 {strides = array<i32>} : memref<32x32xf32, #tpu.memory_space<vmem>>, vector<16xf32>,
      %swap3A_363 = arith.index_cast %add3A_293 : i32 to index
      %swap3A_364 = arith.constant 16 : index
      %swap3A_365 = tpu.vector_load %arg9[%swap3A_363, %swap3A_364] {strides = array<i32>} : memref<32x32xf32, #tpu.memory_space<vmem>>, vector<16xf32>,
      tpu.vector_store %arg9[%swap3A_363, %swap3A_364], %add3A_359 {strides = array<i32>} : memref<32x32xf32, #tpu.memory_space<vmem>>, vector<16xf32>,
      %add3A_366 = arith.constant 4 : i32
      %add3A_367 = arith.addi %add3A_293, %add3A_366 : i32
      %lt3A_368 = arith.constant 32 : i32
      %lt3A_369 = arith.cmpi slt, %add3A_367, %lt3A_368 : i32
      %convert_element_type3A_370 = arith.extui %lt3A_369 : i1 to i32
      %cond3A_371 = arith.constant 0 : i32
      %cond3A_372 = arith.cmpi ne, %convert_element_type3A_370, %cond3A_371 : i32
      scf.if %cond3A_372 {
        %add3A_535 = arith.constant 4 : i32
        %add3A_536 = arith.addi %add3A_293, %add3A_535 : i32
        %and3A_537 = arith.constant 15 : i32
        %and3A_538 = arith.andi %add3A_536, %and3A_537 : i32
        %eq3A_539 = vector.broadcast %and3A_538 : i32 to vector<16xi32>
        %eq3A_540 = arith.cmpi eq, %iota3A, %eq3A_539 : vector<16xi32>
        %sub3A_541 = arith.subi %add3A_536, %and3A_538 : i32
        %get3A_542 = arith.index_cast %sub3A_541 : i32 to index
        %get3A_543 = tpu.vector_load %arg7[%get3A_542] {strides = array<i32>} : memref<32xi32, #tpu.memory_space<vmem>>, vector<16xi32>,
        %jit3A_544 = arith.constant 0 : i32
        %broadcast_in_dim3A_545 = vector.broadcast %jit3A_544 : i32 to vector<16xi32>
        %select_n3A_546 = arith.select %eq3A_540, %get3A_543, %broadcast_in_dim3A_545 : vector<16xi1>, vector<16xi32>
        %reduce_max3A_547 = arith.constant true
        %reduce_max3A_548 = vector.broadcast %reduce_max3A_547 : i1 to vector<16xi1>
        %reduce_max3A_549 = arith.constant -2147483648 : i32
        %reduce_max3A_550 = vector.broadcast %reduce_max3A_549 : i32 to vector<16xi32>
        %reduce_max3A_551 = arith.xori %select_n3A_546, %reduce_max3A_550 : vector<16xi32>
        %reduce_max3A_552 = tpu.scan <max>, %reduce_max3A_551 masked %reduce_max3A_548 : vector<16xi32>, vector<16xi1> -> vector<16xi32>
        %reduce_max3A_553 = arith.xori %reduce_max3A_552, %reduce_max3A_550 : vector<16xi32>
        %reduce_max3A_554 = vector.extract %reduce_max3A_553[15] : i32 from vector<16xi32>
        %and3A_555 = arith.constant 15 : i32
        %and3A_556 = arith.andi %add3A_536, %and3A_555 : i32
        %eq3A_557 = vector.broadcast %and3A_556 : i32 to vector<16xi32>
        %eq3A_558 = arith.cmpi eq, %iota3A, %eq3A_557 : vector<16xi32>
        %sub3A_559 = arith.subi %add3A_536, %and3A_556 : i32
        %get3A_560 = arith.index_cast %sub3A_559 : i32 to index
        %get3A_561 = tpu.vector_load %arg8[%get3A_560] {strides = array<i32>} : memref<32xi32, #tpu.memory_space<vmem>>, vector<16xi32>,
        %jit3A_562 = arith.constant 0 : i32
        %broadcast_in_dim3A_563 = vector.broadcast %jit3A_562 : i32 to vector<16xi32>
        %select_n3A_564 = arith.select %eq3A_558, %get3A_561, %broadcast_in_dim3A_563 : vector<16xi1>, vector<16xi32>
        %reduce_max3A_565 = arith.constant true
        %reduce_max3A_566 = vector.broadcast %reduce_max3A_565 : i1 to vector<16xi1>
        %reduce_max3A_567 = arith.constant -2147483648 : i32
        %reduce_max3A_568 = vector.broadcast %reduce_max3A_567 : i32 to vector<16xi32>
        %reduce_max3A_569 = arith.xori %select_n3A_564, %reduce_max3A_568 : vector<16xi32>
        %reduce_max3A_570 = tpu.scan <max>, %reduce_max3A_569 masked %reduce_max3A_566 : vector<16xi32>, vector<16xi1> -> vector<16xi32>
        %reduce_max3A_571 = arith.xori %reduce_max3A_570, %reduce_max3A_568 : vector<16xi32>
        %reduce_max3A_572 = vector.extract %reduce_max3A_571[15] : i32 from vector<16xi32>
        %and3A_573 = arith.constant -128 : i32
        %and3A_574 = arith.andi %reduce_max3A_554, %and3A_573 : i32
        %multiple_of3A_575 = tpu.assume_multiple %and3A_574, 128 : i32
        %and3A_576 = arith.constant -128 : i32
        %and3A_577 = arith.andi %reduce_max3A_572, %and3A_576 : i32
        %multiple_of3A_578 = tpu.assume_multiple %and3A_577, 128 : i32
        %dma_start3A_579 = arith.constant 0 : i32
        %dma_start3A_580 = tpu.memref_slice %arg2[%dma_start3A_579, %multiple_of3A_575] : memref<32x1000000xf32, #tpu.memory_space<hbm>> -> memref<32x128xf32, #tpu.memory_space<hbm>>
        %dma_start3A_581 = arith.constant 0 : i32
        %dma_start3A_582 = tpu.memref_slice %arg2[%dma_start3A_581, %multiple_of3A_575] : memref<32x1000000xf32, #tpu.memory_space<hbm>> -> memref<32x128xf32, #tpu.memory_space<hbm>>
        tpu.enqueue_dma source(%dma_start3A_582 : memref<32x128xf32, #tpu.memory_space<hbm>>) target(%arg11 : memref<32x128xf32, #tpu.memory_space<vmem>>) target_semaphore(%arg19 : memref<!tpu.dma_semaphore, #tpu.memory_space<semaphore_mem>>)
        %dma_start3A_583 = arith.constant 0 : i32
        %dma_start3A_584 = tpu.memref_slice %arg3[%dma_start3A_583, %multiple_of3A_578] : memref<32x1000000xf32, #tpu.memory_space<hbm>> -> memref<32x128xf32, #tpu.memory_space<hbm>>
        %dma_start3A_585 = arith.constant 0 : i32
        %dma_start3A_586 = tpu.memref_slice %arg3[%dma_start3A_585, %multiple_of3A_578] : memref<32x1000000xf32, #tpu.memory_space<hbm>> -> memref<32x128xf32, #tpu.memory_space<hbm>>
        tpu.enqueue_dma source(%dma_start3A_586 : memref<32x128xf32, #tpu.memory_space<hbm>>) target(%arg15 : memref<32x128xf32, #tpu.memory_space<vmem>>) target_semaphore(%arg23 : memref<!tpu.dma_semaphore, #tpu.memory_space<semaphore_mem>>)
      } else {
      }
      %add3A_373 = arith.constant 2 : i32
      %add3A_374 = arith.addi %mul3A_216, %add3A_373 : i32
      %dma_wait3A_375 = arith.constant 0 : i32
      %dma_wait3A_376 = arith.constant 0 : i32
      %dma_wait3A_377 = tpu.memref_slice %arg2[%dma_wait3A_375, %dma_wait3A_376] : memref<32x1000000xf32, #tpu.memory_space<hbm>> -> memref<32x128xf32, #tpu.memory_space<hbm>>
      %dma_wait3A_378 = arith.constant 0 : i32
      %dma_wait3A_379 = arith.constant 0 : i32
      %dma_wait3A_380 = tpu.memref_slice %arg2[%dma_wait3A_378, %dma_wait3A_379] : memref<32x1000000xf32, #tpu.memory_space<hbm>> -> memref<32x128xf32, #tpu.memory_space<hbm>>
      tpu.wait_dma2 semaphore(%arg20 : memref<!tpu.dma_semaphore, #tpu.memory_space<semaphore_mem>>) src(%dma_wait3A_380 : memref<32x128xf32, #tpu.memory_space<hbm>>) dst(%arg12 : memref<32x128xf32, #tpu.memory_space<vmem>>)
      %dma_wait3A_381 = arith.constant 0 : i32
      %dma_wait3A_382 = arith.constant 0 : i32
      %dma_wait3A_383 = tpu.memref_slice %arg3[%dma_wait3A_381, %dma_wait3A_382] : memref<32x1000000xf32, #tpu.memory_space<hbm>> -> memref<32x128xf32, #tpu.memory_space<hbm>>
      %dma_wait3A_384 = arith.constant 0 : i32
      %dma_wait3A_385 = arith.constant 0 : i32
      %dma_wait3A_386 = tpu.memref_slice %arg3[%dma_wait3A_384, %dma_wait3A_385] : memref<32x1000000xf32, #tpu.memory_space<hbm>> -> memref<32x128xf32, #tpu.memory_space<hbm>>
      tpu.wait_dma2 semaphore(%arg24 : memref<!tpu.dma_semaphore, #tpu.memory_space<semaphore_mem>>) src(%dma_wait3A_386 : memref<32x128xf32, #tpu.memory_space<hbm>>) dst(%arg16 : memref<32x128xf32, #tpu.memory_space<vmem>>)
      %and3A_387 = arith.constant 15 : i32
      %and3A_388 = arith.andi %add3A_374, %and3A_387 : i32
      %eq3A_389 = vector.broadcast %and3A_388 : i32 to vector<16xi32>
      %eq3A_390 = arith.cmpi eq, %iota3A, %eq3A_389 : vector<16xi32>
      %sub3A_391 = arith.subi %add3A_374, %and3A_388 : i32
      %get3A_392 = arith.index_cast %sub3A_391 : i32 to index
      %get3A_393 = tpu.vector_load %arg7[%get3A_392] {strides = array<i32>} : memref<32xi32, #tpu.memory_space<vmem>>, vector<16xi32>,
      %jit3A_394 = arith.constant 0 : i32
      %broadcast_in_dim3A_395 = vector.broadcast %jit3A_394 : i32 to vector<16xi32>
      %select_n3A_396 = arith.select %eq3A_390, %get3A_393, %broadcast_in_dim3A_395 : vector<16xi1>, vector<16xi32>
      %reduce_max3A_397 = arith.constant true
      %reduce_max3A_398 = vector.broadcast %reduce_max3A_397 : i1 to vector<16xi1>
      %reduce_max3A_399 = arith.constant -2147483648 : i32
      %reduce_max3A_400 = vector.broadcast %reduce_max3A_399 : i32 to vector<16xi32>
      %reduce_max3A_401 = arith.xori %select_n3A_396, %reduce_max3A_400 : vector<16xi32>
      %reduce_max3A_402 = tpu.scan <max>, %reduce_max3A_401 masked %reduce_max3A_398 : vector<16xi32>, vector<16xi1> -> vector<16xi32>
      %reduce_max3A_403 = arith.xori %reduce_max3A_402, %reduce_max3A_400 : vector<16xi32>
      %reduce_max3A_404 = vector.extract %reduce_max3A_403[15] : i32 from vector<16xi32>
      %and3A_405 = arith.constant 127 : i32
      %and3A_406 = arith.andi %reduce_max3A_404, %and3A_405 : i32
      %broadcast_in_dim3A_407 = vector.broadcast %and3A_406 : i32 to vector<16xi32>
      %and3A_408 = arith.constant 15 : i32
      %and3A_409 = arith.andi %add3A_374, %and3A_408 : i32
      %eq3A_410 = vector.broadcast %and3A_409 : i32 to vector<16xi32>
      %eq3A_411 = arith.cmpi eq, %iota3A, %eq3A_410 : vector<16xi32>
      %sub3A_412 = arith.subi %add3A_374, %and3A_409 : i32
      %get3A_413 = arith.index_cast %sub3A_412 : i32 to index
      %get3A_414 = tpu.vector_load %arg8[%get3A_413] {strides = array<i32>} : memref<32xi32, #tpu.memory_space<vmem>>, vector<16xi32>,
      %jit3A_415 = arith.constant 0 : i32
      %broadcast_in_dim3A_416 = vector.broadcast %jit3A_415 : i32 to vector<16xi32>
      %select_n3A_417 = arith.select %eq3A_411, %get3A_414, %broadcast_in_dim3A_416 : vector<16xi1>, vector<16xi32>
      %reduce_max3A_418 = arith.constant true
      %reduce_max3A_419 = vector.broadcast %reduce_max3A_418 : i1 to vector<16xi1>
      %reduce_max3A_420 = arith.constant -2147483648 : i32
      %reduce_max3A_421 = vector.broadcast %reduce_max3A_420 : i32 to vector<16xi32>
      %reduce_max3A_422 = arith.xori %select_n3A_417, %reduce_max3A_421 : vector<16xi32>
      %reduce_max3A_423 = tpu.scan <max>, %reduce_max3A_422 masked %reduce_max3A_419 : vector<16xi32>, vector<16xi1> -> vector<16xi32>
      %reduce_max3A_424 = arith.xori %reduce_max3A_423, %reduce_max3A_421 : vector<16xi32>
      %reduce_max3A_425 = vector.extract %reduce_max3A_424[15] : i32 from vector<16xi32>
      %and3A_426 = arith.constant 127 : i32
      %and3A_427 = arith.andi %reduce_max3A_425, %and3A_426 : i32
      %broadcast_in_dim3A_428 = vector.broadcast %and3A_427 : i32 to vector<16xi32>
      %gather3A_429 = tpu.vector_load_idx %arg12[%iota3A, %broadcast_in_dim3A_407] : memref<32x128xf32, #tpu.memory_space<vmem>>[vector<16xi32>, vector<16xi32>], vector<16xf32>,
      %gather3A_430 = tpu.vector_load_idx %arg16[%iota3A, %broadcast_in_dim3A_428] : memref<32x128xf32, #tpu.memory_space<vmem>>[vector<16xi32>, vector<16xi32>], vector<16xf32>,
      %add3A_431 = arith.addf %gather3A_429, %gather3A_430 : vector<16xf32>
      %add3A_432 = arith.constant 16 : i32
      %add3A_433 = vector.broadcast %add3A_432 : i32 to vector<16xi32>
      %add3A_434 = arith.addi %iota3A, %add3A_433 : vector<16xi32>
      %gather3A_435 = tpu.vector_load_idx %arg12[%add3A_434, %broadcast_in_dim3A_407] : memref<32x128xf32, #tpu.memory_space<vmem>>[vector<16xi32>, vector<16xi32>], vector<16xf32>,
      %add3A_436 = arith.constant 16 : i32
      %add3A_437 = vector.broadcast %add3A_436 : i32 to vector<16xi32>
      %add3A_438 = arith.addi %iota3A, %add3A_437 : vector<16xi32>
      %gather3A_439 = tpu.vector_load_idx %arg16[%add3A_438, %broadcast_in_dim3A_428] : memref<32x128xf32, #tpu.memory_space<vmem>>[vector<16xi32>, vector<16xi32>], vector<16xf32>,
      %add3A_440 = arith.addf %gather3A_435, %gather3A_439 : vector<16xf32>
      %swap3A_441 = arith.index_cast %add3A_374 : i32 to index
      %swap3A_442 = arith.constant 0 : index
      %swap3A_443 = tpu.vector_load %arg9[%swap3A_441, %swap3A_442] {strides = array<i32>} : memref<32x32xf32, #tpu.memory_space<vmem>>, vector<16xf32>,
      tpu.vector_store %arg9[%swap3A_441, %swap3A_442], %add3A_431 {strides = array<i32>} : memref<32x32xf32, #tpu.memory_space<vmem>>, vector<16xf32>,
      %swap3A_444 = arith.index_cast %add3A_374 : i32 to index
      %swap3A_445 = arith.constant 16 : index
      %swap3A_446 = tpu.vector_load %arg9[%swap3A_444, %swap3A_445] {strides = array<i32>} : memref<32x32xf32, #tpu.memory_space<vmem>>, vector<16xf32>,
      tpu.vector_store %arg9[%swap3A_444, %swap3A_445], %add3A_440 {strides = array<i32>} : memref<32x32xf32, #tpu.memory_space<vmem>>, vector<16xf32>,
      %add3A_447 = arith.constant 4 : i32
      %add3A_448 = arith.addi %add3A_374, %add3A_447 : i32
      %lt3A_449 = arith.constant 32 : i32
      %lt3A_450 = arith.cmpi slt, %add3A_448, %lt3A_449 : i32
      %convert_element_type3A_451 = arith.extui %lt3A_450 : i1 to i32
      %cond3A_452 = arith.constant 0 : i32
      %cond3A_453 = arith.cmpi ne, %convert_element_type3A_451, %cond3A_452 : i32
      scf.if %cond3A_453 {
        %add3A_535 = arith.constant 4 : i32
        %add3A_536 = arith.addi %add3A_374, %add3A_535 : i32
        %and3A_537 = arith.constant 15 : i32
        %and3A_538 = arith.andi %add3A_536, %and3A_537 : i32
        %eq3A_539 = vector.broadcast %and3A_538 : i32 to vector<16xi32>
        %eq3A_540 = arith.cmpi eq, %iota3A, %eq3A_539 : vector<16xi32>
        %sub3A_541 = arith.subi %add3A_536, %and3A_538 : i32
        %get3A_542 = arith.index_cast %sub3A_541 : i32 to index
        %get3A_543 = tpu.vector_load %arg7[%get3A_542] {strides = array<i32>} : memref<32xi32, #tpu.memory_space<vmem>>, vector<16xi32>,
        %jit3A_544 = arith.constant 0 : i32
        %broadcast_in_dim3A_545 = vector.broadcast %jit3A_544 : i32 to vector<16xi32>
        %select_n3A_546 = arith.select %eq3A_540, %get3A_543, %broadcast_in_dim3A_545 : vector<16xi1>, vector<16xi32>
        %reduce_max3A_547 = arith.constant true
        %reduce_max3A_548 = vector.broadcast %reduce_max3A_547 : i1 to vector<16xi1>
        %reduce_max3A_549 = arith.constant -2147483648 : i32
        %reduce_max3A_550 = vector.broadcast %reduce_max3A_549 : i32 to vector<16xi32>
        %reduce_max3A_551 = arith.xori %select_n3A_546, %reduce_max3A_550 : vector<16xi32>
        %reduce_max3A_552 = tpu.scan <max>, %reduce_max3A_551 masked %reduce_max3A_548 : vector<16xi32>, vector<16xi1> -> vector<16xi32>
        %reduce_max3A_553 = arith.xori %reduce_max3A_552, %reduce_max3A_550 : vector<16xi32>
        %reduce_max3A_554 = vector.extract %reduce_max3A_553[15] : i32 from vector<16xi32>
        %and3A_555 = arith.constant 15 : i32
        %and3A_556 = arith.andi %add3A_536, %and3A_555 : i32
        %eq3A_557 = vector.broadcast %and3A_556 : i32 to vector<16xi32>
        %eq3A_558 = arith.cmpi eq, %iota3A, %eq3A_557 : vector<16xi32>
        %sub3A_559 = arith.subi %add3A_536, %and3A_556 : i32
        %get3A_560 = arith.index_cast %sub3A_559 : i32 to index
        %get3A_561 = tpu.vector_load %arg8[%get3A_560] {strides = array<i32>} : memref<32xi32, #tpu.memory_space<vmem>>, vector<16xi32>,
        %jit3A_562 = arith.constant 0 : i32
        %broadcast_in_dim3A_563 = vector.broadcast %jit3A_562 : i32 to vector<16xi32>
        %select_n3A_564 = arith.select %eq3A_558, %get3A_561, %broadcast_in_dim3A_563 : vector<16xi1>, vector<16xi32>
        %reduce_max3A_565 = arith.constant true
        %reduce_max3A_566 = vector.broadcast %reduce_max3A_565 : i1 to vector<16xi1>
        %reduce_max3A_567 = arith.constant -2147483648 : i32
        %reduce_max3A_568 = vector.broadcast %reduce_max3A_567 : i32 to vector<16xi32>
        %reduce_max3A_569 = arith.xori %select_n3A_564, %reduce_max3A_568 : vector<16xi32>
        %reduce_max3A_570 = tpu.scan <max>, %reduce_max3A_569 masked %reduce_max3A_566 : vector<16xi32>, vector<16xi1> -> vector<16xi32>
        %reduce_max3A_571 = arith.xori %reduce_max3A_570, %reduce_max3A_568 : vector<16xi32>
        %reduce_max3A_572 = vector.extract %reduce_max3A_571[15] : i32 from vector<16xi32>
        %and3A_573 = arith.constant -128 : i32
        %and3A_574 = arith.andi %reduce_max3A_554, %and3A_573 : i32
        %multiple_of3A_575 = tpu.assume_multiple %and3A_574, 128 : i32
        %and3A_576 = arith.constant -128 : i32
        %and3A_577 = arith.andi %reduce_max3A_572, %and3A_576 : i32
        %multiple_of3A_578 = tpu.assume_multiple %and3A_577, 128 : i32
        %dma_start3A_579 = arith.constant 0 : i32
        %dma_start3A_580 = tpu.memref_slice %arg2[%dma_start3A_579, %multiple_of3A_575] : memref<32x1000000xf32, #tpu.memory_space<hbm>> -> memref<32x128xf32, #tpu.memory_space<hbm>>
        %dma_start3A_581 = arith.constant 0 : i32
        %dma_start3A_582 = tpu.memref_slice %arg2[%dma_start3A_581, %multiple_of3A_575] : memref<32x1000000xf32, #tpu.memory_space<hbm>> -> memref<32x128xf32, #tpu.memory_space<hbm>>
        tpu.enqueue_dma source(%dma_start3A_582 : memref<32x128xf32, #tpu.memory_space<hbm>>) target(%arg12 : memref<32x128xf32, #tpu.memory_space<vmem>>) target_semaphore(%arg20 : memref<!tpu.dma_semaphore, #tpu.memory_space<semaphore_mem>>)
        %dma_start3A_583 = arith.constant 0 : i32
        %dma_start3A_584 = tpu.memref_slice %arg3[%dma_start3A_583, %multiple_of3A_578] : memref<32x1000000xf32, #tpu.memory_space<hbm>> -> memref<32x128xf32, #tpu.memory_space<hbm>>
        %dma_start3A_585 = arith.constant 0 : i32
        %dma_start3A_586 = tpu.memref_slice %arg3[%dma_start3A_585, %multiple_of3A_578] : memref<32x1000000xf32, #tpu.memory_space<hbm>> -> memref<32x128xf32, #tpu.memory_space<hbm>>
        tpu.enqueue_dma source(%dma_start3A_586 : memref<32x128xf32, #tpu.memory_space<hbm>>) target(%arg16 : memref<32x128xf32, #tpu.memory_space<vmem>>) target_semaphore(%arg24 : memref<!tpu.dma_semaphore, #tpu.memory_space<semaphore_mem>>)
      } else {
      }
      %add3A_454 = arith.constant 3 : i32
      %add3A_455 = arith.addi %mul3A_216, %add3A_454 : i32
      %dma_wait3A_456 = arith.constant 0 : i32
      %dma_wait3A_457 = arith.constant 0 : i32
      %dma_wait3A_458 = tpu.memref_slice %arg2[%dma_wait3A_456, %dma_wait3A_457] : memref<32x1000000xf32, #tpu.memory_space<hbm>> -> memref<32x128xf32, #tpu.memory_space<hbm>>
      %dma_wait3A_459 = arith.constant 0 : i32
      %dma_wait3A_460 = arith.constant 0 : i32
      %dma_wait3A_461 = tpu.memref_slice %arg2[%dma_wait3A_459, %dma_wait3A_460] : memref<32x1000000xf32, #tpu.memory_space<hbm>> -> memref<32x128xf32, #tpu.memory_space<hbm>>
      tpu.wait_dma2 semaphore(%arg21 : memref<!tpu.dma_semaphore, #tpu.memory_space<semaphore_mem>>) src(%dma_wait3A_461 : memref<32x128xf32, #tpu.memory_space<hbm>>) dst(%arg13 : memref<32x128xf32, #tpu.memory_space<vmem>>)
      %dma_wait3A_462 = arith.constant 0 : i32
      %dma_wait3A_463 = arith.constant 0 : i32
      %dma_wait3A_464 = tpu.memref_slice %arg3[%dma_wait3A_462, %dma_wait3A_463] : memref<32x1000000xf32, #tpu.memory_space<hbm>> -> memref<32x128xf32, #tpu.memory_space<hbm>>
      %dma_wait3A_465 = arith.constant 0 : i32
      %dma_wait3A_466 = arith.constant 0 : i32
      %dma_wait3A_467 = tpu.memref_slice %arg3[%dma_wait3A_465, %dma_wait3A_466] : memref<32x1000000xf32, #tpu.memory_space<hbm>> -> memref<32x128xf32, #tpu.memory_space<hbm>>
      tpu.wait_dma2 semaphore(%arg25 : memref<!tpu.dma_semaphore, #tpu.memory_space<semaphore_mem>>) src(%dma_wait3A_467 : memref<32x128xf32, #tpu.memory_space<hbm>>) dst(%arg17 : memref<32x128xf32, #tpu.memory_space<vmem>>)
      %and3A_468 = arith.constant 15 : i32
      %and3A_469 = arith.andi %add3A_455, %and3A_468 : i32
      %eq3A_470 = vector.broadcast %and3A_469 : i32 to vector<16xi32>
      %eq3A_471 = arith.cmpi eq, %iota3A, %eq3A_470 : vector<16xi32>
      %sub3A_472 = arith.subi %add3A_455, %and3A_469 : i32
      %get3A_473 = arith.index_cast %sub3A_472 : i32 to index
      %get3A_474 = tpu.vector_load %arg7[%get3A_473] {strides = array<i32>} : memref<32xi32, #tpu.memory_space<vmem>>, vector<16xi32>,
      %jit3A_475 = arith.constant 0 : i32
      %broadcast_in_dim3A_476 = vector.broadcast %jit3A_475 : i32 to vector<16xi32>
      %select_n3A_477 = arith.select %eq3A_471, %get3A_474, %broadcast_in_dim3A_476 : vector<16xi1>, vector<16xi32>
      %reduce_max3A_478 = arith.constant true
      %reduce_max3A_479 = vector.broadcast %reduce_max3A_478 : i1 to vector<16xi1>
      %reduce_max3A_480 = arith.constant -2147483648 : i32
      %reduce_max3A_481 = vector.broadcast %reduce_max3A_480 : i32 to vector<16xi32>
      %reduce_max3A_482 = arith.xori %select_n3A_477, %reduce_max3A_481 : vector<16xi32>
      %reduce_max3A_483 = tpu.scan <max>, %reduce_max3A_482 masked %reduce_max3A_479 : vector<16xi32>, vector<16xi1> -> vector<16xi32>
      %reduce_max3A_484 = arith.xori %reduce_max3A_483, %reduce_max3A_481 : vector<16xi32>
      %reduce_max3A_485 = vector.extract %reduce_max3A_484[15] : i32 from vector<16xi32>
      %and3A_486 = arith.constant 127 : i32
      %and3A_487 = arith.andi %reduce_max3A_485, %and3A_486 : i32
      %broadcast_in_dim3A_488 = vector.broadcast %and3A_487 : i32 to vector<16xi32>
      %and3A_489 = arith.constant 15 : i32
      %and3A_490 = arith.andi %add3A_455, %and3A_489 : i32
      %eq3A_491 = vector.broadcast %and3A_490 : i32 to vector<16xi32>
      %eq3A_492 = arith.cmpi eq, %iota3A, %eq3A_491 : vector<16xi32>
      %sub3A_493 = arith.subi %add3A_455, %and3A_490 : i32
      %get3A_494 = arith.index_cast %sub3A_493 : i32 to index
      %get3A_495 = tpu.vector_load %arg8[%get3A_494] {strides = array<i32>} : memref<32xi32, #tpu.memory_space<vmem>>, vector<16xi32>,
      %jit3A_496 = arith.constant 0 : i32
      %broadcast_in_dim3A_497 = vector.broadcast %jit3A_496 : i32 to vector<16xi32>
      %select_n3A_498 = arith.select %eq3A_492, %get3A_495, %broadcast_in_dim3A_497 : vector<16xi1>, vector<16xi32>
      %reduce_max3A_499 = arith.constant true
      %reduce_max3A_500 = vector.broadcast %reduce_max3A_499 : i1 to vector<16xi1>
      %reduce_max3A_501 = arith.constant -2147483648 : i32
      %reduce_max3A_502 = vector.broadcast %reduce_max3A_501 : i32 to vector<16xi32>
      %reduce_max3A_503 = arith.xori %select_n3A_498, %reduce_max3A_502 : vector<16xi32>
      %reduce_max3A_504 = tpu.scan <max>, %reduce_max3A_503 masked %reduce_max3A_500 : vector<16xi32>, vector<16xi1> -> vector<16xi32>
      %reduce_max3A_505 = arith.xori %reduce_max3A_504, %reduce_max3A_502 : vector<16xi32>
      %reduce_max3A_506 = vector.extract %reduce_max3A_505[15] : i32 from vector<16xi32>
      %and3A_507 = arith.constant 127 : i32
      %and3A_508 = arith.andi %reduce_max3A_506, %and3A_507 : i32
      %broadcast_in_dim3A_509 = vector.broadcast %and3A_508 : i32 to vector<16xi32>
      %gather3A_510 = tpu.vector_load_idx %arg13[%iota3A, %broadcast_in_dim3A_488] : memref<32x128xf32, #tpu.memory_space<vmem>>[vector<16xi32>, vector<16xi32>], vector<16xf32>,
      %gather3A_511 = tpu.vector_load_idx %arg17[%iota3A, %broadcast_in_dim3A_509] : memref<32x128xf32, #tpu.memory_space<vmem>>[vector<16xi32>, vector<16xi32>], vector<16xf32>,
      %add3A_512 = arith.addf %gather3A_510, %gather3A_511 : vector<16xf32>
      %add3A_513 = arith.constant 16 : i32
      %add3A_514 = vector.broadcast %add3A_513 : i32 to vector<16xi32>
      %add3A_515 = arith.addi %iota3A, %add3A_514 : vector<16xi32>
      %gather3A_516 = tpu.vector_load_idx %arg13[%add3A_515, %broadcast_in_dim3A_488] : memref<32x128xf32, #tpu.memory_space<vmem>>[vector<16xi32>, vector<16xi32>], vector<16xf32>,
      %add3A_517 = arith.constant 16 : i32
      %add3A_518 = vector.broadcast %add3A_517 : i32 to vector<16xi32>
      %add3A_519 = arith.addi %iota3A, %add3A_518 : vector<16xi32>
      %gather3A_520 = tpu.vector_load_idx %arg17[%add3A_519, %broadcast_in_dim3A_509] : memref<32x128xf32, #tpu.memory_space<vmem>>[vector<16xi32>, vector<16xi32>], vector<16xf32>,
      %add3A_521 = arith.addf %gather3A_516, %gather3A_520 : vector<16xf32>
      %swap3A_522 = arith.index_cast %add3A_455 : i32 to index
      %swap3A_523 = arith.constant 0 : index
      %swap3A_524 = tpu.vector_load %arg9[%swap3A_522, %swap3A_523] {strides = array<i32>} : memref<32x32xf32, #tpu.memory_space<vmem>>, vector<16xf32>,
      tpu.vector_store %arg9[%swap3A_522, %swap3A_523], %add3A_512 {strides = array<i32>} : memref<32x32xf32, #tpu.memory_space<vmem>>, vector<16xf32>,
      %swap3A_525 = arith.index_cast %add3A_455 : i32 to index
      %swap3A_526 = arith.constant 16 : index
      %swap3A_527 = tpu.vector_load %arg9[%swap3A_525, %swap3A_526] {strides = array<i32>} : memref<32x32xf32, #tpu.memory_space<vmem>>, vector<16xf32>,
      tpu.vector_store %arg9[%swap3A_525, %swap3A_526], %add3A_521 {strides = array<i32>} : memref<32x32xf32, #tpu.memory_space<vmem>>, vector<16xf32>,
      %add3A_528 = arith.constant 4 : i32
      %add3A_529 = arith.addi %add3A_455, %add3A_528 : i32
      %lt3A_530 = arith.constant 32 : i32
      %lt3A_531 = arith.cmpi slt, %add3A_529, %lt3A_530 : i32
      %convert_element_type3A_532 = arith.extui %lt3A_531 : i1 to i32
      %cond3A_533 = arith.constant 0 : i32
      %cond3A_534 = arith.cmpi ne, %convert_element_type3A_532, %cond3A_533 : i32
      scf.if %cond3A_534 {
        %add3A_535 = arith.constant 4 : i32
        %add3A_536 = arith.addi %add3A_455, %add3A_535 : i32
        %and3A_537 = arith.constant 15 : i32
        %and3A_538 = arith.andi %add3A_536, %and3A_537 : i32
        %eq3A_539 = vector.broadcast %and3A_538 : i32 to vector<16xi32>
        %eq3A_540 = arith.cmpi eq, %iota3A, %eq3A_539 : vector<16xi32>
        %sub3A_541 = arith.subi %add3A_536, %and3A_538 : i32
        %get3A_542 = arith.index_cast %sub3A_541 : i32 to index
        %get3A_543 = tpu.vector_load %arg7[%get3A_542] {strides = array<i32>} : memref<32xi32, #tpu.memory_space<vmem>>, vector<16xi32>,
        %jit3A_544 = arith.constant 0 : i32
        %broadcast_in_dim3A_545 = vector.broadcast %jit3A_544 : i32 to vector<16xi32>
        %select_n3A_546 = arith.select %eq3A_540, %get3A_543, %broadcast_in_dim3A_545 : vector<16xi1>, vector<16xi32>
        %reduce_max3A_547 = arith.constant true
        %reduce_max3A_548 = vector.broadcast %reduce_max3A_547 : i1 to vector<16xi1>
        %reduce_max3A_549 = arith.constant -2147483648 : i32
        %reduce_max3A_550 = vector.broadcast %reduce_max3A_549 : i32 to vector<16xi32>
        %reduce_max3A_551 = arith.xori %select_n3A_546, %reduce_max3A_550 : vector<16xi32>
        %reduce_max3A_552 = tpu.scan <max>, %reduce_max3A_551 masked %reduce_max3A_548 : vector<16xi32>, vector<16xi1> -> vector<16xi32>
        %reduce_max3A_553 = arith.xori %reduce_max3A_552, %reduce_max3A_550 : vector<16xi32>
        %reduce_max3A_554 = vector.extract %reduce_max3A_553[15] : i32 from vector<16xi32>
        %and3A_555 = arith.constant 15 : i32
        %and3A_556 = arith.andi %add3A_536, %and3A_555 : i32
        %eq3A_557 = vector.broadcast %and3A_556 : i32 to vector<16xi32>
        %eq3A_558 = arith.cmpi eq, %iota3A, %eq3A_557 : vector<16xi32>
        %sub3A_559 = arith.subi %add3A_536, %and3A_556 : i32
        %get3A_560 = arith.index_cast %sub3A_559 : i32 to index
        %get3A_561 = tpu.vector_load %arg8[%get3A_560] {strides = array<i32>} : memref<32xi32, #tpu.memory_space<vmem>>, vector<16xi32>,
        %jit3A_562 = arith.constant 0 : i32
        %broadcast_in_dim3A_563 = vector.broadcast %jit3A_562 : i32 to vector<16xi32>
        %select_n3A_564 = arith.select %eq3A_558, %get3A_561, %broadcast_in_dim3A_563 : vector<16xi1>, vector<16xi32>
        %reduce_max3A_565 = arith.constant true
        %reduce_max3A_566 = vector.broadcast %reduce_max3A_565 : i1 to vector<16xi1>
        %reduce_max3A_567 = arith.constant -2147483648 : i32
        %reduce_max3A_568 = vector.broadcast %reduce_max3A_567 : i32 to vector<16xi32>
        %reduce_max3A_569 = arith.xori %select_n3A_564, %reduce_max3A_568 : vector<16xi32>
        %reduce_max3A_570 = tpu.scan <max>, %reduce_max3A_569 masked %reduce_max3A_566 : vector<16xi32>, vector<16xi1> -> vector<16xi32>
        %reduce_max3A_571 = arith.xori %reduce_max3A_570, %reduce_max3A_568 : vector<16xi32>
        %reduce_max3A_572 = vector.extract %reduce_max3A_571[15] : i32 from vector<16xi32>
        %and3A_573 = arith.constant -128 : i32
        %and3A_574 = arith.andi %reduce_max3A_554, %and3A_573 : i32
        %multiple_of3A_575 = tpu.assume_multiple %and3A_574, 128 : i32
        %and3A_576 = arith.constant -128 : i32
        %and3A_577 = arith.andi %reduce_max3A_572, %and3A_576 : i32
        %multiple_of3A_578 = tpu.assume_multiple %and3A_577, 128 : i32
        %dma_start3A_579 = arith.constant 0 : i32
        %dma_start3A_580 = tpu.memref_slice %arg2[%dma_start3A_579, %multiple_of3A_575] : memref<32x1000000xf32, #tpu.memory_space<hbm>> -> memref<32x128xf32, #tpu.memory_space<hbm>>
        %dma_start3A_581 = arith.constant 0 : i32
        %dma_start3A_582 = tpu.memref_slice %arg2[%dma_start3A_581, %multiple_of3A_575] : memref<32x1000000xf32, #tpu.memory_space<hbm>> -> memref<32x128xf32, #tpu.memory_space<hbm>>
        tpu.enqueue_dma source(%dma_start3A_582 : memref<32x128xf32, #tpu.memory_space<hbm>>) target(%arg13 : memref<32x128xf32, #tpu.memory_space<vmem>>) target_semaphore(%arg21 : memref<!tpu.dma_semaphore, #tpu.memory_space<semaphore_mem>>)
        %dma_start3A_583 = arith.constant 0 : i32
        %dma_start3A_584 = tpu.memref_slice %arg3[%dma_start3A_583, %multiple_of3A_578] : memref<32x1000000xf32, #tpu.memory_space<hbm>> -> memref<32x128xf32, #tpu.memory_space<hbm>>
        %dma_start3A_585 = arith.constant 0 : i32
        %dma_start3A_586 = tpu.memref_slice %arg3[%dma_start3A_585, %multiple_of3A_578] : memref<32x1000000xf32, #tpu.memory_space<hbm>> -> memref<32x128xf32, #tpu.memory_space<hbm>>
        tpu.enqueue_dma source(%dma_start3A_586 : memref<32x128xf32, #tpu.memory_space<hbm>>) target(%arg17 : memref<32x128xf32, #tpu.memory_space<vmem>>) target_semaphore(%arg25 : memref<!tpu.dma_semaphore, #tpu.memory_space<semaphore_mem>>)
      } else {
      }
    }
    %scan3A_213 = arith.constant 8 : i32
    "tpu.region"() ({
      %run_scoped3A = tpu.sem_alloc : memref<!tpu.dma_semaphore, #tpu.memory_space<semaphore_mem>>
      %dma_start3A_214 = arith.constant 0 : i32
      %dma_start3A_215 = tpu.memref_slice %arg6[%mul3A_2, %dma_start3A_214] : memref<1024x32xf32, #tpu.memory_space<hbm>> -> memref<32x32xf32, #tpu.memory_space<hbm>>
      %dma_start3A_216 = arith.constant 0 : i32
      %dma_start3A_217 = tpu.memref_slice %arg6[%mul3A_2, %dma_start3A_216] : memref<1024x32xf32, #tpu.memory_space<hbm>> -> memref<32x32xf32, #tpu.memory_space<hbm>>
      tpu.enqueue_dma source(%arg9 : memref<32x32xf32, #tpu.memory_space<vmem>>) target(%dma_start3A_217 : memref<32x32xf32, #tpu.memory_space<hbm>>) target_semaphore(%run_scoped3A : memref<!tpu.dma_semaphore, #tpu.memory_space<semaphore_mem>>)
      %dma_wait3A = arith.constant 0 : i32
      %dma_wait3A_218 = tpu.memref_slice %arg6[%mul3A_2, %dma_wait3A] : memref<1024x32xf32, #tpu.memory_space<hbm>> -> memref<32x32xf32, #tpu.memory_space<hbm>>
      %dma_wait3A_219 = arith.constant 0 : i32
      %dma_wait3A_220 = tpu.memref_slice %arg6[%mul3A_2, %dma_wait3A_219] : memref<1024x32xf32, #tpu.memory_space<hbm>> -> memref<32x32xf32, #tpu.memory_space<hbm>>
      tpu.wait_dma2 semaphore(%run_scoped3A : memref<!tpu.dma_semaphore, #tpu.memory_space<semaphore_mem>>) src(%arg9 : memref<32x32xf32, #tpu.memory_space<vmem>>) dst(%dma_wait3A_220 : memref<32x32xf32, #tpu.memory_space<hbm>>)
      tpu.yield
    }) : () -> ()
    return
  }
}

#map = affine_map<(d0, d1) -> (0, 0)>
#map1 = affine_map<(d0, d1) -> (0)>
module attributes {stable_mosaic.version = 14 : i64} {
  func.func @k(%arg0: i32, %arg1: i32, %arg2: memref<32x1000000xf32, #tpu.memory_space<hbm>>, %arg3: memref<32x1000000xf32, #tpu.memory_space<hbm>>, %arg4: memref<1024xi32, #tpu.memory_space<hbm>>, %arg5: memref<1024xi32, #tpu.memory_space<hbm>>, %arg6: memref<1024x32xf32, #tpu.memory_space<hbm>>, %arg7: memref<32xi32, #tpu.memory_space<vmem>>, %arg8: memref<32xi32, #tpu.memory_space<vmem>>, %arg9: memref<32x32xf32, #tpu.memory_space<vmem>>, %arg10: memref<32x128xf32, #tpu.memory_space<vmem>>, %arg11: memref<32x128xf32, #tpu.memory_space<vmem>>, %arg12: memref<32x128xf32, #tpu.memory_space<vmem>>, %arg13: memref<32x128xf32, #tpu.memory_space<vmem>>, %arg14: memref<32x128xf32, #tpu.memory_space<vmem>>, %arg15: memref<32x128xf32, #tpu.memory_space<vmem>>, %arg16: memref<32x128xf32, #tpu.memory_space<vmem>>, %arg17: memref<32x128xf32, #tpu.memory_space<vmem>>, %arg18: memref<!tpu.dma_semaphore, #tpu.memory_space<semaphore_mem>>, %arg19: memref<!tpu.dma_semaphore, #tpu.memory_space<semaphore_mem>>, %arg20: memref<!tpu.dma_semaphore, #tpu.memory_space<semaphore_mem>>, %arg21: memref<!tpu.dma_semaphore, #tpu.memory_space<semaphore_mem>>, %arg22: memref<!tpu.dma_semaphore, #tpu.memory_space<semaphore_mem>>, %arg23: memref<!tpu.dma_semaphore, #tpu.memory_space<semaphore_mem>>, %arg24: memref<!tpu.dma_semaphore, #tpu.memory_space<semaphore_mem>>, %arg25: memref<!tpu.dma_semaphore, #tpu.memory_space<semaphore_mem>>) attributes {dimension_semantics = [#tpu.dimension_semantics<core_parallel>, #tpu.dimension_semantics<subcore_parallel>], iteration_bounds = array<i64: 2, 16>, scalar_prefetch = 0 : i64, scratch_operands = 19 : i64, tpu.core_type = #tpu.core_type<sc_vector_subcore>, window_params = [{transform_indices = #map}, {transform_indices = #map}, {transform_indices = #map1}, {transform_indices = #map1}, {transform_indices = #map}]} {
    %mul3A = arith.constant 2 : i32
    %mul3A_0 = arith.muli %arg1, %mul3A : i32
    %add3A = arith.addi %mul3A_0, %arg0 : i32
    %mul3A_1 = arith.constant 32 : i32
    %mul3A_2 = arith.muli %add3A, %mul3A_1 : i32
    "tpu.region"() ({
      %run_scoped3A = tpu.sem_alloc : memref<!tpu.dma_semaphore, #tpu.memory_space<semaphore_mem>>
      %dma_start3A_214 = tpu.memref_slice %arg4[%mul3A_2] : memref<1024xi32, #tpu.memory_space<hbm>> -> memref<32xi32, #tpu.memory_space<hbm>>
      %dma_start3A_215 = tpu.memref_slice %arg4[%mul3A_2] : memref<1024xi32, #tpu.memory_space<hbm>> -> memref<32xi32, #tpu.memory_space<hbm>>
      tpu.enqueue_dma source(%dma_start3A_215 : memref<32xi32, #tpu.memory_space<hbm>>) target(%arg7 : memref<32xi32, #tpu.memory_space<vmem>>) target_semaphore(%run_scoped3A : memref<!tpu.dma_semaphore, #tpu.memory_space<semaphore_mem>>)
      %dma_wait3A = tpu.memref_slice %arg4[%mul3A_2] : memref<1024xi32, #tpu.memory_space<hbm>> -> memref<32xi32, #tpu.memory_space<hbm>>
      %dma_wait3A_216 = tpu.memref_slice %arg4[%mul3A_2] : memref<1024xi32, #tpu.memory_space<hbm>> -> memref<32xi32, #tpu.memory_space<hbm>>
      tpu.wait_dma2 semaphore(%run_scoped3A : memref<!tpu.dma_semaphore, #tpu.memory_space<semaphore_mem>>) src(%dma_wait3A_216 : memref<32xi32, #tpu.memory_space<hbm>>) dst(%arg7 : memref<32xi32, #tpu.memory_space<vmem>>)
      tpu.yield
    }) : () -> ()
    "tpu.region"() ({
      %run_scoped3A = tpu.sem_alloc : memref<!tpu.dma_semaphore, #tpu.memory_space<semaphore_mem>>
      %dma_start3A_214 = tpu.memref_slice %arg5[%mul3A_2] : memref<1024xi32, #tpu.memory_space<hbm>> -> memref<32xi32, #tpu.memory_space<hbm>>
      %dma_start3A_215 = tpu.memref_slice %arg5[%mul3A_2] : memref<1024xi32, #tpu.memory_space<hbm>> -> memref<32xi32, #tpu.memory_space<hbm>>
      tpu.enqueue_dma source(%dma_start3A_215 : memref<32xi32, #tpu.memory_space<hbm>>) target(%arg8 : memref<32xi32, #tpu.memory_space<vmem>>) target_semaphore(%run_scoped3A : memref<!tpu.dma_semaphore, #tpu.memory_space<semaphore_mem>>)
      %dma_wait3A = tpu.memref_slice %arg5[%mul3A_2] : memref<1024xi32, #tpu.memory_space<hbm>> -> memref<32xi32, #tpu.memory_space<hbm>>
      %dma_wait3A_216 = tpu.memref_slice %arg5[%mul3A_2] : memref<1024xi32, #tpu.memory_space<hbm>> -> memref<32xi32, #tpu.memory_space<hbm>>
      tpu.wait_dma2 semaphore(%run_scoped3A : memref<!tpu.dma_semaphore, #tpu.memory_space<semaphore_mem>>) src(%dma_wait3A_216 : memref<32xi32, #tpu.memory_space<hbm>>) dst(%arg8 : memref<32xi32, #tpu.memory_space<vmem>>)
      tpu.yield
    }) : () -> ()
    %iota3A = tpu.iota {dimensions = array<i32: 0>} : vector<16xi32>
    %and3A = arith.constant 0 : i32
    %and3A_3 = arith.constant 15 : i32
    %and3A_4 = arith.andi %and3A, %and3A_3 : i32
    %eq3A = vector.broadcast %and3A_4 : i32 to vector<16xi32>
    %eq3A_5 = arith.cmpi eq, %iota3A, %eq3A : vector<16xi32>
    %sub3A = arith.constant 0 : i32
    %sub3A_6 = arith.subi %sub3A, %and3A_4 : i32
    %get3A = arith.index_cast %sub3A_6 : i32 to index
    %get3A_7 = tpu.vector_load %arg7[%get3A] {strides = array<i32>} : memref<32xi32, #tpu.memory_space<vmem>>, vector<16xi32>,
    %jit3A = arith.constant 0 : i32
    %broadcast_in_dim3A = vector.broadcast %jit3A : i32 to vector<16xi32>
    %select_n3A = arith.select %eq3A_5, %get3A_7, %broadcast_in_dim3A : vector<16xi1>, vector<16xi32>
    %reduce_max3A = arith.constant true
    %reduce_max3A_8 = vector.broadcast %reduce_max3A : i1 to vector<16xi1>
    %reduce_max3A_9 = arith.constant -2147483648 : i32
    %reduce_max3A_10 = vector.broadcast %reduce_max3A_9 : i32 to vector<16xi32>
    %reduce_max3A_11 = arith.xori %select_n3A, %reduce_max3A_10 : vector<16xi32>
    %reduce_max3A_12 = tpu.scan <max>, %reduce_max3A_11 masked %reduce_max3A_8 : vector<16xi32>, vector<16xi1> -> vector<16xi32>
    %reduce_max3A_13 = arith.xori %reduce_max3A_12, %reduce_max3A_10 : vector<16xi32>
    %reduce_max3A_14 = vector.extract %reduce_max3A_13[15] : i32 from vector<16xi32>
    %and3A_15 = arith.constant 0 : i32
    %and3A_16 = arith.constant 15 : i32
    %and3A_17 = arith.andi %and3A_15, %and3A_16 : i32
    %eq3A_18 = vector.broadcast %and3A_17 : i32 to vector<16xi32>
    %eq3A_19 = arith.cmpi eq, %iota3A, %eq3A_18 : vector<16xi32>
    %sub3A_20 = arith.constant 0 : i32
    %sub3A_21 = arith.subi %sub3A_20, %and3A_17 : i32
    %get3A_22 = arith.index_cast %sub3A_21 : i32 to index
    %get3A_23 = tpu.vector_load %arg8[%get3A_22] {strides = array<i32>} : memref<32xi32, #tpu.memory_space<vmem>>, vector<16xi32>,
    %jit3A_24 = arith.constant 0 : i32
    %broadcast_in_dim3A_25 = vector.broadcast %jit3A_24 : i32 to vector<16xi32>
    %select_n3A_26 = arith.select %eq3A_19, %get3A_23, %broadcast_in_dim3A_25 : vector<16xi1>, vector<16xi32>
    %reduce_max3A_27 = arith.constant true
    %reduce_max3A_28 = vector.broadcast %reduce_max3A_27 : i1 to vector<16xi1>
    %reduce_max3A_29 = arith.constant -2147483648 : i32
    %reduce_max3A_30 = vector.broadcast %reduce_max3A_29 : i32 to vector<16xi32>
    %reduce_max3A_31 = arith.xori %select_n3A_26, %reduce_max3A_30 : vector<16xi32>
    %reduce_max3A_32 = tpu.scan <max>, %reduce_max3A_31 masked %reduce_max3A_28 : vector<16xi32>, vector<16xi1> -> vector<16xi32>
    %reduce_max3A_33 = arith.xori %reduce_max3A_32, %reduce_max3A_30 : vector<16xi32>
    %reduce_max3A_34 = vector.extract %reduce_max3A_33[15] : i32 from vector<16xi32>
    %and3A_35 = arith.constant -128 : i32
    %and3A_36 = arith.andi %reduce_max3A_14, %and3A_35 : i32
    %multiple_of3A = tpu.assume_multiple %and3A_36, 128 : i32
    %and3A_37 = arith.constant -128 : i32
    %and3A_38 = arith.andi %reduce_max3A_34, %and3A_37 : i32
    %multiple_of3A_39 = tpu.assume_multiple %and3A_38, 128 : i32
    %dma_start3A = arith.constant 0 : i32
    %dma_start3A_40 = tpu.memref_slice %arg2[%dma_start3A, %multiple_of3A] : memref<32x1000000xf32, #tpu.memory_space<hbm>> -> memref<32x128xf32, #tpu.memory_space<hbm>>
    %dma_start3A_41 = arith.constant 0 : i32
    %dma_start3A_42 = tpu.memref_slice %arg2[%dma_start3A_41, %multiple_of3A] : memref<32x1000000xf32, #tpu.memory_space<hbm>> -> memref<32x128xf32, #tpu.memory_space<hbm>>
    tpu.enqueue_dma source(%dma_start3A_42 : memref<32x128xf32, #tpu.memory_space<hbm>>) target(%arg10 : memref<32x128xf32, #tpu.memory_space<vmem>>) target_semaphore(%arg18 : memref<!tpu.dma_semaphore, #tpu.memory_space<semaphore_mem>>)
    %dma_start3A_43 = arith.constant 0 : i32
    %dma_start3A_44 = tpu.memref_slice %arg3[%dma_start3A_43, %multiple_of3A_39] : memref<32x1000000xf32, #tpu.memory_space<hbm>> -> memref<32x128xf32, #tpu.memory_space<hbm>>
    %dma_start3A_45 = arith.constant 0 : i32
    %dma_start3A_46 = tpu.memref_slice %arg3[%dma_start3A_45, %multiple_of3A_39] : memref<32x1000000xf32, #tpu.memory_space<hbm>> -> memref<32x128xf32, #tpu.memory_space<hbm>>
    tpu.enqueue_dma source(%dma_start3A_46 : memref<32x128xf32, #tpu.memory_space<hbm>>) target(%arg14 : memref<32x128xf32, #tpu.memory_space<vmem>>) target_semaphore(%arg22 : memref<!tpu.dma_semaphore, #tpu.memory_space<semaphore_mem>>)
    %and3A_47 = arith.constant 1 : i32
    %and3A_48 = arith.constant 15 : i32
    %and3A_49 = arith.andi %and3A_47, %and3A_48 : i32
    %eq3A_50 = vector.broadcast %and3A_49 : i32 to vector<16xi32>
    %eq3A_51 = arith.cmpi eq, %iota3A, %eq3A_50 : vector<16xi32>
    %sub3A_52 = arith.constant 1 : i32
    %sub3A_53 = arith.subi %sub3A_52, %and3A_49 : i32
    %get3A_54 = arith.index_cast %sub3A_53 : i32 to index
    %get3A_55 = tpu.vector_load %arg7[%get3A_54] {strides = array<i32>} : memref<32xi32, #tpu.memory_space<vmem>>, vector<16xi32>,
    %jit3A_56 = arith.constant 0 : i32
    %broadcast_in_dim3A_57 = vector.broadcast %jit3A_56 : i32 to vector<16xi32>
    %select_n3A_58 = arith.select %eq3A_51, %get3A_55, %broadcast_in_dim3A_57 : vector<16xi1>, vector<16xi32>
    %reduce_max3A_59 = arith.constant true
    %reduce_max3A_60 = vector.broadcast %reduce_max3A_59 : i1 to vector<16xi1>
    %reduce_max3A_61 = arith.constant -2147483648 : i32
    %reduce_max3A_62 = vector.broadcast %reduce_max3A_61 : i32 to vector<16xi32>
    %reduce_max3A_63 = arith.xori %select_n3A_58, %reduce_max3A_62 : vector<16xi32>
    %reduce_max3A_64 = tpu.scan <max>, %reduce_max3A_63 masked %reduce_max3A_60 : vector<16xi32>, vector<16xi1> -> vector<16xi32>
    %reduce_max3A_65 = arith.xori %reduce_max3A_64, %reduce_max3A_62 : vector<16xi32>
    %reduce_max3A_66 = vector.extract %reduce_max3A_65[15] : i32 from vector<16xi32>
    %and3A_67 = arith.constant 1 : i32
    %and3A_68 = arith.constant 15 : i32
    %and3A_69 = arith.andi %and3A_67, %and3A_68 : i32
    %eq3A_70 = vector.broadcast %and3A_69 : i32 to vector<16xi32>
    %eq3A_71 = arith.cmpi eq, %iota3A, %eq3A_70 : vector<16xi32>
    %sub3A_72 = arith.constant 1 : i32
    %sub3A_73 = arith.subi %sub3A_72, %and3A_69 : i32
    %get3A_74 = arith.index_cast %sub3A_73 : i32 to index
    %get3A_75 = tpu.vector_load %arg8[%get3A_74] {strides = array<i32>} : memref<32xi32, #tpu.memory_space<vmem>>, vector<16xi32>,
    %jit3A_76 = arith.constant 0 : i32
    %broadcast_in_dim3A_77 = vector.broadcast %jit3A_76 : i32 to vector<16xi32>
    %select_n3A_78 = arith.select %eq3A_71, %get3A_75, %broadcast_in_dim3A_77 : vector<16xi1>, vector<16xi32>
    %reduce_max3A_79 = arith.constant true
    %reduce_max3A_80 = vector.broadcast %reduce_max3A_79 : i1 to vector<16xi1>
    %reduce_max3A_81 = arith.constant -2147483648 : i32
    %reduce_max3A_82 = vector.broadcast %reduce_max3A_81 : i32 to vector<16xi32>
    %reduce_max3A_83 = arith.xori %select_n3A_78, %reduce_max3A_82 : vector<16xi32>
    %reduce_max3A_84 = tpu.scan <max>, %reduce_max3A_83 masked %reduce_max3A_80 : vector<16xi32>, vector<16xi1> -> vector<16xi32>
    %reduce_max3A_85 = arith.xori %reduce_max3A_84, %reduce_max3A_82 : vector<16xi32>
    %reduce_max3A_86 = vector.extract %reduce_max3A_85[15] : i32 from vector<16xi32>
    %and3A_87 = arith.constant -128 : i32
    %and3A_88 = arith.andi %reduce_max3A_66, %and3A_87 : i32
    %multiple_of3A_89 = tpu.assume_multiple %and3A_88, 128 : i32
    %and3A_90 = arith.constant -128 : i32
    %and3A_91 = arith.andi %reduce_max3A_86, %and3A_90 : i32
    %multiple_of3A_92 = tpu.assume_multiple %and3A_91, 128 : i32
    %dma_start3A_93 = arith.constant 0 : i32
    %dma_start3A_94 = tpu.memref_slice %arg2[%dma_start3A_93, %multiple_of3A_89] : memref<32x1000000xf32, #tpu.memory_space<hbm>> -> memref<32x128xf32, #tpu.memory_space<hbm>>
    %dma_start3A_95 = arith.constant 0 : i32
    %dma_start3A_96 = tpu.memref_slice %arg2[%dma_start3A_95, %multiple_of3A_89] : memref<32x1000000xf32, #tpu.memory_space<hbm>> -> memref<32x128xf32, #tpu.memory_space<hbm>>
    tpu.enqueue_dma source(%dma_start3A_96 : memref<32x128xf32, #tpu.memory_space<hbm>>) target(%arg11 : memref<32x128xf32, #tpu.memory_space<vmem>>) target_semaphore(%arg19 : memref<!tpu.dma_semaphore, #tpu.memory_space<semaphore_mem>>)
    %dma_start3A_97 = arith.constant 0 : i32
    %dma_start3A_98 = tpu.memref_slice %arg3[%dma_start3A_97, %multiple_of3A_92] : memref<32x1000000xf32, #tpu.memory_space<hbm>> -> memref<32x128xf32, #tpu.memory_space<hbm>>
    %dma_start3A_99 = arith.constant 0 : i32
    %dma_start3A_100 = tpu.memref_slice %arg3[%dma_start3A_99, %multiple_of3A_92] : memref<32x1000000xf32, #tpu.memory_space<hbm>> -> memref<32x128xf32, #tpu.memory_space<hbm>>
    tpu.enqueue_dma source(%dma_start3A_100 : memref<32x128xf32, #tpu.memory_space<hbm>>) target(%arg15 : memref<32x128xf32, #tpu.memory_space<vmem>>) target_semaphore(%arg23 : memref<!tpu.dma_semaphore, #tpu.memory_space<semaphore_mem>>)
    %and3A_101 = arith.constant 2 : i32
    %and3A_102 = arith.constant 15 : i32
    %and3A_103 = arith.andi %and3A_101, %and3A_102 : i32
    %eq3A_104 = vector.broadcast %and3A_103 : i32 to vector<16xi32>
    %eq3A_105 = arith.cmpi eq, %iota3A, %eq3A_104 : vector<16xi32>
    %sub3A_106 = arith.constant 2 : i32
    %sub3A_107 = arith.subi %sub3A_106, %and3A_103 : i32
    %get3A_108 = arith.index_cast %sub3A_107 : i32 to index
    %get3A_109 = tpu.vector_load %arg7[%get3A_108] {strides = array<i32>} : memref<32xi32, #tpu.memory_space<vmem>>, vector<16xi32>,
    %jit3A_110 = arith.constant 0 : i32
    %broadcast_in_dim3A_111 = vector.broadcast %jit3A_110 : i32 to vector<16xi32>
    %select_n3A_112 = arith.select %eq3A_105, %get3A_109, %broadcast_in_dim3A_111 : vector<16xi1>, vector<16xi32>
    %reduce_max3A_113 = arith.constant true
    %reduce_max3A_114 = vector.broadcast %reduce_max3A_113 : i1 to vector<16xi1>
    %reduce_max3A_115 = arith.constant -2147483648 : i32
    %reduce_max3A_116 = vector.broadcast %reduce_max3A_115 : i32 to vector<16xi32>
    %reduce_max3A_117 = arith.xori %select_n3A_112, %reduce_max3A_116 : vector<16xi32>
    %reduce_max3A_118 = tpu.scan <max>, %reduce_max3A_117 masked %reduce_max3A_114 : vector<16xi32>, vector<16xi1> -> vector<16xi32>
    %reduce_max3A_119 = arith.xori %reduce_max3A_118, %reduce_max3A_116 : vector<16xi32>
    %reduce_max3A_120 = vector.extract %reduce_max3A_119[15] : i32 from vector<16xi32>
    %and3A_121 = arith.constant 2 : i32
    %and3A_122 = arith.constant 15 : i32
    %and3A_123 = arith.andi %and3A_121, %and3A_122 : i32
    %eq3A_124 = vector.broadcast %and3A_123 : i32 to vector<16xi32>
    %eq3A_125 = arith.cmpi eq, %iota3A, %eq3A_124 : vector<16xi32>
    %sub3A_126 = arith.constant 2 : i32
    %sub3A_127 = arith.subi %sub3A_126, %and3A_123 : i32
    %get3A_128 = arith.index_cast %sub3A_127 : i32 to index
    %get3A_129 = tpu.vector_load %arg8[%get3A_128] {strides = array<i32>} : memref<32xi32, #tpu.memory_space<vmem>>, vector<16xi32>,
    %jit3A_130 = arith.constant 0 : i32
    %broadcast_in_dim3A_131 = vector.broadcast %jit3A_130 : i32 to vector<16xi32>
    %select_n3A_132 = arith.select %eq3A_125, %get3A_129, %broadcast_in_dim3A_131 : vector<16xi1>, vector<16xi32>
    %reduce_max3A_133 = arith.constant true
    %reduce_max3A_134 = vector.broadcast %reduce_max3A_133 : i1 to vector<16xi1>
    %reduce_max3A_135 = arith.constant -2147483648 : i32
    %reduce_max3A_136 = vector.broadcast %reduce_max3A_135 : i32 to vector<16xi32>
    %reduce_max3A_137 = arith.xori %select_n3A_132, %reduce_max3A_136 : vector<16xi32>
    %reduce_max3A_138 = tpu.scan <max>, %reduce_max3A_137 masked %reduce_max3A_134 : vector<16xi32>, vector<16xi1> -> vector<16xi32>
    %reduce_max3A_139 = arith.xori %reduce_max3A_138, %reduce_max3A_136 : vector<16xi32>
    %reduce_max3A_140 = vector.extract %reduce_max3A_139[15] : i32 from vector<16xi32>
    %and3A_141 = arith.constant -128 : i32
    %and3A_142 = arith.andi %reduce_max3A_120, %and3A_141 : i32
    %multiple_of3A_143 = tpu.assume_multiple %and3A_142, 128 : i32
    %and3A_144 = arith.constant -128 : i32
    %and3A_145 = arith.andi %reduce_max3A_140, %and3A_144 : i32
    %multiple_of3A_146 = tpu.assume_multiple %and3A_145, 128 : i32
    %dma_start3A_147 = arith.constant 0 : i32
    %dma_start3A_148 = tpu.memref_slice %arg2[%dma_start3A_147, %multiple_of3A_143] : memref<32x1000000xf32, #tpu.memory_space<hbm>> -> memref<32x128xf32, #tpu.memory_space<hbm>>
    %dma_start3A_149 = arith.constant 0 : i32
    %dma_start3A_150 = tpu.memref_slice %arg2[%dma_start3A_149, %multiple_of3A_143] : memref<32x1000000xf32, #tpu.memory_space<hbm>> -> memref<32x128xf32, #tpu.memory_space<hbm>>
    tpu.enqueue_dma source(%dma_start3A_150 : memref<32x128xf32, #tpu.memory_space<hbm>>) target(%arg12 : memref<32x128xf32, #tpu.memory_space<vmem>>) target_semaphore(%arg20 : memref<!tpu.dma_semaphore, #tpu.memory_space<semaphore_mem>>)
    %dma_start3A_151 = arith.constant 0 : i32
    %dma_start3A_152 = tpu.memref_slice %arg3[%dma_start3A_151, %multiple_of3A_146] : memref<32x1000000xf32, #tpu.memory_space<hbm>> -> memref<32x128xf32, #tpu.memory_space<hbm>>
    %dma_start3A_153 = arith.constant 0 : i32
    %dma_start3A_154 = tpu.memref_slice %arg3[%dma_start3A_153, %multiple_of3A_146] : memref<32x1000000xf32, #tpu.memory_space<hbm>> -> memref<32x128xf32, #tpu.memory_space<hbm>>
    tpu.enqueue_dma source(%dma_start3A_154 : memref<32x128xf32, #tpu.memory_space<hbm>>) target(%arg16 : memref<32x128xf32, #tpu.memory_space<vmem>>) target_semaphore(%arg24 : memref<!tpu.dma_semaphore, #tpu.memory_space<semaphore_mem>>)
    %and3A_155 = arith.constant 3 : i32
    %and3A_156 = arith.constant 15 : i32
    %and3A_157 = arith.andi %and3A_155, %and3A_156 : i32
    %eq3A_158 = vector.broadcast %and3A_157 : i32 to vector<16xi32>
    %eq3A_159 = arith.cmpi eq, %iota3A, %eq3A_158 : vector<16xi32>
    %sub3A_160 = arith.constant 3 : i32
    %sub3A_161 = arith.subi %sub3A_160, %and3A_157 : i32
    %get3A_162 = arith.index_cast %sub3A_161 : i32 to index
    %get3A_163 = tpu.vector_load %arg7[%get3A_162] {strides = array<i32>} : memref<32xi32, #tpu.memory_space<vmem>>, vector<16xi32>,
    %jit3A_164 = arith.constant 0 : i32
    %broadcast_in_dim3A_165 = vector.broadcast %jit3A_164 : i32 to vector<16xi32>
    %select_n3A_166 = arith.select %eq3A_159, %get3A_163, %broadcast_in_dim3A_165 : vector<16xi1>, vector<16xi32>
    %reduce_max3A_167 = arith.constant true
    %reduce_max3A_168 = vector.broadcast %reduce_max3A_167 : i1 to vector<16xi1>
    %reduce_max3A_169 = arith.constant -2147483648 : i32
    %reduce_max3A_170 = vector.broadcast %reduce_max3A_169 : i32 to vector<16xi32>
    %reduce_max3A_171 = arith.xori %select_n3A_166, %reduce_max3A_170 : vector<16xi32>
    %reduce_max3A_172 = tpu.scan <max>, %reduce_max3A_171 masked %reduce_max3A_168 : vector<16xi32>, vector<16xi1> -> vector<16xi32>
    %reduce_max3A_173 = arith.xori %reduce_max3A_172, %reduce_max3A_170 : vector<16xi32>
    %reduce_max3A_174 = vector.extract %reduce_max3A_173[15] : i32 from vector<16xi32>
    %and3A_175 = arith.constant 3 : i32
    %and3A_176 = arith.constant 15 : i32
    %and3A_177 = arith.andi %and3A_175, %and3A_176 : i32
    %eq3A_178 = vector.broadcast %and3A_177 : i32 to vector<16xi32>
    %eq3A_179 = arith.cmpi eq, %iota3A, %eq3A_178 : vector<16xi32>
    %sub3A_180 = arith.constant 3 : i32
    %sub3A_181 = arith.subi %sub3A_180, %and3A_177 : i32
    %get3A_182 = arith.index_cast %sub3A_181 : i32 to index
    %get3A_183 = tpu.vector_load %arg8[%get3A_182] {strides = array<i32>} : memref<32xi32, #tpu.memory_space<vmem>>, vector<16xi32>,
    %jit3A_184 = arith.constant 0 : i32
    %broadcast_in_dim3A_185 = vector.broadcast %jit3A_184 : i32 to vector<16xi32>
    %select_n3A_186 = arith.select %eq3A_179, %get3A_183, %broadcast_in_dim3A_185 : vector<16xi1>, vector<16xi32>
    %reduce_max3A_187 = arith.constant true
    %reduce_max3A_188 = vector.broadcast %reduce_max3A_187 : i1 to vector<16xi1>
    %reduce_max3A_189 = arith.constant -2147483648 : i32
    %reduce_max3A_190 = vector.broadcast %reduce_max3A_189 : i32 to vector<16xi32>
    %reduce_max3A_191 = arith.xori %select_n3A_186, %reduce_max3A_190 : vector<16xi32>
    %reduce_max3A_192 = tpu.scan <max>, %reduce_max3A_191 masked %reduce_max3A_188 : vector<16xi32>, vector<16xi1> -> vector<16xi32>
    %reduce_max3A_193 = arith.xori %reduce_max3A_192, %reduce_max3A_190 : vector<16xi32>
    %reduce_max3A_194 = vector.extract %reduce_max3A_193[15] : i32 from vector<16xi32>
    %and3A_195 = arith.constant -128 : i32
    %and3A_196 = arith.andi %reduce_max3A_174, %and3A_195 : i32
    %multiple_of3A_197 = tpu.assume_multiple %and3A_196, 128 : i32
    %and3A_198 = arith.constant -128 : i32
    %and3A_199 = arith.andi %reduce_max3A_194, %and3A_198 : i32
    %multiple_of3A_200 = tpu.assume_multiple %and3A_199, 128 : i32
    %dma_start3A_201 = arith.constant 0 : i32
    %dma_start3A_202 = tpu.memref_slice %arg2[%dma_start3A_201, %multiple_of3A_197] : memref<32x1000000xf32, #tpu.memory_space<hbm>> -> memref<32x128xf32, #tpu.memory_space<hbm>>
    %dma_start3A_203 = arith.constant 0 : i32
    %dma_start3A_204 = tpu.memref_slice %arg2[%dma_start3A_203, %multiple_of3A_197] : memref<32x1000000xf32, #tpu.memory_space<hbm>> -> memref<32x128xf32, #tpu.memory_space<hbm>>
    tpu.enqueue_dma source(%dma_start3A_204 : memref<32x128xf32, #tpu.memory_space<hbm>>) target(%arg13 : memref<32x128xf32, #tpu.memory_space<vmem>>) target_semaphore(%arg21 : memref<!tpu.dma_semaphore, #tpu.memory_space<semaphore_mem>>)
    %dma_start3A_205 = arith.constant 0 : i32
    %dma_start3A_206 = tpu.memref_slice %arg3[%dma_start3A_205, %multiple_of3A_200] : memref<32x1000000xf32, #tpu.memory_space<hbm>> -> memref<32x128xf32, #tpu.memory_space<hbm>>
    %dma_start3A_207 = arith.constant 0 : i32
    %dma_start3A_208 = tpu.memref_slice %arg3[%dma_start3A_207, %multiple_of3A_200] : memref<32x1000000xf32, #tpu.memory_space<hbm>> -> memref<32x128xf32, #tpu.memory_space<hbm>>
    tpu.enqueue_dma source(%dma_start3A_208 : memref<32x128xf32, #tpu.memory_space<hbm>>) target(%arg17 : memref<32x128xf32, #tpu.memory_space<vmem>>) target_semaphore(%arg25 : memref<!tpu.dma_semaphore, #tpu.memory_space<semaphore_mem>>)
    %scan3A = arith.constant 0 : i32
    %scan3A_209 = arith.constant 0 : i32
    %scan3A_210 = arith.constant 8 : i32
    %scan3A_211 = arith.addi %scan3A_209, %scan3A_210 : i32
    %scan3A_212 = arith.constant 1 : i32
    scf.for %scan3A_214 = %scan3A_209 to %scan3A_211 step %scan3A_212  : i32 {
      %mul3A_215 = arith.constant 4 : i32
      %mul3A_216 = arith.muli %scan3A_214, %mul3A_215 : i32
      %add3A_217 = arith.constant 0 : i32
      %add3A_218 = arith.addi %mul3A_216, %add3A_217 : i32
      %dma_wait3A = arith.constant 0 : i32
      %dma_wait3A_219 = arith.constant 0 : i32
      %dma_wait3A_220 = tpu.memref_slice %arg2[%dma_wait3A, %dma_wait3A_219] : memref<32x1000000xf32, #tpu.memory_space<hbm>> -> memref<32x128xf32, #tpu.memory_space<hbm>>
      %dma_wait3A_221 = arith.constant 0 : i32
      %dma_wait3A_222 = arith.constant 0 : i32
      %dma_wait3A_223 = tpu.memref_slice %arg2[%dma_wait3A_221, %dma_wait3A_222] : memref<32x1000000xf32, #tpu.memory_space<hbm>> -> memref<32x128xf32, #tpu.memory_space<hbm>>
      tpu.wait_dma2 semaphore(%arg18 : memref<!tpu.dma_semaphore, #tpu.memory_space<semaphore_mem>>) src(%dma_wait3A_223 : memref<32x128xf32, #tpu.memory_space<hbm>>) dst(%arg10 : memref<32x128xf32, #tpu.memory_space<vmem>>)
      %dma_wait3A_224 = arith.constant 0 : i32
      %dma_wait3A_225 = arith.constant 0 : i32
      %dma_wait3A_226 = tpu.memref_slice %arg3[%dma_wait3A_224, %dma_wait3A_225] : memref<32x1000000xf32, #tpu.memory_space<hbm>> -> memref<32x128xf32, #tpu.memory_space<hbm>>
      %dma_wait3A_227 = arith.constant 0 : i32
      %dma_wait3A_228 = arith.constant 0 : i32
      %dma_wait3A_229 = tpu.memref_slice %arg3[%dma_wait3A_227, %dma_wait3A_228] : memref<32x1000000xf32, #tpu.memory_space<hbm>> -> memref<32x128xf32, #tpu.memory_space<hbm>>
      tpu.wait_dma2 semaphore(%arg22 : memref<!tpu.dma_semaphore, #tpu.memory_space<semaphore_mem>>) src(%dma_wait3A_229 : memref<32x128xf32, #tpu.memory_space<hbm>>) dst(%arg14 : memref<32x128xf32, #tpu.memory_space<vmem>>)
      %and3A_230 = arith.constant 15 : i32
      %and3A_231 = arith.andi %add3A_218, %and3A_230 : i32
      %eq3A_232 = vector.broadcast %and3A_231 : i32 to vector<16xi32>
      %eq3A_233 = arith.cmpi eq, %iota3A, %eq3A_232 : vector<16xi32>
      %sub3A_234 = arith.subi %add3A_218, %and3A_231 : i32
      %get3A_235 = arith.index_cast %sub3A_234 : i32 to index
      %get3A_236 = tpu.vector_load %arg7[%get3A_235] {strides = array<i32>} : memref<32xi32, #tpu.memory_space<vmem>>, vector<16xi32>,
      %jit3A_237 = arith.constant 0 : i32
      %broadcast_in_dim3A_238 = vector.broadcast %jit3A_237 : i32 to vector<16xi32>
      %select_n3A_239 = arith.select %eq3A_233, %get3A_236, %broadcast_in_dim3A_238 : vector<16xi1>, vector<16xi32>
      %reduce_max3A_240 = arith.constant true
      %reduce_max3A_241 = vector.broadcast %reduce_max3A_240 : i1 to vector<16xi1>
      %reduce_max3A_242 = arith.constant -2147483648 : i32
      %reduce_max3A_243 = vector.broadcast %reduce_max3A_242 : i32 to vector<16xi32>
      %reduce_max3A_244 = arith.xori %select_n3A_239, %reduce_max3A_243 : vector<16xi32>
      %reduce_max3A_245 = tpu.scan <max>, %reduce_max3A_244 masked %reduce_max3A_241 : vector<16xi32>, vector<16xi1> -> vector<16xi32>
      %reduce_max3A_246 = arith.xori %reduce_max3A_245, %reduce_max3A_243 : vector<16xi32>
      %reduce_max3A_247 = vector.extract %reduce_max3A_246[15] : i32 from vector<16xi32>
      %and3A_248 = arith.constant 127 : i32
      %and3A_249 = arith.andi %reduce_max3A_247, %and3A_248 : i32
      %broadcast_in_dim3A_250 = vector.broadcast %and3A_249 : i32 to vector<16xi32>
      %and3A_251 = arith.constant 15 : i32
      %and3A_252 = arith.andi %add3A_218, %and3A_251 : i32
      %eq3A_253 = vector.broadcast %and3A_252 : i32 to vector<16xi32>
      %eq3A_254 = arith.cmpi eq, %iota3A, %eq3A_253 : vector<16xi32>
      %sub3A_255 = arith.subi %add3A_218, %and3A_252 : i32
      %get3A_256 = arith.index_cast %sub3A_255 : i32 to index
      %get3A_257 = tpu.vector_load %arg8[%get3A_256] {strides = array<i32>} : memref<32xi32, #tpu.memory_space<vmem>>, vector<16xi32>,
      %jit3A_258 = arith.constant 0 : i32
      %broadcast_in_dim3A_259 = vector.broadcast %jit3A_258 : i32 to vector<16xi32>
      %select_n3A_260 = arith.select %eq3A_254, %get3A_257, %broadcast_in_dim3A_259 : vector<16xi1>, vector<16xi32>
      %reduce_max3A_261 = arith.constant true
      %reduce_max3A_262 = vector.broadcast %reduce_max3A_261 : i1 to vector<16xi1>
      %reduce_max3A_263 = arith.constant -2147483648 : i32
      %reduce_max3A_264 = vector.broadcast %reduce_max3A_263 : i32 to vector<16xi32>
      %reduce_max3A_265 = arith.xori %select_n3A_260, %reduce_max3A_264 : vector<16xi32>
      %reduce_max3A_266 = tpu.scan <max>, %reduce_max3A_265 masked %reduce_max3A_262 : vector<16xi32>, vector<16xi1> -> vector<16xi32>
      %reduce_max3A_267 = arith.xori %reduce_max3A_266, %reduce_max3A_264 : vector<16xi32>
      %reduce_max3A_268 = vector.extract %reduce_max3A_267[15] : i32 from vector<16xi32>
      %and3A_269 = arith.constant 127 : i32
      %and3A_270 = arith.andi %reduce_max3A_268, %and3A_269 : i32
      %broadcast_in_dim3A_271 = vector.broadcast %and3A_270 : i32 to vector<16xi32>
      %gather3A = tpu.vector_load_idx %arg10[%iota3A, %broadcast_in_dim3A_250] : memref<32x128xf32, #tpu.memory_space<vmem>>[vector<16xi32>, vector<16xi32>], vector<16xf32>,
      %gather3A_272 = tpu.vector_load_idx %arg14[%iota3A, %broadcast_in_dim3A_271] : memref<32x128xf32, #tpu.memory_space<vmem>>[vector<16xi32>, vector<16xi32>], vector<16xf32>,
      %add3A_273 = arith.addf %gather3A, %gather3A_272 : vector<16xf32>
      %add3A_274 = arith.constant 16 : i32
      %add3A_275 = vector.broadcast %add3A_274 : i32 to vector<16xi32>
      %add3A_276 = arith.addi %iota3A, %add3A_275 : vector<16xi32>
      %gather3A_277 = tpu.vector_load_idx %arg10[%add3A_276, %broadcast_in_dim3A_250] : memref<32x128xf32, #tpu.memory_space<vmem>>[vector<16xi32>, vector<16xi32>], vector<16xf32>,
      %add3A_278 = arith.constant 16 : i32
      %add3A_279 = vector.broadcast %add3A_278 : i32 to vector<16xi32>
      %add3A_280 = arith.addi %iota3A, %add3A_279 : vector<16xi32>
      %gather3A_281 = tpu.vector_load_idx %arg14[%add3A_280, %broadcast_in_dim3A_271] : memref<32x128xf32, #tpu.memory_space<vmem>>[vector<16xi32>, vector<16xi32>], vector<16xf32>,
      %add3A_282 = arith.addf %gather3A_277, %gather3A_281 : vector<16xf32>
      %swap3A = arith.index_cast %add3A_218 : i32 to index
      %swap3A_283 = arith.constant 0 : index
      %swap3A_284 = tpu.vector_load %arg9[%swap3A, %swap3A_283] {strides = array<i32>} : memref<32x32xf32, #tpu.memory_space<vmem>>, vector<16xf32>,
      tpu.vector_store %arg9[%swap3A, %swap3A_283], %add3A_273 {strides = array<i32>} : memref<32x32xf32, #tpu.memory_space<vmem>>, vector<16xf32>,
      %swap3A_285 = arith.index_cast %add3A_218 : i32 to index
      %swap3A_286 = arith.constant 16 : index
      %swap3A_287 = tpu.vector_load %arg9[%swap3A_285, %swap3A_286] {strides = array<i32>} : memref<32x32xf32, #tpu.memory_space<vmem>>, vector<16xf32>,
      tpu.vector_store %arg9[%swap3A_285, %swap3A_286], %add3A_282 {strides = array<i32>} : memref<32x32xf32, #tpu.memory_space<vmem>>, vector<16xf32>,
      %add3A_288 = arith.constant 4 : i32
      %add3A_289 = arith.addi %add3A_218, %add3A_288 : i32
      %lt3A = arith.constant 32 : i32
      %lt3A_290 = arith.cmpi slt, %add3A_289, %lt3A : i32
      %convert_element_type3A = arith.extui %lt3A_290 : i1 to i32
      %cond3A = arith.constant 0 : i32
      %cond3A_291 = arith.cmpi ne, %convert_element_type3A, %cond3A : i32
      scf.if %cond3A_291 {
        %add3A_535 = arith.constant 4 : i32
        %add3A_536 = arith.addi %add3A_218, %add3A_535 : i32
        %and3A_537 = arith.constant 15 : i32
        %and3A_538 = arith.andi %add3A_536, %and3A_537 : i32
        %eq3A_539 = vector.broadcast %and3A_538 : i32 to vector<16xi32>
        %eq3A_540 = arith.cmpi eq, %iota3A, %eq3A_539 : vector<16xi32>
        %sub3A_541 = arith.subi %add3A_536, %and3A_538 : i32
        %get3A_542 = arith.index_cast %sub3A_541 : i32 to index
        %get3A_543 = tpu.vector_load %arg7[%get3A_542] {strides = array<i32>} : memref<32xi32, #tpu.memory_space<vmem>>, vector<16xi32>,
        %jit3A_544 = arith.constant 0 : i32
        %broadcast_in_dim3A_545 = vector.broadcast %jit3A_544 : i32 to vector<16xi32>
        %select_n3A_546 = arith.select %eq3A_540, %get3A_543, %broadcast_in_dim3A_545 : vector<16xi1>, vector<16xi32>
        %reduce_max3A_547 = arith.constant true
        %reduce_max3A_548 = vector.broadcast %reduce_max3A_547 : i1 to vector<16xi1>
        %reduce_max3A_549 = arith.constant -2147483648 : i32
        %reduce_max3A_550 = vector.broadcast %reduce_max3A_549 : i32 to vector<16xi32>
        %reduce_max3A_551 = arith.xori %select_n3A_546, %reduce_max3A_550 : vector<16xi32>
        %reduce_max3A_552 = tpu.scan <max>, %reduce_max3A_551 masked %reduce_max3A_548 : vector<16xi32>, vector<16xi1> -> vector<16xi32>
        %reduce_max3A_553 = arith.xori %reduce_max3A_552, %reduce_max3A_550 : vector<16xi32>
        %reduce_max3A_554 = vector.extract %reduce_max3A_553[15] : i32 from vector<16xi32>
        %and3A_555 = arith.constant 15 : i32
        %and3A_556 = arith.andi %add3A_536, %and3A_555 : i32
        %eq3A_557 = vector.broadcast %and3A_556 : i32 to vector<16xi32>
        %eq3A_558 = arith.cmpi eq, %iota3A, %eq3A_557 : vector<16xi32>
        %sub3A_559 = arith.subi %add3A_536, %and3A_556 : i32
        %get3A_560 = arith.index_cast %sub3A_559 : i32 to index
        %get3A_561 = tpu.vector_load %arg8[%get3A_560] {strides = array<i32>} : memref<32xi32, #tpu.memory_space<vmem>>, vector<16xi32>,
        %jit3A_562 = arith.constant 0 : i32
        %broadcast_in_dim3A_563 = vector.broadcast %jit3A_562 : i32 to vector<16xi32>
        %select_n3A_564 = arith.select %eq3A_558, %get3A_561, %broadcast_in_dim3A_563 : vector<16xi1>, vector<16xi32>
        %reduce_max3A_565 = arith.constant true
        %reduce_max3A_566 = vector.broadcast %reduce_max3A_565 : i1 to vector<16xi1>
        %reduce_max3A_567 = arith.constant -2147483648 : i32
        %reduce_max3A_568 = vector.broadcast %reduce_max3A_567 : i32 to vector<16xi32>
        %reduce_max3A_569 = arith.xori %select_n3A_564, %reduce_max3A_568 : vector<16xi32>
        %reduce_max3A_570 = tpu.scan <max>, %reduce_max3A_569 masked %reduce_max3A_566 : vector<16xi32>, vector<16xi1> -> vector<16xi32>
        %reduce_max3A_571 = arith.xori %reduce_max3A_570, %reduce_max3A_568 : vector<16xi32>
        %reduce_max3A_572 = vector.extract %reduce_max3A_571[15] : i32 from vector<16xi32>
        %and3A_573 = arith.constant -128 : i32
        %and3A_574 = arith.andi %reduce_max3A_554, %and3A_573 : i32
        %multiple_of3A_575 = tpu.assume_multiple %and3A_574, 128 : i32
        %and3A_576 = arith.constant -128 : i32
        %and3A_577 = arith.andi %reduce_max3A_572, %and3A_576 : i32
        %multiple_of3A_578 = tpu.assume_multiple %and3A_577, 128 : i32
        %dma_start3A_579 = arith.constant 0 : i32
        %dma_start3A_580 = tpu.memref_slice %arg2[%dma_start3A_579, %multiple_of3A_575] : memref<32x1000000xf32, #tpu.memory_space<hbm>> -> memref<32x128xf32, #tpu.memory_space<hbm>>
        %dma_start3A_581 = arith.constant 0 : i32
        %dma_start3A_582 = tpu.memref_slice %arg2[%dma_start3A_581, %multiple_of3A_575] : memref<32x1000000xf32, #tpu.memory_space<hbm>> -> memref<32x128xf32, #tpu.memory_space<hbm>>
        tpu.enqueue_dma source(%dma_start3A_582 : memref<32x128xf32, #tpu.memory_space<hbm>>) target(%arg10 : memref<32x128xf32, #tpu.memory_space<vmem>>) target_semaphore(%arg18 : memref<!tpu.dma_semaphore, #tpu.memory_space<semaphore_mem>>)
        %dma_start3A_583 = arith.constant 0 : i32
        %dma_start3A_584 = tpu.memref_slice %arg3[%dma_start3A_583, %multiple_of3A_578] : memref<32x1000000xf32, #tpu.memory_space<hbm>> -> memref<32x128xf32, #tpu.memory_space<hbm>>
        %dma_start3A_585 = arith.constant 0 : i32
        %dma_start3A_586 = tpu.memref_slice %arg3[%dma_start3A_585, %multiple_of3A_578] : memref<32x1000000xf32, #tpu.memory_space<hbm>> -> memref<32x128xf32, #tpu.memory_space<hbm>>
        tpu.enqueue_dma source(%dma_start3A_586 : memref<32x128xf32, #tpu.memory_space<hbm>>) target(%arg14 : memref<32x128xf32, #tpu.memory_space<vmem>>) target_semaphore(%arg22 : memref<!tpu.dma_semaphore, #tpu.memory_space<semaphore_mem>>)
      } else {
      }
      %add3A_292 = arith.constant 1 : i32
      %add3A_293 = arith.addi %mul3A_216, %add3A_292 : i32
      %dma_wait3A_294 = arith.constant 0 : i32
      %dma_wait3A_295 = arith.constant 0 : i32
      %dma_wait3A_296 = tpu.memref_slice %arg2[%dma_wait3A_294, %dma_wait3A_295] : memref<32x1000000xf32, #tpu.memory_space<hbm>> -> memref<32x128xf32, #tpu.memory_space<hbm>>
      %dma_wait3A_297 = arith.constant 0 : i32
      %dma_wait3A_298 = arith.constant 0 : i32
      %dma_wait3A_299 = tpu.memref_slice %arg2[%dma_wait3A_297, %dma_wait3A_298] : memref<32x1000000xf32, #tpu.memory_space<hbm>> -> memref<32x128xf32, #tpu.memory_space<hbm>>
      tpu.wait_dma2 semaphore(%arg19 : memref<!tpu.dma_semaphore, #tpu.memory_space<semaphore_mem>>) src(%dma_wait3A_299 : memref<32x128xf32, #tpu.memory_space<hbm>>) dst(%arg11 : memref<32x128xf32, #tpu.memory_space<vmem>>)
      %dma_wait3A_300 = arith.constant 0 : i32
      %dma_wait3A_301 = arith.constant 0 : i32
      %dma_wait3A_302 = tpu.memref_slice %arg3[%dma_wait3A_300, %dma_wait3A_301] : memref<32x1000000xf32, #tpu.memory_space<hbm>> -> memref<32x128xf32, #tpu.memory_space<hbm>>
      %dma_wait3A_303 = arith.constant 0 : i32
      %dma_wait3A_304 = arith.constant 0 : i32
      %dma_wait3A_305 = tpu.memref_slice %arg3[%dma_wait3A_303, %dma_wait3A_304] : memref<32x1000000xf32, #tpu.memory_space<hbm>> -> memref<32x128xf32, #tpu.memory_space<hbm>>
      tpu.wait_dma2 semaphore(%arg23 : memref<!tpu.dma_semaphore, #tpu.memory_space<semaphore_mem>>) src(%dma_wait3A_305 : memref<32x128xf32, #tpu.memory_space<hbm>>) dst(%arg15 : memref<32x128xf32, #tpu.memory_space<vmem>>)
      %and3A_306 = arith.constant 15 : i32
      %and3A_307 = arith.andi %add3A_293, %and3A_306 : i32
      %eq3A_308 = vector.broadcast %and3A_307 : i32 to vector<16xi32>
      %eq3A_309 = arith.cmpi eq, %iota3A, %eq3A_308 : vector<16xi32>
      %sub3A_310 = arith.subi %add3A_293, %and3A_307 : i32
      %get3A_311 = arith.index_cast %sub3A_310 : i32 to index
      %get3A_312 = tpu.vector_load %arg7[%get3A_311] {strides = array<i32>} : memref<32xi32, #tpu.memory_space<vmem>>, vector<16xi32>,
      %jit3A_313 = arith.constant 0 : i32
      %broadcast_in_dim3A_314 = vector.broadcast %jit3A_313 : i32 to vector<16xi32>
      %select_n3A_315 = arith.select %eq3A_309, %get3A_312, %broadcast_in_dim3A_314 : vector<16xi1>, vector<16xi32>
      %reduce_max3A_316 = arith.constant true
      %reduce_max3A_317 = vector.broadcast %reduce_max3A_316 : i1 to vector<16xi1>
      %reduce_max3A_318 = arith.constant -2147483648 : i32
      %reduce_max3A_319 = vector.broadcast %reduce_max3A_318 : i32 to vector<16xi32>
      %reduce_max3A_320 = arith.xori %select_n3A_315, %reduce_max3A_319 : vector<16xi32>
      %reduce_max3A_321 = tpu.scan <max>, %reduce_max3A_320 masked %reduce_max3A_317 : vector<16xi32>, vector<16xi1> -> vector<16xi32>
      %reduce_max3A_322 = arith.xori %reduce_max3A_321, %reduce_max3A_319 : vector<16xi32>
      %reduce_max3A_323 = vector.extract %reduce_max3A_322[15] : i32 from vector<16xi32>
      %and3A_324 = arith.constant 127 : i32
      %and3A_325 = arith.andi %reduce_max3A_323, %and3A_324 : i32
      %broadcast_in_dim3A_326 = vector.broadcast %and3A_325 : i32 to vector<16xi32>
      %and3A_327 = arith.constant 15 : i32
      %and3A_328 = arith.andi %add3A_293, %and3A_327 : i32
      %eq3A_329 = vector.broadcast %and3A_328 : i32 to vector<16xi32>
      %eq3A_330 = arith.cmpi eq, %iota3A, %eq3A_329 : vector<16xi32>
      %sub3A_331 = arith.subi %add3A_293, %and3A_328 : i32
      %get3A_332 = arith.index_cast %sub3A_331 : i32 to index
      %get3A_333 = tpu.vector_load %arg8[%get3A_332] {strides = array<i32>} : memref<32xi32, #tpu.memory_space<vmem>>, vector<16xi32>,
      %jit3A_334 = arith.constant 0 : i32
      %broadcast_in_dim3A_335 = vector.broadcast %jit3A_334 : i32 to vector<16xi32>
      %select_n3A_336 = arith.select %eq3A_330, %get3A_333, %broadcast_in_dim3A_335 : vector<16xi1>, vector<16xi32>
      %reduce_max3A_337 = arith.constant true
      %reduce_max3A_338 = vector.broadcast %reduce_max3A_337 : i1 to vector<16xi1>
      %reduce_max3A_339 = arith.constant -2147483648 : i32
      %reduce_max3A_340 = vector.broadcast %reduce_max3A_339 : i32 to vector<16xi32>
      %reduce_max3A_341 = arith.xori %select_n3A_336, %reduce_max3A_340 : vector<16xi32>
      %reduce_max3A_342 = tpu.scan <max>, %reduce_max3A_341 masked %reduce_max3A_338 : vector<16xi32>, vector<16xi1> -> vector<16xi32>
      %reduce_max3A_343 = arith.xori %reduce_max3A_342, %reduce_max3A_340 : vector<16xi32>
      %reduce_max3A_344 = vector.extract %reduce_max3A_343[15] : i32 from vector<16xi32>
      %and3A_345 = arith.constant 127 : i32
      %and3A_346 = arith.andi %reduce_max3A_344, %and3A_345 : i32
      %broadcast_in_dim3A_347 = vector.broadcast %and3A_346 : i32 to vector<16xi32>
      %gather3A_348 = tpu.vector_load_idx %arg11[%iota3A, %broadcast_in_dim3A_326] : memref<32x128xf32, #tpu.memory_space<vmem>>[vector<16xi32>, vector<16xi32>], vector<16xf32>,
      %gather3A_349 = tpu.vector_load_idx %arg15[%iota3A, %broadcast_in_dim3A_347] : memref<32x128xf32, #tpu.memory_space<vmem>>[vector<16xi32>, vector<16xi32>], vector<16xf32>,
      %add3A_350 = arith.addf %gather3A_348, %gather3A_349 : vector<16xf32>
      %add3A_351 = arith.constant 16 : i32
      %add3A_352 = vector.broadcast %add3A_351 : i32 to vector<16xi32>
      %add3A_353 = arith.addi %iota3A, %add3A_352 : vector<16xi32>
      %gather3A_354 = tpu.vector_load_idx %arg11[%add3A_353, %broadcast_in_dim3A_326] : memref<32x128xf32, #tpu.memory_space<vmem>>[vector<16xi32>, vector<16xi32>], vector<16xf32>,
      %add3A_355 = arith.constant 16 : i32
      %add3A_356 = vector.broadcast %add3A_355 : i32 to vector<16xi32>
      %add3A_357 = arith.addi %iota3A, %add3A_356 : vector<16xi32>
      %gather3A_358 = tpu.vector_load_idx %arg15[%add3A_357, %broadcast_in_dim3A_347] : memref<32x128xf32, #tpu.memory_space<vmem>>[vector<16xi32>, vector<16xi32>], vector<16xf32>,
      %add3A_359 = arith.addf %gather3A_354, %gather3A_358 : vector<16xf32>
      %swap3A_360 = arith.index_cast %add3A_293 : i32 to index
      %swap3A_361 = arith.constant 0 : index
      %swap3A_362 = tpu.vector_load %arg9[%swap3A_360, %swap3A_361] {strides = array<i32>} : memref<32x32xf32, #tpu.memory_space<vmem>>, vector<16xf32>,
      tpu.vector_store %arg9[%swap3A_360, %swap3A_361], %add3A_350 {strides = array<i32>} : memref<32x32xf32, #tpu.memory_space<vmem>>, vector<16xf32>,
      %swap3A_363 = arith.index_cast %add3A_293 : i32 to index
      %swap3A_364 = arith.constant 16 : index
      %swap3A_365 = tpu.vector_load %arg9[%swap3A_363, %swap3A_364] {strides = array<i32>} : memref<32x32xf32, #tpu.memory_space<vmem>>, vector<16xf32>,
      tpu.vector_store %arg9[%swap3A_363, %swap3A_364], %add3A_359 {strides = array<i32>} : memref<32x32xf32, #tpu.memory_space<vmem>>, vector<16xf32>,
      %add3A_366 = arith.constant 4 : i32
      %add3A_367 = arith.addi %add3A_293, %add3A_366 : i32
      %lt3A_368 = arith.constant 32 : i32
      %lt3A_369 = arith.cmpi slt, %add3A_367, %lt3A_368 : i32
      %convert_element_type3A_370 = arith.extui %lt3A_369 : i1 to i32
      %cond3A_371 = arith.constant 0 : i32
      %cond3A_372 = arith.cmpi ne, %convert_element_type3A_370, %cond3A_371 : i32
      scf.if %cond3A_372 {
        %add3A_535 = arith.constant 4 : i32
        %add3A_536 = arith.addi %add3A_293, %add3A_535 : i32
        %and3A_537 = arith.constant 15 : i32
        %and3A_538 = arith.andi %add3A_536, %and3A_537 : i32
        %eq3A_539 = vector.broadcast %and3A_538 : i32 to vector<16xi32>
        %eq3A_540 = arith.cmpi eq, %iota3A, %eq3A_539 : vector<16xi32>
        %sub3A_541 = arith.subi %add3A_536, %and3A_538 : i32
        %get3A_542 = arith.index_cast %sub3A_541 : i32 to index
        %get3A_543 = tpu.vector_load %arg7[%get3A_542] {strides = array<i32>} : memref<32xi32, #tpu.memory_space<vmem>>, vector<16xi32>,
        %jit3A_544 = arith.constant 0 : i32
        %broadcast_in_dim3A_545 = vector.broadcast %jit3A_544 : i32 to vector<16xi32>
        %select_n3A_546 = arith.select %eq3A_540, %get3A_543, %broadcast_in_dim3A_545 : vector<16xi1>, vector<16xi32>
        %reduce_max3A_547 = arith.constant true
        %reduce_max3A_548 = vector.broadcast %reduce_max3A_547 : i1 to vector<16xi1>
        %reduce_max3A_549 = arith.constant -2147483648 : i32
        %reduce_max3A_550 = vector.broadcast %reduce_max3A_549 : i32 to vector<16xi32>
        %reduce_max3A_551 = arith.xori %select_n3A_546, %reduce_max3A_550 : vector<16xi32>
        %reduce_max3A_552 = tpu.scan <max>, %reduce_max3A_551 masked %reduce_max3A_548 : vector<16xi32>, vector<16xi1> -> vector<16xi32>
        %reduce_max3A_553 = arith.xori %reduce_max3A_552, %reduce_max3A_550 : vector<16xi32>
        %reduce_max3A_554 = vector.extract %reduce_max3A_553[15] : i32 from vector<16xi32>
        %and3A_555 = arith.constant 15 : i32
        %and3A_556 = arith.andi %add3A_536, %and3A_555 : i32
        %eq3A_557 = vector.broadcast %and3A_556 : i32 to vector<16xi32>
        %eq3A_558 = arith.cmpi eq, %iota3A, %eq3A_557 : vector<16xi32>
        %sub3A_559 = arith.subi %add3A_536, %and3A_556 : i32
        %get3A_560 = arith.index_cast %sub3A_559 : i32 to index
        %get3A_561 = tpu.vector_load %arg8[%get3A_560] {strides = array<i32>} : memref<32xi32, #tpu.memory_space<vmem>>, vector<16xi32>,
        %jit3A_562 = arith.constant 0 : i32
        %broadcast_in_dim3A_563 = vector.broadcast %jit3A_562 : i32 to vector<16xi32>
        %select_n3A_564 = arith.select %eq3A_558, %get3A_561, %broadcast_in_dim3A_563 : vector<16xi1>, vector<16xi32>
        %reduce_max3A_565 = arith.constant true
        %reduce_max3A_566 = vector.broadcast %reduce_max3A_565 : i1 to vector<16xi1>
        %reduce_max3A_567 = arith.constant -2147483648 : i32
        %reduce_max3A_568 = vector.broadcast %reduce_max3A_567 : i32 to vector<16xi32>
        %reduce_max3A_569 = arith.xori %select_n3A_564, %reduce_max3A_568 : vector<16xi32>
        %reduce_max3A_570 = tpu.scan <max>, %reduce_max3A_569 masked %reduce_max3A_566 : vector<16xi32>, vector<16xi1> -> vector<16xi32>
        %reduce_max3A_571 = arith.xori %reduce_max3A_570, %reduce_max3A_568 : vector<16xi32>
        %reduce_max3A_572 = vector.extract %reduce_max3A_571[15] : i32 from vector<16xi32>
        %and3A_573 = arith.constant -128 : i32
        %and3A_574 = arith.andi %reduce_max3A_554, %and3A_573 : i32
        %multiple_of3A_575 = tpu.assume_multiple %and3A_574, 128 : i32
        %and3A_576 = arith.constant -128 : i32
        %and3A_577 = arith.andi %reduce_max3A_572, %and3A_576 : i32
        %multiple_of3A_578 = tpu.assume_multiple %and3A_577, 128 : i32
        %dma_start3A_579 = arith.constant 0 : i32
        %dma_start3A_580 = tpu.memref_slice %arg2[%dma_start3A_579, %multiple_of3A_575] : memref<32x1000000xf32, #tpu.memory_space<hbm>> -> memref<32x128xf32, #tpu.memory_space<hbm>>
        %dma_start3A_581 = arith.constant 0 : i32
        %dma_start3A_582 = tpu.memref_slice %arg2[%dma_start3A_581, %multiple_of3A_575] : memref<32x1000000xf32, #tpu.memory_space<hbm>> -> memref<32x128xf32, #tpu.memory_space<hbm>>
        tpu.enqueue_dma source(%dma_start3A_582 : memref<32x128xf32, #tpu.memory_space<hbm>>) target(%arg11 : memref<32x128xf32, #tpu.memory_space<vmem>>) target_semaphore(%arg19 : memref<!tpu.dma_semaphore, #tpu.memory_space<semaphore_mem>>)
        %dma_start3A_583 = arith.constant 0 : i32
        %dma_start3A_584 = tpu.memref_slice %arg3[%dma_start3A_583, %multiple_of3A_578] : memref<32x1000000xf32, #tpu.memory_space<hbm>> -> memref<32x128xf32, #tpu.memory_space<hbm>>
        %dma_start3A_585 = arith.constant 0 : i32
        %dma_start3A_586 = tpu.memref_slice %arg3[%dma_start3A_585, %multiple_of3A_578] : memref<32x1000000xf32, #tpu.memory_space<hbm>> -> memref<32x128xf32, #tpu.memory_space<hbm>>
        tpu.enqueue_dma source(%dma_start3A_586 : memref<32x128xf32, #tpu.memory_space<hbm>>) target(%arg15 : memref<32x128xf32, #tpu.memory_space<vmem>>) target_semaphore(%arg23 : memref<!tpu.dma_semaphore, #tpu.memory_space<semaphore_mem>>)
      } else {
      }
      %add3A_373 = arith.constant 2 : i32
      %add3A_374 = arith.addi %mul3A_216, %add3A_373 : i32
      %dma_wait3A_375 = arith.constant 0 : i32
      %dma_wait3A_376 = arith.constant 0 : i32
      %dma_wait3A_377 = tpu.memref_slice %arg2[%dma_wait3A_375, %dma_wait3A_376] : memref<32x1000000xf32, #tpu.memory_space<hbm>> -> memref<32x128xf32, #tpu.memory_space<hbm>>
      %dma_wait3A_378 = arith.constant 0 : i32
      %dma_wait3A_379 = arith.constant 0 : i32
      %dma_wait3A_380 = tpu.memref_slice %arg2[%dma_wait3A_378, %dma_wait3A_379] : memref<32x1000000xf32, #tpu.memory_space<hbm>> -> memref<32x128xf32, #tpu.memory_space<hbm>>
      tpu.wait_dma2 semaphore(%arg20 : memref<!tpu.dma_semaphore, #tpu.memory_space<semaphore_mem>>) src(%dma_wait3A_380 : memref<32x128xf32, #tpu.memory_space<hbm>>) dst(%arg12 : memref<32x128xf32, #tpu.memory_space<vmem>>)
      %dma_wait3A_381 = arith.constant 0 : i32
      %dma_wait3A_382 = arith.constant 0 : i32
      %dma_wait3A_383 = tpu.memref_slice %arg3[%dma_wait3A_381, %dma_wait3A_382] : memref<32x1000000xf32, #tpu.memory_space<hbm>> -> memref<32x128xf32, #tpu.memory_space<hbm>>
      %dma_wait3A_384 = arith.constant 0 : i32
      %dma_wait3A_385 = arith.constant 0 : i32
      %dma_wait3A_386 = tpu.memref_slice %arg3[%dma_wait3A_384, %dma_wait3A_385] : memref<32x1000000xf32, #tpu.memory_space<hbm>> -> memref<32x128xf32, #tpu.memory_space<hbm>>
      tpu.wait_dma2 semaphore(%arg24 : memref<!tpu.dma_semaphore, #tpu.memory_space<semaphore_mem>>) src(%dma_wait3A_386 : memref<32x128xf32, #tpu.memory_space<hbm>>) dst(%arg16 : memref<32x128xf32, #tpu.memory_space<vmem>>)
      %and3A_387 = arith.constant 15 : i32
      %and3A_388 = arith.andi %add3A_374, %and3A_387 : i32
      %eq3A_389 = vector.broadcast %and3A_388 : i32 to vector<16xi32>
      %eq3A_390 = arith.cmpi eq, %iota3A, %eq3A_389 : vector<16xi32>
      %sub3A_391 = arith.subi %add3A_374, %and3A_388 : i32
      %get3A_392 = arith.index_cast %sub3A_391 : i32 to index
      %get3A_393 = tpu.vector_load %arg7[%get3A_392] {strides = array<i32>} : memref<32xi32, #tpu.memory_space<vmem>>, vector<16xi32>,
      %jit3A_394 = arith.constant 0 : i32
      %broadcast_in_dim3A_395 = vector.broadcast %jit3A_394 : i32 to vector<16xi32>
      %select_n3A_396 = arith.select %eq3A_390, %get3A_393, %broadcast_in_dim3A_395 : vector<16xi1>, vector<16xi32>
      %reduce_max3A_397 = arith.constant true
      %reduce_max3A_398 = vector.broadcast %reduce_max3A_397 : i1 to vector<16xi1>
      %reduce_max3A_399 = arith.constant -2147483648 : i32
      %reduce_max3A_400 = vector.broadcast %reduce_max3A_399 : i32 to vector<16xi32>
      %reduce_max3A_401 = arith.xori %select_n3A_396, %reduce_max3A_400 : vector<16xi32>
      %reduce_max3A_402 = tpu.scan <max>, %reduce_max3A_401 masked %reduce_max3A_398 : vector<16xi32>, vector<16xi1> -> vector<16xi32>
      %reduce_max3A_403 = arith.xori %reduce_max3A_402, %reduce_max3A_400 : vector<16xi32>
      %reduce_max3A_404 = vector.extract %reduce_max3A_403[15] : i32 from vector<16xi32>
      %and3A_405 = arith.constant 127 : i32
      %and3A_406 = arith.andi %reduce_max3A_404, %and3A_405 : i32
      %broadcast_in_dim3A_407 = vector.broadcast %and3A_406 : i32 to vector<16xi32>
      %and3A_408 = arith.constant 15 : i32
      %and3A_409 = arith.andi %add3A_374, %and3A_408 : i32
      %eq3A_410 = vector.broadcast %and3A_409 : i32 to vector<16xi32>
      %eq3A_411 = arith.cmpi eq, %iota3A, %eq3A_410 : vector<16xi32>
      %sub3A_412 = arith.subi %add3A_374, %and3A_409 : i32
      %get3A_413 = arith.index_cast %sub3A_412 : i32 to index
      %get3A_414 = tpu.vector_load %arg8[%get3A_413] {strides = array<i32>} : memref<32xi32, #tpu.memory_space<vmem>>, vector<16xi32>,
      %jit3A_415 = arith.constant 0 : i32
      %broadcast_in_dim3A_416 = vector.broadcast %jit3A_415 : i32 to vector<16xi32>
      %select_n3A_417 = arith.select %eq3A_411, %get3A_414, %broadcast_in_dim3A_416 : vector<16xi1>, vector<16xi32>
      %reduce_max3A_418 = arith.constant true
      %reduce_max3A_419 = vector.broadcast %reduce_max3A_418 : i1 to vector<16xi1>
      %reduce_max3A_420 = arith.constant -2147483648 : i32
      %reduce_max3A_421 = vector.broadcast %reduce_max3A_420 : i32 to vector<16xi32>
      %reduce_max3A_422 = arith.xori %select_n3A_417, %reduce_max3A_421 : vector<16xi32>
      %reduce_max3A_423 = tpu.scan <max>, %reduce_max3A_422 masked %reduce_max3A_419 : vector<16xi32>, vector<16xi1> -> vector<16xi32>
      %reduce_max3A_424 = arith.xori %reduce_max3A_423, %reduce_max3A_421 : vector<16xi32>
      %reduce_max3A_425 = vector.extract %reduce_max3A_424[15] : i32 from vector<16xi32>
      %and3A_426 = arith.constant 127 : i32
      %and3A_427 = arith.andi %reduce_max3A_425, %and3A_426 : i32
      %broadcast_in_dim3A_428 = vector.broadcast %and3A_427 : i32 to vector<16xi32>
      %gather3A_429 = tpu.vector_load_idx %arg12[%iota3A, %broadcast_in_dim3A_407] : memref<32x128xf32, #tpu.memory_space<vmem>>[vector<16xi32>, vector<16xi32>], vector<16xf32>,
      %gather3A_430 = tpu.vector_load_idx %arg16[%iota3A, %broadcast_in_dim3A_428] : memref<32x128xf32, #tpu.memory_space<vmem>>[vector<16xi32>, vector<16xi32>], vector<16xf32>,
      %add3A_431 = arith.addf %gather3A_429, %gather3A_430 : vector<16xf32>
      %add3A_432 = arith.constant 16 : i32
      %add3A_433 = vector.broadcast %add3A_432 : i32 to vector<16xi32>
      %add3A_434 = arith.addi %iota3A, %add3A_433 : vector<16xi32>
      %gather3A_435 = tpu.vector_load_idx %arg12[%add3A_434, %broadcast_in_dim3A_407] : memref<32x128xf32, #tpu.memory_space<vmem>>[vector<16xi32>, vector<16xi32>], vector<16xf32>,
      %add3A_436 = arith.constant 16 : i32
      %add3A_437 = vector.broadcast %add3A_436 : i32 to vector<16xi32>
      %add3A_438 = arith.addi %iota3A, %add3A_437 : vector<16xi32>
      %gather3A_439 = tpu.vector_load_idx %arg16[%add3A_438, %broadcast_in_dim3A_428] : memref<32x128xf32, #tpu.memory_space<vmem>>[vector<16xi32>, vector<16xi32>], vector<16xf32>,
      %add3A_440 = arith.addf %gather3A_435, %gather3A_439 : vector<16xf32>
      %swap3A_441 = arith.index_cast %add3A_374 : i32 to index
      %swap3A_442 = arith.constant 0 : index
      %swap3A_443 = tpu.vector_load %arg9[%swap3A_441, %swap3A_442] {strides = array<i32>} : memref<32x32xf32, #tpu.memory_space<vmem>>, vector<16xf32>,
      tpu.vector_store %arg9[%swap3A_441, %swap3A_442], %add3A_431 {strides = array<i32>} : memref<32x32xf32, #tpu.memory_space<vmem>>, vector<16xf32>,
      %swap3A_444 = arith.index_cast %add3A_374 : i32 to index
      %swap3A_445 = arith.constant 16 : index
      %swap3A_446 = tpu.vector_load %arg9[%swap3A_444, %swap3A_445] {strides = array<i32>} : memref<32x32xf32, #tpu.memory_space<vmem>>, vector<16xf32>,
      tpu.vector_store %arg9[%swap3A_444, %swap3A_445], %add3A_440 {strides = array<i32>} : memref<32x32xf32, #tpu.memory_space<vmem>>, vector<16xf32>,
      %add3A_447 = arith.constant 4 : i32
      %add3A_448 = arith.addi %add3A_374, %add3A_447 : i32
      %lt3A_449 = arith.constant 32 : i32
      %lt3A_450 = arith.cmpi slt, %add3A_448, %lt3A_449 : i32
      %convert_element_type3A_451 = arith.extui %lt3A_450 : i1 to i32
      %cond3A_452 = arith.constant 0 : i32
      %cond3A_453 = arith.cmpi ne, %convert_element_type3A_451, %cond3A_452 : i32
      scf.if %cond3A_453 {
        %add3A_535 = arith.constant 4 : i32
        %add3A_536 = arith.addi %add3A_374, %add3A_535 : i32
        %and3A_537 = arith.constant 15 : i32
        %and3A_538 = arith.andi %add3A_536, %and3A_537 : i32
        %eq3A_539 = vector.broadcast %and3A_538 : i32 to vector<16xi32>
        %eq3A_540 = arith.cmpi eq, %iota3A, %eq3A_539 : vector<16xi32>
        %sub3A_541 = arith.subi %add3A_536, %and3A_538 : i32
        %get3A_542 = arith.index_cast %sub3A_541 : i32 to index
        %get3A_543 = tpu.vector_load %arg7[%get3A_542] {strides = array<i32>} : memref<32xi32, #tpu.memory_space<vmem>>, vector<16xi32>,
        %jit3A_544 = arith.constant 0 : i32
        %broadcast_in_dim3A_545 = vector.broadcast %jit3A_544 : i32 to vector<16xi32>
        %select_n3A_546 = arith.select %eq3A_540, %get3A_543, %broadcast_in_dim3A_545 : vector<16xi1>, vector<16xi32>
        %reduce_max3A_547 = arith.constant true
        %reduce_max3A_548 = vector.broadcast %reduce_max3A_547 : i1 to vector<16xi1>
        %reduce_max3A_549 = arith.constant -2147483648 : i32
        %reduce_max3A_550 = vector.broadcast %reduce_max3A_549 : i32 to vector<16xi32>
        %reduce_max3A_551 = arith.xori %select_n3A_546, %reduce_max3A_550 : vector<16xi32>
        %reduce_max3A_552 = tpu.scan <max>, %reduce_max3A_551 masked %reduce_max3A_548 : vector<16xi32>, vector<16xi1> -> vector<16xi32>
        %reduce_max3A_553 = arith.xori %reduce_max3A_552, %reduce_max3A_550 : vector<16xi32>
        %reduce_max3A_554 = vector.extract %reduce_max3A_553[15] : i32 from vector<16xi32>
        %and3A_555 = arith.constant 15 : i32
        %and3A_556 = arith.andi %add3A_536, %and3A_555 : i32
        %eq3A_557 = vector.broadcast %and3A_556 : i32 to vector<16xi32>
        %eq3A_558 = arith.cmpi eq, %iota3A, %eq3A_557 : vector<16xi32>
        %sub3A_559 = arith.subi %add3A_536, %and3A_556 : i32
        %get3A_560 = arith.index_cast %sub3A_559 : i32 to index
        %get3A_561 = tpu.vector_load %arg8[%get3A_560] {strides = array<i32>} : memref<32xi32, #tpu.memory_space<vmem>>, vector<16xi32>,
        %jit3A_562 = arith.constant 0 : i32
        %broadcast_in_dim3A_563 = vector.broadcast %jit3A_562 : i32 to vector<16xi32>
        %select_n3A_564 = arith.select %eq3A_558, %get3A_561, %broadcast_in_dim3A_563 : vector<16xi1>, vector<16xi32>
        %reduce_max3A_565 = arith.constant true
        %reduce_max3A_566 = vector.broadcast %reduce_max3A_565 : i1 to vector<16xi1>
        %reduce_max3A_567 = arith.constant -2147483648 : i32
        %reduce_max3A_568 = vector.broadcast %reduce_max3A_567 : i32 to vector<16xi32>
        %reduce_max3A_569 = arith.xori %select_n3A_564, %reduce_max3A_568 : vector<16xi32>
        %reduce_max3A_570 = tpu.scan <max>, %reduce_max3A_569 masked %reduce_max3A_566 : vector<16xi32>, vector<16xi1> -> vector<16xi32>
        %reduce_max3A_571 = arith.xori %reduce_max3A_570, %reduce_max3A_568 : vector<16xi32>
        %reduce_max3A_572 = vector.extract %reduce_max3A_571[15] : i32 from vector<16xi32>
        %and3A_573 = arith.constant -128 : i32
        %and3A_574 = arith.andi %reduce_max3A_554, %and3A_573 : i32
        %multiple_of3A_575 = tpu.assume_multiple %and3A_574, 128 : i32
        %and3A_576 = arith.constant -128 : i32
        %and3A_577 = arith.andi %reduce_max3A_572, %and3A_576 : i32
        %multiple_of3A_578 = tpu.assume_multiple %and3A_577, 128 : i32
        %dma_start3A_579 = arith.constant 0 : i32
        %dma_start3A_580 = tpu.memref_slice %arg2[%dma_start3A_579, %multiple_of3A_575] : memref<32x1000000xf32, #tpu.memory_space<hbm>> -> memref<32x128xf32, #tpu.memory_space<hbm>>
        %dma_start3A_581 = arith.constant 0 : i32
        %dma_start3A_582 = tpu.memref_slice %arg2[%dma_start3A_581, %multiple_of3A_575] : memref<32x1000000xf32, #tpu.memory_space<hbm>> -> memref<32x128xf32, #tpu.memory_space<hbm>>
        tpu.enqueue_dma source(%dma_start3A_582 : memref<32x128xf32, #tpu.memory_space<hbm>>) target(%arg12 : memref<32x128xf32, #tpu.memory_space<vmem>>) target_semaphore(%arg20 : memref<!tpu.dma_semaphore, #tpu.memory_space<semaphore_mem>>)
        %dma_start3A_583 = arith.constant 0 : i32
        %dma_start3A_584 = tpu.memref_slice %arg3[%dma_start3A_583, %multiple_of3A_578] : memref<32x1000000xf32, #tpu.memory_space<hbm>> -> memref<32x128xf32, #tpu.memory_space<hbm>>
        %dma_start3A_585 = arith.constant 0 : i32
        %dma_start3A_586 = tpu.memref_slice %arg3[%dma_start3A_585, %multiple_of3A_578] : memref<32x1000000xf32, #tpu.memory_space<hbm>> -> memref<32x128xf32, #tpu.memory_space<hbm>>
        tpu.enqueue_dma source(%dma_start3A_586 : memref<32x128xf32, #tpu.memory_space<hbm>>) target(%arg16 : memref<32x128xf32, #tpu.memory_space<vmem>>) target_semaphore(%arg24 : memref<!tpu.dma_semaphore, #tpu.memory_space<semaphore_mem>>)
      } else {
      }
      %add3A_454 = arith.constant 3 : i32
      %add3A_455 = arith.addi %mul3A_216, %add3A_454 : i32
      %dma_wait3A_456 = arith.constant 0 : i32
      %dma_wait3A_457 = arith.constant 0 : i32
      %dma_wait3A_458 = tpu.memref_slice %arg2[%dma_wait3A_456, %dma_wait3A_457] : memref<32x1000000xf32, #tpu.memory_space<hbm>> -> memref<32x128xf32, #tpu.memory_space<hbm>>
      %dma_wait3A_459 = arith.constant 0 : i32
      %dma_wait3A_460 = arith.constant 0 : i32
      %dma_wait3A_461 = tpu.memref_slice %arg2[%dma_wait3A_459, %dma_wait3A_460] : memref<32x1000000xf32, #tpu.memory_space<hbm>> -> memref<32x128xf32, #tpu.memory_space<hbm>>
      tpu.wait_dma2 semaphore(%arg21 : memref<!tpu.dma_semaphore, #tpu.memory_space<semaphore_mem>>) src(%dma_wait3A_461 : memref<32x128xf32, #tpu.memory_space<hbm>>) dst(%arg13 : memref<32x128xf32, #tpu.memory_space<vmem>>)
      %dma_wait3A_462 = arith.constant 0 : i32
      %dma_wait3A_463 = arith.constant 0 : i32
      %dma_wait3A_464 = tpu.memref_slice %arg3[%dma_wait3A_462, %dma_wait3A_463] : memref<32x1000000xf32, #tpu.memory_space<hbm>> -> memref<32x128xf32, #tpu.memory_space<hbm>>
      %dma_wait3A_465 = arith.constant 0 : i32
      %dma_wait3A_466 = arith.constant 0 : i32
      %dma_wait3A_467 = tpu.memref_slice %arg3[%dma_wait3A_465, %dma_wait3A_466] : memref<32x1000000xf32, #tpu.memory_space<hbm>> -> memref<32x128xf32, #tpu.memory_space<hbm>>
      tpu.wait_dma2 semaphore(%arg25 : memref<!tpu.dma_semaphore, #tpu.memory_space<semaphore_mem>>) src(%dma_wait3A_467 : memref<32x128xf32, #tpu.memory_space<hbm>>) dst(%arg17 : memref<32x128xf32, #tpu.memory_space<vmem>>)
      %and3A_468 = arith.constant 15 : i32
      %and3A_469 = arith.andi %add3A_455, %and3A_468 : i32
      %eq3A_470 = vector.broadcast %and3A_469 : i32 to vector<16xi32>
      %eq3A_471 = arith.cmpi eq, %iota3A, %eq3A_470 : vector<16xi32>
      %sub3A_472 = arith.subi %add3A_455, %and3A_469 : i32
      %get3A_473 = arith.index_cast %sub3A_472 : i32 to index
      %get3A_474 = tpu.vector_load %arg7[%get3A_473] {strides = array<i32>} : memref<32xi32, #tpu.memory_space<vmem>>, vector<16xi32>,
      %jit3A_475 = arith.constant 0 : i32
      %broadcast_in_dim3A_476 = vector.broadcast %jit3A_475 : i32 to vector<16xi32>
      %select_n3A_477 = arith.select %eq3A_471, %get3A_474, %broadcast_in_dim3A_476 : vector<16xi1>, vector<16xi32>
      %reduce_max3A_478 = arith.constant true
      %reduce_max3A_479 = vector.broadcast %reduce_max3A_478 : i1 to vector<16xi1>
      %reduce_max3A_480 = arith.constant -2147483648 : i32
      %reduce_max3A_481 = vector.broadcast %reduce_max3A_480 : i32 to vector<16xi32>
      %reduce_max3A_482 = arith.xori %select_n3A_477, %reduce_max3A_481 : vector<16xi32>
      %reduce_max3A_483 = tpu.scan <max>, %reduce_max3A_482 masked %reduce_max3A_479 : vector<16xi32>, vector<16xi1> -> vector<16xi32>
      %reduce_max3A_484 = arith.xori %reduce_max3A_483, %reduce_max3A_481 : vector<16xi32>
      %reduce_max3A_485 = vector.extract %reduce_max3A_484[15] : i32 from vector<16xi32>
      %and3A_486 = arith.constant 127 : i32
      %and3A_487 = arith.andi %reduce_max3A_485, %and3A_486 : i32
      %broadcast_in_dim3A_488 = vector.broadcast %and3A_487 : i32 to vector<16xi32>
      %and3A_489 = arith.constant 15 : i32
      %and3A_490 = arith.andi %add3A_455, %and3A_489 : i32
      %eq3A_491 = vector.broadcast %and3A_490 : i32 to vector<16xi32>
      %eq3A_492 = arith.cmpi eq, %iota3A, %eq3A_491 : vector<16xi32>
      %sub3A_493 = arith.subi %add3A_455, %and3A_490 : i32
      %get3A_494 = arith.index_cast %sub3A_493 : i32 to index
      %get3A_495 = tpu.vector_load %arg8[%get3A_494] {strides = array<i32>} : memref<32xi32, #tpu.memory_space<vmem>>, vector<16xi32>,
      %jit3A_496 = arith.constant 0 : i32
      %broadcast_in_dim3A_497 = vector.broadcast %jit3A_496 : i32 to vector<16xi32>
      %select_n3A_498 = arith.select %eq3A_492, %get3A_495, %broadcast_in_dim3A_497 : vector<16xi1>, vector<16xi32>
      %reduce_max3A_499 = arith.constant true
      %reduce_max3A_500 = vector.broadcast %reduce_max3A_499 : i1 to vector<16xi1>
      %reduce_max3A_501 = arith.constant -2147483648 : i32
      %reduce_max3A_502 = vector.broadcast %reduce_max3A_501 : i32 to vector<16xi32>
      %reduce_max3A_503 = arith.xori %select_n3A_498, %reduce_max3A_502 : vector<16xi32>
      %reduce_max3A_504 = tpu.scan <max>, %reduce_max3A_503 masked %reduce_max3A_500 : vector<16xi32>, vector<16xi1> -> vector<16xi32>
      %reduce_max3A_505 = arith.xori %reduce_max3A_504, %reduce_max3A_502 : vector<16xi32>
      %reduce_max3A_506 = vector.extract %reduce_max3A_505[15] : i32 from vector<16xi32>
      %and3A_507 = arith.constant 127 : i32
      %and3A_508 = arith.andi %reduce_max3A_506, %and3A_507 : i32
      %broadcast_in_dim3A_509 = vector.broadcast %and3A_508 : i32 to vector<16xi32>
      %gather3A_510 = tpu.vector_load_idx %arg13[%iota3A, %broadcast_in_dim3A_488] : memref<32x128xf32, #tpu.memory_space<vmem>>[vector<16xi32>, vector<16xi32>], vector<16xf32>,
      %gather3A_511 = tpu.vector_load_idx %arg17[%iota3A, %broadcast_in_dim3A_509] : memref<32x128xf32, #tpu.memory_space<vmem>>[vector<16xi32>, vector<16xi32>], vector<16xf32>,
      %add3A_512 = arith.addf %gather3A_510, %gather3A_511 : vector<16xf32>
      %add3A_513 = arith.constant 16 : i32
      %add3A_514 = vector.broadcast %add3A_513 : i32 to vector<16xi32>
      %add3A_515 = arith.addi %iota3A, %add3A_514 : vector<16xi32>
      %gather3A_516 = tpu.vector_load_idx %arg13[%add3A_515, %broadcast_in_dim3A_488] : memref<32x128xf32, #tpu.memory_space<vmem>>[vector<16xi32>, vector<16xi32>], vector<16xf32>,
      %add3A_517 = arith.constant 16 : i32
      %add3A_518 = vector.broadcast %add3A_517 : i32 to vector<16xi32>
      %add3A_519 = arith.addi %iota3A, %add3A_518 : vector<16xi32>
      %gather3A_520 = tpu.vector_load_idx %arg17[%add3A_519, %broadcast_in_dim3A_509] : memref<32x128xf32, #tpu.memory_space<vmem>>[vector<16xi32>, vector<16xi32>], vector<16xf32>,
      %add3A_521 = arith.addf %gather3A_516, %gather3A_520 : vector<16xf32>
      %swap3A_522 = arith.index_cast %add3A_455 : i32 to index
      %swap3A_523 = arith.constant 0 : index
      %swap3A_524 = tpu.vector_load %arg9[%swap3A_522, %swap3A_523] {strides = array<i32>} : memref<32x32xf32, #tpu.memory_space<vmem>>, vector<16xf32>,
      tpu.vector_store %arg9[%swap3A_522, %swap3A_523], %add3A_512 {strides = array<i32>} : memref<32x32xf32, #tpu.memory_space<vmem>>, vector<16xf32>,
      %swap3A_525 = arith.index_cast %add3A_455 : i32 to index
      %swap3A_526 = arith.constant 16 : index
      %swap3A_527 = tpu.vector_load %arg9[%swap3A_525, %swap3A_526] {strides = array<i32>} : memref<32x32xf32, #tpu.memory_space<vmem>>, vector<16xf32>,
      tpu.vector_store %arg9[%swap3A_525, %swap3A_526], %add3A_521 {strides = array<i32>} : memref<32x32xf32, #tpu.memory_space<vmem>>, vector<16xf32>,
      %add3A_528 = arith.constant 4 : i32
      %add3A_529 = arith.addi %add3A_455, %add3A_528 : i32
      %lt3A_530 = arith.constant 32 : i32
      %lt3A_531 = arith.cmpi slt, %add3A_529, %lt3A_530 : i32
      %convert_element_type3A_532 = arith.extui %lt3A_531 : i1 to i32
      %cond3A_533 = arith.constant 0 : i32
      %cond3A_534 = arith.cmpi ne, %convert_element_type3A_532, %cond3A_533 : i32
      scf.if %cond3A_534 {
        %add3A_535 = arith.constant 4 : i32
        %add3A_536 = arith.addi %add3A_455, %add3A_535 : i32
        %and3A_537 = arith.constant 15 : i32
        %and3A_538 = arith.andi %add3A_536, %and3A_537 : i32
        %eq3A_539 = vector.broadcast %and3A_538 : i32 to vector<16xi32>
        %eq3A_540 = arith.cmpi eq, %iota3A, %eq3A_539 : vector<16xi32>
        %sub3A_541 = arith.subi %add3A_536, %and3A_538 : i32
        %get3A_542 = arith.index_cast %sub3A_541 : i32 to index
        %get3A_543 = tpu.vector_load %arg7[%get3A_542] {strides = array<i32>} : memref<32xi32, #tpu.memory_space<vmem>>, vector<16xi32>,
        %jit3A_544 = arith.constant 0 : i32
        %broadcast_in_dim3A_545 = vector.broadcast %jit3A_544 : i32 to vector<16xi32>
        %select_n3A_546 = arith.select %eq3A_540, %get3A_543, %broadcast_in_dim3A_545 : vector<16xi1>, vector<16xi32>
        %reduce_max3A_547 = arith.constant true
        %reduce_max3A_548 = vector.broadcast %reduce_max3A_547 : i1 to vector<16xi1>
        %reduce_max3A_549 = arith.constant -2147483648 : i32
        %reduce_max3A_550 = vector.broadcast %reduce_max3A_549 : i32 to vector<16xi32>
        %reduce_max3A_551 = arith.xori %select_n3A_546, %reduce_max3A_550 : vector<16xi32>
        %reduce_max3A_552 = tpu.scan <max>, %reduce_max3A_551 masked %reduce_max3A_548 : vector<16xi32>, vector<16xi1> -> vector<16xi32>
        %reduce_max3A_553 = arith.xori %reduce_max3A_552, %reduce_max3A_550 : vector<16xi32>
        %reduce_max3A_554 = vector.extract %reduce_max3A_553[15] : i32 from vector<16xi32>
        %and3A_555 = arith.constant 15 : i32
        %and3A_556 = arith.andi %add3A_536, %and3A_555 : i32
        %eq3A_557 = vector.broadcast %and3A_556 : i32 to vector<16xi32>
        %eq3A_558 = arith.cmpi eq, %iota3A, %eq3A_557 : vector<16xi32>
        %sub3A_559 = arith.subi %add3A_536, %and3A_556 : i32
        %get3A_560 = arith.index_cast %sub3A_559 : i32 to index
        %get3A_561 = tpu.vector_load %arg8[%get3A_560] {strides = array<i32>} : memref<32xi32, #tpu.memory_space<vmem>>, vector<16xi32>,
        %jit3A_562 = arith.constant 0 : i32
        %broadcast_in_dim3A_563 = vector.broadcast %jit3A_562 : i32 to vector<16xi32>
        %select_n3A_564 = arith.select %eq3A_558, %get3A_561, %broadcast_in_dim3A_563 : vector<16xi1>, vector<16xi32>
        %reduce_max3A_565 = arith.constant true
        %reduce_max3A_566 = vector.broadcast %reduce_max3A_565 : i1 to vector<16xi1>
        %reduce_max3A_567 = arith.constant -2147483648 : i32
        %reduce_max3A_568 = vector.broadcast %reduce_max3A_567 : i32 to vector<16xi32>
        %reduce_max3A_569 = arith.xori %select_n3A_564, %reduce_max3A_568 : vector<16xi32>
        %reduce_max3A_570 = tpu.scan <max>, %reduce_max3A_569 masked %reduce_max3A_566 : vector<16xi32>, vector<16xi1> -> vector<16xi32>
        %reduce_max3A_571 = arith.xori %reduce_max3A_570, %reduce_max3A_568 : vector<16xi32>
        %reduce_max3A_572 = vector.extract %reduce_max3A_571[15] : i32 from vector<16xi32>
        %and3A_573 = arith.constant -128 : i32
        %and3A_574 = arith.andi %reduce_max3A_554, %and3A_573 : i32
        %multiple_of3A_575 = tpu.assume_multiple %and3A_574, 128 : i32
        %and3A_576 = arith.constant -128 : i32
        %and3A_577 = arith.andi %reduce_max3A_572, %and3A_576 : i32
        %multiple_of3A_578 = tpu.assume_multiple %and3A_577, 128 : i32
        %dma_start3A_579 = arith.constant 0 : i32
        %dma_start3A_580 = tpu.memref_slice %arg2[%dma_start3A_579, %multiple_of3A_575] : memref<32x1000000xf32, #tpu.memory_space<hbm>> -> memref<32x128xf32, #tpu.memory_space<hbm>>
        %dma_start3A_581 = arith.constant 0 : i32
        %dma_start3A_582 = tpu.memref_slice %arg2[%dma_start3A_581, %multiple_of3A_575] : memref<32x1000000xf32, #tpu.memory_space<hbm>> -> memref<32x128xf32, #tpu.memory_space<hbm>>
        tpu.enqueue_dma source(%dma_start3A_582 : memref<32x128xf32, #tpu.memory_space<hbm>>) target(%arg13 : memref<32x128xf32, #tpu.memory_space<vmem>>) target_semaphore(%arg21 : memref<!tpu.dma_semaphore, #tpu.memory_space<semaphore_mem>>)
        %dma_start3A_583 = arith.constant 0 : i32
        %dma_start3A_584 = tpu.memref_slice %arg3[%dma_start3A_583, %multiple_of3A_578] : memref<32x1000000xf32, #tpu.memory_space<hbm>> -> memref<32x128xf32, #tpu.memory_space<hbm>>
        %dma_start3A_585 = arith.constant 0 : i32
        %dma_start3A_586 = tpu.memref_slice %arg3[%dma_start3A_585, %multiple_of3A_578] : memref<32x1000000xf32, #tpu.memory_space<hbm>> -> memref<32x128xf32, #tpu.memory_space<hbm>>
        tpu.enqueue_dma source(%dma_start3A_586 : memref<32x128xf32, #tpu.memory_space<hbm>>) target(%arg17 : memref<32x128xf32, #tpu.memory_space<vmem>>) target_semaphore(%arg25 : memref<!tpu.dma_semaphore, #tpu.memory_space<semaphore_mem>>)
      } else {
      }
    }
    %scan3A_213 = arith.constant 8 : i32
    "tpu.region"() ({
      %run_scoped3A = tpu.sem_alloc : memref<!tpu.dma_semaphore, #tpu.memory_space<semaphore_mem>>
      %dma_start3A_214 = arith.constant 0 : i32
      %dma_start3A_215 = tpu.memref_slice %arg6[%mul3A_2, %dma_start3A_214] : memref<1024x32xf32, #tpu.memory_space<hbm>> -> memref<32x32xf32, #tpu.memory_space<hbm>>
      %dma_start3A_216 = arith.constant 0 : i32
      %dma_start3A_217 = tpu.memref_slice %arg6[%mul3A_2, %dma_start3A_216] : memref<1024x32xf32, #tpu.memory_space<hbm>> -> memref<32x32xf32, #tpu.memory_space<hbm>>
      tpu.enqueue_dma source(%arg9 : memref<32x32xf32, #tpu.memory_space<vmem>>) target(%dma_start3A_217 : memref<32x32xf32, #tpu.memory_space<hbm>>) target_semaphore(%run_scoped3A : memref<!tpu.dma_semaphore, #tpu.memory_space<semaphore_mem>>)
      %dma_wait3A = arith.constant 0 : i32
      %dma_wait3A_218 = tpu.memref_slice %arg6[%mul3A_2, %dma_wait3A] : memref<1024x32xf32, #tpu.memory_space<hbm>> -> memref<32x32xf32, #tpu.memory_space<hbm>>
      %dma_wait3A_219 = arith.constant 0 : i32
      %dma_wait3A_220 = tpu.memref_slice %arg6[%mul3A_2, %dma_wait3A_219] : memref<1024x32xf32, #tpu.memory_space<hbm>> -> memref<32x32xf32, #tpu.memory_space<hbm>>
      tpu.wait_dma2 semaphore(%run_scoped3A : memref<!tpu.dma_semaphore, #tpu.memory_space<semaphore_mem>>) src(%arg9 : memref<32x32xf32, #tpu.memory_space<vmem>>) dst(%dma_wait3A_220 : memref<32x32xf32, #tpu.memory_space<hbm>>)
      tpu.yield
    }) : () -> ()
    return
  }
}

#map = affine_map<(d0, d1) -> (0, 0)>
#map1 = affine_map<(d0, d1) -> (0)>
module attributes {stable_mosaic.version = 14 : i64} {
  func.func @k(%arg0: i32, %arg1: i32, %arg2: memref<32x1000000xf32, #tpu.memory_space<hbm>>, %arg3: memref<32x1000000xf32, #tpu.memory_space<hbm>>, %arg4: memref<1024xi32, #tpu.memory_space<hbm>>, %arg5: memref<1024xi32, #tpu.memory_space<hbm>>, %arg6: memref<1024x32xf32, #tpu.memory_space<hbm>>, %arg7: memref<32xi32, #tpu.memory_space<vmem>>, %arg8: memref<32xi32, #tpu.memory_space<vmem>>, %arg9: memref<32x32xf32, #tpu.memory_space<vmem>>, %arg10: memref<32x128xf32, #tpu.memory_space<vmem>>, %arg11: memref<32x128xf32, #tpu.memory_space<vmem>>, %arg12: memref<32x128xf32, #tpu.memory_space<vmem>>, %arg13: memref<32x128xf32, #tpu.memory_space<vmem>>, %arg14: memref<32x128xf32, #tpu.memory_space<vmem>>, %arg15: memref<32x128xf32, #tpu.memory_space<vmem>>, %arg16: memref<32x128xf32, #tpu.memory_space<vmem>>, %arg17: memref<32x128xf32, #tpu.memory_space<vmem>>, %arg18: memref<!tpu.dma_semaphore, #tpu.memory_space<semaphore_mem>>, %arg19: memref<!tpu.dma_semaphore, #tpu.memory_space<semaphore_mem>>, %arg20: memref<!tpu.dma_semaphore, #tpu.memory_space<semaphore_mem>>, %arg21: memref<!tpu.dma_semaphore, #tpu.memory_space<semaphore_mem>>, %arg22: memref<!tpu.dma_semaphore, #tpu.memory_space<semaphore_mem>>, %arg23: memref<!tpu.dma_semaphore, #tpu.memory_space<semaphore_mem>>, %arg24: memref<!tpu.dma_semaphore, #tpu.memory_space<semaphore_mem>>, %arg25: memref<!tpu.dma_semaphore, #tpu.memory_space<semaphore_mem>>) attributes {dimension_semantics = [#tpu.dimension_semantics<core_parallel>, #tpu.dimension_semantics<subcore_parallel>], iteration_bounds = array<i64: 2, 16>, scalar_prefetch = 0 : i64, scratch_operands = 19 : i64, tpu.core_type = #tpu.core_type<sc_vector_subcore>, window_params = [{transform_indices = #map}, {transform_indices = #map}, {transform_indices = #map1}, {transform_indices = #map1}, {transform_indices = #map}]} {
    %mul3A = arith.constant 2 : i32
    %mul3A_0 = arith.muli %arg1, %mul3A : i32
    %add3A = arith.addi %mul3A_0, %arg0 : i32
    %mul3A_1 = arith.constant 32 : i32
    %mul3A_2 = arith.muli %add3A, %mul3A_1 : i32
    "tpu.region"() ({
      %run_scoped3A = tpu.sem_alloc : memref<!tpu.dma_semaphore, #tpu.memory_space<semaphore_mem>>
      %dma_start3A_214 = tpu.memref_slice %arg4[%mul3A_2] : memref<1024xi32, #tpu.memory_space<hbm>> -> memref<32xi32, #tpu.memory_space<hbm>>
      %dma_start3A_215 = tpu.memref_slice %arg4[%mul3A_2] : memref<1024xi32, #tpu.memory_space<hbm>> -> memref<32xi32, #tpu.memory_space<hbm>>
      tpu.enqueue_dma source(%dma_start3A_215 : memref<32xi32, #tpu.memory_space<hbm>>) target(%arg7 : memref<32xi32, #tpu.memory_space<vmem>>) target_semaphore(%run_scoped3A : memref<!tpu.dma_semaphore, #tpu.memory_space<semaphore_mem>>)
      %dma_wait3A = tpu.memref_slice %arg4[%mul3A_2] : memref<1024xi32, #tpu.memory_space<hbm>> -> memref<32xi32, #tpu.memory_space<hbm>>
      %dma_wait3A_216 = tpu.memref_slice %arg4[%mul3A_2] : memref<1024xi32, #tpu.memory_space<hbm>> -> memref<32xi32, #tpu.memory_space<hbm>>
      tpu.wait_dma2 semaphore(%run_scoped3A : memref<!tpu.dma_semaphore, #tpu.memory_space<semaphore_mem>>) src(%dma_wait3A_216 : memref<32xi32, #tpu.memory_space<hbm>>) dst(%arg7 : memref<32xi32, #tpu.memory_space<vmem>>)
      tpu.yield
    }) : () -> ()
    "tpu.region"() ({
      %run_scoped3A = tpu.sem_alloc : memref<!tpu.dma_semaphore, #tpu.memory_space<semaphore_mem>>
      %dma_start3A_214 = tpu.memref_slice %arg5[%mul3A_2] : memref<1024xi32, #tpu.memory_space<hbm>> -> memref<32xi32, #tpu.memory_space<hbm>>
      %dma_start3A_215 = tpu.memref_slice %arg5[%mul3A_2] : memref<1024xi32, #tpu.memory_space<hbm>> -> memref<32xi32, #tpu.memory_space<hbm>>
      tpu.enqueue_dma source(%dma_start3A_215 : memref<32xi32, #tpu.memory_space<hbm>>) target(%arg8 : memref<32xi32, #tpu.memory_space<vmem>>) target_semaphore(%run_scoped3A : memref<!tpu.dma_semaphore, #tpu.memory_space<semaphore_mem>>)
      %dma_wait3A = tpu.memref_slice %arg5[%mul3A_2] : memref<1024xi32, #tpu.memory_space<hbm>> -> memref<32xi32, #tpu.memory_space<hbm>>
      %dma_wait3A_216 = tpu.memref_slice %arg5[%mul3A_2] : memref<1024xi32, #tpu.memory_space<hbm>> -> memref<32xi32, #tpu.memory_space<hbm>>
      tpu.wait_dma2 semaphore(%run_scoped3A : memref<!tpu.dma_semaphore, #tpu.memory_space<semaphore_mem>>) src(%dma_wait3A_216 : memref<32xi32, #tpu.memory_space<hbm>>) dst(%arg8 : memref<32xi32, #tpu.memory_space<vmem>>)
      tpu.yield
    }) : () -> ()
    %iota3A = tpu.iota {dimensions = array<i32: 0>} : vector<16xi32>
    %and3A = arith.constant 0 : i32
    %and3A_3 = arith.constant 15 : i32
    %and3A_4 = arith.andi %and3A, %and3A_3 : i32
    %eq3A = vector.broadcast %and3A_4 : i32 to vector<16xi32>
    %eq3A_5 = arith.cmpi eq, %iota3A, %eq3A : vector<16xi32>
    %sub3A = arith.constant 0 : i32
    %sub3A_6 = arith.subi %sub3A, %and3A_4 : i32
    %get3A = arith.index_cast %sub3A_6 : i32 to index
    %get3A_7 = tpu.vector_load %arg7[%get3A] {strides = array<i32>} : memref<32xi32, #tpu.memory_space<vmem>>, vector<16xi32>,
    %jit3A = arith.constant 0 : i32
    %broadcast_in_dim3A = vector.broadcast %jit3A : i32 to vector<16xi32>
    %select_n3A = arith.select %eq3A_5, %get3A_7, %broadcast_in_dim3A : vector<16xi1>, vector<16xi32>
    %reduce_max3A = arith.constant true
    %reduce_max3A_8 = vector.broadcast %reduce_max3A : i1 to vector<16xi1>
    %reduce_max3A_9 = arith.constant -2147483648 : i32
    %reduce_max3A_10 = vector.broadcast %reduce_max3A_9 : i32 to vector<16xi32>
    %reduce_max3A_11 = arith.xori %select_n3A, %reduce_max3A_10 : vector<16xi32>
    %reduce_max3A_12 = tpu.scan <max>, %reduce_max3A_11 masked %reduce_max3A_8 : vector<16xi32>, vector<16xi1> -> vector<16xi32>
    %reduce_max3A_13 = arith.xori %reduce_max3A_12, %reduce_max3A_10 : vector<16xi32>
    %reduce_max3A_14 = vector.extract %reduce_max3A_13[15] : i32 from vector<16xi32>
    %and3A_15 = arith.constant 0 : i32
    %and3A_16 = arith.constant 15 : i32
    %and3A_17 = arith.andi %and3A_15, %and3A_16 : i32
    %eq3A_18 = vector.broadcast %and3A_17 : i32 to vector<16xi32>
    %eq3A_19 = arith.cmpi eq, %iota3A, %eq3A_18 : vector<16xi32>
    %sub3A_20 = arith.constant 0 : i32
    %sub3A_21 = arith.subi %sub3A_20, %and3A_17 : i32
    %get3A_22 = arith.index_cast %sub3A_21 : i32 to index
    %get3A_23 = tpu.vector_load %arg8[%get3A_22] {strides = array<i32>} : memref<32xi32, #tpu.memory_space<vmem>>, vector<16xi32>,
    %jit3A_24 = arith.constant 0 : i32
    %broadcast_in_dim3A_25 = vector.broadcast %jit3A_24 : i32 to vector<16xi32>
    %select_n3A_26 = arith.select %eq3A_19, %get3A_23, %broadcast_in_dim3A_25 : vector<16xi1>, vector<16xi32>
    %reduce_max3A_27 = arith.constant true
    %reduce_max3A_28 = vector.broadcast %reduce_max3A_27 : i1 to vector<16xi1>
    %reduce_max3A_29 = arith.constant -2147483648 : i32
    %reduce_max3A_30 = vector.broadcast %reduce_max3A_29 : i32 to vector<16xi32>
    %reduce_max3A_31 = arith.xori %select_n3A_26, %reduce_max3A_30 : vector<16xi32>
    %reduce_max3A_32 = tpu.scan <max>, %reduce_max3A_31 masked %reduce_max3A_28 : vector<16xi32>, vector<16xi1> -> vector<16xi32>
    %reduce_max3A_33 = arith.xori %reduce_max3A_32, %reduce_max3A_30 : vector<16xi32>
    %reduce_max3A_34 = vector.extract %reduce_max3A_33[15] : i32 from vector<16xi32>
    %and3A_35 = arith.constant -128 : i32
    %and3A_36 = arith.andi %reduce_max3A_14, %and3A_35 : i32
    %multiple_of3A = tpu.assume_multiple %and3A_36, 128 : i32
    %and3A_37 = arith.constant -128 : i32
    %and3A_38 = arith.andi %reduce_max3A_34, %and3A_37 : i32
    %multiple_of3A_39 = tpu.assume_multiple %and3A_38, 128 : i32
    %dma_start3A = arith.constant 0 : i32
    %dma_start3A_40 = tpu.memref_slice %arg2[%dma_start3A, %multiple_of3A] : memref<32x1000000xf32, #tpu.memory_space<hbm>> -> memref<32x128xf32, #tpu.memory_space<hbm>>
    %dma_start3A_41 = arith.constant 0 : i32
    %dma_start3A_42 = tpu.memref_slice %arg2[%dma_start3A_41, %multiple_of3A] : memref<32x1000000xf32, #tpu.memory_space<hbm>> -> memref<32x128xf32, #tpu.memory_space<hbm>>
    tpu.enqueue_dma source(%dma_start3A_42 : memref<32x128xf32, #tpu.memory_space<hbm>>) target(%arg10 : memref<32x128xf32, #tpu.memory_space<vmem>>) target_semaphore(%arg18 : memref<!tpu.dma_semaphore, #tpu.memory_space<semaphore_mem>>)
    %dma_start3A_43 = arith.constant 0 : i32
    %dma_start3A_44 = tpu.memref_slice %arg3[%dma_start3A_43, %multiple_of3A_39] : memref<32x1000000xf32, #tpu.memory_space<hbm>> -> memref<32x128xf32, #tpu.memory_space<hbm>>
    %dma_start3A_45 = arith.constant 0 : i32
    %dma_start3A_46 = tpu.memref_slice %arg3[%dma_start3A_45, %multiple_of3A_39] : memref<32x1000000xf32, #tpu.memory_space<hbm>> -> memref<32x128xf32, #tpu.memory_space<hbm>>
    tpu.enqueue_dma source(%dma_start3A_46 : memref<32x128xf32, #tpu.memory_space<hbm>>) target(%arg14 : memref<32x128xf32, #tpu.memory_space<vmem>>) target_semaphore(%arg22 : memref<!tpu.dma_semaphore, #tpu.memory_space<semaphore_mem>>)
    %and3A_47 = arith.constant 1 : i32
    %and3A_48 = arith.constant 15 : i32
    %and3A_49 = arith.andi %and3A_47, %and3A_48 : i32
    %eq3A_50 = vector.broadcast %and3A_49 : i32 to vector<16xi32>
    %eq3A_51 = arith.cmpi eq, %iota3A, %eq3A_50 : vector<16xi32>
    %sub3A_52 = arith.constant 1 : i32
    %sub3A_53 = arith.subi %sub3A_52, %and3A_49 : i32
    %get3A_54 = arith.index_cast %sub3A_53 : i32 to index
    %get3A_55 = tpu.vector_load %arg7[%get3A_54] {strides = array<i32>} : memref<32xi32, #tpu.memory_space<vmem>>, vector<16xi32>,
    %jit3A_56 = arith.constant 0 : i32
    %broadcast_in_dim3A_57 = vector.broadcast %jit3A_56 : i32 to vector<16xi32>
    %select_n3A_58 = arith.select %eq3A_51, %get3A_55, %broadcast_in_dim3A_57 : vector<16xi1>, vector<16xi32>
    %reduce_max3A_59 = arith.constant true
    %reduce_max3A_60 = vector.broadcast %reduce_max3A_59 : i1 to vector<16xi1>
    %reduce_max3A_61 = arith.constant -2147483648 : i32
    %reduce_max3A_62 = vector.broadcast %reduce_max3A_61 : i32 to vector<16xi32>
    %reduce_max3A_63 = arith.xori %select_n3A_58, %reduce_max3A_62 : vector<16xi32>
    %reduce_max3A_64 = tpu.scan <max>, %reduce_max3A_63 masked %reduce_max3A_60 : vector<16xi32>, vector<16xi1> -> vector<16xi32>
    %reduce_max3A_65 = arith.xori %reduce_max3A_64, %reduce_max3A_62 : vector<16xi32>
    %reduce_max3A_66 = vector.extract %reduce_max3A_65[15] : i32 from vector<16xi32>
    %and3A_67 = arith.constant 1 : i32
    %and3A_68 = arith.constant 15 : i32
    %and3A_69 = arith.andi %and3A_67, %and3A_68 : i32
    %eq3A_70 = vector.broadcast %and3A_69 : i32 to vector<16xi32>
    %eq3A_71 = arith.cmpi eq, %iota3A, %eq3A_70 : vector<16xi32>
    %sub3A_72 = arith.constant 1 : i32
    %sub3A_73 = arith.subi %sub3A_72, %and3A_69 : i32
    %get3A_74 = arith.index_cast %sub3A_73 : i32 to index
    %get3A_75 = tpu.vector_load %arg8[%get3A_74] {strides = array<i32>} : memref<32xi32, #tpu.memory_space<vmem>>, vector<16xi32>,
    %jit3A_76 = arith.constant 0 : i32
    %broadcast_in_dim3A_77 = vector.broadcast %jit3A_76 : i32 to vector<16xi32>
    %select_n3A_78 = arith.select %eq3A_71, %get3A_75, %broadcast_in_dim3A_77 : vector<16xi1>, vector<16xi32>
    %reduce_max3A_79 = arith.constant true
    %reduce_max3A_80 = vector.broadcast %reduce_max3A_79 : i1 to vector<16xi1>
    %reduce_max3A_81 = arith.constant -2147483648 : i32
    %reduce_max3A_82 = vector.broadcast %reduce_max3A_81 : i32 to vector<16xi32>
    %reduce_max3A_83 = arith.xori %select_n3A_78, %reduce_max3A_82 : vector<16xi32>
    %reduce_max3A_84 = tpu.scan <max>, %reduce_max3A_83 masked %reduce_max3A_80 : vector<16xi32>, vector<16xi1> -> vector<16xi32>
    %reduce_max3A_85 = arith.xori %reduce_max3A_84, %reduce_max3A_82 : vector<16xi32>
    %reduce_max3A_86 = vector.extract %reduce_max3A_85[15] : i32 from vector<16xi32>
    %and3A_87 = arith.constant -128 : i32
    %and3A_88 = arith.andi %reduce_max3A_66, %and3A_87 : i32
    %multiple_of3A_89 = tpu.assume_multiple %and3A_88, 128 : i32
    %and3A_90 = arith.constant -128 : i32
    %and3A_91 = arith.andi %reduce_max3A_86, %and3A_90 : i32
    %multiple_of3A_92 = tpu.assume_multiple %and3A_91, 128 : i32
    %dma_start3A_93 = arith.constant 0 : i32
    %dma_start3A_94 = tpu.memref_slice %arg2[%dma_start3A_93, %multiple_of3A_89] : memref<32x1000000xf32, #tpu.memory_space<hbm>> -> memref<32x128xf32, #tpu.memory_space<hbm>>
    %dma_start3A_95 = arith.constant 0 : i32
    %dma_start3A_96 = tpu.memref_slice %arg2[%dma_start3A_95, %multiple_of3A_89] : memref<32x1000000xf32, #tpu.memory_space<hbm>> -> memref<32x128xf32, #tpu.memory_space<hbm>>
    tpu.enqueue_dma source(%dma_start3A_96 : memref<32x128xf32, #tpu.memory_space<hbm>>) target(%arg11 : memref<32x128xf32, #tpu.memory_space<vmem>>) target_semaphore(%arg19 : memref<!tpu.dma_semaphore, #tpu.memory_space<semaphore_mem>>)
    %dma_start3A_97 = arith.constant 0 : i32
    %dma_start3A_98 = tpu.memref_slice %arg3[%dma_start3A_97, %multiple_of3A_92] : memref<32x1000000xf32, #tpu.memory_space<hbm>> -> memref<32x128xf32, #tpu.memory_space<hbm>>
    %dma_start3A_99 = arith.constant 0 : i32
    %dma_start3A_100 = tpu.memref_slice %arg3[%dma_start3A_99, %multiple_of3A_92] : memref<32x1000000xf32, #tpu.memory_space<hbm>> -> memref<32x128xf32, #tpu.memory_space<hbm>>
    tpu.enqueue_dma source(%dma_start3A_100 : memref<32x128xf32, #tpu.memory_space<hbm>>) target(%arg15 : memref<32x128xf32, #tpu.memory_space<vmem>>) target_semaphore(%arg23 : memref<!tpu.dma_semaphore, #tpu.memory_space<semaphore_mem>>)
    %and3A_101 = arith.constant 2 : i32
    %and3A_102 = arith.constant 15 : i32
    %and3A_103 = arith.andi %and3A_101, %and3A_102 : i32
    %eq3A_104 = vector.broadcast %and3A_103 : i32 to vector<16xi32>
    %eq3A_105 = arith.cmpi eq, %iota3A, %eq3A_104 : vector<16xi32>
    %sub3A_106 = arith.constant 2 : i32
    %sub3A_107 = arith.subi %sub3A_106, %and3A_103 : i32
    %get3A_108 = arith.index_cast %sub3A_107 : i32 to index
    %get3A_109 = tpu.vector_load %arg7[%get3A_108] {strides = array<i32>} : memref<32xi32, #tpu.memory_space<vmem>>, vector<16xi32>,
    %jit3A_110 = arith.constant 0 : i32
    %broadcast_in_dim3A_111 = vector.broadcast %jit3A_110 : i32 to vector<16xi32>
    %select_n3A_112 = arith.select %eq3A_105, %get3A_109, %broadcast_in_dim3A_111 : vector<16xi1>, vector<16xi32>
    %reduce_max3A_113 = arith.constant true
    %reduce_max3A_114 = vector.broadcast %reduce_max3A_113 : i1 to vector<16xi1>
    %reduce_max3A_115 = arith.constant -2147483648 : i32
    %reduce_max3A_116 = vector.broadcast %reduce_max3A_115 : i32 to vector<16xi32>
    %reduce_max3A_117 = arith.xori %select_n3A_112, %reduce_max3A_116 : vector<16xi32>
    %reduce_max3A_118 = tpu.scan <max>, %reduce_max3A_117 masked %reduce_max3A_114 : vector<16xi32>, vector<16xi1> -> vector<16xi32>
    %reduce_max3A_119 = arith.xori %reduce_max3A_118, %reduce_max3A_116 : vector<16xi32>
    %reduce_max3A_120 = vector.extract %reduce_max3A_119[15] : i32 from vector<16xi32>
    %and3A_121 = arith.constant 2 : i32
    %and3A_122 = arith.constant 15 : i32
    %and3A_123 = arith.andi %and3A_121, %and3A_122 : i32
    %eq3A_124 = vector.broadcast %and3A_123 : i32 to vector<16xi32>
    %eq3A_125 = arith.cmpi eq, %iota3A, %eq3A_124 : vector<16xi32>
    %sub3A_126 = arith.constant 2 : i32
    %sub3A_127 = arith.subi %sub3A_126, %and3A_123 : i32
    %get3A_128 = arith.index_cast %sub3A_127 : i32 to index
    %get3A_129 = tpu.vector_load %arg8[%get3A_128] {strides = array<i32>} : memref<32xi32, #tpu.memory_space<vmem>>, vector<16xi32>,
    %jit3A_130 = arith.constant 0 : i32
    %broadcast_in_dim3A_131 = vector.broadcast %jit3A_130 : i32 to vector<16xi32>
    %select_n3A_132 = arith.select %eq3A_125, %get3A_129, %broadcast_in_dim3A_131 : vector<16xi1>, vector<16xi32>
    %reduce_max3A_133 = arith.constant true
    %reduce_max3A_134 = vector.broadcast %reduce_max3A_133 : i1 to vector<16xi1>
    %reduce_max3A_135 = arith.constant -2147483648 : i32
    %reduce_max3A_136 = vector.broadcast %reduce_max3A_135 : i32 to vector<16xi32>
    %reduce_max3A_137 = arith.xori %select_n3A_132, %reduce_max3A_136 : vector<16xi32>
    %reduce_max3A_138 = tpu.scan <max>, %reduce_max3A_137 masked %reduce_max3A_134 : vector<16xi32>, vector<16xi1> -> vector<16xi32>
    %reduce_max3A_139 = arith.xori %reduce_max3A_138, %reduce_max3A_136 : vector<16xi32>
    %reduce_max3A_140 = vector.extract %reduce_max3A_139[15] : i32 from vector<16xi32>
    %and3A_141 = arith.constant -128 : i32
    %and3A_142 = arith.andi %reduce_max3A_120, %and3A_141 : i32
    %multiple_of3A_143 = tpu.assume_multiple %and3A_142, 128 : i32
    %and3A_144 = arith.constant -128 : i32
    %and3A_145 = arith.andi %reduce_max3A_140, %and3A_144 : i32
    %multiple_of3A_146 = tpu.assume_multiple %and3A_145, 128 : i32
    %dma_start3A_147 = arith.constant 0 : i32
    %dma_start3A_148 = tpu.memref_slice %arg2[%dma_start3A_147, %multiple_of3A_143] : memref<32x1000000xf32, #tpu.memory_space<hbm>> -> memref<32x128xf32, #tpu.memory_space<hbm>>
    %dma_start3A_149 = arith.constant 0 : i32
    %dma_start3A_150 = tpu.memref_slice %arg2[%dma_start3A_149, %multiple_of3A_143] : memref<32x1000000xf32, #tpu.memory_space<hbm>> -> memref<32x128xf32, #tpu.memory_space<hbm>>
    tpu.enqueue_dma source(%dma_start3A_150 : memref<32x128xf32, #tpu.memory_space<hbm>>) target(%arg12 : memref<32x128xf32, #tpu.memory_space<vmem>>) target_semaphore(%arg20 : memref<!tpu.dma_semaphore, #tpu.memory_space<semaphore_mem>>)
    %dma_start3A_151 = arith.constant 0 : i32
    %dma_start3A_152 = tpu.memref_slice %arg3[%dma_start3A_151, %multiple_of3A_146] : memref<32x1000000xf32, #tpu.memory_space<hbm>> -> memref<32x128xf32, #tpu.memory_space<hbm>>
    %dma_start3A_153 = arith.constant 0 : i32
    %dma_start3A_154 = tpu.memref_slice %arg3[%dma_start3A_153, %multiple_of3A_146] : memref<32x1000000xf32, #tpu.memory_space<hbm>> -> memref<32x128xf32, #tpu.memory_space<hbm>>
    tpu.enqueue_dma source(%dma_start3A_154 : memref<32x128xf32, #tpu.memory_space<hbm>>) target(%arg16 : memref<32x128xf32, #tpu.memory_space<vmem>>) target_semaphore(%arg24 : memref<!tpu.dma_semaphore, #tpu.memory_space<semaphore_mem>>)
    %and3A_155 = arith.constant 3 : i32
    %and3A_156 = arith.constant 15 : i32
    %and3A_157 = arith.andi %and3A_155, %and3A_156 : i32
    %eq3A_158 = vector.broadcast %and3A_157 : i32 to vector<16xi32>
    %eq3A_159 = arith.cmpi eq, %iota3A, %eq3A_158 : vector<16xi32>
    %sub3A_160 = arith.constant 3 : i32
    %sub3A_161 = arith.subi %sub3A_160, %and3A_157 : i32
    %get3A_162 = arith.index_cast %sub3A_161 : i32 to index
    %get3A_163 = tpu.vector_load %arg7[%get3A_162] {strides = array<i32>} : memref<32xi32, #tpu.memory_space<vmem>>, vector<16xi32>,
    %jit3A_164 = arith.constant 0 : i32
    %broadcast_in_dim3A_165 = vector.broadcast %jit3A_164 : i32 to vector<16xi32>
    %select_n3A_166 = arith.select %eq3A_159, %get3A_163, %broadcast_in_dim3A_165 : vector<16xi1>, vector<16xi32>
    %reduce_max3A_167 = arith.constant true
    %reduce_max3A_168 = vector.broadcast %reduce_max3A_167 : i1 to vector<16xi1>
    %reduce_max3A_169 = arith.constant -2147483648 : i32
    %reduce_max3A_170 = vector.broadcast %reduce_max3A_169 : i32 to vector<16xi32>
    %reduce_max3A_171 = arith.xori %select_n3A_166, %reduce_max3A_170 : vector<16xi32>
    %reduce_max3A_172 = tpu.scan <max>, %reduce_max3A_171 masked %reduce_max3A_168 : vector<16xi32>, vector<16xi1> -> vector<16xi32>
    %reduce_max3A_173 = arith.xori %reduce_max3A_172, %reduce_max3A_170 : vector<16xi32>
    %reduce_max3A_174 = vector.extract %reduce_max3A_173[15] : i32 from vector<16xi32>
    %and3A_175 = arith.constant 3 : i32
    %and3A_176 = arith.constant 15 : i32
    %and3A_177 = arith.andi %and3A_175, %and3A_176 : i32
    %eq3A_178 = vector.broadcast %and3A_177 : i32 to vector<16xi32>
    %eq3A_179 = arith.cmpi eq, %iota3A, %eq3A_178 : vector<16xi32>
    %sub3A_180 = arith.constant 3 : i32
    %sub3A_181 = arith.subi %sub3A_180, %and3A_177 : i32
    %get3A_182 = arith.index_cast %sub3A_181 : i32 to index
    %get3A_183 = tpu.vector_load %arg8[%get3A_182] {strides = array<i32>} : memref<32xi32, #tpu.memory_space<vmem>>, vector<16xi32>,
    %jit3A_184 = arith.constant 0 : i32
    %broadcast_in_dim3A_185 = vector.broadcast %jit3A_184 : i32 to vector<16xi32>
    %select_n3A_186 = arith.select %eq3A_179, %get3A_183, %broadcast_in_dim3A_185 : vector<16xi1>, vector<16xi32>
    %reduce_max3A_187 = arith.constant true
    %reduce_max3A_188 = vector.broadcast %reduce_max3A_187 : i1 to vector<16xi1>
    %reduce_max3A_189 = arith.constant -2147483648 : i32
    %reduce_max3A_190 = vector.broadcast %reduce_max3A_189 : i32 to vector<16xi32>
    %reduce_max3A_191 = arith.xori %select_n3A_186, %reduce_max3A_190 : vector<16xi32>
    %reduce_max3A_192 = tpu.scan <max>, %reduce_max3A_191 masked %reduce_max3A_188 : vector<16xi32>, vector<16xi1> -> vector<16xi32>
    %reduce_max3A_193 = arith.xori %reduce_max3A_192, %reduce_max3A_190 : vector<16xi32>
    %reduce_max3A_194 = vector.extract %reduce_max3A_193[15] : i32 from vector<16xi32>
    %and3A_195 = arith.constant -128 : i32
    %and3A_196 = arith.andi %reduce_max3A_174, %and3A_195 : i32
    %multiple_of3A_197 = tpu.assume_multiple %and3A_196, 128 : i32
    %and3A_198 = arith.constant -128 : i32
    %and3A_199 = arith.andi %reduce_max3A_194, %and3A_198 : i32
    %multiple_of3A_200 = tpu.assume_multiple %and3A_199, 128 : i32
    %dma_start3A_201 = arith.constant 0 : i32
    %dma_start3A_202 = tpu.memref_slice %arg2[%dma_start3A_201, %multiple_of3A_197] : memref<32x1000000xf32, #tpu.memory_space<hbm>> -> memref<32x128xf32, #tpu.memory_space<hbm>>
    %dma_start3A_203 = arith.constant 0 : i32
    %dma_start3A_204 = tpu.memref_slice %arg2[%dma_start3A_203, %multiple_of3A_197] : memref<32x1000000xf32, #tpu.memory_space<hbm>> -> memref<32x128xf32, #tpu.memory_space<hbm>>
    tpu.enqueue_dma source(%dma_start3A_204 : memref<32x128xf32, #tpu.memory_space<hbm>>) target(%arg13 : memref<32x128xf32, #tpu.memory_space<vmem>>) target_semaphore(%arg21 : memref<!tpu.dma_semaphore, #tpu.memory_space<semaphore_mem>>)
    %dma_start3A_205 = arith.constant 0 : i32
    %dma_start3A_206 = tpu.memref_slice %arg3[%dma_start3A_205, %multiple_of3A_200] : memref<32x1000000xf32, #tpu.memory_space<hbm>> -> memref<32x128xf32, #tpu.memory_space<hbm>>
    %dma_start3A_207 = arith.constant 0 : i32
    %dma_start3A_208 = tpu.memref_slice %arg3[%dma_start3A_207, %multiple_of3A_200] : memref<32x1000000xf32, #tpu.memory_space<hbm>> -> memref<32x128xf32, #tpu.memory_space<hbm>>
    tpu.enqueue_dma source(%dma_start3A_208 : memref<32x128xf32, #tpu.memory_space<hbm>>) target(%arg17 : memref<32x128xf32, #tpu.memory_space<vmem>>) target_semaphore(%arg25 : memref<!tpu.dma_semaphore, #tpu.memory_space<semaphore_mem>>)
    %scan3A = arith.constant 0 : i32
    %scan3A_209 = arith.constant 0 : i32
    %scan3A_210 = arith.constant 8 : i32
    %scan3A_211 = arith.addi %scan3A_209, %scan3A_210 : i32
    %scan3A_212 = arith.constant 1 : i32
    scf.for %scan3A_214 = %scan3A_209 to %scan3A_211 step %scan3A_212  : i32 {
      %mul3A_215 = arith.constant 4 : i32
      %mul3A_216 = arith.muli %scan3A_214, %mul3A_215 : i32
      %add3A_217 = arith.constant 0 : i32
      %add3A_218 = arith.addi %mul3A_216, %add3A_217 : i32
      %dma_wait3A = arith.constant 0 : i32
      %dma_wait3A_219 = arith.constant 0 : i32
      %dma_wait3A_220 = tpu.memref_slice %arg2[%dma_wait3A, %dma_wait3A_219] : memref<32x1000000xf32, #tpu.memory_space<hbm>> -> memref<32x128xf32, #tpu.memory_space<hbm>>
      %dma_wait3A_221 = arith.constant 0 : i32
      %dma_wait3A_222 = arith.constant 0 : i32
      %dma_wait3A_223 = tpu.memref_slice %arg2[%dma_wait3A_221, %dma_wait3A_222] : memref<32x1000000xf32, #tpu.memory_space<hbm>> -> memref<32x128xf32, #tpu.memory_space<hbm>>
      tpu.wait_dma2 semaphore(%arg18 : memref<!tpu.dma_semaphore, #tpu.memory_space<semaphore_mem>>) src(%dma_wait3A_223 : memref<32x128xf32, #tpu.memory_space<hbm>>) dst(%arg10 : memref<32x128xf32, #tpu.memory_space<vmem>>)
      %dma_wait3A_224 = arith.constant 0 : i32
      %dma_wait3A_225 = arith.constant 0 : i32
      %dma_wait3A_226 = tpu.memref_slice %arg3[%dma_wait3A_224, %dma_wait3A_225] : memref<32x1000000xf32, #tpu.memory_space<hbm>> -> memref<32x128xf32, #tpu.memory_space<hbm>>
      %dma_wait3A_227 = arith.constant 0 : i32
      %dma_wait3A_228 = arith.constant 0 : i32
      %dma_wait3A_229 = tpu.memref_slice %arg3[%dma_wait3A_227, %dma_wait3A_228] : memref<32x1000000xf32, #tpu.memory_space<hbm>> -> memref<32x128xf32, #tpu.memory_space<hbm>>
      tpu.wait_dma2 semaphore(%arg22 : memref<!tpu.dma_semaphore, #tpu.memory_space<semaphore_mem>>) src(%dma_wait3A_229 : memref<32x128xf32, #tpu.memory_space<hbm>>) dst(%arg14 : memref<32x128xf32, #tpu.memory_space<vmem>>)
      %and3A_230 = arith.constant 15 : i32
      %and3A_231 = arith.andi %add3A_218, %and3A_230 : i32
      %eq3A_232 = vector.broadcast %and3A_231 : i32 to vector<16xi32>
      %eq3A_233 = arith.cmpi eq, %iota3A, %eq3A_232 : vector<16xi32>
      %sub3A_234 = arith.subi %add3A_218, %and3A_231 : i32
      %get3A_235 = arith.index_cast %sub3A_234 : i32 to index
      %get3A_236 = tpu.vector_load %arg7[%get3A_235] {strides = array<i32>} : memref<32xi32, #tpu.memory_space<vmem>>, vector<16xi32>,
      %jit3A_237 = arith.constant 0 : i32
      %broadcast_in_dim3A_238 = vector.broadcast %jit3A_237 : i32 to vector<16xi32>
      %select_n3A_239 = arith.select %eq3A_233, %get3A_236, %broadcast_in_dim3A_238 : vector<16xi1>, vector<16xi32>
      %reduce_max3A_240 = arith.constant true
      %reduce_max3A_241 = vector.broadcast %reduce_max3A_240 : i1 to vector<16xi1>
      %reduce_max3A_242 = arith.constant -2147483648 : i32
      %reduce_max3A_243 = vector.broadcast %reduce_max3A_242 : i32 to vector<16xi32>
      %reduce_max3A_244 = arith.xori %select_n3A_239, %reduce_max3A_243 : vector<16xi32>
      %reduce_max3A_245 = tpu.scan <max>, %reduce_max3A_244 masked %reduce_max3A_241 : vector<16xi32>, vector<16xi1> -> vector<16xi32>
      %reduce_max3A_246 = arith.xori %reduce_max3A_245, %reduce_max3A_243 : vector<16xi32>
      %reduce_max3A_247 = vector.extract %reduce_max3A_246[15] : i32 from vector<16xi32>
      %and3A_248 = arith.constant 127 : i32
      %and3A_249 = arith.andi %reduce_max3A_247, %and3A_248 : i32
      %broadcast_in_dim3A_250 = vector.broadcast %and3A_249 : i32 to vector<16xi32>
      %and3A_251 = arith.constant 15 : i32
      %and3A_252 = arith.andi %add3A_218, %and3A_251 : i32
      %eq3A_253 = vector.broadcast %and3A_252 : i32 to vector<16xi32>
      %eq3A_254 = arith.cmpi eq, %iota3A, %eq3A_253 : vector<16xi32>
      %sub3A_255 = arith.subi %add3A_218, %and3A_252 : i32
      %get3A_256 = arith.index_cast %sub3A_255 : i32 to index
      %get3A_257 = tpu.vector_load %arg8[%get3A_256] {strides = array<i32>} : memref<32xi32, #tpu.memory_space<vmem>>, vector<16xi32>,
      %jit3A_258 = arith.constant 0 : i32
      %broadcast_in_dim3A_259 = vector.broadcast %jit3A_258 : i32 to vector<16xi32>
      %select_n3A_260 = arith.select %eq3A_254, %get3A_257, %broadcast_in_dim3A_259 : vector<16xi1>, vector<16xi32>
      %reduce_max3A_261 = arith.constant true
      %reduce_max3A_262 = vector.broadcast %reduce_max3A_261 : i1 to vector<16xi1>
      %reduce_max3A_263 = arith.constant -2147483648 : i32
      %reduce_max3A_264 = vector.broadcast %reduce_max3A_263 : i32 to vector<16xi32>
      %reduce_max3A_265 = arith.xori %select_n3A_260, %reduce_max3A_264 : vector<16xi32>
      %reduce_max3A_266 = tpu.scan <max>, %reduce_max3A_265 masked %reduce_max3A_262 : vector<16xi32>, vector<16xi1> -> vector<16xi32>
      %reduce_max3A_267 = arith.xori %reduce_max3A_266, %reduce_max3A_264 : vector<16xi32>
      %reduce_max3A_268 = vector.extract %reduce_max3A_267[15] : i32 from vector<16xi32>
      %and3A_269 = arith.constant 127 : i32
      %and3A_270 = arith.andi %reduce_max3A_268, %and3A_269 : i32
      %broadcast_in_dim3A_271 = vector.broadcast %and3A_270 : i32 to vector<16xi32>
      %gather3A = tpu.vector_load_idx %arg10[%iota3A, %broadcast_in_dim3A_250] : memref<32x128xf32, #tpu.memory_space<vmem>>[vector<16xi32>, vector<16xi32>], vector<16xf32>,
      %gather3A_272 = tpu.vector_load_idx %arg14[%iota3A, %broadcast_in_dim3A_271] : memref<32x128xf32, #tpu.memory_space<vmem>>[vector<16xi32>, vector<16xi32>], vector<16xf32>,
      %add3A_273 = arith.addf %gather3A, %gather3A_272 : vector<16xf32>
      %add3A_274 = arith.constant 16 : i32
      %add3A_275 = vector.broadcast %add3A_274 : i32 to vector<16xi32>
      %add3A_276 = arith.addi %iota3A, %add3A_275 : vector<16xi32>
      %gather3A_277 = tpu.vector_load_idx %arg10[%add3A_276, %broadcast_in_dim3A_250] : memref<32x128xf32, #tpu.memory_space<vmem>>[vector<16xi32>, vector<16xi32>], vector<16xf32>,
      %add3A_278 = arith.constant 16 : i32
      %add3A_279 = vector.broadcast %add3A_278 : i32 to vector<16xi32>
      %add3A_280 = arith.addi %iota3A, %add3A_279 : vector<16xi32>
      %gather3A_281 = tpu.vector_load_idx %arg14[%add3A_280, %broadcast_in_dim3A_271] : memref<32x128xf32, #tpu.memory_space<vmem>>[vector<16xi32>, vector<16xi32>], vector<16xf32>,
      %add3A_282 = arith.addf %gather3A_277, %gather3A_281 : vector<16xf32>
      %swap3A = arith.index_cast %add3A_218 : i32 to index
      %swap3A_283 = arith.constant 0 : index
      %swap3A_284 = tpu.vector_load %arg9[%swap3A, %swap3A_283] {strides = array<i32>} : memref<32x32xf32, #tpu.memory_space<vmem>>, vector<16xf32>,
      tpu.vector_store %arg9[%swap3A, %swap3A_283], %add3A_273 {strides = array<i32>} : memref<32x32xf32, #tpu.memory_space<vmem>>, vector<16xf32>,
      %swap3A_285 = arith.index_cast %add3A_218 : i32 to index
      %swap3A_286 = arith.constant 16 : index
      %swap3A_287 = tpu.vector_load %arg9[%swap3A_285, %swap3A_286] {strides = array<i32>} : memref<32x32xf32, #tpu.memory_space<vmem>>, vector<16xf32>,
      tpu.vector_store %arg9[%swap3A_285, %swap3A_286], %add3A_282 {strides = array<i32>} : memref<32x32xf32, #tpu.memory_space<vmem>>, vector<16xf32>,
      %add3A_288 = arith.constant 4 : i32
      %add3A_289 = arith.addi %add3A_218, %add3A_288 : i32
      %lt3A = arith.constant 32 : i32
      %lt3A_290 = arith.cmpi slt, %add3A_289, %lt3A : i32
      %convert_element_type3A = arith.extui %lt3A_290 : i1 to i32
      %cond3A = arith.constant 0 : i32
      %cond3A_291 = arith.cmpi ne, %convert_element_type3A, %cond3A : i32
      scf.if %cond3A_291 {
        %add3A_535 = arith.constant 4 : i32
        %add3A_536 = arith.addi %add3A_218, %add3A_535 : i32
        %and3A_537 = arith.constant 15 : i32
        %and3A_538 = arith.andi %add3A_536, %and3A_537 : i32
        %eq3A_539 = vector.broadcast %and3A_538 : i32 to vector<16xi32>
        %eq3A_540 = arith.cmpi eq, %iota3A, %eq3A_539 : vector<16xi32>
        %sub3A_541 = arith.subi %add3A_536, %and3A_538 : i32
        %get3A_542 = arith.index_cast %sub3A_541 : i32 to index
        %get3A_543 = tpu.vector_load %arg7[%get3A_542] {strides = array<i32>} : memref<32xi32, #tpu.memory_space<vmem>>, vector<16xi32>,
        %jit3A_544 = arith.constant 0 : i32
        %broadcast_in_dim3A_545 = vector.broadcast %jit3A_544 : i32 to vector<16xi32>
        %select_n3A_546 = arith.select %eq3A_540, %get3A_543, %broadcast_in_dim3A_545 : vector<16xi1>, vector<16xi32>
        %reduce_max3A_547 = arith.constant true
        %reduce_max3A_548 = vector.broadcast %reduce_max3A_547 : i1 to vector<16xi1>
        %reduce_max3A_549 = arith.constant -2147483648 : i32
        %reduce_max3A_550 = vector.broadcast %reduce_max3A_549 : i32 to vector<16xi32>
        %reduce_max3A_551 = arith.xori %select_n3A_546, %reduce_max3A_550 : vector<16xi32>
        %reduce_max3A_552 = tpu.scan <max>, %reduce_max3A_551 masked %reduce_max3A_548 : vector<16xi32>, vector<16xi1> -> vector<16xi32>
        %reduce_max3A_553 = arith.xori %reduce_max3A_552, %reduce_max3A_550 : vector<16xi32>
        %reduce_max3A_554 = vector.extract %reduce_max3A_553[15] : i32 from vector<16xi32>
        %and3A_555 = arith.constant 15 : i32
        %and3A_556 = arith.andi %add3A_536, %and3A_555 : i32
        %eq3A_557 = vector.broadcast %and3A_556 : i32 to vector<16xi32>
        %eq3A_558 = arith.cmpi eq, %iota3A, %eq3A_557 : vector<16xi32>
        %sub3A_559 = arith.subi %add3A_536, %and3A_556 : i32
        %get3A_560 = arith.index_cast %sub3A_559 : i32 to index
        %get3A_561 = tpu.vector_load %arg8[%get3A_560] {strides = array<i32>} : memref<32xi32, #tpu.memory_space<vmem>>, vector<16xi32>,
        %jit3A_562 = arith.constant 0 : i32
        %broadcast_in_dim3A_563 = vector.broadcast %jit3A_562 : i32 to vector<16xi32>
        %select_n3A_564 = arith.select %eq3A_558, %get3A_561, %broadcast_in_dim3A_563 : vector<16xi1>, vector<16xi32>
        %reduce_max3A_565 = arith.constant true
        %reduce_max3A_566 = vector.broadcast %reduce_max3A_565 : i1 to vector<16xi1>
        %reduce_max3A_567 = arith.constant -2147483648 : i32
        %reduce_max3A_568 = vector.broadcast %reduce_max3A_567 : i32 to vector<16xi32>
        %reduce_max3A_569 = arith.xori %select_n3A_564, %reduce_max3A_568 : vector<16xi32>
        %reduce_max3A_570 = tpu.scan <max>, %reduce_max3A_569 masked %reduce_max3A_566 : vector<16xi32>, vector<16xi1> -> vector<16xi32>
        %reduce_max3A_571 = arith.xori %reduce_max3A_570, %reduce_max3A_568 : vector<16xi32>
        %reduce_max3A_572 = vector.extract %reduce_max3A_571[15] : i32 from vector<16xi32>
        %and3A_573 = arith.constant -128 : i32
        %and3A_574 = arith.andi %reduce_max3A_554, %and3A_573 : i32
        %multiple_of3A_575 = tpu.assume_multiple %and3A_574, 128 : i32
        %and3A_576 = arith.constant -128 : i32
        %and3A_577 = arith.andi %reduce_max3A_572, %and3A_576 : i32
        %multiple_of3A_578 = tpu.assume_multiple %and3A_577, 128 : i32
        %dma_start3A_579 = arith.constant 0 : i32
        %dma_start3A_580 = tpu.memref_slice %arg2[%dma_start3A_579, %multiple_of3A_575] : memref<32x1000000xf32, #tpu.memory_space<hbm>> -> memref<32x128xf32, #tpu.memory_space<hbm>>
        %dma_start3A_581 = arith.constant 0 : i32
        %dma_start3A_582 = tpu.memref_slice %arg2[%dma_start3A_581, %multiple_of3A_575] : memref<32x1000000xf32, #tpu.memory_space<hbm>> -> memref<32x128xf32, #tpu.memory_space<hbm>>
        tpu.enqueue_dma source(%dma_start3A_582 : memref<32x128xf32, #tpu.memory_space<hbm>>) target(%arg10 : memref<32x128xf32, #tpu.memory_space<vmem>>) target_semaphore(%arg18 : memref<!tpu.dma_semaphore, #tpu.memory_space<semaphore_mem>>)
        %dma_start3A_583 = arith.constant 0 : i32
        %dma_start3A_584 = tpu.memref_slice %arg3[%dma_start3A_583, %multiple_of3A_578] : memref<32x1000000xf32, #tpu.memory_space<hbm>> -> memref<32x128xf32, #tpu.memory_space<hbm>>
        %dma_start3A_585 = arith.constant 0 : i32
        %dma_start3A_586 = tpu.memref_slice %arg3[%dma_start3A_585, %multiple_of3A_578] : memref<32x1000000xf32, #tpu.memory_space<hbm>> -> memref<32x128xf32, #tpu.memory_space<hbm>>
        tpu.enqueue_dma source(%dma_start3A_586 : memref<32x128xf32, #tpu.memory_space<hbm>>) target(%arg14 : memref<32x128xf32, #tpu.memory_space<vmem>>) target_semaphore(%arg22 : memref<!tpu.dma_semaphore, #tpu.memory_space<semaphore_mem>>)
      } else {
      }
      %add3A_292 = arith.constant 1 : i32
      %add3A_293 = arith.addi %mul3A_216, %add3A_292 : i32
      %dma_wait3A_294 = arith.constant 0 : i32
      %dma_wait3A_295 = arith.constant 0 : i32
      %dma_wait3A_296 = tpu.memref_slice %arg2[%dma_wait3A_294, %dma_wait3A_295] : memref<32x1000000xf32, #tpu.memory_space<hbm>> -> memref<32x128xf32, #tpu.memory_space<hbm>>
      %dma_wait3A_297 = arith.constant 0 : i32
      %dma_wait3A_298 = arith.constant 0 : i32
      %dma_wait3A_299 = tpu.memref_slice %arg2[%dma_wait3A_297, %dma_wait3A_298] : memref<32x1000000xf32, #tpu.memory_space<hbm>> -> memref<32x128xf32, #tpu.memory_space<hbm>>
      tpu.wait_dma2 semaphore(%arg19 : memref<!tpu.dma_semaphore, #tpu.memory_space<semaphore_mem>>) src(%dma_wait3A_299 : memref<32x128xf32, #tpu.memory_space<hbm>>) dst(%arg11 : memref<32x128xf32, #tpu.memory_space<vmem>>)
      %dma_wait3A_300 = arith.constant 0 : i32
      %dma_wait3A_301 = arith.constant 0 : i32
      %dma_wait3A_302 = tpu.memref_slice %arg3[%dma_wait3A_300, %dma_wait3A_301] : memref<32x1000000xf32, #tpu.memory_space<hbm>> -> memref<32x128xf32, #tpu.memory_space<hbm>>
      %dma_wait3A_303 = arith.constant 0 : i32
      %dma_wait3A_304 = arith.constant 0 : i32
      %dma_wait3A_305 = tpu.memref_slice %arg3[%dma_wait3A_303, %dma_wait3A_304] : memref<32x1000000xf32, #tpu.memory_space<hbm>> -> memref<32x128xf32, #tpu.memory_space<hbm>>
      tpu.wait_dma2 semaphore(%arg23 : memref<!tpu.dma_semaphore, #tpu.memory_space<semaphore_mem>>) src(%dma_wait3A_305 : memref<32x128xf32, #tpu.memory_space<hbm>>) dst(%arg15 : memref<32x128xf32, #tpu.memory_space<vmem>>)
      %and3A_306 = arith.constant 15 : i32
      %and3A_307 = arith.andi %add3A_293, %and3A_306 : i32
      %eq3A_308 = vector.broadcast %and3A_307 : i32 to vector<16xi32>
      %eq3A_309 = arith.cmpi eq, %iota3A, %eq3A_308 : vector<16xi32>
      %sub3A_310 = arith.subi %add3A_293, %and3A_307 : i32
      %get3A_311 = arith.index_cast %sub3A_310 : i32 to index
      %get3A_312 = tpu.vector_load %arg7[%get3A_311] {strides = array<i32>} : memref<32xi32, #tpu.memory_space<vmem>>, vector<16xi32>,
      %jit3A_313 = arith.constant 0 : i32
      %broadcast_in_dim3A_314 = vector.broadcast %jit3A_313 : i32 to vector<16xi32>
      %select_n3A_315 = arith.select %eq3A_309, %get3A_312, %broadcast_in_dim3A_314 : vector<16xi1>, vector<16xi32>
      %reduce_max3A_316 = arith.constant true
      %reduce_max3A_317 = vector.broadcast %reduce_max3A_316 : i1 to vector<16xi1>
      %reduce_max3A_318 = arith.constant -2147483648 : i32
      %reduce_max3A_319 = vector.broadcast %reduce_max3A_318 : i32 to vector<16xi32>
      %reduce_max3A_320 = arith.xori %select_n3A_315, %reduce_max3A_319 : vector<16xi32>
      %reduce_max3A_321 = tpu.scan <max>, %reduce_max3A_320 masked %reduce_max3A_317 : vector<16xi32>, vector<16xi1> -> vector<16xi32>
      %reduce_max3A_322 = arith.xori %reduce_max3A_321, %reduce_max3A_319 : vector<16xi32>
      %reduce_max3A_323 = vector.extract %reduce_max3A_322[15] : i32 from vector<16xi32>
      %and3A_324 = arith.constant 127 : i32
      %and3A_325 = arith.andi %reduce_max3A_323, %and3A_324 : i32
      %broadcast_in_dim3A_326 = vector.broadcast %and3A_325 : i32 to vector<16xi32>
      %and3A_327 = arith.constant 15 : i32
      %and3A_328 = arith.andi %add3A_293, %and3A_327 : i32
      %eq3A_329 = vector.broadcast %and3A_328 : i32 to vector<16xi32>
      %eq3A_330 = arith.cmpi eq, %iota3A, %eq3A_329 : vector<16xi32>
      %sub3A_331 = arith.subi %add3A_293, %and3A_328 : i32
      %get3A_332 = arith.index_cast %sub3A_331 : i32 to index
      %get3A_333 = tpu.vector_load %arg8[%get3A_332] {strides = array<i32>} : memref<32xi32, #tpu.memory_space<vmem>>, vector<16xi32>,
      %jit3A_334 = arith.constant 0 : i32
      %broadcast_in_dim3A_335 = vector.broadcast %jit3A_334 : i32 to vector<16xi32>
      %select_n3A_336 = arith.select %eq3A_330, %get3A_333, %broadcast_in_dim3A_335 : vector<16xi1>, vector<16xi32>
      %reduce_max3A_337 = arith.constant true
      %reduce_max3A_338 = vector.broadcast %reduce_max3A_337 : i1 to vector<16xi1>
      %reduce_max3A_339 = arith.constant -2147483648 : i32
      %reduce_max3A_340 = vector.broadcast %reduce_max3A_339 : i32 to vector<16xi32>
      %reduce_max3A_341 = arith.xori %select_n3A_336, %reduce_max3A_340 : vector<16xi32>
      %reduce_max3A_342 = tpu.scan <max>, %reduce_max3A_341 masked %reduce_max3A_338 : vector<16xi32>, vector<16xi1> -> vector<16xi32>
      %reduce_max3A_343 = arith.xori %reduce_max3A_342, %reduce_max3A_340 : vector<16xi32>
      %reduce_max3A_344 = vector.extract %reduce_max3A_343[15] : i32 from vector<16xi32>
      %and3A_345 = arith.constant 127 : i32
      %and3A_346 = arith.andi %reduce_max3A_344, %and3A_345 : i32
      %broadcast_in_dim3A_347 = vector.broadcast %and3A_346 : i32 to vector<16xi32>
      %gather3A_348 = tpu.vector_load_idx %arg11[%iota3A, %broadcast_in_dim3A_326] : memref<32x128xf32, #tpu.memory_space<vmem>>[vector<16xi32>, vector<16xi32>], vector<16xf32>,
      %gather3A_349 = tpu.vector_load_idx %arg15[%iota3A, %broadcast_in_dim3A_347] : memref<32x128xf32, #tpu.memory_space<vmem>>[vector<16xi32>, vector<16xi32>], vector<16xf32>,
      %add3A_350 = arith.addf %gather3A_348, %gather3A_349 : vector<16xf32>
      %add3A_351 = arith.constant 16 : i32
      %add3A_352 = vector.broadcast %add3A_351 : i32 to vector<16xi32>
      %add3A_353 = arith.addi %iota3A, %add3A_352 : vector<16xi32>
      %gather3A_354 = tpu.vector_load_idx %arg11[%add3A_353, %broadcast_in_dim3A_326] : memref<32x128xf32, #tpu.memory_space<vmem>>[vector<16xi32>, vector<16xi32>], vector<16xf32>,
      %add3A_355 = arith.constant 16 : i32
      %add3A_356 = vector.broadcast %add3A_355 : i32 to vector<16xi32>
      %add3A_357 = arith.addi %iota3A, %add3A_356 : vector<16xi32>
      %gather3A_358 = tpu.vector_load_idx %arg15[%add3A_357, %broadcast_in_dim3A_347] : memref<32x128xf32, #tpu.memory_space<vmem>>[vector<16xi32>, vector<16xi32>], vector<16xf32>,
      %add3A_359 = arith.addf %gather3A_354, %gather3A_358 : vector<16xf32>
      %swap3A_360 = arith.index_cast %add3A_293 : i32 to index
      %swap3A_361 = arith.constant 0 : index
      %swap3A_362 = tpu.vector_load %arg9[%swap3A_360, %swap3A_361] {strides = array<i32>} : memref<32x32xf32, #tpu.memory_space<vmem>>, vector<16xf32>,
      tpu.vector_store %arg9[%swap3A_360, %swap3A_361], %add3A_350 {strides = array<i32>} : memref<32x32xf32, #tpu.memory_space<vmem>>, vector<16xf32>,
      %swap3A_363 = arith.index_cast %add3A_293 : i32 to index
      %swap3A_364 = arith.constant 16 : index
      %swap3A_365 = tpu.vector_load %arg9[%swap3A_363, %swap3A_364] {strides = array<i32>} : memref<32x32xf32, #tpu.memory_space<vmem>>, vector<16xf32>,
      tpu.vector_store %arg9[%swap3A_363, %swap3A_364], %add3A_359 {strides = array<i32>} : memref<32x32xf32, #tpu.memory_space<vmem>>, vector<16xf32>,
      %add3A_366 = arith.constant 4 : i32
      %add3A_367 = arith.addi %add3A_293, %add3A_366 : i32
      %lt3A_368 = arith.constant 32 : i32
      %lt3A_369 = arith.cmpi slt, %add3A_367, %lt3A_368 : i32
      %convert_element_type3A_370 = arith.extui %lt3A_369 : i1 to i32
      %cond3A_371 = arith.constant 0 : i32
      %cond3A_372 = arith.cmpi ne, %convert_element_type3A_370, %cond3A_371 : i32
      scf.if %cond3A_372 {
        %add3A_535 = arith.constant 4 : i32
        %add3A_536 = arith.addi %add3A_293, %add3A_535 : i32
        %and3A_537 = arith.constant 15 : i32
        %and3A_538 = arith.andi %add3A_536, %and3A_537 : i32
        %eq3A_539 = vector.broadcast %and3A_538 : i32 to vector<16xi32>
        %eq3A_540 = arith.cmpi eq, %iota3A, %eq3A_539 : vector<16xi32>
        %sub3A_541 = arith.subi %add3A_536, %and3A_538 : i32
        %get3A_542 = arith.index_cast %sub3A_541 : i32 to index
        %get3A_543 = tpu.vector_load %arg7[%get3A_542] {strides = array<i32>} : memref<32xi32, #tpu.memory_space<vmem>>, vector<16xi32>,
        %jit3A_544 = arith.constant 0 : i32
        %broadcast_in_dim3A_545 = vector.broadcast %jit3A_544 : i32 to vector<16xi32>
        %select_n3A_546 = arith.select %eq3A_540, %get3A_543, %broadcast_in_dim3A_545 : vector<16xi1>, vector<16xi32>
        %reduce_max3A_547 = arith.constant true
        %reduce_max3A_548 = vector.broadcast %reduce_max3A_547 : i1 to vector<16xi1>
        %reduce_max3A_549 = arith.constant -2147483648 : i32
        %reduce_max3A_550 = vector.broadcast %reduce_max3A_549 : i32 to vector<16xi32>
        %reduce_max3A_551 = arith.xori %select_n3A_546, %reduce_max3A_550 : vector<16xi32>
        %reduce_max3A_552 = tpu.scan <max>, %reduce_max3A_551 masked %reduce_max3A_548 : vector<16xi32>, vector<16xi1> -> vector<16xi32>
        %reduce_max3A_553 = arith.xori %reduce_max3A_552, %reduce_max3A_550 : vector<16xi32>
        %reduce_max3A_554 = vector.extract %reduce_max3A_553[15] : i32 from vector<16xi32>
        %and3A_555 = arith.constant 15 : i32
        %and3A_556 = arith.andi %add3A_536, %and3A_555 : i32
        %eq3A_557 = vector.broadcast %and3A_556 : i32 to vector<16xi32>
        %eq3A_558 = arith.cmpi eq, %iota3A, %eq3A_557 : vector<16xi32>
        %sub3A_559 = arith.subi %add3A_536, %and3A_556 : i32
        %get3A_560 = arith.index_cast %sub3A_559 : i32 to index
        %get3A_561 = tpu.vector_load %arg8[%get3A_560] {strides = array<i32>} : memref<32xi32, #tpu.memory_space<vmem>>, vector<16xi32>,
        %jit3A_562 = arith.constant 0 : i32
        %broadcast_in_dim3A_563 = vector.broadcast %jit3A_562 : i32 to vector<16xi32>
        %select_n3A_564 = arith.select %eq3A_558, %get3A_561, %broadcast_in_dim3A_563 : vector<16xi1>, vector<16xi32>
        %reduce_max3A_565 = arith.constant true
        %reduce_max3A_566 = vector.broadcast %reduce_max3A_565 : i1 to vector<16xi1>
        %reduce_max3A_567 = arith.constant -2147483648 : i32
        %reduce_max3A_568 = vector.broadcast %reduce_max3A_567 : i32 to vector<16xi32>
        %reduce_max3A_569 = arith.xori %select_n3A_564, %reduce_max3A_568 : vector<16xi32>
        %reduce_max3A_570 = tpu.scan <max>, %reduce_max3A_569 masked %reduce_max3A_566 : vector<16xi32>, vector<16xi1> -> vector<16xi32>
        %reduce_max3A_571 = arith.xori %reduce_max3A_570, %reduce_max3A_568 : vector<16xi32>
        %reduce_max3A_572 = vector.extract %reduce_max3A_571[15] : i32 from vector<16xi32>
        %and3A_573 = arith.constant -128 : i32
        %and3A_574 = arith.andi %reduce_max3A_554, %and3A_573 : i32
        %multiple_of3A_575 = tpu.assume_multiple %and3A_574, 128 : i32
        %and3A_576 = arith.constant -128 : i32
        %and3A_577 = arith.andi %reduce_max3A_572, %and3A_576 : i32
        %multiple_of3A_578 = tpu.assume_multiple %and3A_577, 128 : i32
        %dma_start3A_579 = arith.constant 0 : i32
        %dma_start3A_580 = tpu.memref_slice %arg2[%dma_start3A_579, %multiple_of3A_575] : memref<32x1000000xf32, #tpu.memory_space<hbm>> -> memref<32x128xf32, #tpu.memory_space<hbm>>
        %dma_start3A_581 = arith.constant 0 : i32
        %dma_start3A_582 = tpu.memref_slice %arg2[%dma_start3A_581, %multiple_of3A_575] : memref<32x1000000xf32, #tpu.memory_space<hbm>> -> memref<32x128xf32, #tpu.memory_space<hbm>>
        tpu.enqueue_dma source(%dma_start3A_582 : memref<32x128xf32, #tpu.memory_space<hbm>>) target(%arg11 : memref<32x128xf32, #tpu.memory_space<vmem>>) target_semaphore(%arg19 : memref<!tpu.dma_semaphore, #tpu.memory_space<semaphore_mem>>)
        %dma_start3A_583 = arith.constant 0 : i32
        %dma_start3A_584 = tpu.memref_slice %arg3[%dma_start3A_583, %multiple_of3A_578] : memref<32x1000000xf32, #tpu.memory_space<hbm>> -> memref<32x128xf32, #tpu.memory_space<hbm>>
        %dma_start3A_585 = arith.constant 0 : i32
        %dma_start3A_586 = tpu.memref_slice %arg3[%dma_start3A_585, %multiple_of3A_578] : memref<32x1000000xf32, #tpu.memory_space<hbm>> -> memref<32x128xf32, #tpu.memory_space<hbm>>
        tpu.enqueue_dma source(%dma_start3A_586 : memref<32x128xf32, #tpu.memory_space<hbm>>) target(%arg15 : memref<32x128xf32, #tpu.memory_space<vmem>>) target_semaphore(%arg23 : memref<!tpu.dma_semaphore, #tpu.memory_space<semaphore_mem>>)
      } else {
      }
      %add3A_373 = arith.constant 2 : i32
      %add3A_374 = arith.addi %mul3A_216, %add3A_373 : i32
      %dma_wait3A_375 = arith.constant 0 : i32
      %dma_wait3A_376 = arith.constant 0 : i32
      %dma_wait3A_377 = tpu.memref_slice %arg2[%dma_wait3A_375, %dma_wait3A_376] : memref<32x1000000xf32, #tpu.memory_space<hbm>> -> memref<32x128xf32, #tpu.memory_space<hbm>>
      %dma_wait3A_378 = arith.constant 0 : i32
      %dma_wait3A_379 = arith.constant 0 : i32
      %dma_wait3A_380 = tpu.memref_slice %arg2[%dma_wait3A_378, %dma_wait3A_379] : memref<32x1000000xf32, #tpu.memory_space<hbm>> -> memref<32x128xf32, #tpu.memory_space<hbm>>
      tpu.wait_dma2 semaphore(%arg20 : memref<!tpu.dma_semaphore, #tpu.memory_space<semaphore_mem>>) src(%dma_wait3A_380 : memref<32x128xf32, #tpu.memory_space<hbm>>) dst(%arg12 : memref<32x128xf32, #tpu.memory_space<vmem>>)
      %dma_wait3A_381 = arith.constant 0 : i32
      %dma_wait3A_382 = arith.constant 0 : i32
      %dma_wait3A_383 = tpu.memref_slice %arg3[%dma_wait3A_381, %dma_wait3A_382] : memref<32x1000000xf32, #tpu.memory_space<hbm>> -> memref<32x128xf32, #tpu.memory_space<hbm>>
      %dma_wait3A_384 = arith.constant 0 : i32
      %dma_wait3A_385 = arith.constant 0 : i32
      %dma_wait3A_386 = tpu.memref_slice %arg3[%dma_wait3A_384, %dma_wait3A_385] : memref<32x1000000xf32, #tpu.memory_space<hbm>> -> memref<32x128xf32, #tpu.memory_space<hbm>>
      tpu.wait_dma2 semaphore(%arg24 : memref<!tpu.dma_semaphore, #tpu.memory_space<semaphore_mem>>) src(%dma_wait3A_386 : memref<32x128xf32, #tpu.memory_space<hbm>>) dst(%arg16 : memref<32x128xf32, #tpu.memory_space<vmem>>)
      %and3A_387 = arith.constant 15 : i32
      %and3A_388 = arith.andi %add3A_374, %and3A_387 : i32
      %eq3A_389 = vector.broadcast %and3A_388 : i32 to vector<16xi32>
      %eq3A_390 = arith.cmpi eq, %iota3A, %eq3A_389 : vector<16xi32>
      %sub3A_391 = arith.subi %add3A_374, %and3A_388 : i32
      %get3A_392 = arith.index_cast %sub3A_391 : i32 to index
      %get3A_393 = tpu.vector_load %arg7[%get3A_392] {strides = array<i32>} : memref<32xi32, #tpu.memory_space<vmem>>, vector<16xi32>,
      %jit3A_394 = arith.constant 0 : i32
      %broadcast_in_dim3A_395 = vector.broadcast %jit3A_394 : i32 to vector<16xi32>
      %select_n3A_396 = arith.select %eq3A_390, %get3A_393, %broadcast_in_dim3A_395 : vector<16xi1>, vector<16xi32>
      %reduce_max3A_397 = arith.constant true
      %reduce_max3A_398 = vector.broadcast %reduce_max3A_397 : i1 to vector<16xi1>
      %reduce_max3A_399 = arith.constant -2147483648 : i32
      %reduce_max3A_400 = vector.broadcast %reduce_max3A_399 : i32 to vector<16xi32>
      %reduce_max3A_401 = arith.xori %select_n3A_396, %reduce_max3A_400 : vector<16xi32>
      %reduce_max3A_402 = tpu.scan <max>, %reduce_max3A_401 masked %reduce_max3A_398 : vector<16xi32>, vector<16xi1> -> vector<16xi32>
      %reduce_max3A_403 = arith.xori %reduce_max3A_402, %reduce_max3A_400 : vector<16xi32>
      %reduce_max3A_404 = vector.extract %reduce_max3A_403[15] : i32 from vector<16xi32>
      %and3A_405 = arith.constant 127 : i32
      %and3A_406 = arith.andi %reduce_max3A_404, %and3A_405 : i32
      %broadcast_in_dim3A_407 = vector.broadcast %and3A_406 : i32 to vector<16xi32>
      %and3A_408 = arith.constant 15 : i32
      %and3A_409 = arith.andi %add3A_374, %and3A_408 : i32
      %eq3A_410 = vector.broadcast %and3A_409 : i32 to vector<16xi32>
      %eq3A_411 = arith.cmpi eq, %iota3A, %eq3A_410 : vector<16xi32>
      %sub3A_412 = arith.subi %add3A_374, %and3A_409 : i32
      %get3A_413 = arith.index_cast %sub3A_412 : i32 to index
      %get3A_414 = tpu.vector_load %arg8[%get3A_413] {strides = array<i32>} : memref<32xi32, #tpu.memory_space<vmem>>, vector<16xi32>,
      %jit3A_415 = arith.constant 0 : i32
      %broadcast_in_dim3A_416 = vector.broadcast %jit3A_415 : i32 to vector<16xi32>
      %select_n3A_417 = arith.select %eq3A_411, %get3A_414, %broadcast_in_dim3A_416 : vector<16xi1>, vector<16xi32>
      %reduce_max3A_418 = arith.constant true
      %reduce_max3A_419 = vector.broadcast %reduce_max3A_418 : i1 to vector<16xi1>
      %reduce_max3A_420 = arith.constant -2147483648 : i32
      %reduce_max3A_421 = vector.broadcast %reduce_max3A_420 : i32 to vector<16xi32>
      %reduce_max3A_422 = arith.xori %select_n3A_417, %reduce_max3A_421 : vector<16xi32>
      %reduce_max3A_423 = tpu.scan <max>, %reduce_max3A_422 masked %reduce_max3A_419 : vector<16xi32>, vector<16xi1> -> vector<16xi32>
      %reduce_max3A_424 = arith.xori %reduce_max3A_423, %reduce_max3A_421 : vector<16xi32>
      %reduce_max3A_425 = vector.extract %reduce_max3A_424[15] : i32 from vector<16xi32>
      %and3A_426 = arith.constant 127 : i32
      %and3A_427 = arith.andi %reduce_max3A_425, %and3A_426 : i32
      %broadcast_in_dim3A_428 = vector.broadcast %and3A_427 : i32 to vector<16xi32>
      %gather3A_429 = tpu.vector_load_idx %arg12[%iota3A, %broadcast_in_dim3A_407] : memref<32x128xf32, #tpu.memory_space<vmem>>[vector<16xi32>, vector<16xi32>], vector<16xf32>,
      %gather3A_430 = tpu.vector_load_idx %arg16[%iota3A, %broadcast_in_dim3A_428] : memref<32x128xf32, #tpu.memory_space<vmem>>[vector<16xi32>, vector<16xi32>], vector<16xf32>,
      %add3A_431 = arith.addf %gather3A_429, %gather3A_430 : vector<16xf32>
      %add3A_432 = arith.constant 16 : i32
      %add3A_433 = vector.broadcast %add3A_432 : i32 to vector<16xi32>
      %add3A_434 = arith.addi %iota3A, %add3A_433 : vector<16xi32>
      %gather3A_435 = tpu.vector_load_idx %arg12[%add3A_434, %broadcast_in_dim3A_407] : memref<32x128xf32, #tpu.memory_space<vmem>>[vector<16xi32>, vector<16xi32>], vector<16xf32>,
      %add3A_436 = arith.constant 16 : i32
      %add3A_437 = vector.broadcast %add3A_436 : i32 to vector<16xi32>
      %add3A_438 = arith.addi %iota3A, %add3A_437 : vector<16xi32>
      %gather3A_439 = tpu.vector_load_idx %arg16[%add3A_438, %broadcast_in_dim3A_428] : memref<32x128xf32, #tpu.memory_space<vmem>>[vector<16xi32>, vector<16xi32>], vector<16xf32>,
      %add3A_440 = arith.addf %gather3A_435, %gather3A_439 : vector<16xf32>
      %swap3A_441 = arith.index_cast %add3A_374 : i32 to index
      %swap3A_442 = arith.constant 0 : index
      %swap3A_443 = tpu.vector_load %arg9[%swap3A_441, %swap3A_442] {strides = array<i32>} : memref<32x32xf32, #tpu.memory_space<vmem>>, vector<16xf32>,
      tpu.vector_store %arg9[%swap3A_441, %swap3A_442], %add3A_431 {strides = array<i32>} : memref<32x32xf32, #tpu.memory_space<vmem>>, vector<16xf32>,
      %swap3A_444 = arith.index_cast %add3A_374 : i32 to index
      %swap3A_445 = arith.constant 16 : index
      %swap3A_446 = tpu.vector_load %arg9[%swap3A_444, %swap3A_445] {strides = array<i32>} : memref<32x32xf32, #tpu.memory_space<vmem>>, vector<16xf32>,
      tpu.vector_store %arg9[%swap3A_444, %swap3A_445], %add3A_440 {strides = array<i32>} : memref<32x32xf32, #tpu.memory_space<vmem>>, vector<16xf32>,
      %add3A_447 = arith.constant 4 : i32
      %add3A_448 = arith.addi %add3A_374, %add3A_447 : i32
      %lt3A_449 = arith.constant 32 : i32
      %lt3A_450 = arith.cmpi slt, %add3A_448, %lt3A_449 : i32
      %convert_element_type3A_451 = arith.extui %lt3A_450 : i1 to i32
      %cond3A_452 = arith.constant 0 : i32
      %cond3A_453 = arith.cmpi ne, %convert_element_type3A_451, %cond3A_452 : i32
      scf.if %cond3A_453 {
        %add3A_535 = arith.constant 4 : i32
        %add3A_536 = arith.addi %add3A_374, %add3A_535 : i32
        %and3A_537 = arith.constant 15 : i32
        %and3A_538 = arith.andi %add3A_536, %and3A_537 : i32
        %eq3A_539 = vector.broadcast %and3A_538 : i32 to vector<16xi32>
        %eq3A_540 = arith.cmpi eq, %iota3A, %eq3A_539 : vector<16xi32>
        %sub3A_541 = arith.subi %add3A_536, %and3A_538 : i32
        %get3A_542 = arith.index_cast %sub3A_541 : i32 to index
        %get3A_543 = tpu.vector_load %arg7[%get3A_542] {strides = array<i32>} : memref<32xi32, #tpu.memory_space<vmem>>, vector<16xi32>,
        %jit3A_544 = arith.constant 0 : i32
        %broadcast_in_dim3A_545 = vector.broadcast %jit3A_544 : i32 to vector<16xi32>
        %select_n3A_546 = arith.select %eq3A_540, %get3A_543, %broadcast_in_dim3A_545 : vector<16xi1>, vector<16xi32>
        %reduce_max3A_547 = arith.constant true
        %reduce_max3A_548 = vector.broadcast %reduce_max3A_547 : i1 to vector<16xi1>
        %reduce_max3A_549 = arith.constant -2147483648 : i32
        %reduce_max3A_550 = vector.broadcast %reduce_max3A_549 : i32 to vector<16xi32>
        %reduce_max3A_551 = arith.xori %select_n3A_546, %reduce_max3A_550 : vector<16xi32>
        %reduce_max3A_552 = tpu.scan <max>, %reduce_max3A_551 masked %reduce_max3A_548 : vector<16xi32>, vector<16xi1> -> vector<16xi32>
        %reduce_max3A_553 = arith.xori %reduce_max3A_552, %reduce_max3A_550 : vector<16xi32>
        %reduce_max3A_554 = vector.extract %reduce_max3A_553[15] : i32 from vector<16xi32>
        %and3A_555 = arith.constant 15 : i32
        %and3A_556 = arith.andi %add3A_536, %and3A_555 : i32
        %eq3A_557 = vector.broadcast %and3A_556 : i32 to vector<16xi32>
        %eq3A_558 = arith.cmpi eq, %iota3A, %eq3A_557 : vector<16xi32>
        %sub3A_559 = arith.subi %add3A_536, %and3A_556 : i32
        %get3A_560 = arith.index_cast %sub3A_559 : i32 to index
        %get3A_561 = tpu.vector_load %arg8[%get3A_560] {strides = array<i32>} : memref<32xi32, #tpu.memory_space<vmem>>, vector<16xi32>,
        %jit3A_562 = arith.constant 0 : i32
        %broadcast_in_dim3A_563 = vector.broadcast %jit3A_562 : i32 to vector<16xi32>
        %select_n3A_564 = arith.select %eq3A_558, %get3A_561, %broadcast_in_dim3A_563 : vector<16xi1>, vector<16xi32>
        %reduce_max3A_565 = arith.constant true
        %reduce_max3A_566 = vector.broadcast %reduce_max3A_565 : i1 to vector<16xi1>
        %reduce_max3A_567 = arith.constant -2147483648 : i32
        %reduce_max3A_568 = vector.broadcast %reduce_max3A_567 : i32 to vector<16xi32>
        %reduce_max3A_569 = arith.xori %select_n3A_564, %reduce_max3A_568 : vector<16xi32>
        %reduce_max3A_570 = tpu.scan <max>, %reduce_max3A_569 masked %reduce_max3A_566 : vector<16xi32>, vector<16xi1> -> vector<16xi32>
        %reduce_max3A_571 = arith.xori %reduce_max3A_570, %reduce_max3A_568 : vector<16xi32>
        %reduce_max3A_572 = vector.extract %reduce_max3A_571[15] : i32 from vector<16xi32>
        %and3A_573 = arith.constant -128 : i32
        %and3A_574 = arith.andi %reduce_max3A_554, %and3A_573 : i32
        %multiple_of3A_575 = tpu.assume_multiple %and3A_574, 128 : i32
        %and3A_576 = arith.constant -128 : i32
        %and3A_577 = arith.andi %reduce_max3A_572, %and3A_576 : i32
        %multiple_of3A_578 = tpu.assume_multiple %and3A_577, 128 : i32
        %dma_start3A_579 = arith.constant 0 : i32
        %dma_start3A_580 = tpu.memref_slice %arg2[%dma_start3A_579, %multiple_of3A_575] : memref<32x1000000xf32, #tpu.memory_space<hbm>> -> memref<32x128xf32, #tpu.memory_space<hbm>>
        %dma_start3A_581 = arith.constant 0 : i32
        %dma_start3A_582 = tpu.memref_slice %arg2[%dma_start3A_581, %multiple_of3A_575] : memref<32x1000000xf32, #tpu.memory_space<hbm>> -> memref<32x128xf32, #tpu.memory_space<hbm>>
        tpu.enqueue_dma source(%dma_start3A_582 : memref<32x128xf32, #tpu.memory_space<hbm>>) target(%arg12 : memref<32x128xf32, #tpu.memory_space<vmem>>) target_semaphore(%arg20 : memref<!tpu.dma_semaphore, #tpu.memory_space<semaphore_mem>>)
        %dma_start3A_583 = arith.constant 0 : i32
        %dma_start3A_584 = tpu.memref_slice %arg3[%dma_start3A_583, %multiple_of3A_578] : memref<32x1000000xf32, #tpu.memory_space<hbm>> -> memref<32x128xf32, #tpu.memory_space<hbm>>
        %dma_start3A_585 = arith.constant 0 : i32
        %dma_start3A_586 = tpu.memref_slice %arg3[%dma_start3A_585, %multiple_of3A_578] : memref<32x1000000xf32, #tpu.memory_space<hbm>> -> memref<32x128xf32, #tpu.memory_space<hbm>>
        tpu.enqueue_dma source(%dma_start3A_586 : memref<32x128xf32, #tpu.memory_space<hbm>>) target(%arg16 : memref<32x128xf32, #tpu.memory_space<vmem>>) target_semaphore(%arg24 : memref<!tpu.dma_semaphore, #tpu.memory_space<semaphore_mem>>)
      } else {
      }
      %add3A_454 = arith.constant 3 : i32
      %add3A_455 = arith.addi %mul3A_216, %add3A_454 : i32
      %dma_wait3A_456 = arith.constant 0 : i32
      %dma_wait3A_457 = arith.constant 0 : i32
      %dma_wait3A_458 = tpu.memref_slice %arg2[%dma_wait3A_456, %dma_wait3A_457] : memref<32x1000000xf32, #tpu.memory_space<hbm>> -> memref<32x128xf32, #tpu.memory_space<hbm>>
      %dma_wait3A_459 = arith.constant 0 : i32
      %dma_wait3A_460 = arith.constant 0 : i32
      %dma_wait3A_461 = tpu.memref_slice %arg2[%dma_wait3A_459, %dma_wait3A_460] : memref<32x1000000xf32, #tpu.memory_space<hbm>> -> memref<32x128xf32, #tpu.memory_space<hbm>>
      tpu.wait_dma2 semaphore(%arg21 : memref<!tpu.dma_semaphore, #tpu.memory_space<semaphore_mem>>) src(%dma_wait3A_461 : memref<32x128xf32, #tpu.memory_space<hbm>>) dst(%arg13 : memref<32x128xf32, #tpu.memory_space<vmem>>)
      %dma_wait3A_462 = arith.constant 0 : i32
      %dma_wait3A_463 = arith.constant 0 : i32
      %dma_wait3A_464 = tpu.memref_slice %arg3[%dma_wait3A_462, %dma_wait3A_463] : memref<32x1000000xf32, #tpu.memory_space<hbm>> -> memref<32x128xf32, #tpu.memory_space<hbm>>
      %dma_wait3A_465 = arith.constant 0 : i32
      %dma_wait3A_466 = arith.constant 0 : i32
      %dma_wait3A_467 = tpu.memref_slice %arg3[%dma_wait3A_465, %dma_wait3A_466] : memref<32x1000000xf32, #tpu.memory_space<hbm>> -> memref<32x128xf32, #tpu.memory_space<hbm>>
      tpu.wait_dma2 semaphore(%arg25 : memref<!tpu.dma_semaphore, #tpu.memory_space<semaphore_mem>>) src(%dma_wait3A_467 : memref<32x128xf32, #tpu.memory_space<hbm>>) dst(%arg17 : memref<32x128xf32, #tpu.memory_space<vmem>>)
      %and3A_468 = arith.constant 15 : i32
      %and3A_469 = arith.andi %add3A_455, %and3A_468 : i32
      %eq3A_470 = vector.broadcast %and3A_469 : i32 to vector<16xi32>
      %eq3A_471 = arith.cmpi eq, %iota3A, %eq3A_470 : vector<16xi32>
      %sub3A_472 = arith.subi %add3A_455, %and3A_469 : i32
      %get3A_473 = arith.index_cast %sub3A_472 : i32 to index
      %get3A_474 = tpu.vector_load %arg7[%get3A_473] {strides = array<i32>} : memref<32xi32, #tpu.memory_space<vmem>>, vector<16xi32>,
      %jit3A_475 = arith.constant 0 : i32
      %broadcast_in_dim3A_476 = vector.broadcast %jit3A_475 : i32 to vector<16xi32>
      %select_n3A_477 = arith.select %eq3A_471, %get3A_474, %broadcast_in_dim3A_476 : vector<16xi1>, vector<16xi32>
      %reduce_max3A_478 = arith.constant true
      %reduce_max3A_479 = vector.broadcast %reduce_max3A_478 : i1 to vector<16xi1>
      %reduce_max3A_480 = arith.constant -2147483648 : i32
      %reduce_max3A_481 = vector.broadcast %reduce_max3A_480 : i32 to vector<16xi32>
      %reduce_max3A_482 = arith.xori %select_n3A_477, %reduce_max3A_481 : vector<16xi32>
      %reduce_max3A_483 = tpu.scan <max>, %reduce_max3A_482 masked %reduce_max3A_479 : vector<16xi32>, vector<16xi1> -> vector<16xi32>
      %reduce_max3A_484 = arith.xori %reduce_max3A_483, %reduce_max3A_481 : vector<16xi32>
      %reduce_max3A_485 = vector.extract %reduce_max3A_484[15] : i32 from vector<16xi32>
      %and3A_486 = arith.constant 127 : i32
      %and3A_487 = arith.andi %reduce_max3A_485, %and3A_486 : i32
      %broadcast_in_dim3A_488 = vector.broadcast %and3A_487 : i32 to vector<16xi32>
      %and3A_489 = arith.constant 15 : i32
      %and3A_490 = arith.andi %add3A_455, %and3A_489 : i32
      %eq3A_491 = vector.broadcast %and3A_490 : i32 to vector<16xi32>
      %eq3A_492 = arith.cmpi eq, %iota3A, %eq3A_491 : vector<16xi32>
      %sub3A_493 = arith.subi %add3A_455, %and3A_490 : i32
      %get3A_494 = arith.index_cast %sub3A_493 : i32 to index
      %get3A_495 = tpu.vector_load %arg8[%get3A_494] {strides = array<i32>} : memref<32xi32, #tpu.memory_space<vmem>>, vector<16xi32>,
      %jit3A_496 = arith.constant 0 : i32
      %broadcast_in_dim3A_497 = vector.broadcast %jit3A_496 : i32 to vector<16xi32>
      %select_n3A_498 = arith.select %eq3A_492, %get3A_495, %broadcast_in_dim3A_497 : vector<16xi1>, vector<16xi32>
      %reduce_max3A_499 = arith.constant true
      %reduce_max3A_500 = vector.broadcast %reduce_max3A_499 : i1 to vector<16xi1>
      %reduce_max3A_501 = arith.constant -2147483648 : i32
      %reduce_max3A_502 = vector.broadcast %reduce_max3A_501 : i32 to vector<16xi32>
      %reduce_max3A_503 = arith.xori %select_n3A_498, %reduce_max3A_502 : vector<16xi32>
      %reduce_max3A_504 = tpu.scan <max>, %reduce_max3A_503 masked %reduce_max3A_500 : vector<16xi32>, vector<16xi1> -> vector<16xi32>
      %reduce_max3A_505 = arith.xori %reduce_max3A_504, %reduce_max3A_502 : vector<16xi32>
      %reduce_max3A_506 = vector.extract %reduce_max3A_505[15] : i32 from vector<16xi32>
      %and3A_507 = arith.constant 127 : i32
      %and3A_508 = arith.andi %reduce_max3A_506, %and3A_507 : i32
      %broadcast_in_dim3A_509 = vector.broadcast %and3A_508 : i32 to vector<16xi32>
      %gather3A_510 = tpu.vector_load_idx %arg13[%iota3A, %broadcast_in_dim3A_488] : memref<32x128xf32, #tpu.memory_space<vmem>>[vector<16xi32>, vector<16xi32>], vector<16xf32>,
      %gather3A_511 = tpu.vector_load_idx %arg17[%iota3A, %broadcast_in_dim3A_509] : memref<32x128xf32, #tpu.memory_space<vmem>>[vector<16xi32>, vector<16xi32>], vector<16xf32>,
      %add3A_512 = arith.addf %gather3A_510, %gather3A_511 : vector<16xf32>
      %add3A_513 = arith.constant 16 : i32
      %add3A_514 = vector.broadcast %add3A_513 : i32 to vector<16xi32>
      %add3A_515 = arith.addi %iota3A, %add3A_514 : vector<16xi32>
      %gather3A_516 = tpu.vector_load_idx %arg13[%add3A_515, %broadcast_in_dim3A_488] : memref<32x128xf32, #tpu.memory_space<vmem>>[vector<16xi32>, vector<16xi32>], vector<16xf32>,
      %add3A_517 = arith.constant 16 : i32
      %add3A_518 = vector.broadcast %add3A_517 : i32 to vector<16xi32>
      %add3A_519 = arith.addi %iota3A, %add3A_518 : vector<16xi32>
      %gather3A_520 = tpu.vector_load_idx %arg17[%add3A_519, %broadcast_in_dim3A_509] : memref<32x128xf32, #tpu.memory_space<vmem>>[vector<16xi32>, vector<16xi32>], vector<16xf32>,
      %add3A_521 = arith.addf %gather3A_516, %gather3A_520 : vector<16xf32>
      %swap3A_522 = arith.index_cast %add3A_455 : i32 to index
      %swap3A_523 = arith.constant 0 : index
      %swap3A_524 = tpu.vector_load %arg9[%swap3A_522, %swap3A_523] {strides = array<i32>} : memref<32x32xf32, #tpu.memory_space<vmem>>, vector<16xf32>,
      tpu.vector_store %arg9[%swap3A_522, %swap3A_523], %add3A_512 {strides = array<i32>} : memref<32x32xf32, #tpu.memory_space<vmem>>, vector<16xf32>,
      %swap3A_525 = arith.index_cast %add3A_455 : i32 to index
      %swap3A_526 = arith.constant 16 : index
      %swap3A_527 = tpu.vector_load %arg9[%swap3A_525, %swap3A_526] {strides = array<i32>} : memref<32x32xf32, #tpu.memory_space<vmem>>, vector<16xf32>,
      tpu.vector_store %arg9[%swap3A_525, %swap3A_526], %add3A_521 {strides = array<i32>} : memref<32x32xf32, #tpu.memory_space<vmem>>, vector<16xf32>,
      %add3A_528 = arith.constant 4 : i32
      %add3A_529 = arith.addi %add3A_455, %add3A_528 : i32
      %lt3A_530 = arith.constant 32 : i32
      %lt3A_531 = arith.cmpi slt, %add3A_529, %lt3A_530 : i32
      %convert_element_type3A_532 = arith.extui %lt3A_531 : i1 to i32
      %cond3A_533 = arith.constant 0 : i32
      %cond3A_534 = arith.cmpi ne, %convert_element_type3A_532, %cond3A_533 : i32
      scf.if %cond3A_534 {
        %add3A_535 = arith.constant 4 : i32
        %add3A_536 = arith.addi %add3A_455, %add3A_535 : i32
        %and3A_537 = arith.constant 15 : i32
        %and3A_538 = arith.andi %add3A_536, %and3A_537 : i32
        %eq3A_539 = vector.broadcast %and3A_538 : i32 to vector<16xi32>
        %eq3A_540 = arith.cmpi eq, %iota3A, %eq3A_539 : vector<16xi32>
        %sub3A_541 = arith.subi %add3A_536, %and3A_538 : i32
        %get3A_542 = arith.index_cast %sub3A_541 : i32 to index
        %get3A_543 = tpu.vector_load %arg7[%get3A_542] {strides = array<i32>} : memref<32xi32, #tpu.memory_space<vmem>>, vector<16xi32>,
        %jit3A_544 = arith.constant 0 : i32
        %broadcast_in_dim3A_545 = vector.broadcast %jit3A_544 : i32 to vector<16xi32>
        %select_n3A_546 = arith.select %eq3A_540, %get3A_543, %broadcast_in_dim3A_545 : vector<16xi1>, vector<16xi32>
        %reduce_max3A_547 = arith.constant true
        %reduce_max3A_548 = vector.broadcast %reduce_max3A_547 : i1 to vector<16xi1>
        %reduce_max3A_549 = arith.constant -2147483648 : i32
        %reduce_max3A_550 = vector.broadcast %reduce_max3A_549 : i32 to vector<16xi32>
        %reduce_max3A_551 = arith.xori %select_n3A_546, %reduce_max3A_550 : vector<16xi32>
        %reduce_max3A_552 = tpu.scan <max>, %reduce_max3A_551 masked %reduce_max3A_548 : vector<16xi32>, vector<16xi1> -> vector<16xi32>
        %reduce_max3A_553 = arith.xori %reduce_max3A_552, %reduce_max3A_550 : vector<16xi32>
        %reduce_max3A_554 = vector.extract %reduce_max3A_553[15] : i32 from vector<16xi32>
        %and3A_555 = arith.constant 15 : i32
        %and3A_556 = arith.andi %add3A_536, %and3A_555 : i32
        %eq3A_557 = vector.broadcast %and3A_556 : i32 to vector<16xi32>
        %eq3A_558 = arith.cmpi eq, %iota3A, %eq3A_557 : vector<16xi32>
        %sub3A_559 = arith.subi %add3A_536, %and3A_556 : i32
        %get3A_560 = arith.index_cast %sub3A_559 : i32 to index
        %get3A_561 = tpu.vector_load %arg8[%get3A_560] {strides = array<i32>} : memref<32xi32, #tpu.memory_space<vmem>>, vector<16xi32>,
        %jit3A_562 = arith.constant 0 : i32
        %broadcast_in_dim3A_563 = vector.broadcast %jit3A_562 : i32 to vector<16xi32>
        %select_n3A_564 = arith.select %eq3A_558, %get3A_561, %broadcast_in_dim3A_563 : vector<16xi1>, vector<16xi32>
        %reduce_max3A_565 = arith.constant true
        %reduce_max3A_566 = vector.broadcast %reduce_max3A_565 : i1 to vector<16xi1>
        %reduce_max3A_567 = arith.constant -2147483648 : i32
        %reduce_max3A_568 = vector.broadcast %reduce_max3A_567 : i32 to vector<16xi32>
        %reduce_max3A_569 = arith.xori %select_n3A_564, %reduce_max3A_568 : vector<16xi32>
        %reduce_max3A_570 = tpu.scan <max>, %reduce_max3A_569 masked %reduce_max3A_566 : vector<16xi32>, vector<16xi1> -> vector<16xi32>
        %reduce_max3A_571 = arith.xori %reduce_max3A_570, %reduce_max3A_568 : vector<16xi32>
        %reduce_max3A_572 = vector.extract %reduce_max3A_571[15] : i32 from vector<16xi32>
        %and3A_573 = arith.constant -128 : i32
        %and3A_574 = arith.andi %reduce_max3A_554, %and3A_573 : i32
        %multiple_of3A_575 = tpu.assume_multiple %and3A_574, 128 : i32
        %and3A_576 = arith.constant -128 : i32
        %and3A_577 = arith.andi %reduce_max3A_572, %and3A_576 : i32
        %multiple_of3A_578 = tpu.assume_multiple %and3A_577, 128 : i32
        %dma_start3A_579 = arith.constant 0 : i32
        %dma_start3A_580 = tpu.memref_slice %arg2[%dma_start3A_579, %multiple_of3A_575] : memref<32x1000000xf32, #tpu.memory_space<hbm>> -> memref<32x128xf32, #tpu.memory_space<hbm>>
        %dma_start3A_581 = arith.constant 0 : i32
        %dma_start3A_582 = tpu.memref_slice %arg2[%dma_start3A_581, %multiple_of3A_575] : memref<32x1000000xf32, #tpu.memory_space<hbm>> -> memref<32x128xf32, #tpu.memory_space<hbm>>
        tpu.enqueue_dma source(%dma_start3A_582 : memref<32x128xf32, #tpu.memory_space<hbm>>) target(%arg13 : memref<32x128xf32, #tpu.memory_space<vmem>>) target_semaphore(%arg21 : memref<!tpu.dma_semaphore, #tpu.memory_space<semaphore_mem>>)
        %dma_start3A_583 = arith.constant 0 : i32
        %dma_start3A_584 = tpu.memref_slice %arg3[%dma_start3A_583, %multiple_of3A_578] : memref<32x1000000xf32, #tpu.memory_space<hbm>> -> memref<32x128xf32, #tpu.memory_space<hbm>>
        %dma_start3A_585 = arith.constant 0 : i32
        %dma_start3A_586 = tpu.memref_slice %arg3[%dma_start3A_585, %multiple_of3A_578] : memref<32x1000000xf32, #tpu.memory_space<hbm>> -> memref<32x128xf32, #tpu.memory_space<hbm>>
        tpu.enqueue_dma source(%dma_start3A_586 : memref<32x128xf32, #tpu.memory_space<hbm>>) target(%arg17 : memref<32x128xf32, #tpu.memory_space<vmem>>) target_semaphore(%arg25 : memref<!tpu.dma_semaphore, #tpu.memory_space<semaphore_mem>>)
      } else {
      }
    }
    %scan3A_213 = arith.constant 8 : i32
    "tpu.region"() ({
      %run_scoped3A = tpu.sem_alloc : memref<!tpu.dma_semaphore, #tpu.memory_space<semaphore_mem>>
      %dma_start3A_214 = arith.constant 0 : i32
      %dma_start3A_215 = tpu.memref_slice %arg6[%mul3A_2, %dma_start3A_214] : memref<1024x32xf32, #tpu.memory_space<hbm>> -> memref<32x32xf32, #tpu.memory_space<hbm>>
      %dma_start3A_216 = arith.constant 0 : i32
      %dma_start3A_217 = tpu.memref_slice %arg6[%mul3A_2, %dma_start3A_216] : memref<1024x32xf32, #tpu.memory_space<hbm>> -> memref<32x32xf32, #tpu.memory_space<hbm>>
      tpu.enqueue_dma source(%arg9 : memref<32x32xf32, #tpu.memory_space<vmem>>) target(%dma_start3A_217 : memref<32x32xf32, #tpu.memory_space<hbm>>) target_semaphore(%run_scoped3A : memref<!tpu.dma_semaphore, #tpu.memory_space<semaphore_mem>>)
      %dma_wait3A = arith.constant 0 : i32
      %dma_wait3A_218 = tpu.memref_slice %arg6[%mul3A_2, %dma_wait3A] : memref<1024x32xf32, #tpu.memory_space<hbm>> -> memref<32x32xf32, #tpu.memory_space<hbm>>
      %dma_wait3A_219 = arith.constant 0 : i32
      %dma_wait3A_220 = tpu.memref_slice %arg6[%mul3A_2, %dma_wait3A_219] : memref<1024x32xf32, #tpu.memory_space<hbm>> -> memref<32x32xf32, #tpu.memory_space<hbm>>
      tpu.wait_dma2 semaphore(%run_scoped3A : memref<!tpu.dma_semaphore, #tpu.memory_space<semaphore_mem>>) src(%arg9 : memref<32x32xf32, #tpu.memory_space<vmem>>) dst(%dma_wait3A_220 : memref<32x32xf32, #tpu.memory_space<hbm>>)
      tpu.yield
    }) : () -> ()
    return
  }
}

module attributes {stable_mosaic.version = 14 : i64} {
  func.func @_dense_body(%arg0: i32, %arg1: memref<512x32xf32, #tpu.memory_space<vmem>>, %arg2: memref<32x225xf32, #tpu.memory_space<vmem>>, %arg3: memref<1x225xf32, #tpu.memory_space<vmem>>, %arg4: memref<45x4096xf32, #tpu.memory_space<vmem>>, %arg5: memref<5x4096x32xf32, #tpu.memory_space<vmem>>, %arg6: memref<32x15xf32, #tpu.memory_space<vmem>>, %arg7: memref<1x15xf32, #tpu.memory_space<vmem>>, %arg8: memref<15x16xf32, #tpu.memory_space<vmem>>, %arg9: memref<1x16x32xf32, #tpu.memory_space<vmem>>, %arg10: memref<512x32xf32, #tpu.memory_space<vmem>>) attributes {dimension_semantics = [#tpu.dimension_semantics<arbitrary>], iteration_bounds = array<i64: 2>, scalar_prefetch = 0 : i64, scratch_operands = 0 : i64, tpu.core_type = #tpu.core_type<tc>, window_params = [{transform_indices = @transform_0, window_bounds = array<i64: 512, 32>}, {pipeline_mode = #tpu.pipeline_mode<synchronous>, transform_indices = @transform_1, window_bounds = array<i64: 32, 225>}, {pipeline_mode = #tpu.pipeline_mode<synchronous>, transform_indices = @transform_2, window_bounds = array<i64: 1, 225>}, {pipeline_mode = #tpu.pipeline_mode<synchronous>, transform_indices = @transform_3, window_bounds = array<i64: 45, 4096>}, {pipeline_mode = #tpu.pipeline_mode<synchronous>, transform_indices = @transform_4, window_bounds = array<i64: 5, 4096, 32>}, {pipeline_mode = #tpu.pipeline_mode<synchronous>, transform_indices = @transform_5, window_bounds = array<i64: 32, 15>}, {pipeline_mode = #tpu.pipeline_mode<synchronous>, transform_indices = @transform_6, window_bounds = array<i64: 1, 15>}, {pipeline_mode = #tpu.pipeline_mode<synchronous>, transform_indices = @transform_7, window_bounds = array<i64: 15, 16>}, {pipeline_mode = #tpu.pipeline_mode<synchronous>, transform_indices = @transform_8, window_bounds = array<i64: 1, 16, 32>}, {transform_indices = @transform_9, window_bounds = array<i64: 512, 32>}]} {
    %get3A = arith.constant 0 : index
    %get3A_0 = arith.constant 0 : index
    %get3A_1 = vector.load %arg1[%get3A, %get3A_0] : memref<512x32xf32, #tpu.memory_space<vmem>>, vector<512x32xf32>
    %get3A_2 = arith.constant 0 : index
    %get3A_3 = arith.constant 0 : index
    %get3A_4 = vector.load %arg2[%get3A_2, %get3A_3] : memref<32x225xf32, #tpu.memory_space<vmem>>, vector<32x225xf32>
    %dot_general3A = arith.constant dense<0.000000e+00> : vector<512x225xf32>
    %dot_general3A_5 = tpu.matmul %get3A_1, %get3A_4, %dot_general3A {dimension_numbers = #tpu.dot_dimension_numbers<[1], [0], [0], [1], [0, 0, 1, 1], [], []>, transpose_lhs_hint = false} : vector<512x32xf32>, vector<32x225xf32>, vector<512x225xf32> -> vector<512x225xf32>
    %get3A_6 = arith.constant 0 : index
    %get3A_7 = arith.constant 0 : index
    %get3A_8 = vector.load %arg3[%get3A_6, %get3A_7] : memref<1x225xf32, #tpu.memory_space<vmem>>, vector<1x225xf32>
    %sub3A = vector.broadcast %get3A_8 : vector<1x225xf32> to vector<512x225xf32>
    %sub3A_9 = arith.subf %dot_general3A_5, %sub3A : vector<512x225xf32>
    %sub3A_10 = arith.constant 9.99999974E-5 : f32
    %sub3A_11 = vector.broadcast %sub3A_10 : f32 to vector<512x225xf32>
    %sub3A_12 = arith.subf %sub3A_9, %sub3A_11 : vector<512x225xf32>
    %tanh3A = math.tanh %sub3A_12 : vector<512x225xf32>
    %sign3A = tpu.bitcast %sub3A_12 : vector<512x225xf32> -> vector<512x225xi32>
    %sign3A_13 = arith.constant -2147483648 : i32
    %sign3A_14 = vector.broadcast %sign3A_13 : i32 to vector<512x225xi32>
    %sign3A_15 = arith.andi %sign3A, %sign3A_14 : vector<512x225xi32>
    %sign3A_16 = arith.constant 1065353216 : i32
    %sign3A_17 = vector.broadcast %sign3A_16 : i32 to vector<512x225xi32>
    %sign3A_18 = arith.ori %sign3A_17, %sign3A_15 : vector<512x225xi32>
    %sign3A_19 = tpu.bitcast %sign3A_18 : vector<512x225xi32> -> vector<512x225xf32>
    %sign3A_20 = math.absf %sub3A_12 : vector<512x225xf32>
    %sign3A_21 = arith.constant 0.000000e+00 : f32
    %sign3A_22 = vector.broadcast %sign3A_21 : f32 to vector<512x225xf32>
    %sign3A_23 = arith.cmpf ogt, %sign3A_20, %sign3A_22 : vector<512x225xf32>
    %sign3A_24 = arith.select %sign3A_23, %sign3A_19, %sub3A_12 : vector<512x225xi1>, vector<512x225xf32>
    %sub3A_25 = arith.subf %sign3A_24, %tanh3A : vector<512x225xf32>
    %add3A = arith.addf %sub3A_25, %tanh3A : vector<512x225xf32>
    %broadcast_in_dim3A = arith.constant 0.000000e+00 : f32
    %broadcast_in_dim3A_26 = vector.broadcast %broadcast_in_dim3A : f32 to vector<512x32xf32>
    %slice3A = vector.extract_strided_slice %add3A {offsets = [0, 0], sizes = [512, 45], strides = [1, 1]} : vector<512x225xf32> to vector<512x45xf32>
    %get3A_27 = arith.constant 0 : index
    %get3A_28 = arith.constant 0 : index
    %get3A_29 = vector.load %arg4[%get3A_27, %get3A_28] : memref<45x4096xf32, #tpu.memory_space<vmem>>, vector<45x4096xf32>
    %dot_general3A_30 = arith.constant dense<0.000000e+00> : vector<512x4096xf32>
    %dot_general3A_31 = tpu.matmul %slice3A, %get3A_29, %dot_general3A_30 {dimension_numbers = #tpu.dot_dimension_numbers<[1], [0], [0], [1], [0, 0, 1, 1], [], []>, transpose_lhs_hint = false} : vector<512x45xf32>, vector<45x4096xf32>, vector<512x4096xf32> -> vector<512x4096xf32>
    %reduce_max3A = arith.constant dense<0xFF800000> : vector<512xf32>
    %reduce_max3A_32 = vector.multi_reduction <maximumf>, %dot_general3A_31, %reduce_max3A [1] : vector<512x4096xf32> to vector<512xf32>
    %broadcast_in_dim3A_33 = vector.shape_cast %reduce_max3A_32 : vector<512xf32> to vector<512x1xf32>
    %eq3A = vector.broadcast %broadcast_in_dim3A_33 : vector<512x1xf32> to vector<512x4096xf32>
    %eq3A_34 = arith.cmpf oeq, %dot_general3A_31, %eq3A : vector<512x4096xf32>
    %convert_element_type3A = arith.extui %eq3A_34 : vector<512x4096xi1> to vector<512x4096xi32>
    %convert_element_type3A_35 = arith.sitofp %convert_element_type3A : vector<512x4096xi32> to vector<512x4096xf32>
    %get3A_36 = arith.constant 0 : index
    %get3A_37 = arith.constant 0 : index
    %get3A_38 = arith.constant 0 : index
    %get3A_39 = vector.load %arg5[%get3A_36, %get3A_37, %get3A_38] : memref<5x4096x32xf32, #tpu.memory_space<vmem>>, vector<1x4096x32xf32>
    %get3A_40 = vector.shape_cast %get3A_39 : vector<1x4096x32xf32> to vector<4096x32xf32>
    %dot_general3A_41 = arith.constant dense<0.000000e+00> : vector<512x32xf32>
    %dot_general3A_42 = tpu.matmul %convert_element_type3A_35, %get3A_40, %dot_general3A_41 {dimension_numbers = #tpu.dot_dimension_numbers<[1], [0], [0], [1], [0, 0, 1, 1], [], []>, transpose_lhs_hint = false} : vector<512x4096xf32>, vector<4096x32xf32>, vector<512x32xf32> -> vector<512x32xf32>
    %add3A_43 = arith.addf %broadcast_in_dim3A_26, %dot_general3A_42 : vector<512x32xf32>
    %slice3A_44 = vector.extract_strided_slice %add3A {offsets = [0, 45], sizes = [512, 45], strides = [1, 1]} : vector<512x225xf32> to vector<512x45xf32>
    %get3A_45 = arith.constant 0 : index
    %get3A_46 = arith.constant 0 : index
    %get3A_47 = vector.load %arg4[%get3A_45, %get3A_46] : memref<45x4096xf32, #tpu.memory_space<vmem>>, vector<45x4096xf32>
    %dot_general3A_48 = arith.constant dense<0.000000e+00> : vector<512x4096xf32>
    %dot_general3A_49 = tpu.matmul %slice3A_44, %get3A_47, %dot_general3A_48 {dimension_numbers = #tpu.dot_dimension_numbers<[1], [0], [0], [1], [0, 0, 1, 1], [], []>, transpose_lhs_hint = false} : vector<512x45xf32>, vector<45x4096xf32>, vector<512x4096xf32> -> vector<512x4096xf32>
    %reduce_max3A_50 = arith.constant dense<0xFF800000> : vector<512xf32>
    %reduce_max3A_51 = vector.multi_reduction <maximumf>, %dot_general3A_49, %reduce_max3A_50 [1] : vector<512x4096xf32> to vector<512xf32>
    %broadcast_in_dim3A_52 = vector.shape_cast %reduce_max3A_51 : vector<512xf32> to vector<512x1xf32>
    %eq3A_53 = vector.broadcast %broadcast_in_dim3A_52 : vector<512x1xf32> to vector<512x4096xf32>
    %eq3A_54 = arith.cmpf oeq, %dot_general3A_49, %eq3A_53 : vector<512x4096xf32>
    %convert_element_type3A_55 = arith.extui %eq3A_54 : vector<512x4096xi1> to vector<512x4096xi32>
    %convert_element_type3A_56 = arith.sitofp %convert_element_type3A_55 : vector<512x4096xi32> to vector<512x4096xf32>
    %get3A_57 = arith.constant 1 : index
    %get3A_58 = arith.constant 0 : index
    %get3A_59 = arith.constant 0 : index
    %get3A_60 = vector.load %arg5[%get3A_57, %get3A_58, %get3A_59] : memref<5x4096x32xf32, #tpu.memory_space<vmem>>, vector<1x4096x32xf32>
    %get3A_61 = vector.shape_cast %get3A_60 : vector<1x4096x32xf32> to vector<4096x32xf32>
    %dot_general3A_62 = arith.constant dense<0.000000e+00> : vector<512x32xf32>
    %dot_general3A_63 = tpu.matmul %convert_element_type3A_56, %get3A_61, %dot_general3A_62 {dimension_numbers = #tpu.dot_dimension_numbers<[1], [0], [0], [1], [0, 0, 1, 1], [], []>, transpose_lhs_hint = false} : vector<512x4096xf32>, vector<4096x32xf32>, vector<512x32xf32> -> vector<512x32xf32>
    %add3A_64 = arith.addf %add3A_43, %dot_general3A_63 : vector<512x32xf32>
    %slice3A_65 = vector.extract_strided_slice %add3A {offsets = [0, 90], sizes = [512, 45], strides = [1, 1]} : vector<512x225xf32> to vector<512x45xf32>
    %get3A_66 = arith.constant 0 : index
    %get3A_67 = arith.constant 0 : index
    %get3A_68 = vector.load %arg4[%get3A_66, %get3A_67] : memref<45x4096xf32, #tpu.memory_space<vmem>>, vector<45x4096xf32>
    %dot_general3A_69 = arith.constant dense<0.000000e+00> : vector<512x4096xf32>
    %dot_general3A_70 = tpu.matmul %slice3A_65, %get3A_68, %dot_general3A_69 {dimension_numbers = #tpu.dot_dimension_numbers<[1], [0], [0], [1], [0, 0, 1, 1], [], []>, transpose_lhs_hint = false} : vector<512x45xf32>, vector<45x4096xf32>, vector<512x4096xf32> -> vector<512x4096xf32>
    %reduce_max3A_71 = arith.constant dense<0xFF800000> : vector<512xf32>
    %reduce_max3A_72 = vector.multi_reduction <maximumf>, %dot_general3A_70, %reduce_max3A_71 [1] : vector<512x4096xf32> to vector<512xf32>
    %broadcast_in_dim3A_73 = vector.shape_cast %reduce_max3A_72 : vector<512xf32> to vector<512x1xf32>
    %eq3A_74 = vector.broadcast %broadcast_in_dim3A_73 : vector<512x1xf32> to vector<512x4096xf32>
    %eq3A_75 = arith.cmpf oeq, %dot_general3A_70, %eq3A_74 : vector<512x4096xf32>
    %convert_element_type3A_76 = arith.extui %eq3A_75 : vector<512x4096xi1> to vector<512x4096xi32>
    %convert_element_type3A_77 = arith.sitofp %convert_element_type3A_76 : vector<512x4096xi32> to vector<512x4096xf32>
    %get3A_78 = arith.constant 2 : index
    %get3A_79 = arith.constant 0 : index
    %get3A_80 = arith.constant 0 : index
    %get3A_81 = vector.load %arg5[%get3A_78, %get3A_79, %get3A_80] : memref<5x4096x32xf32, #tpu.memory_space<vmem>>, vector<1x4096x32xf32>
    %get3A_82 = vector.shape_cast %get3A_81 : vector<1x4096x32xf32> to vector<4096x32xf32>
    %dot_general3A_83 = arith.constant dense<0.000000e+00> : vector<512x32xf32>
    %dot_general3A_84 = tpu.matmul %convert_element_type3A_77, %get3A_82, %dot_general3A_83 {dimension_numbers = #tpu.dot_dimension_numbers<[1], [0], [0], [1], [0, 0, 1, 1], [], []>, transpose_lhs_hint = false} : vector<512x4096xf32>, vector<4096x32xf32>, vector<512x32xf32> -> vector<512x32xf32>
    %add3A_85 = arith.addf %add3A_64, %dot_general3A_84 : vector<512x32xf32>
    %slice3A_86 = vector.extract_strided_slice %add3A {offsets = [0, 135], sizes = [512, 45], strides = [1, 1]} : vector<512x225xf32> to vector<512x45xf32>
    %get3A_87 = arith.constant 0 : index
    %get3A_88 = arith.constant 0 : index
    %get3A_89 = vector.load %arg4[%get3A_87, %get3A_88] : memref<45x4096xf32, #tpu.memory_space<vmem>>, vector<45x4096xf32>
    %dot_general3A_90 = arith.constant dense<0.000000e+00> : vector<512x4096xf32>
    %dot_general3A_91 = tpu.matmul %slice3A_86, %get3A_89, %dot_general3A_90 {dimension_numbers = #tpu.dot_dimension_numbers<[1], [0], [0], [1], [0, 0, 1, 1], [], []>, transpose_lhs_hint = false} : vector<512x45xf32>, vector<45x4096xf32>, vector<512x4096xf32> -> vector<512x4096xf32>
    %reduce_max3A_92 = arith.constant dense<0xFF800000> : vector<512xf32>
    %reduce_max3A_93 = vector.multi_reduction <maximumf>, %dot_general3A_91, %reduce_max3A_92 [1] : vector<512x4096xf32> to vector<512xf32>
    %broadcast_in_dim3A_94 = vector.shape_cast %reduce_max3A_93 : vector<512xf32> to vector<512x1xf32>
    %eq3A_95 = vector.broadcast %broadcast_in_dim3A_94 : vector<512x1xf32> to vector<512x4096xf32>
    %eq3A_96 = arith.cmpf oeq, %dot_general3A_91, %eq3A_95 : vector<512x4096xf32>
    %convert_element_type3A_97 = arith.extui %eq3A_96 : vector<512x4096xi1> to vector<512x4096xi32>
    %convert_element_type3A_98 = arith.sitofp %convert_element_type3A_97 : vector<512x4096xi32> to vector<512x4096xf32>
    %get3A_99 = arith.constant 3 : index
    %get3A_100 = arith.constant 0 : index
    %get3A_101 = arith.constant 0 : index
    %get3A_102 = vector.load %arg5[%get3A_99, %get3A_100, %get3A_101] : memref<5x4096x32xf32, #tpu.memory_space<vmem>>, vector<1x4096x32xf32>
    %get3A_103 = vector.shape_cast %get3A_102 : vector<1x4096x32xf32> to vector<4096x32xf32>
    %dot_general3A_104 = arith.constant dense<0.000000e+00> : vector<512x32xf32>
    %dot_general3A_105 = tpu.matmul %convert_element_type3A_98, %get3A_103, %dot_general3A_104 {dimension_numbers = #tpu.dot_dimension_numbers<[1], [0], [0], [1], [0, 0, 1, 1], [], []>, transpose_lhs_hint = false} : vector<512x4096xf32>, vector<4096x32xf32>, vector<512x32xf32> -> vector<512x32xf32>
    %add3A_106 = arith.addf %add3A_85, %dot_general3A_105 : vector<512x32xf32>
    %slice3A_107 = vector.extract_strided_slice %add3A {offsets = [0, 180], sizes = [512, 45], strides = [1, 1]} : vector<512x225xf32> to vector<512x45xf32>
    %get3A_108 = arith.constant 0 : index
    %get3A_109 = arith.constant 0 : index
    %get3A_110 = vector.load %arg4[%get3A_108, %get3A_109] : memref<45x4096xf32, #tpu.memory_space<vmem>>, vector<45x4096xf32>
    %dot_general3A_111 = arith.constant dense<0.000000e+00> : vector<512x4096xf32>
    %dot_general3A_112 = tpu.matmul %slice3A_107, %get3A_110, %dot_general3A_111 {dimension_numbers = #tpu.dot_dimension_numbers<[1], [0], [0], [1], [0, 0, 1, 1], [], []>, transpose_lhs_hint = false} : vector<512x45xf32>, vector<45x4096xf32>, vector<512x4096xf32> -> vector<512x4096xf32>
    %reduce_max3A_113 = arith.constant dense<0xFF800000> : vector<512xf32>
    %reduce_max3A_114 = vector.multi_reduction <maximumf>, %dot_general3A_112, %reduce_max3A_113 [1] : vector<512x4096xf32> to vector<512xf32>
    %broadcast_in_dim3A_115 = vector.shape_cast %reduce_max3A_114 : vector<512xf32> to vector<512x1xf32>
    %eq3A_116 = vector.broadcast %broadcast_in_dim3A_115 : vector<512x1xf32> to vector<512x4096xf32>
    %eq3A_117 = arith.cmpf oeq, %dot_general3A_112, %eq3A_116 : vector<512x4096xf32>
    %convert_element_type3A_118 = arith.extui %eq3A_117 : vector<512x4096xi1> to vector<512x4096xi32>
    %convert_element_type3A_119 = arith.sitofp %convert_element_type3A_118 : vector<512x4096xi32> to vector<512x4096xf32>
    %get3A_120 = arith.constant 4 : index
    %get3A_121 = arith.constant 0 : index
    %get3A_122 = arith.constant 0 : index
    %get3A_123 = vector.load %arg5[%get3A_120, %get3A_121, %get3A_122] : memref<5x4096x32xf32, #tpu.memory_space<vmem>>, vector<1x4096x32xf32>
    %get3A_124 = vector.shape_cast %get3A_123 : vector<1x4096x32xf32> to vector<4096x32xf32>
    %dot_general3A_125 = arith.constant dense<0.000000e+00> : vector<512x32xf32>
    %dot_general3A_126 = tpu.matmul %convert_element_type3A_119, %get3A_124, %dot_general3A_125 {dimension_numbers = #tpu.dot_dimension_numbers<[1], [0], [0], [1], [0, 0, 1, 1], [], []>, transpose_lhs_hint = false} : vector<512x4096xf32>, vector<4096x32xf32>, vector<512x32xf32> -> vector<512x32xf32>
    %add3A_127 = arith.addf %add3A_106, %dot_general3A_126 : vector<512x32xf32>
    %get3A_128 = arith.constant 0 : index
    %get3A_129 = arith.constant 0 : index
    %get3A_130 = vector.load %arg6[%get3A_128, %get3A_129] : memref<32x15xf32, #tpu.memory_space<vmem>>, vector<32x15xf32>
    %dot_general3A_131 = arith.constant dense<0.000000e+00> : vector<512x15xf32>
    %dot_general3A_132 = tpu.matmul %get3A_1, %get3A_130, %dot_general3A_131 {dimension_numbers = #tpu.dot_dimension_numbers<[1], [0], [0], [1], [0, 0, 1, 1], [], []>, transpose_lhs_hint = false} : vector<512x32xf32>, vector<32x15xf32>, vector<512x15xf32> -> vector<512x15xf32>
    %get3A_133 = arith.constant 0 : index
    %get3A_134 = arith.constant 0 : index
    %get3A_135 = vector.load %arg7[%get3A_133, %get3A_134] : memref<1x15xf32, #tpu.memory_space<vmem>>, vector<1x15xf32>
    %sub3A_136 = vector.broadcast %get3A_135 : vector<1x15xf32> to vector<512x15xf32>
    %sub3A_137 = arith.subf %dot_general3A_132, %sub3A_136 : vector<512x15xf32>
    %eq3A_138 = arith.constant 0.000000e+00 : f32
    %eq3A_139 = vector.broadcast %eq3A_138 : f32 to vector<512x15xf32>
    %eq3A_140 = arith.cmpf oeq, %sub3A_137, %eq3A_139 : vector<512x15xf32>
    %jit3A = arith.constant -1.000000e+00 : f32
    %broadcast_in_dim3A_141 = vector.broadcast %jit3A : f32 to vector<512x15xf32>
    %select_n3A = arith.select %eq3A_140, %broadcast_in_dim3A_141, %sub3A_137 : vector<512x15xi1>, vector<512x15xf32>
    %sign3A_142 = tpu.bitcast %select_n3A : vector<512x15xf32> -> vector<512x15xi32>
    %sign3A_143 = arith.constant -2147483648 : i32
    %sign3A_144 = vector.broadcast %sign3A_143 : i32 to vector<512x15xi32>
    %sign3A_145 = arith.andi %sign3A_142, %sign3A_144 : vector<512x15xi32>
    %sign3A_146 = arith.constant 1065353216 : i32
    %sign3A_147 = vector.broadcast %sign3A_146 : i32 to vector<512x15xi32>
    %sign3A_148 = arith.ori %sign3A_147, %sign3A_145 : vector<512x15xi32>
    %sign3A_149 = tpu.bitcast %sign3A_148 : vector<512x15xi32> -> vector<512x15xf32>
    %sign3A_150 = math.absf %select_n3A : vector<512x15xf32>
    %sign3A_151 = arith.constant 0.000000e+00 : f32
    %sign3A_152 = vector.broadcast %sign3A_151 : f32 to vector<512x15xf32>
    %sign3A_153 = arith.cmpf ogt, %sign3A_150, %sign3A_152 : vector<512x15xf32>
    %sign3A_154 = arith.select %sign3A_153, %sign3A_149, %select_n3A : vector<512x15xi1>, vector<512x15xf32>
    %get3A_155 = arith.constant 0 : index
    %get3A_156 = arith.constant 0 : index
    %get3A_157 = vector.load %arg8[%get3A_155, %get3A_156] : memref<15x16xf32, #tpu.memory_space<vmem>>, vector<15x16xf32>
    %dot_general3A_158 = arith.constant dense<0.000000e+00> : vector<512x16xf32>
    %dot_general3A_159 = tpu.matmul %sign3A_154, %get3A_157, %dot_general3A_158 {dimension_numbers = #tpu.dot_dimension_numbers<[1], [0], [0], [1], [0, 0, 1, 1], [], []>, transpose_lhs_hint = false} : vector<512x15xf32>, vector<15x16xf32>, vector<512x16xf32> -> vector<512x16xf32>
    %iota3A = tpu.iota {dimensions = array<i32: 1>} : vector<512x16xi32>
    %reduce_max3A_160 = arith.constant dense<0xFF800000> : vector<512xf32>
    %reduce_max3A_161 = vector.multi_reduction <maximumf>, %dot_general3A_159, %reduce_max3A_160 [1] : vector<512x16xf32> to vector<512xf32>
    %broadcast_in_dim3A_162 = vector.shape_cast %reduce_max3A_161 : vector<512xf32> to vector<512x1xf32>
    %eq3A_163 = vector.broadcast %broadcast_in_dim3A_162 : vector<512x1xf32> to vector<512x16xf32>
    %eq3A_164 = arith.cmpf oeq, %dot_general3A_159, %eq3A_163 : vector<512x16xf32>
    %jit3A_165 = arith.constant 16 : i32
    %broadcast_in_dim3A_166 = vector.broadcast %jit3A_165 : i32 to vector<512x16xi32>
    %select_n3A_167 = arith.select %eq3A_164, %iota3A, %broadcast_in_dim3A_166 : vector<512x16xi1>, vector<512x16xi32>
    %reduce_min3A = arith.constant dense<2147483647> : vector<512xi32>
    %reduce_min3A_168 = vector.multi_reduction <minsi>, %select_n3A_167, %reduce_min3A [1] : vector<512x16xi32> to vector<512xi32>
    %broadcast_in_dim3A_169 = vector.shape_cast %reduce_min3A_168 : vector<512xi32> to vector<512x1xi32>
    %eq3A_170 = vector.broadcast %broadcast_in_dim3A_169 : vector<512x1xi32> to vector<512x16xi32>
    %eq3A_171 = arith.cmpi eq, %iota3A, %eq3A_170 : vector<512x16xi32>
    %convert_element_type3A_172 = arith.extui %eq3A_171 : vector<512x16xi1> to vector<512x16xi32>
    %convert_element_type3A_173 = arith.sitofp %convert_element_type3A_172 : vector<512x16xi32> to vector<512x16xf32>
    %get3A_174 = arith.constant 0 : index
    %get3A_175 = arith.constant 0 : index
    %get3A_176 = arith.constant 0 : index
    %get3A_177 = vector.load %arg9[%get3A_174, %get3A_175, %get3A_176] : memref<1x16x32xf32, #tpu.memory_space<vmem>>, vector<1x16x32xf32>
    %get3A_178 = vector.shape_cast %get3A_177 : vector<1x16x32xf32> to vector<16x32xf32>
    %dot_general3A_179 = arith.constant dense<0.000000e+00> : vector<512x32xf32>
    %dot_general3A_180 = tpu.matmul %convert_element_type3A_173, %get3A_178, %dot_general3A_179 {dimension_numbers = #tpu.dot_dimension_numbers<[1], [0], [0], [1], [0, 0, 1, 1], [], []>, transpose_lhs_hint = false} : vector<512x16xf32>, vector<16x32xf32>, vector<512x32xf32> -> vector<512x32xf32>
    %add3A_181 = arith.addf %add3A_127, %dot_general3A_180 : vector<512x32xf32>
    %swap3A = arith.constant 0 : index
    %swap3A_182 = arith.constant 0 : index
    %swap3A_183 = vector.load %arg10[%swap3A, %swap3A_182] : memref<512x32xf32, #tpu.memory_space<vmem>>, vector<512x32xf32>
    tpu.vector_store %arg10[%swap3A, %swap3A_182], %add3A_181 {strides = array<i32>} : memref<512x32xf32, #tpu.memory_space<vmem>>, vector<512x32xf32>,
    return
  }
  func.func @transform_0(%arg0: i32) -> (i32, i32) {
    %c0_i32 = arith.constant 0 : i32
    %c0_i32_0 = arith.constant 0 : i32
    return %arg0, %c0_i32 : i32, i32
  }
  func.func @transform_1(%arg0: i32) -> (i32, i32) {
    %c0_i32 = arith.constant 0 : i32
    %c0_i32_0 = arith.constant 0 : i32
    %c0_i32_1 = arith.constant 0 : i32
    return %c0_i32, %c0_i32_0 : i32, i32
  }
  func.func @transform_2(%arg0: i32) -> (i32, i32) {
    %c0_i32 = arith.constant 0 : i32
    %c0_i32_0 = arith.constant 0 : i32
    %c0_i32_1 = arith.constant 0 : i32
    return %c0_i32, %c0_i32_0 : i32, i32
  }
  func.func @transform_3(%arg0: i32) -> (i32, i32) {
    %c0_i32 = arith.constant 0 : i32
    %c0_i32_0 = arith.constant 0 : i32
    %c0_i32_1 = arith.constant 0 : i32
    return %c0_i32, %c0_i32_0 : i32, i32
  }
  func.func @transform_4(%arg0: i32) -> (i32, i32, i32) {
    %c0_i32 = arith.constant 0 : i32
    %c0_i32_0 = arith.constant 0 : i32
    %c0_i32_1 = arith.constant 0 : i32
    %c0_i32_2 = arith.constant 0 : i32
    return %c0_i32, %c0_i32_0, %c0_i32_1 : i32, i32, i32
  }
  func.func @transform_5(%arg0: i32) -> (i32, i32) {
    %c0_i32 = arith.constant 0 : i32
    %c0_i32_0 = arith.constant 0 : i32
    %c0_i32_1 = arith.constant 0 : i32
    return %c0_i32, %c0_i32_0 : i32, i32
  }
  func.func @transform_6(%arg0: i32) -> (i32, i32) {
    %c0_i32 = arith.constant 0 : i32
    %c0_i32_0 = arith.constant 0 : i32
    %c0_i32_1 = arith.constant 0 : i32
    return %c0_i32, %c0_i32_0 : i32, i32
  }
  func.func @transform_7(%arg0: i32) -> (i32, i32) {
    %c0_i32 = arith.constant 0 : i32
    %c0_i32_0 = arith.constant 0 : i32
    %c0_i32_1 = arith.constant 0 : i32
    return %c0_i32, %c0_i32_0 : i32, i32
  }
  func.func @transform_8(%arg0: i32) -> (i32, i32, i32) {
    %c0_i32 = arith.constant 0 : i32
    %c0_i32_0 = arith.constant 0 : i32
    %c0_i32_1 = arith.constant 0 : i32
    %c0_i32_2 = arith.constant 0 : i32
    return %c0_i32, %c0_i32_0, %c0_i32_1 : i32, i32, i32
  }
  func.func @transform_9(%arg0: i32) -> (i32, i32) {
    %c0_i32 = arith.constant 0 : i32
    %c0_i32_0 = arith.constant 0 : i32
    return %arg0, %c0_i32 : i32, i32
  }
}

</mosaic_0001>

<sc_bundles>
// kernel: kernel.10.cloned.1.call-start
scs
__scs_entry_jumppad:
0x0: {  	(pc) =	sbr.rel $0x88, $3  }
0x1: {  	(tag) =	ssettag $0x0;
	lr =	simm.s32 $0x1  }
0x2: {  	[smem:$0x3F96] =	sst lr;
	_ =	strace $0xD0000000  }
0x3: {  	_ = 	snop  }
0x4: {  	_ = 	snop  }
0x5: {  	_ = 	snop  }
0x6: {  	_ = 	snop  }
0x7: {  	_ = 	snop  }
__scs_overlays_trampoline_lowered:
0x8: {  	[smem:$0x3FA5] =	sst s0  }
0x9: {  	[smem:$0x3FA6] =	sst s1  }
0xa: {  	[smem:$0x3FA7] =	sst s2  }
0xb: {  	[smem:$0x3FA8] =	sst s3  }
0xc: {  	[smem:$0x3FA9] =	sst s4  }
0xd: {  	[smem:$0x3FAA] =	sst s5  }
0xe: {  	[smem:$0x3FAB] =	sst s6  }
0xf: {  	[smem:$0x3FAC] =	sst s7  }
0x10: {  	[smem:$0x3FAD] =	sst s8  }
0x11: {  	[smem:$0x3FAE] =	sst s9;
	s0 =	simm.s32 @!p0 $0x0  }
0x12: {  	s1 =	sld [smem:$0x3F94];
	s0 =	simm.s32 @p0 $0x1  }
0x13: {  	[smem:$0x3FAF] =	sst s0;
	s0 =	simm.s32 @!p1 $0x0  }
0x14: {  	s2 =	sld [smem:$0x3F93];
	s0 =	simm.s32 @p1 $0x1  }
0x15: {  	[smem:$0x3FB0] =	sst s0;
	s0 =	simm.s32 @!p2 $0x0  }
0x16: {  	s3 =	sld [smem:$0x3FDB];
	s0 =	simm.s32 @p2 $0x1  }
0x17: {  	s4 =	simm.s32 $0x1BF5;
	[smem:$0x3FB2] =	sst s0  }
0x18: {  	s0 =	sld [smem:$0x3F95];
	_ =	swait.ge [sflag:s4], $0x0  }
0x19: {  	s7 =	sld [smem:$0x3F96]  }
0x1a: {  	s8 =	sadd.s32 $0xFFFFE003, lr  }
0x1b: {  	s9 =	sadd.s32 $0xFFFFFEF7, lr;
	s5 =	simm.s32 $0xFFFFFFFF;
	p2 =	slt.u32 s8, $0xFFFFF086  }
0x1c: {  	p1 =	slt.u32 s9, $0xF7A;
	s5 =	simm.s32 @!p2 $0x0  }
0x1d: {  	s5 =	simm.s32 @p1 $0x1;
	p0 =	seq.s32 s7, s2  }
0x1e: {  	s7 =	smul.u32 @!p0 $0xF7A, s2;
	p2 =	seq.s32 @!p0 s5, $0x0  }
0x1f: {  	s9 =	smul.u32 $0xF7A, s1;
	s8 =	simm.s32 @!p0 $0x1BF5;
	p2 =	por !p2, p0  }
0x20: {  	[sflag:s8] =	ssyncset.s32 @!p0 $0xFFFFF086;
	s6 =	sadd.s32 @!p0 s3, s7;
	s7 =	simm.s32 @!p0 $0x108  }
0x21: {  	s3 =	sadd.s32 s3, s9;
	s6 =	sadd.s32 @!p0 $0x88, s6;
	s7 =	simm.s32 @p2 $0x1082  }
0x22: {  	[simem:s7], [sflag:s8] =	dma.local @!p0 [hbm:s6], $0xF7A  }
0x23: {  	s9 =	sor.u32 $0xD0000000, s2;
	s6 =	simm.s32 $0x108;
	_ =	swait.ge @!p0 [sflag:s8], $0x0  }
0x24: {  	s3 =	sadd.s32 $0x88, s3;
	s6 =	simm.s32 @!p1 $0x1082;
	[sflag:s4] =	ssyncset.s32 $0xFFFFF086  }
0x25: {  	[simem:s6], [sflag:s4] =	dma.local [hbm:s3], $0xF7A  }
0x26: {  	[smem:$0x3F96] =	sst s1;
	(tag) =	ssettag s2;
	_ =	strace s9  }
0x27: {  	s1 =	sld [smem:$0x3FA6]  }
0x28: {  	s2 =	sld [smem:$0x3FA7]  }
0x29: {  	s4 =	sld [smem:$0x3FA9]  }
0x2a: {  	p0 =	seq.s32 s5, $0x0;
	s5 =	sld [smem:$0x3FAA]  }
0x2b: {  	s6 =	sld [smem:$0x3FAB]  }
0x2c: {  	s7 =	sld [smem:$0x3FAC]  }
0x2d: {  	s3 =	simm.s32 $0x108;
	s8 =	sld [smem:$0x3FAD]  }
0x2e: {  	s3 =	simm.s32 @!p0 $0x1082;
	s9 =	sld [smem:$0x3FAE]  }
0x2f: {  	lr =	sadd.s32 s0, s3;
	s0 =	sld [smem:$0x3FA5]  }
0x30: {  	s3 =	sld [smem:$0x3FA8]  }
0x31: {  	[smem:$0x3FB1] =	sst s10  }
0x32: {  	s10 =	sld [smem:$0x3FAF];
	_ =	sdelay $0x3  }
0x33: {  	p0 =	seq.s32 s10, $0x1;
	s10 =	sld [smem:$0x3FB1];
	_ =	sdelay $0x3  }
0x34: {  	[smem:$0x3FB1] =	sst s10  }
0x35: {  	s10 =	sld [smem:$0x3FB0];
	_ =	sdelay $0x3  }
0x36: {  	p1 =	seq.s32 s10, $0x1;
	s10 =	sld [smem:$0x3FB1];
	_ =	sdelay $0x3  }
0x37: {  	[smem:$0x3FB1] =	sst s10  }
0x38: {  	s10 =	sld [smem:$0x3FB2]  }
0x39: {  	_ = 	snop;
	(pc) =	sbr.ind lr, $3  }
0x3a: {  	_ = 	snop  }
0x3b: {  	_ = 	snop  }
0x3c: {  	p2 =	seq.s32 s10, $0x1;
	s10 =	sld [smem:$0x3FB1]  }
0x3d: {  	_ =	shalt  }
0x3e: {  	_ =	shalt  }
0x3f: {  	_ =	shalt  }
0x40: {  	_ =	shalt  }
0x41: {  	_ =	shalt  }
0x42: {  	_ =	shalt  }
0x43: {  	_ =	shalt  }
0x44: {  	_ =	shalt  }
0x45: {  	_ =	shalt  }
0x46: {  	_ =	shalt  }
0x47: {  	_ =	shalt  }
0x48: {  	_ =	shalt  }
0x49: {  	_ =	shalt  }
0x4a: {  	_ =	shalt  }
0x4b: {  	_ =	shalt  }
0x4c: {  	_ =	shalt  }
0x4d: {  	_ =	shalt  }
0x4e: {  	_ =	shalt  }
0x4f: {  	_ =	shalt  }
0x50: {  	_ =	shalt  }
0x51: {  	_ =	shalt  }
0x52: {  	_ =	shalt  }
0x53: {  	_ =	shalt  }
0x54: {  	_ =	shalt  }
0x55: {  	_ =	shalt  }
0x56: {  	_ =	shalt  }
0x57: {  	_ =	shalt  }
0x58: {  	_ =	shalt  }
0x59: {  	_ =	shalt  }
0x5a: {  	_ =	shalt  }
0x5b: {  	_ =	shalt  }
0x5c: {  	_ =	shalt  }
0x5d: {  	_ =	shalt  }
0x5e: {  	_ =	shalt  }
0x5f: {  	_ =	shalt  }
0x60: {  	_ =	shalt  }
0x61: {  	_ =	shalt  }
0x62: {  	_ =	shalt  }
0x63: {  	_ =	shalt  }
0x64: {  	_ =	shalt  }
0x65: {  	_ =	shalt  }
0x66: {  	_ =	shalt  }
0x67: {  	_ =	shalt  }
0x68: {  	_ =	shalt  }
0x69: {  	_ =	shalt  }
0x6a: {  	_ =	shalt  }
0x6b: {  	_ =	shalt  }
0x6c: {  	_ =	shalt  }
0x6d: {  	_ =	shalt  }
0x6e: {  	_ =	shalt  }
0x6f: {  	_ =	shalt  }
0x70: {  	_ =	shalt  }
0x71: {  	_ =	shalt  }
0x72: {  	_ =	shalt  }
0x73: {  	_ =	shalt  }
0x74: {  	_ =	shalt  }
0x75: {  	_ =	shalt  }
0x76: {  	_ =	shalt  }
0x77: {  	_ =	shalt  }
0x78: {  	_ =	shalt  }
0x79: {  	_ =	shalt  }
0x7a: {  	_ =	shalt  }
0x7b: {  	_ =	shalt  }
0x7c: {  	_ =	shalt  }
0x7d: {  	_ =	shalt  }
0x7e: {  	_ =	shalt  }
0x7f: {  	_ =	shalt  }
0x80: {  	_ =	shalt  }
0x81: {  	_ =	shalt  }
0x82: {  	_ =	shalt  }
0x83: {  	_ =	shalt  }
0x84: {  	_ =	shalt  }
0x85: {  	_ =	shalt  }
0x86: {  	_ =	shalt  }
0x87: {  	_ =	shalt  }
.Lfunc_end0:
.L_simem_size_0:
called_computation_lowered:
.L_overlay_start_0:
0x88: {  	s2 =	sld [smem:$0x3FD9]  }
0x89: {  	s3 =	sld [smem:$0x3FFE];
	_ =	sdelay $0x1  }
0x8a: {  	s1 =	srdreg.scid  }
0x8b: {  	s0 =	sand.u32 $0x1, s1  }
0x8c: {  	s15 =	sshll.u32 s0, $0xA;
	s2 =	sadd.s32 s3, s2  }
0x8d: {  	s2 =	sadd.s32 s2, s15  }
0x8e: {  	[smem:$0x3FBD] =	sst s2  }
0x8f: {  	_ = 	snop  }
0x90: {  	s4 =	sld [smem:$0x3FD0];
	_ =	sdelay $0x1  }
0x91: {  	s2 =	sld [smem:$0x3FC8]  }
0x92: {  	s5 =	simm.s32 $0xD;
	s6 =	simm.s32 $0x10;
	s16 =	sld [smem:$0x3FC7]  }
0x93: {  	[smem:s6], [sflag:s5] =	dma.local [hbm:s4], $0x1  }
0x94: {  	_ =	swait.eq [sflag:s5], $0x1  }
0x95: {  	[sflag:s5] =	ssyncset.done $0x0  }
0x96: {  	[sflag:s5] =	ssyncadd.s32 $0xFFFFFFFF  }
0x97: {  	s17 =	sld [smem:$0x11];
	(tm) =	ssettm $0x1  }
0x98: {  	s18 =	sld [smem:$0x3FFB];
	_ =	sdelay $0x3  }
0x99: {  	_ =	strace s18  }
0x9a: {  	s4 =	sld [smem:$0x3FFC];
	_ =	sdelay $0x3  }
0x9b: {  	_ =	strace s4  }
0x9c: {  	s4 =	sld [smem:$0x3FFD];
	_ =	sdelay $0x3  }
0x9d: {  	_ =	strace s4  }
0x9e: {  	_ =	strace $0x8FFFFFFF  }
0x9f: {  	s19 =	sld [smem:$0x3FDB];
	_ =	sdelay $0x1  }
0xa0: {  	s20 =	simm.s32 $_scs_section_size  }
0xa1: {  	s7 =	simm.s32 $_size__tile_overlayer_lowered;
	s8 =	simm.s32 $_tile_overlayer_lowered  }
0xa2: {  	s9 =	simm.s32 $0x1BFF;
	s21 =	sshll.u32 s8, $0x1;
	s6 =	sadd.s32 s20, s19  }
0xa3: {  	s22 =	simm.s32 $0x0;
	s7 =	sshll.u32 s7, $0x1;
	s8 =	sadd.s32 s21, s6  }
0xa4: {  	[timem:s22], [sflag:s9] =	dma.local [hbm:s8], s7  }
0xa5: {  	_ =	swait.ge [sflag:s9], s7  }
0xa6: {  	s7 =	ssub.s32 $0x0, s7;
	[sflag:s9] =	ssyncset.done $0x0  }
0xa7: {  	[sflag:s9] =	ssyncadd.s32 s7;
	_ =	sdelay $0x1  }
0xa8: {  	s23 =	simm.s32 $0x1B8B  }
0xa9: {  	_ =	swait.ge [sflag:s23], $0x1  }
0xaa: {  	[sflag:s23] =	ssyncset.done $0x0  }
0xab: {  	[sflag:s23] =	ssyncadd.s32 $0xFFFFFFFF  }
0xac: {  	s7 =	sld [smem:$0x0]  }
0xad: {  	s8 =	sand.u32 $0xFFFFFFFE, s1  }
0xae: {  	p0 =	sne.s32 s1, s8  }
0xaf: {  	s8 =	sshll.u32 @p0 s8, $0xE  }
0xb0: {  	s8 =	sadd.s32 @p0 $0x11B8D, s8;
	s9 =	sshll.u32 @p0 s7, $0x11  }
0xb1: {  	s8 =	sor.u32 @p0 s9, s8  }
0xb2: {  	[sflag:s8] =	ssyncadd.remote.s32 @p0 $0x1;
	_ =	sdelay $0x1  }
0xb3: {  	s8 =	simm.s32 @p0 $0x1B8D  }
0xb4: {  	_ =	swait.eq @p0 [sflag:s8], $0x1  }
0xb5: {  	[sflag:s8] =	ssyncadd.s32 @p0 $0xFFFFFFFF  }
0xb6: {  	s9 =	sshll.u32 @!p0 s1, $0xE  }
0xb7: {  	s9 =	sor.u32 @!p0 $0x4000, s9;
	s8 =	simm.s32 @!p0 $0x1B8D  }
0xb8: {  	s7 =	sshll.u32 @!p0 s7, $0x11;
	s9 =	sadd.s32 @!p0 $0x11B8D, s9;
	_ =	swait.eq @!p0 [sflag:s8], $0x1  }
0xb9: {  	s7 =	sor.u32 @!p0 s7, s9;
	[sflag:s8] =	ssyncadd.s32 @!p0 $0xFFFFFFFF  }
0xba: {  	s25 =	simm.s32 $0x1B8E;
	s24 =	sld [smem:$0x3FFE];
	[sflag:s7] =	ssyncadd.remote.s32 @!p0 $0x1  }
0xbb: {  	s26 =	simm.s32 $execute0_lowered;
	[smem:$0x3FD2] =	sst s25  }
0xbc: {  	s8 =	sshll.u32 s26, $0x1;
	_ =	strace $0x8000004F;
	[dreg:$0x1] =	wrdreg $0xFFFFFFFF  }
0xbd: {  	s28 =	simm.s32 $_size_execute0_lowered;
	s6 =	sadd.s32 s6, s8;
	[dreg:$0x0] =	wrdreg $0x0  }
0xbe: {  	s8 =	sshll.u32 s28, $0x1;
	[dreg:$0x2] =	wrdreg s6  }
0xbf: {  	[dreg:$0x3] =	wrdreg s8  }
0xc0: {  	[dreg:$0x4] =	wrdreg $0xC0  }
0xc1: {  	_ =	task [dreg:s22], $0x5FFFF  }
0xc2: {  	[dreg:$0x1] =	wrdreg $0xFFFFFFFF  }
0xc3: {  	[dreg:$0x0] =	wrdreg $0x60  }
0xc4: {  	[dreg:$0x2] =	wrdreg s2  }
0xc5: {  	[dreg:$0x3] =	wrdreg s16  }
0xc6: {  	[dreg:$0x4] =	wrdreg s24  }
0xc7: {  	[dreg:$0x5] =	wrdreg s17  }
0xc8: {  	[dreg:$0x6] =	wrdreg $0x9  }
0xc9: {  	_ =	task.clear_ibuf [dreg:s22], $0x7FFFF;
	_ =	strace $0x9000004F  }
0xca: {  	s29 =	simm.s32 $0x9;
	_ =	strace $0x80000051  }
0xcb: {  	_ =	swait.ge [sflag:s29], $0x1  }
0xcc: {  	[sflag:s29] =	ssyncadd.s32 $0xFFFFFFFF  }
0xcd: {  	_ =	strace $0x90000051  }
0xce: {  	_ =	sfence  }
0xcf: {  	s30 =	sld [smem:$0x0];
	_ =	sdelay $0x2  }
0xd0: {  	s31 =	sshll.u32 s1, $0xD;
	s1 =	sshrl.u32 s1, $0x2  }
0xd1: {  	s3 =	sand.u32 $0x4000, s31;
	s1 =	sadd.s32 s1, s30  }
0xd2: {  	s0 =	sor.u32 s3, s0;
	s1 =	sshll.u32 s1, $0x11  }
0xd3: {  	s0 =	sor.u32 s1, s0  }
0xd4: {  	s0 =	sadd.s32 $0x8F2B, s0  }
0xd5: {  	[sflag:s0] =	ssyncadd.remote.s32 $0x1  }
0xd6: {  	_ =	sfence.sel $0xFFFF  }
0xd7: {  	[dreg:$0x0] =	wrdreg $0xFFFFFFFF;
	(pc) =	sbr.abs _section_cstart, $3  }
0xd8: {  	[dreg:$0x1] =	wrdreg $0xFFFFFFFF  }
0xd9: {  	_ =	task.clear_ibuf [dreg:s22], $0x2FFFF;
	_ =	strace $0x9FFFFFFF  }
0xda: {  	(tm) =	ssettm $0x7FFFFFFF  }
0xdb: {  	_ =	shalt  }
tec
execute0_lowered:
.L_overlay_start_1:
0x0: {  	(tag) =	ssettag $0x1  }
0x1: {  	s0 =	rddreg [dreg:$0x0]  }
0x2: {  	s3 =	rddreg [dreg:$0x1]  }
0x3: {  	s1 =	rddreg [dreg:$0x2]  }
0x4: {  	s2 =	srdreg.scid;
	s5 =	rddreg [dreg:$0x3]  }
0x5: {  	s4 =	stileid.u32;
	s9 =	simm.s32 $0x9;
	s11 =	simm.s32 $0x400  }
0x6: {  	s12 =	simm.s32 $0x7A1400;
	s13 =	simm.s32 $0x1100;
	s14 =	simm.s32 $0x5100  }
0x7: {  	s15 =	simm.s32 $0x2100;
	s16 =	simm.s32 $0x6100;
	s17 =	simm.s32 $0x3100  }
0x8: {  	s18 =	simm.s32 $0x7100;
	s19 =	simm.s32 $0x4100;
	s20 =	simm.s32 $0x8100  }
0x9: {  	s21 =	simm.s32 $0x1;
	s22 =	simm.s32 $0x5;
	s23 =	simm.s32 $0x2  }
0xa: {  	s24 =	simm.s32 $0x6;
	s25 =	simm.s32 $0x3;
	s2 =	sand.u32 $0x1, s2  }
0xb: {  	s26 =	simm.s32 $0x7;
	s6 =	sshll.u32 s4, $0x6;
	s7 =	sshll.u32 s2, $0x5  }
0xc: {  	s28 =	simm.s32 $0x4;
	s29 =	simm.s32 $0x8;
	s7 =	sor.u32 s7, s6  }
0xd: {  	s4 =	simm.s32 $0x0;
	s2 =	ssub.s32 $0x2, s2;
	s6 =	sshrl.u32 s7, $0x3  }
.Ltmp0:
0xe: {  	[smem:$0x7FF] =	sst s4;
	s1 =	sadd.s32 s6, s1;
	(pc) =	sbr.rel .LBB2_1-.Ltmp0, $4  }
0xf: {  	v0 =	vlaneseq.u32;
	s8 =	sshrl.u32 s2, $0x1;
	_ =	strace $0x80000050;
	s6 =	sadd.s32 $0xFA00, s1  }
0x10: {  	v1 =	vmul.u32 $0x80, v0;
	s30 =	sshll.u32 s7, $0x4;
	s1 =	sadd.s32 $0xF800, s1;
	[dreg:$0x5] =	wrdreg s6  }
0x11: {  	vm0 =	vmmov $0x1;
	vm1 =	vcmask $0x308;
	s2 =	ssub.s32 s2, s8;
	[dreg:$0x6] =	wrdreg s1;
	s1 =	sadd.s32 s5, s30  }
0x12: {  	vm2 =	vcmask $0x70C;
	vm3 =	vcmask $0xB10;
	s31 =	simm.s32 $0x0;
	v2 =	vor.u32 $0x800, v1;
	s8 =	smax.u32 s2, $0x1;
	[dreg:$0x7] =	wrdreg s1  }
.LBB2_4:
0x13: {  	s31 =	sadd.s32 $0x1, s31  }
0x14: {  	p0 =	sne.s32 s31, s8  }
.Ltmp1:
0x15: {  	s1 =	rddreg [dreg:$0x7];
	s2 =	simm.s32 $0x100;
	(pc) =	sbr.rel @!p0 .LBB2_5-.Ltmp1, $4  }
0x16: {  	[hbm4b:s1+s4] =	stream.linear.scatter [tilespmem:s2], [sflag:$0x9], $0x1000, $0x38;
	[tilespmem:$0x9100] =	vst v63  }
0x17: {  	_ =	swait.ge [sflag:s9], $0x1000  }
0x18: {  	[sflag:s9] =	ssyncset.done $0x0  }
0x19: {  	[sflag:s9] =	ssyncadd.s32 $0xFFFFF000  }
.LBB2_1:
0x1a: {  	s1 =	rddreg [dreg:$0x5]  }
0x1b: {  	[tilespmem:s4], [sflag:$0x9] =	stream.linear.gather [hbm4b:s1+s4], $0x20, $0x38;
	[tilespmem:$0x9100] =	vst v63  }
0x1c: {  	_ =	swait.ge [sflag:s9], $0x20  }
0x1d: {  	[sflag:s9] =	ssyncset.done $0x0  }
0x1e: {  	s2 =	simm.s32 $0x80;
	s7 =	rddreg [dreg:$0x6];
	[sflag:s9] =	ssyncadd.s32 $0xFFFFFFE0  }
0x1f: {  	[tilespmem:s2], [sflag:$0x9] =	stream.linear.gather [hbm4b:s7+s4], $0x20, $0x38;
	[tilespmem:$0x9100] =	vst v63  }
0x20: {  	_ =	swait.ge [sflag:s9], $0x20  }
0x21: {  	[sflag:s9] =	ssyncset.done $0x0  }
0x22: {  	[sflag:s9] =	ssyncadd.s32 $0xFFFFFFE0  }
0x23: {  	v3 =	vld [tilespmem:$0x0];
	_ =	sdelay $0x1  }
0x24: {  	v4 =	vld [tilespmem:$0x80];
	_ =	sdelay $0x2  }
0x25: {  	v3 =	vnsel vm0, $0x0, v3  }
0x26: {  	v3 =	vxor.u32 $0x80000000, v3  }
0x27: {  	(xrf0) =	vmax.scan.msk.u32 $0xffff, v3;
	v3 =	vnsel vm0, $0x0, v4  }
0x28: {  	v3 =	vxor.u32 $0x80000000, v3  }
0x29: {  	(xrf0) =	vmax.scan.msk.u32 $0xffff, v3;
	_ =	sdelay $0x3  }
0x2a: {  	v3, _, _ =	vpop (xrf0)  }
0x2b: {  	(v2sf) =	vpush v3, $0xF  }
0x2c: {  	v3, _, _ =	vpop (xrf0)  }
0x2d: {  	(v2sf) =	vpush v3, $0xF;
	_ =	sdelay $0xc  }
0x2e: {  	s10 =	spop (v2sf)  }
0x2f: {  	s1 =	sand.u32 $0x1FFFFF80, s10  }
0x30: {  	s1 =	sadd.s32 s0, s1;
	s30 =	spop (v2sf)  }
0x31: {  	[tilespmem:s13], [sflag:$0x1] =	stream.strided.gather [hbm4b:s1+s11], $0x1000, s12, s11, $0x38;
	[tilespmem:$0x9100] =	vst v63  }
0x32: {  	s1 =	sand.u32 $0x1FFFFF80, s30  }
0x33: {  	s1 =	sadd.s32 s3, s1  }
0x34: {  	[tilespmem:s14], [sflag:$0x5] =	stream.strided.gather [hbm4b:s1+s11], $0x1000, s12, s11, $0x38;
	[tilespmem:$0x9100] =	vst v63  }
0x35: {  	v3 =	vld [tilespmem:$0x0];
	_ =	sdelay $0x1  }
0x36: {  	v61 =	vld [tilespmem:$0x80];
	_ =	sdelay $0x2  }
0x37: {  	v3 =	vsel vm1, $0x0, v3  }
0x38: {  	v3 =	vxor.u32 $0x80000000, v3  }
0x39: {  	(xrf0) =	vmax.scan.msk.u32 $0xffff, v3;
	v3 =	vsel vm1, $0x0, v61  }
0x3a: {  	v3 =	vxor.u32 $0x80000000, v3  }
0x3b: {  	(xrf0) =	vmax.scan.msk.u32 $0xffff, v3;
	_ =	sdelay $0x3  }
0x3c: {  	v3, _, _ =	vpop (xrf0)  }
0x3d: {  	(v2sf) =	vpush v3, $0xF  }
0x3e: {  	v3, _, _ =	vpop (xrf0)  }
0x3f: {  	(v2sf) =	vpush v3, $0xF;
	_ =	sdelay $0xc  }
0x40: {  	s2 =	spop (v2sf)  }
0x41: {  	s1 =	sand.u32 $0x1FFFFF80, s2  }
0x42: {  	s1 =	sadd.s32 s0, s1;
	s5 =	spop (v2sf)  }
0x43: {  	[tilespmem:s15], [sflag:$0x2] =	stream.strided.gather [hbm4b:s1+s11], $0x1000, s12, s11, $0x38;
	[tilespmem:$0x9100] =	vst v63  }
0x44: {  	s1 =	sand.u32 $0x1FFFFF80, s5  }
0x45: {  	s1 =	sadd.s32 s3, s1  }
0x46: {  	[tilespmem:s16], [sflag:$0x6] =	stream.strided.gather [hbm4b:s1+s11], $0x1000, s12, s11, $0x38;
	[tilespmem:$0x9100] =	vst v63  }
0x47: {  	v3 =	vld [tilespmem:$0x0];
	_ =	sdelay $0x1  }
0x48: {  	v62 =	vld [tilespmem:$0x80];
	_ =	sdelay $0x2  }
0x49: {  	v3 =	vsel vm2, $0x0, v3  }
0x4a: {  	v3 =	vxor.u32 $0x80000000, v3  }
0x4b: {  	(xrf0) =	vmax.scan.msk.u32 $0xffff, v3;
	v3 =	vsel vm2, $0x0, v62  }
0x4c: {  	v3 =	vxor.u32 $0x80000000, v3  }
0x4d: {  	(xrf0) =	vmax.scan.msk.u32 $0xffff, v3;
	_ =	sdelay $0x3  }
0x4e: {  	v3, _, _ =	vpop (xrf0)  }
0x4f: {  	(v2sf) =	vpush v3, $0xF  }
0x50: {  	v3, _, _ =	vpop (xrf0)  }
0x51: {  	(v2sf) =	vpush v3, $0xF;
	_ =	sdelay $0xc  }
0x52: {  	s6 =	spop (v2sf)  }
0x53: {  	s1 =	sand.u32 $0x1FFFFF80, s6  }
0x54: {  	s1 =	sadd.s32 s0, s1;
	s7 =	spop (v2sf)  }
0x55: {  	[tilespmem:s17], [sflag:$0x3] =	stream.strided.gather [hbm4b:s1+s11], $0x1000, s12, s11, $0x38;
	[tilespmem:$0x9100] =	vst v63  }
0x56: {  	s1 =	sand.u32 $0x1FFFFF80, s7  }
0x57: {  	s1 =	sadd.s32 s3, s1  }
0x58: {  	[tilespmem:s18], [sflag:$0x7] =	stream.strided.gather [hbm4b:s1+s11], $0x1000, s12, s11, $0x38;
	[tilespmem:$0x9100] =	vst v63  }
0x59: {  	v3 =	vld [tilespmem:$0x0];
	_ =	sdelay $0x1  }
0x5a: {  	v63 =	vld [tilespmem:$0x80];
	_ =	sdelay $0x2  }
0x5b: {  	v3 =	vsel vm3, $0x0, v3  }
0x5c: {  	v3 =	vxor.u32 $0x80000000, v3  }
0x5d: {  	(xrf0) =	vmax.scan.msk.u32 $0xffff, v3;
	v3 =	vsel vm3, $0x0, v63  }
0x5e: {  	v3 =	vxor.u32 $0x80000000, v3  }
0x5f: {  	(xrf0) =	vmax.scan.msk.u32 $0xffff, v3;
	_ =	sdelay $0x3  }
0x60: {  	v3, _, _ =	vpop (xrf0)  }
0x61: {  	(v2sf) =	vpush v3, $0xF  }
0x62: {  	v3, _, _ =	vpop (xrf0)  }
0x63: {  	(v2sf) =	vpush v3, $0xF;
	_ =	sdelay $0xc  }
0x64: {  	s10 =	spop (v2sf)  }
0x65: {  	s1 =	sand.u32 $0x1FFFFF80, s10  }
0x66: {  	s1 =	sadd.s32 s0, s1;
	s30 =	spop (v2sf)  }
0x67: {  	[tilespmem:s19], [sflag:$0x4] =	stream.strided.gather [hbm4b:s1+s11], $0x1000, s12, s11, $0x38;
	[tilespmem:$0x9100] =	vst v63  }
0x68: {  	s1 =	sand.u32 $0x1FFFFF80, s30  }
0x69: {  	s1 =	sadd.s32 s3, s1  }
0x6a: {  	[tilespmem:s20], [sflag:$0x8] =	stream.strided.gather [hbm4b:s1+s11], $0x1000, s12, s11, $0x38;
	[tilespmem:$0x9100] =	vst v63  }
0x6b: {  	s2 =	simm.s32 $0x0;
	s1 =	simm.s32 $0x200  }
.LBB2_2:
0x6c: {  	_ =	swait.ge [sflag:s21], $0x1000  }
0x6d: {  	[sflag:s21] =	ssyncset.done $0x0  }
0x6e: {  	[sflag:s21] =	ssyncadd.s32 $0xFFFFF000  }
0x6f: {  	_ =	swait.ge [sflag:s22], $0x1000  }
0x70: {  	[sflag:s22] =	ssyncset.done $0x0  }
0x71: {  	s10 =	sand.u32 $0x10, s2;
	[sflag:s22] =	ssyncadd.s32 $0xFFFFF000  }
0x72: {  	v3 =	vld [tilespmem:s10+$0x0];
	_ =	sdelay $0x1  }
0x73: {  	v4 =	vld [tilespmem:s10+$0x80]  }
0x74: {  	s5 =	sand.u32 $0xC, s2  }
0x75: {  	v5 =	vmov s5  }
0x76: {  	vm4 =	veq.s32 v5, v0;
	v3 =	vxor.u32 $0x80000000, v3  }
0x77: {  	v3 =	vnsel vm4, $0x80000000, v3  }
0x78: {  	v4 =	vxor.u32 $0x80000000, v4;
	(xrf0) =	vmax.scan.msk.u32 $0xffff, v3  }
0x79: {  	v3 =	vnsel vm4, $0x80000000, v4  }
0x7a: {  	(xrf0) =	vmax.scan.msk.u32 $0xffff, v3;
	_ =	sdelay $0x3  }
0x7b: {  	v3, _, _ =	vpop (xrf0)  }
0x7c: {  	(v2sf) =	vpush v3, $0xF  }
0x7d: {  	v3, _, _ =	vpop (xrf0)  }
0x7e: {  	(v2sf) =	vpush v3, $0xF;
	_ =	sdelay $0xc  }
0x7f: {  	s6 =	spop (v2sf)  }
0x80: {  	s5 =	sand.u32 $0x7F, s6  }
0x81: {  	s30 =	spop (v2sf);
	v3 =	vor.u32 s5, v1  }
0x82: {  	s30 =	sand.u32 $0x7F, s30;
	v35 =	vor.u32 s5, v2  }
0x83: {  	v34 =	vor.u32 s30, v1  }
0x84: {  	v6 =	vor.u32 s30, v2;
	_ =	sdelay $0x1  }
0x85: {  	v3 =	vld.idx.msk [tilespmem:v3+s13+$0x0], $0xffff  }
0x86: {  	v5 =	vld.idx.msk [tilespmem:v35+s13+$0x0], $0xffff  }
0x87: {  	v4 =	vld.idx.msk [tilespmem:v34+s14+$0x0], $0xffff  }
0x88: {  	v6 =	vld.idx.msk [tilespmem:v6+s14+$0x0], $0xffff;
	_ =	sdelay $0x3  }
0x89: {  	v3 =	vadd.f32 v4, v3  }
0x8a: {  	p0 =	seq.s32 s2, $0x1C;
	v36 =	vadd.f32 v6, v5  }
0x8b: {  	s5 =	sadd.s32 @!p0 $0x4, s2;
	[tilespmem:s1+$0xFFFFFF00] =	vst v3  }
0x8c: {  	s30 =	sand.u32 @!p0 $0x30, s5;
	[tilespmem:s1+$0xFFFFFF10] =	vst v36  }
0x8d: {  	v4 =	vld @!p0 [tilespmem:s30+$0x0];
	_ =	sdelay $0x1  }
0x8e: {  	s5 =	sand.u32 @!p0 $0xC, s5  }
0x8f: {  	v5 =	vmov @!p0 s5;
	v3 =	vlaneseq.u32 @!p0  }
0x90: {  	vm4 =	veq.s32 @!p0 v5, v3;
	v5 =	vld @!p0 [tilespmem:s30+$0x80]  }
0x91: {  	v4 =	vxor.u32 @!p0 $0x80000000, v4  }
0x92: {  	v4 =	vnsel @!p0 vm4, $0x80000000, v4  }
0x93: {  	(xrf0) =	vmax.scan.msk.u32 @!p0 $0xffff, v4;
	_ =	sdelay $0x1  }
0x94: {  	v4 =	vxor.u32 @!p0 $0x80000000, v5  }
0x95: {  	v4 =	vnsel @!p0 vm4, $0x80000000, v4  }
0x96: {  	(xrf0) =	vmax.scan.msk.u32 @!p0 $0xffff, v4;
	_ =	sdelay $0x1  }
0x97: {  	v4, _, _ =	vpop @!p0 (xrf0)  }
0x98: {  	(v2sf) =	vpush @!p0 v4, $0xF;
	_ =	sdelay $0x2  }
0x99: {  	v4, _, _ =	vpop @!p0 (xrf0)  }
0x9a: {  	(v2sf) =	vpush @!p0 v4, $0xF;
	_ =	sdelay $0xa  }
0x9b: {  	s5 =	spop @!p0 (v2sf)  }
0x9c: {  	s7 =	simm.s32 @!p0 $0x1100;
	s5 =	sand.u32 @!p0 $0x1FFFFF80, s5  }
0x9d: {  	s30 =	simm.s32 @!p0 $0x400;
	s6 =	sadd.s32 @!p0 s0, s5;
	s5 =	simm.s32 @!p0 $0x7A1400  }
0x9e: {  	[tilespmem:s7], [sflag:$0x1] =	stream.strided.gather @!p0 [hbm4b:s6+s30], $0x1000, s5, s30, $0x38;
	[tilespmem:$0x9100] =	vst v63  }
0x9f: {  	s6 =	spop @!p0 (v2sf)  }
0xa0: {  	s6 =	sand.u32 @!p0 $0x1FFFFF80, s6  }
0xa1: {  	s7 =	simm.s32 @!p0 $0x5100;
	s6 =	sadd.s32 @!p0 s3, s6  }
0xa2: {  	[tilespmem:s7], [sflag:$0x5] =	stream.strided.gather @!p0 [hbm4b:s6+s30], $0x1000, s5, s30, $0x38;
	[tilespmem:$0x9100] =	vst v63  }
0xa3: {  	_ =	swait.ge [sflag:s23], $0x1000  }
0xa4: {  	[sflag:s23] =	ssyncset.done $0x0  }
0xa5: {  	[sflag:s23] =	ssyncadd.s32 $0xFFFFF000  }
0xa6: {  	_ =	swait.ge [sflag:s24], $0x1000  }
0xa7: {  	[sflag:s24] =	ssyncset.done $0x0  }
0xa8: {  	[sflag:s24] =	ssyncadd.s32 $0xFFFFF000  }
0xa9: {  	v37 =	vld [tilespmem:s10+$0x0];
	_ =	sdelay $0x1  }
0xaa: {  	s7 =	sadd.s32 $0x1, s2;
	v38 =	vld [tilespmem:s10+$0x80]  }
0xab: {  	s6 =	sand.u32 $0xD, s7  }
0xac: {  	v39 =	vmov s6  }
0xad: {  	vm4 =	veq.s32 v39, v0;
	v4 =	vxor.u32 $0x80000000, v37  }
0xae: {  	v4 =	vnsel vm4, $0x80000000, v4  }
0xaf: {  	v5 =	vxor.u32 $0x80000000, v38;
	(xrf0) =	vmax.scan.msk.u32 $0xffff, v4  }
0xb0: {  	v40 =	vnsel vm4, $0x80000000, v5  }
0xb1: {  	(xrf0) =	vmax.scan.msk.u32 $0xffff, v40;
	_ =	sdelay $0x3  }
0xb2: {  	v41, _, _ =	vpop (xrf0)  }
0xb3: {  	(v2sf) =	vpush v41, $0xF  }
0xb4: {  	v42, _, _ =	vpop (xrf0)  }
0xb5: {  	(v2sf) =	vpush v42, $0xF;
	_ =	sdelay $0xc  }
0xb6: {  	s7 =	spop (v2sf)  }
0xb7: {  	s6 =	sand.u32 $0x7F, s7  }
0xb8: {  	s7 =	spop (v2sf);
	v43 =	vor.u32 s6, v1  }
0xb9: {  	s7 =	sand.u32 $0x7F, s7;
	v45 =	vor.u32 s6, v2  }
0xba: {  	v44 =	vor.u32 s7, v1  }
0xbb: {  	v7 =	vor.u32 s7, v2;
	_ =	sdelay $0x1  }
0xbc: {  	v4 =	vld.idx.msk [tilespmem:v43+s15+$0x0], $0xffff  }
0xbd: {  	v6 =	vld.idx.msk [tilespmem:v45+s15+$0x0], $0xffff  }
0xbe: {  	v5 =	vld.idx.msk [tilespmem:v44+s16+$0x0], $0xffff  }
0xbf: {  	v7 =	vld.idx.msk [tilespmem:v7+s16+$0x0], $0xffff;
	_ =	sdelay $0x3  }
0xc0: {  	v4 =	vadd.f32 v5, v4  }
0xc1: {  	v46 =	vadd.f32 v7, v6  }
0xc2: {  	s6 =	sadd.s32 @!p0 $0x5, s2;
	[tilespmem:s1+$0xFFFFFF80] =	vst v4  }
0xc3: {  	s7 =	sand.u32 @!p0 $0x30, s6;
	[tilespmem:s1+$0xFFFFFF90] =	vst v46  }
0xc4: {  	v4 =	vld @!p0 [tilespmem:s7+$0x0];
	_ =	sdelay $0x2  }
0xc5: {  	s6 =	sand.u32 @!p0 $0xD, s6  }
0xc6: {  	v5 =	vmov @!p0 s6;
	v6 =	vld @!p0 [tilespmem:s7+$0x80]  }
0xc7: {  	vm4 =	veq.s32 @!p0 v5, v3;
	v4 =	vxor.u32 @!p0 $0x80000000, v4  }
0xc8: {  	v4 =	vnsel @!p0 vm4, $0x80000000, v4  }
0xc9: {  	(xrf0) =	vmax.scan.msk.u32 @!p0 $0xffff, v4;
	_ =	sdelay $0x1  }
0xca: {  	v4 =	vxor.u32 @!p0 $0x80000000, v6  }
0xcb: {  	v4 =	vnsel @!p0 vm4, $0x80000000, v4  }
0xcc: {  	(xrf0) =	vmax.scan.msk.u32 @!p0 $0xffff, v4;
	_ =	sdelay $0x1  }
0xcd: {  	v4, _, _ =	vpop @!p0 (xrf0)  }
0xce: {  	(v2sf) =	vpush @!p0 v4, $0xF;
	_ =	sdelay $0x2  }
0xcf: {  	v4, _, _ =	vpop @!p0 (xrf0)  }
0xd0: {  	(v2sf) =	vpush @!p0 v4, $0xF;
	_ =	sdelay $0xa  }
0xd1: {  	s6 =	spop @!p0 (v2sf)  }
0xd2: {  	s6 =	sand.u32 @!p0 $0x1FFFFF80, s6  }
0xd3: {  	s7 =	simm.s32 @!p0 $0x2100;
	s6 =	sadd.s32 @!p0 s0, s6  }
0xd4: {  	[tilespmem:s7], [sflag:$0x2] =	stream.strided.gather @!p0 [hbm4b:s6+s30], $0x1000, s5, s30, $0x38;
	[tilespmem:$0x9100] =	vst v63  }
0xd5: {  	s6 =	spop @!p0 (v2sf)  }
0xd6: {  	s6 =	sand.u32 @!p0 $0x1FFFFF80, s6  }
0xd7: {  	s7 =	simm.s32 @!p0 $0x6100;
	s6 =	sadd.s32 @!p0 s3, s6  }
0xd8: {  	[tilespmem:s7], [sflag:$0x6] =	stream.strided.gather @!p0 [hbm4b:s6+s30], $0x1000, s5, s30, $0x38;
	[tilespmem:$0x9100] =	vst v63  }
0xd9: {  	_ =	swait.ge [sflag:s25], $0x1000  }
0xda: {  	[sflag:s25] =	ssyncset.done $0x0  }
0xdb: {  	[sflag:s25] =	ssyncadd.s32 $0xFFFFF000  }
0xdc: {  	_ =	swait.ge [sflag:s26], $0x1000  }
0xdd: {  	[sflag:s26] =	ssyncset.done $0x0  }
0xde: {  	[sflag:s26] =	ssyncadd.s32 $0xFFFFF000  }
0xdf: {  	v47 =	vld [tilespmem:s10+$0x0];
	_ =	sdelay $0x1  }
0xe0: {  	s7 =	sadd.s32 $0x2, s2;
	v48 =	vld [tilespmem:s10+$0x80]  }
0xe1: {  	s6 =	sand.u32 $0xE, s7  }
0xe2: {  	v49 =	vmov s6  }
0xe3: {  	vm4 =	veq.s32 v49, v0;
	v4 =	vxor.u32 $0x80000000, v47  }
0xe4: {  	v4 =	vnsel vm4, $0x80000000, v4  }
0xe5: {  	v5 =	vxor.u32 $0x80000000, v48;
	(xrf0) =	vmax.scan.msk.u32 $0xffff, v4  }
0xe6: {  	v50 =	vnsel vm4, $0x80000000, v5  }
0xe7: {  	(xrf0) =	vmax.scan.msk.u32 $0xffff, v50;
	_ =	sdelay $0x3  }
0xe8: {  	v51, _, _ =	vpop (xrf0)  }
0xe9: {  	(v2sf) =	vpush v51, $0xF  }
0xea: {  	v52, _, _ =	vpop (xrf0)  }
0xeb: {  	(v2sf) =	vpush v52, $0xF;
	_ =	sdelay $0xc  }
0xec: {  	s7 =	spop (v2sf)  }
0xed: {  	s6 =	sand.u32 $0x7F, s7  }
0xee: {  	s7 =	spop (v2sf);
	v53 =	vor.u32 s6, v1  }
0xef: {  	s7 =	sand.u32 $0x7F, s7;
	v55 =	vor.u32 s6, v2  }
0xf0: {  	v54 =	vor.u32 s7, v1  }
0xf1: {  	v56 =	vor.u32 s7, v2;
	_ =	sdelay $0x1  }
0xf2: {  	v4 =	vld.idx.msk [tilespmem:v53+s17+$0x0], $0xffff  }
0xf3: {  	v6 =	vld.idx.msk [tilespmem:v55+s17+$0x0], $0xffff  }
0xf4: {  	v5 =	vld.idx.msk [tilespmem:v54+s18+$0x0], $0xffff  }
0xf5: {  	v7 =	vld.idx.msk [tilespmem:v56+s18+$0x0], $0xffff;
	_ =	sdelay $0x3  }
0xf6: {  	v4 =	vadd.f32 v5, v4  }
0xf7: {  	v57 =	vadd.f32 v7, v6  }
0xf8: {  	s6 =	sadd.s32 @!p0 $0x6, s2;
	[tilespmem:s1+$0x0] =	vst v4  }
0xf9: {  	s7 =	sand.u32 @!p0 $0x30, s6;
	[tilespmem:s1+$0x10] =	vst v57  }
0xfa: {  	v4 =	vld @!p0 [tilespmem:s7+$0x0];
	_ =	sdelay $0x2  }
0xfb: {  	s6 =	sand.u32 @!p0 $0xE, s6  }
0xfc: {  	v5 =	vmov @!p0 s6;
	v6 =	vld @!p0 [tilespmem:s7+$0x80]  }
0xfd: {  	vm4 =	veq.s32 @!p0 v5, v3;
	v3 =	vxor.u32 @!p0 $0x80000000, v4  }
0xfe: {  	v3 =	vnsel @!p0 vm4, $0x80000000, v3  }
0xff: {  	(xrf0) =	vmax.scan.msk.u32 @!p0 $0xffff, v3;
	_ =	sdelay $0x1  }
0x100: {  	v3 =	vxor.u32 @!p0 $0x80000000, v6  }
0x101: {  	v3 =	vnsel @!p0 vm4, $0x80000000, v3  }
0x102: {  	(xrf0) =	vmax.scan.msk.u32 @!p0 $0xffff, v3;
	_ =	sdelay $0x1  }
0x103: {  	v3, _, _ =	vpop @!p0 (xrf0)  }
0x104: {  	(v2sf) =	vpush @!p0 v3, $0xF;
	_ =	sdelay $0x2  }
0x105: {  	v3, _, _ =	vpop @!p0 (xrf0)  }
0x106: {  	(v2sf) =	vpush @!p0 v3, $0xF;
	_ =	sdelay $0xa  }
0x107: {  	s6 =	spop @!p0 (v2sf)  }
0x108: {  	s6 =	sand.u32 @!p0 $0x1FFFFF80, s6  }
0x109: {  	s7 =	simm.s32 @!p0 $0x3100;
	s6 =	sadd.s32 @!p0 s0, s6  }
0x10a: {  	[tilespmem:s7], [sflag:$0x3] =	stream.strided.gather @!p0 [hbm4b:s6+s30], $0x1000, s5, s30, $0x38;
	[tilespmem:$0x9100] =	vst v63  }
0x10b: {  	s6 =	spop @!p0 (v2sf)  }
0x10c: {  	s6 =	sand.u32 @!p0 $0x1FFFFF80, s6  }
0x10d: {  	s7 =	simm.s32 @!p0 $0x7100;
	s6 =	sadd.s32 @!p0 s3, s6  }
0x10e: {  	[tilespmem:s7], [sflag:$0x7] =	stream.strided.gather @!p0 [hbm4b:s6+s30], $0x1000, s5, s30, $0x38;
	[tilespmem:$0x9100] =	vst v63  }
0x10f: {  	_ =	swait.ge [sflag:s28], $0x1000  }
0x110: {  	[sflag:s28] =	ssyncset.done $0x0  }
0x111: {  	[sflag:s28] =	ssyncadd.s32 $0xFFFFF000  }
0x112: {  	_ =	swait.ge [sflag:s29], $0x1000  }
0x113: {  	[sflag:s29] =	ssyncset.done $0x0  }
0x114: {  	[sflag:s29] =	ssyncadd.s32 $0xFFFFF000  }
0x115: {  	v3 =	vld [tilespmem:s10+$0x0];
	_ =	sdelay $0x1  }
0x116: {  	s7 =	sadd.s32 $0x3, s2;
	v58 =	vld [tilespmem:s10+$0x80]  }
0x117: {  	s5 =	sand.u32 $0xF, s7  }
0x118: {  	v59 =	vmov s5  }
0x119: {  	vm4 =	veq.s32 v59, v0;
	v3 =	vxor.u32 $0x80000000, v3  }
0x11a: {  	v3 =	vnsel vm4, $0x80000000, v3  }
0x11b: {  	v4 =	vxor.u32 $0x80000000, v58;
	(xrf0) =	vmax.scan.msk.u32 $0xffff, v3  }
0x11c: {  	v3 =	vnsel vm4, $0x80000000, v4  }
0x11d: {  	(xrf0) =	vmax.scan.msk.u32 $0xffff, v3;
	_ =	sdelay $0x3  }
0x11e: {  	v3, _, _ =	vpop (xrf0)  }
0x11f: {  	(v2sf) =	vpush v3, $0xF  }
0x120: {  	v3, _, _ =	vpop (xrf0)  }
0x121: {  	(v2sf) =	vpush v3, $0xF;
	_ =	sdelay $0xc  }
0x122: {  	s10 =	spop (v2sf)  }
0x123: {  	s5 =	sand.u32 $0x7F, s10  }
0x124: {  	s30 =	spop (v2sf);
	v3 =	vor.u32 s5, v1  }
0x125: {  	s6 =	sand.u32 $0x7F, s30;
	v61 =	vor.u32 s5, v2  }
0x126: {  	v60 =	vor.u32 s6, v1  }
0x127: {  	v62 =	vor.u32 s6, v2;
	_ =	sdelay $0x1  }
0x128: {  	v3 =	vld.idx.msk [tilespmem:v3+s19+$0x0], $0xffff  }
0x129: {  	v5 =	vld.idx.msk [tilespmem:v61+s19+$0x0], $0xffff  }
0x12a: {  	v4 =	vld.idx.msk [tilespmem:v60+s20+$0x0], $0xffff  }
0x12b: {  	v6 =	vld.idx.msk [tilespmem:v62+s20+$0x0], $0xffff;
	_ =	sdelay $0x2  }
.Ltmp2:
0x12c: {  	_ = 	snop;
	(pc) =	sbr.rel @p0 .LBB2_4-.Ltmp2, $4  }
0x12d: {  	v3 =	vadd.f32 v4, v3  }
0x12e: {  	v63 =	vadd.f32 v6, v5  }
0x12f: {  	[tilespmem:s1+$0x80] =	vst v3  }
0x130: {  	[tilespmem:s1+$0x90] =	vst v63  }
0x131: {  	s5 =	sadd.s32 $0x7, s2  }
0x132: {  	s6 =	sand.u32 $0x30, s5  }
0x133: {  	v3 =	vld [tilespmem:s6+$0x0];
	_ =	sdelay $0x1  }
0x134: {  	v5 =	vld [tilespmem:s6+$0x80]  }
0x135: {  	s5 =	sand.u32 $0xF, s5  }
0x136: {  	v4 =	vmov s5  }
0x137: {  	vm4 =	veq.s32 v4, v0;
	v3 =	vxor.u32 $0x80000000, v3  }
0x138: {  	v3 =	vnsel vm4, $0x80000000, v3  }
0x139: {  	(xrf0) =	vmax.scan.msk.u32 $0xffff, v3;
	v3 =	vxor.u32 $0x80000000, v5  }
0x13a: {  	v3 =	vnsel vm4, $0x80000000, v3  }
0x13b: {  	(xrf0) =	vmax.scan.msk.u32 $0xffff, v3;
	_ =	sdelay $0x3  }
0x13c: {  	v3, _, _ =	vpop (xrf0)  }
0x13d: {  	(v2sf) =	vpush v3, $0xF  }
0x13e: {  	v3, _, _ =	vpop (xrf0)  }
0x13f: {  	(v2sf) =	vpush v3, $0xF;
	_ =	sdelay $0xc  }
0x140: {  	s10 =	spop (v2sf)  }
0x141: {  	s5 =	sand.u32 $0x1FFFFF80, s10  }
.Ltmp3:
0x142: {  	s5 =	sadd.s32 s0, s5;
	s30 =	spop (v2sf);
	(pc) =	sbr.rel .LBB2_2-.Ltmp3, $4  }
0x143: {  	[tilespmem:s19], [sflag:$0x4] =	stream.strided.gather [hbm4b:s5+s11], $0x1000, s12, s11, $0x38;
	[tilespmem:$0x9100] =	vst v63  }
0x144: {  	s5 =	sand.u32 $0x1FFFFF80, s30  }
0x145: {  	s2 =	sadd.s32 $0x4, s2;
	s1 =	sadd.s32 $0x200, s1;
	s5 =	sadd.s32 s3, s5  }
0x146: {  	[tilespmem:s20], [sflag:$0x8] =	stream.strided.gather [hbm4b:s5+s11], $0x1000, s12, s11, $0x38;
	[tilespmem:$0x9100] =	vst v63  }
.LBB2_5:
0x147: {  	_ =	sfence.sel $0x180000  }
0x148: {  	[bflag:$0x0] =	sbarrier.arrive $0xFFFF  }
0x149: {  	_ =	strace $0x90000050  }
0x14a: {  	s0 =	stileid.u32;
	[bflag:$0x2] =	sbarrier.arrive $0xFFFF  }
0x14b: {  	p0 =	sne.s32 s0, $0x0;
	s0 =	rddreg [dreg:$0x4]  }
0x14c: {  	s0 =	sadd.s32 @!p0 $0x100000, s0  }
0x14d: {  	[sflag:s0] =	ssyncadd.tile.s32 @!p0 $0x1;
	_ =	shalt  }
.Lfunc_end2:
_tile_overlayer_lowered:
.L_overlay_start_2:
0x14e: {  	(tag) =	ssettag $0x2  }
0x14f: {  	s0 =	rddreg [dreg:$0x0];
	s2 =	stileid.u32  }
0x150: {  	s1 =	rddreg [dreg:$0x1];
	p0 =	sne.s32 s2, $0x0  }
0x151: {  	s3 =	rddreg [dreg:$0x2];
	[bflag:$0x3] =	sbarrier.arrive $0xFFFF;
	s2 =	simm.s32 @!p0 $0x1C09  }
0x152: {  	[timem:s3], [sflag:s2] =	dma.local @!p0 [hbm:s0], s1  }
0x153: {  	s0 =	simm.s32 @!p0 $0x9  }
0x154: {  	_ =	swait.ge @!p0 [sflag:s0], s1  }
0x155: {  	s1 =	ssub.s32 @!p0 $0x0, s1;
	[sflag:s0] =	ssyncset.done @!p0 $0x0  }
0x156: {  	[sflag:s0] =	ssyncadd.s32 @!p0 s1  }
0x157: {  	[bflag:$0x3] =	sbarrier.arrive $0xFFFF  }
0x158: {  	_ =	shalt  }

// kernel: kernel.13.cloned.1.call-start
scs
__scs_entry_jumppad:
0x0: {  	(pc) =	sbr.rel $0x88, $3  }
0x1: {  	(tag) =	ssettag $0x0;
	lr =	simm.s32 $0x1  }
0x2: {  	[smem:$0x3F96] =	sst lr;
	_ =	strace $0xD0000000  }
0x3: {  	_ = 	snop  }
0x4: {  	_ = 	snop  }
0x5: {  	_ = 	snop  }
0x6: {  	_ = 	snop  }
0x7: {  	_ = 	snop  }
__scs_overlays_trampoline_lowered:
0x8: {  	[smem:$0x3FA5] =	sst s0  }
0x9: {  	[smem:$0x3FA6] =	sst s1  }
0xa: {  	[smem:$0x3FA7] =	sst s2  }
0xb: {  	[smem:$0x3FA8] =	sst s3  }
0xc: {  	[smem:$0x3FA9] =	sst s4  }
0xd: {  	[smem:$0x3FAA] =	sst s5  }
0xe: {  	[smem:$0x3FAB] =	sst s6  }
0xf: {  	[smem:$0x3FAC] =	sst s7  }
0x10: {  	[smem:$0x3FAD] =	sst s8  }
0x11: {  	[smem:$0x3FAE] =	sst s9;
	s0 =	simm.s32 @!p0 $0x0  }
0x12: {  	s1 =	sld [smem:$0x3F94];
	s0 =	simm.s32 @p0 $0x1  }
0x13: {  	[smem:$0x3FAF] =	sst s0;
	s0 =	simm.s32 @!p1 $0x0  }
0x14: {  	s2 =	sld [smem:$0x3F93];
	s0 =	simm.s32 @p1 $0x1  }
0x15: {  	[smem:$0x3FB0] =	sst s0;
	s0 =	simm.s32 @!p2 $0x0  }
0x16: {  	s3 =	sld [smem:$0x3FDB];
	s0 =	simm.s32 @p2 $0x1  }
0x17: {  	s4 =	simm.s32 $0x1BF5;
	[smem:$0x3FB2] =	sst s0  }
0x18: {  	s0 =	sld [smem:$0x3F95];
	_ =	swait.ge [sflag:s4], $0x0  }
0x19: {  	s7 =	sld [smem:$0x3F96]  }
0x1a: {  	s8 =	sadd.s32 $0xFFFFE003, lr  }
0x1b: {  	s9 =	sadd.s32 $0xFFFFFEF7, lr;
	s5 =	simm.s32 $0xFFFFFFFF;
	p2 =	slt.u32 s8, $0xFFFFF086  }
0x1c: {  	p1 =	slt.u32 s9, $0xF7A;
	s5 =	simm.s32 @!p2 $0x0  }
0x1d: {  	s5 =	simm.s32 @p1 $0x1;
	p0 =	seq.s32 s7, s2  }
0x1e: {  	s7 =	smul.u32 @!p0 $0xF7A, s2;
	p2 =	seq.s32 @!p0 s5, $0x0  }
0x1f: {  	s9 =	smul.u32 $0xF7A, s1;
	s8 =	simm.s32 @!p0 $0x1BF5;
	p2 =	por !p2, p0  }
0x20: {  	[sflag:s8] =	ssyncset.s32 @!p0 $0xFFFFF086;
	s6 =	sadd.s32 @!p0 s3, s7;
	s7 =	simm.s32 @!p0 $0x108  }
0x21: {  	s3 =	sadd.s32 s3, s9;
	s6 =	sadd.s32 @!p0 $0x88, s6;
	s7 =	simm.s32 @p2 $0x1082  }
0x22: {  	[simem:s7], [sflag:s8] =	dma.local @!p0 [hbm:s6], $0xF7A  }
0x23: {  	s9 =	sor.u32 $0xD0000000, s2;
	s6 =	simm.s32 $0x108;
	_ =	swait.ge @!p0 [sflag:s8], $0x0  }
0x24: {  	s3 =	sadd.s32 $0x88, s3;
	s6 =	simm.s32 @!p1 $0x1082;
	[sflag:s4] =	ssyncset.s32 $0xFFFFF086  }
0x25: {  	[simem:s6], [sflag:s4] =	dma.local [hbm:s3], $0xF7A  }
0x26: {  	[smem:$0x3F96] =	sst s1;
	(tag) =	ssettag s2;
	_ =	strace s9  }
0x27: {  	s1 =	sld [smem:$0x3FA6]  }
0x28: {  	s2 =	sld [smem:$0x3FA7]  }
0x29: {  	s4 =	sld [smem:$0x3FA9]  }
0x2a: {  	p0 =	seq.s32 s5, $0x0;
	s5 =	sld [smem:$0x3FAA]  }
0x2b: {  	s6 =	sld [smem:$0x3FAB]  }
0x2c: {  	s7 =	sld [smem:$0x3FAC]  }
0x2d: {  	s3 =	simm.s32 $0x108;
	s8 =	sld [smem:$0x3FAD]  }
0x2e: {  	s3 =	simm.s32 @!p0 $0x1082;
	s9 =	sld [smem:$0x3FAE]  }
0x2f: {  	lr =	sadd.s32 s0, s3;
	s0 =	sld [smem:$0x3FA5]  }
0x30: {  	s3 =	sld [smem:$0x3FA8]  }
0x31: {  	[smem:$0x3FB1] =	sst s10  }
0x32: {  	s10 =	sld [smem:$0x3FAF];
	_ =	sdelay $0x3  }
0x33: {  	p0 =	seq.s32 s10, $0x1;
	s10 =	sld [smem:$0x3FB1];
	_ =	sdelay $0x3  }
0x34: {  	[smem:$0x3FB1] =	sst s10  }
0x35: {  	s10 =	sld [smem:$0x3FB0];
	_ =	sdelay $0x3  }
0x36: {  	p1 =	seq.s32 s10, $0x1;
	s10 =	sld [smem:$0x3FB1];
	_ =	sdelay $0x3  }
0x37: {  	[smem:$0x3FB1] =	sst s10  }
0x38: {  	s10 =	sld [smem:$0x3FB2]  }
0x39: {  	_ = 	snop;
	(pc) =	sbr.ind lr, $3  }
0x3a: {  	_ = 	snop  }
0x3b: {  	_ = 	snop  }
0x3c: {  	p2 =	seq.s32 s10, $0x1;
	s10 =	sld [smem:$0x3FB1]  }
0x3d: {  	_ =	shalt  }
0x3e: {  	_ =	shalt  }
0x3f: {  	_ =	shalt  }
0x40: {  	_ =	shalt  }
0x41: {  	_ =	shalt  }
0x42: {  	_ =	shalt  }
0x43: {  	_ =	shalt  }
0x44: {  	_ =	shalt  }
0x45: {  	_ =	shalt  }
0x46: {  	_ =	shalt  }
0x47: {  	_ =	shalt  }
0x48: {  	_ =	shalt  }
0x49: {  	_ =	shalt  }
0x4a: {  	_ =	shalt  }
0x4b: {  	_ =	shalt  }
0x4c: {  	_ =	shalt  }
0x4d: {  	_ =	shalt  }
0x4e: {  	_ =	shalt  }
0x4f: {  	_ =	shalt  }
0x50: {  	_ =	shalt  }
0x51: {  	_ =	shalt  }
0x52: {  	_ =	shalt  }
0x53: {  	_ =	shalt  }
0x54: {  	_ =	shalt  }
0x55: {  	_ =	shalt  }
0x56: {  	_ =	shalt  }
0x57: {  	_ =	shalt  }
0x58: {  	_ =	shalt  }
0x59: {  	_ =	shalt  }
0x5a: {  	_ =	shalt  }
0x5b: {  	_ =	shalt  }
0x5c: {  	_ =	shalt  }
0x5d: {  	_ =	shalt  }
0x5e: {  	_ =	shalt  }
0x5f: {  	_ =	shalt  }
0x60: {  	_ =	shalt  }
0x61: {  	_ =	shalt  }
0x62: {  	_ =	shalt  }
0x63: {  	_ =	shalt  }
0x64: {  	_ =	shalt  }
0x65: {  	_ =	shalt  }
0x66: {  	_ =	shalt  }
0x67: {  	_ =	shalt  }
0x68: {  	_ =	shalt  }
0x69: {  	_ =	shalt  }
0x6a: {  	_ =	shalt  }
0x6b: {  	_ =	shalt  }
0x6c: {  	_ =	shalt  }
0x6d: {  	_ =	shalt  }
0x6e: {  	_ =	shalt  }
0x6f: {  	_ =	shalt  }
0x70: {  	_ =	shalt  }
0x71: {  	_ =	shalt  }
0x72: {  	_ =	shalt  }
0x73: {  	_ =	shalt  }
0x74: {  	_ =	shalt  }
0x75: {  	_ =	shalt  }
0x76: {  	_ =	shalt  }
0x77: {  	_ =	shalt  }
0x78: {  	_ =	shalt  }
0x79: {  	_ =	shalt  }
0x7a: {  	_ =	shalt  }
0x7b: {  	_ =	shalt  }
0x7c: {  	_ =	shalt  }
0x7d: {  	_ =	shalt  }
0x7e: {  	_ =	shalt  }
0x7f: {  	_ =	shalt  }
0x80: {  	_ =	shalt  }
0x81: {  	_ =	shalt  }
0x82: {  	_ =	shalt  }
0x83: {  	_ =	shalt  }
0x84: {  	_ =	shalt  }
0x85: {  	_ =	shalt  }
0x86: {  	_ =	shalt  }
0x87: {  	_ =	shalt  }
.Lfunc_end0:
.L_simem_size_0:
called_computation.1_lowered:
.L_overlay_start_0:
0x88: {  	s2 =	sld [smem:$0x3FD9]  }
0x89: {  	s3 =	sld [smem:$0x3FFE];
	_ =	sdelay $0x1  }
0x8a: {  	s1 =	srdreg.scid  }
0x8b: {  	s0 =	sand.u32 $0x1, s1  }
0x8c: {  	s14 =	sshll.u32 s0, $0xA;
	s2 =	sadd.s32 s3, s2  }
0x8d: {  	s2 =	sadd.s32 s2, s14  }
0x8e: {  	[smem:$0x3FBD] =	sst s2  }
0x8f: {  	_ = 	snop  }
0x90: {  	s2 =	sld [smem:$0x3FD0];
	_ =	sdelay $0x1  }
0x91: {  	s15 =	sld [smem:$0x3FC8]  }
0x92: {  	s5 =	simm.s32 $0xD;
	s6 =	simm.s32 $0x10;
	s4 =	sld [smem:$0x3FC7]  }
0x93: {  	[smem:s6], [sflag:s5] =	dma.local [hbm:s2], $0x1  }
0x94: {  	_ =	swait.eq [sflag:s5], $0x1  }
0x95: {  	[sflag:s5] =	ssyncset.done $0x0  }
0x96: {  	[sflag:s5] =	ssyncadd.s32 $0xFFFFFFFF  }
0x97: {  	s16 =	sld [smem:$0x10];
	(tm) =	ssettm $0x1  }
0x98: {  	s17 =	sld [smem:$0x3FFB];
	_ =	sdelay $0x3  }
0x99: {  	_ =	strace s17  }
0x9a: {  	s5 =	sld [smem:$0x3FFC];
	_ =	sdelay $0x3  }
0x9b: {  	_ =	strace s5  }
0x9c: {  	s5 =	sld [smem:$0x3FFD];
	_ =	sdelay $0x3  }
0x9d: {  	_ =	strace s5  }
0x9e: {  	_ =	strace $0x8FFFFFFF  }
0x9f: {  	s18 =	sld [smem:$0x3FDB];
	_ =	sdelay $0x1  }
0xa0: {  	s19 =	simm.s32 $_scs_section_size  }
0xa1: {  	s7 =	simm.s32 $_size__tile_overlayer_lowered;
	s8 =	simm.s32 $_tile_overlayer_lowered  }
0xa2: {  	s22 =	simm.s32 $0x1BFF;
	s21 =	sshll.u32 s8, $0x1;
	s5 =	sadd.s32 s19, s18  }
0xa3: {  	s9 =	simm.s32 $0x0;
	s20 =	sshll.u32 s7, $0x1;
	s7 =	sadd.s32 s21, s5  }
0xa4: {  	[timem:s9], [sflag:s22] =	dma.local [hbm:s7], s20  }
0xa5: {  	_ =	swait.ge [sflag:s22], s20  }
0xa6: {  	s6 =	ssub.s32 $0x0, s20;
	[sflag:s22] =	ssyncset.done $0x0  }
0xa7: {  	[sflag:s22] =	ssyncadd.s32 s6;
	_ =	sdelay $0x1  }
0xa8: {  	s23 =	simm.s32 $0x1B8B  }
0xa9: {  	_ =	swait.ge [sflag:s23], $0x1  }
0xaa: {  	[sflag:s23] =	ssyncset.done $0x0  }
0xab: {  	s25 =	simm.s32 $0x1B8E;
	s24 =	sld [smem:$0x3FFE];
	[sflag:s23] =	ssyncadd.s32 $0xFFFFFFFF  }
0xac: {  	s26 =	simm.s32 $execute0_lowered;
	[smem:$0x3FD2] =	sst s25  }
0xad: {  	s7 =	sshll.u32 s26, $0x1;
	_ =	strace $0x80000046;
	[dreg:$0x1] =	wrdreg $0xFFFFFFFF  }
0xae: {  	s28 =	simm.s32 $_size_execute0_lowered;
	s5 =	sadd.s32 s5, s7;
	[dreg:$0x0] =	wrdreg $0x0  }
0xaf: {  	s7 =	sshll.u32 s28, $0x1;
	[dreg:$0x2] =	wrdreg s5  }
0xb0: {  	[dreg:$0x3] =	wrdreg s7  }
0xb1: {  	[dreg:$0x4] =	wrdreg $0xC0  }
0xb2: {  	_ =	task [dreg:s9], $0x5FFFF  }
0xb3: {  	[dreg:$0x1] =	wrdreg $0xFFFFFFFF  }
0xb4: {  	[dreg:$0x0] =	wrdreg $0x60  }
0xb5: {  	[dreg:$0x2] =	wrdreg s15  }
0xb6: {  	[dreg:$0x3] =	wrdreg s4  }
0xb7: {  	[dreg:$0x4] =	wrdreg s24  }
0xb8: {  	[dreg:$0x5] =	wrdreg s16  }
0xb9: {  	[dreg:$0x6] =	wrdreg $0xA  }
0xba: {  	_ =	task.clear_ibuf [dreg:s9], $0x7FFFF;
	_ =	strace $0x90000046  }
0xbb: {  	s29 =	simm.s32 $0xA;
	_ =	strace $0x80000048  }
0xbc: {  	_ =	swait.ge [sflag:s29], $0x1  }
0xbd: {  	[sflag:s29] =	ssyncadd.s32 $0xFFFFFFFF  }
0xbe: {  	_ =	strace $0x90000048  }
0xbf: {  	_ =	sfence  }
0xc0: {  	s30 =	sld [smem:$0x0];
	_ =	sdelay $0x2  }
0xc1: {  	s31 =	sshll.u32 s1, $0xD;
	s1 =	sshrl.u32 s1, $0x2  }
0xc2: {  	s3 =	sand.u32 $0x4000, s31;
	s1 =	sadd.s32 s1, s30  }
0xc3: {  	s0 =	sor.u32 s3, s0;
	s1 =	sshll.u32 s1, $0x11  }
0xc4: {  	s0 =	sor.u32 s1, s0  }
0xc5: {  	s0 =	sadd.s32 $0x8F2B, s0  }
0xc6: {  	[sflag:s0] =	ssyncadd.remote.s32 $0x1  }
0xc7: {  	_ =	sfence.sel $0xFFFF  }
0xc8: {  	[dreg:$0x0] =	wrdreg $0xFFFFFFFF;
	(pc) =	sbr.abs _section_cstart, $3  }
0xc9: {  	[dreg:$0x1] =	wrdreg $0xFFFFFFFF  }
0xca: {  	_ =	task.clear_ibuf [dreg:s9], $0x2FFFF;
	_ =	strace $0x9FFFFFFF  }
0xcb: {  	(tm) =	ssettm $0x7FFFFFFF  }
tec
execute0_lowered:
.L_overlay_start_1:
0x0: {  	(tag) =	ssettag $0x1  }
0x1: {  	s1 =	rddreg [dreg:$0x0]  }
0x2: {  	s2 =	rddreg [dreg:$0x1]  }
0x3: {  	s0 =	rddreg [dreg:$0x2]  }
0x4: {  	s3 =	rddreg [dreg:$0x3];
	s5 =	srdreg.scid;
	s4 =	simm.s32 $0x0  }
0x5: {  	s6 =	stileid.u32;
	s9 =	simm.s32 $0x9;
	s11 =	simm.s32 $0x400  }
0x6: {  	s12 =	simm.s32 $0x7A1400;
	s13 =	simm.s32 $0x1100;
	s14 =	simm.s32 $0x5100  }
0x7: {  	s15 =	simm.s32 $0x2100;
	s16 =	simm.s32 $0x6100;
	s17 =	simm.s32 $0x3100  }
0x8: {  	s18 =	simm.s32 $0x7100;
	s19 =	simm.s32 $0x4100;
	s20 =	simm.s32 $0x8100  }
0x9: {  	s21 =	simm.s32 $0x1;
	s22 =	simm.s32 $0x5;
	s23 =	simm.s32 $0x2  }
0xa: {  	s24 =	simm.s32 $0x6;
	s25 =	simm.s32 $0x3;
	s28 =	simm.s32 $0x4  }
0xb: {  	s29 =	simm.s32 $0x8;
	s31 =	simm.s32 $0x0;
	s5 =	sand.u32 $0x1, s5  }
0xc: {  	[smem:$0x7FF] =	sst s4;
	s6 =	sshll.u32 s6, $0x6;
	s7 =	sshll.u32 s5, $0x5  }
0xd: {  	_ =	strace $0x80000047;
	s5 =	ssub.s32 $0x2, s5;
	s6 =	sor.u32 s7, s6  }
.Ltmp0:
0xe: {  	s26 =	sshrl.u32 s5, $0x1;
	s7 =	sshrl.u32 s6, $0x3;
	(pc) =	sbr.rel .LBB2_1-.Ltmp0, $4  }
0xf: {  	v0 =	vlaneseq.u32;
	s6 =	sshll.u32 s6, $0x4;
	s8 =	sadd.s32 s7, s0;
	s3 =	sadd.s32 s3, s7  }
0x10: {  	v1 =	vmul.u32 $0x80, v0;
	s0 =	sadd.s32 s6, s0;
	s30 =	sadd.s32 $0x2E00, s8;
	[dreg:$0x6] =	wrdreg s3  }
0x11: {  	vm0 =	vmmov $0x1;
	vm1 =	vcmask $0x308;
	s5 =	ssub.s32 s5, s26;
	s0 =	sadd.s32 $0x3800, s0;
	[dreg:$0x5] =	wrdreg s30  }
0x12: {  	vm2 =	vcmask $0x70C;
	vm3 =	vcmask $0xB10;
	v2 =	vor.u32 $0x800, v1;
	s26 =	simm.s32 $0x7;
	s8 =	smax.u32 s5, $0x1;
	[dreg:$0x7] =	wrdreg s0  }
.LBB2_4:
0x13: {  	s31 =	sadd.s32 $0x1, s31  }
0x14: {  	p0 =	sne.s32 s31, s8  }
.Ltmp1:
0x15: {  	s0 =	rddreg [dreg:$0x7];
	s3 =	simm.s32 $0x100;
	(pc) =	sbr.rel @!p0 .LBB2_5-.Ltmp1, $4  }
0x16: {  	[hbm4b:s0+s4] =	stream.linear.scatter [tilespmem:s3], [sflag:$0x9], $0x1000, $0x38;
	[tilespmem:$0x9100] =	vst v63  }
0x17: {  	_ =	swait.ge [sflag:s9], $0x1000  }
0x18: {  	[sflag:s9] =	ssyncset.done $0x0  }
0x19: {  	[sflag:s9] =	ssyncadd.s32 $0xFFFFF000  }
.LBB2_1:
0x1a: {  	s0 =	rddreg [dreg:$0x5]  }
0x1b: {  	[tilespmem:s4], [sflag:$0x9] =	stream.linear.gather [hbm4b:s0+s4], $0x20, $0x38;
	[tilespmem:$0x9100] =	vst v63  }
0x1c: {  	_ =	swait.ge [sflag:s9], $0x20  }
0x1d: {  	[sflag:s9] =	ssyncset.done $0x0  }
0x1e: {  	s3 =	simm.s32 $0x80;
	s7 =	rddreg [dreg:$0x6];
	[sflag:s9] =	ssyncadd.s32 $0xFFFFFFE0  }
0x1f: {  	[tilespmem:s3], [sflag:$0x9] =	stream.linear.gather [hbm4b:s7+s4], $0x20, $0x38;
	[tilespmem:$0x9100] =	vst v63  }
0x20: {  	_ =	swait.ge [sflag:s9], $0x20  }
0x21: {  	[sflag:s9] =	ssyncset.done $0x0  }
0x22: {  	[sflag:s9] =	ssyncadd.s32 $0xFFFFFFE0  }
0x23: {  	v3 =	vld [tilespmem:$0x0];
	_ =	sdelay $0x1  }
0x24: {  	v4 =	vld [tilespmem:$0x80];
	_ =	sdelay $0x2  }
0x25: {  	v3 =	vnsel vm0, $0x0, v3  }
0x26: {  	v3 =	vxor.u32 $0x80000000, v3  }
0x27: {  	(xrf0) =	vmax.scan.msk.u32 $0xffff, v3;
	v3 =	vnsel vm0, $0x0, v4  }
0x28: {  	v3 =	vxor.u32 $0x80000000, v3  }
0x29: {  	(xrf0) =	vmax.scan.msk.u32 $0xffff, v3;
	_ =	sdelay $0x3  }
0x2a: {  	v3, _, _ =	vpop (xrf0)  }
0x2b: {  	(v2sf) =	vpush v3, $0xF  }
0x2c: {  	v3, _, _ =	vpop (xrf0)  }
0x2d: {  	(v2sf) =	vpush v3, $0xF;
	_ =	sdelay $0xc  }
0x2e: {  	s10 =	spop (v2sf)  }
0x2f: {  	s0 =	sand.u32 $0x1FFFFF80, s10  }
0x30: {  	s0 =	sadd.s32 s1, s0;
	s30 =	spop (v2sf)  }
0x31: {  	[tilespmem:s13], [sflag:$0x1] =	stream.strided.gather [hbm4b:s0+s11], $0x1000, s12, s11, $0x38;
	[tilespmem:$0x9100] =	vst v63  }
0x32: {  	s0 =	sand.u32 $0x1FFFFF80, s30  }
0x33: {  	s0 =	sadd.s32 s2, s0  }
0x34: {  	[tilespmem:s14], [sflag:$0x5] =	stream.strided.gather [hbm4b:s0+s11], $0x1000, s12, s11, $0x38;
	[tilespmem:$0x9100] =	vst v63  }
0x35: {  	v3 =	vld [tilespmem:$0x0];
	_ =	sdelay $0x1  }
0x36: {  	v61 =	vld [tilespmem:$0x80];
	_ =	sdelay $0x2  }
0x37: {  	v3 =	vsel vm1, $0x0, v3  }
0x38: {  	v3 =	vxor.u32 $0x80000000, v3  }
0x39: {  	(xrf0) =	vmax.scan.msk.u32 $0xffff, v3;
	v3 =	vsel vm1, $0x0, v61  }
0x3a: {  	v3 =	vxor.u32 $0x80000000, v3  }
0x3b: {  	(xrf0) =	vmax.scan.msk.u32 $0xffff, v3;
	_ =	sdelay $0x3  }
0x3c: {  	v3, _, _ =	vpop (xrf0)  }
0x3d: {  	(v2sf) =	vpush v3, $0xF  }
0x3e: {  	v3, _, _ =	vpop (xrf0)  }
0x3f: {  	(v2sf) =	vpush v3, $0xF;
	_ =	sdelay $0xc  }
0x40: {  	s3 =	spop (v2sf)  }
0x41: {  	s0 =	sand.u32 $0x1FFFFF80, s3  }
0x42: {  	s0 =	sadd.s32 s1, s0;
	s5 =	spop (v2sf)  }
0x43: {  	[tilespmem:s15], [sflag:$0x2] =	stream.strided.gather [hbm4b:s0+s11], $0x1000, s12, s11, $0x38;
	[tilespmem:$0x9100] =	vst v63  }
0x44: {  	s0 =	sand.u32 $0x1FFFFF80, s5  }
0x45: {  	s0 =	sadd.s32 s2, s0  }
0x46: {  	[tilespmem:s16], [sflag:$0x6] =	stream.strided.gather [hbm4b:s0+s11], $0x1000, s12, s11, $0x38;
	[tilespmem:$0x9100] =	vst v63  }
0x47: {  	v3 =	vld [tilespmem:$0x0];
	_ =	sdelay $0x1  }
0x48: {  	v62 =	vld [tilespmem:$0x80];
	_ =	sdelay $0x2  }
0x49: {  	v3 =	vsel vm2, $0x0, v3  }
0x4a: {  	v3 =	vxor.u32 $0x80000000, v3  }
0x4b: {  	(xrf0) =	vmax.scan.msk.u32 $0xffff, v3;
	v3 =	vsel vm2, $0x0, v62  }
0x4c: {  	v3 =	vxor.u32 $0x80000000, v3  }
0x4d: {  	(xrf0) =	vmax.scan.msk.u32 $0xffff, v3;
	_ =	sdelay $0x3  }
0x4e: {  	v3, _, _ =	vpop (xrf0)  }
0x4f: {  	(v2sf) =	vpush v3, $0xF  }
0x50: {  	v3, _, _ =	vpop (xrf0)  }
0x51: {  	(v2sf) =	vpush v3, $0xF;
	_ =	sdelay $0xc  }
0x52: {  	s6 =	spop (v2sf)  }
0x53: {  	s0 =	sand.u32 $0x1FFFFF80, s6  }
0x54: {  	s0 =	sadd.s32 s1, s0;
	s7 =	spop (v2sf)  }
0x55: {  	[tilespmem:s17], [sflag:$0x3] =	stream.strided.gather [hbm4b:s0+s11], $0x1000, s12, s11, $0x38;
	[tilespmem:$0x9100] =	vst v63  }
0x56: {  	s0 =	sand.u32 $0x1FFFFF80, s7  }
0x57: {  	s0 =	sadd.s32 s2, s0  }
0x58: {  	[tilespmem:s18], [sflag:$0x7] =	stream.strided.gather [hbm4b:s0+s11], $0x1000, s12, s11, $0x38;
	[tilespmem:$0x9100] =	vst v63  }
0x59: {  	v3 =	vld [tilespmem:$0x0];
	_ =	sdelay $0x1  }
0x5a: {  	v63 =	vld [tilespmem:$0x80];
	_ =	sdelay $0x2  }
0x5b: {  	v3 =	vsel vm3, $0x0, v3  }
0x5c: {  	v3 =	vxor.u32 $0x80000000, v3  }
0x5d: {  	(xrf0) =	vmax.scan.msk.u32 $0xffff, v3;
	v3 =	vsel vm3, $0x0, v63  }
0x5e: {  	v3 =	vxor.u32 $0x80000000, v3  }
0x5f: {  	(xrf0) =	vmax.scan.msk.u32 $0xffff, v3;
	_ =	sdelay $0x3  }
0x60: {  	v3, _, _ =	vpop (xrf0)  }
0x61: {  	(v2sf) =	vpush v3, $0xF  }
0x62: {  	v3, _, _ =	vpop (xrf0)  }
0x63: {  	(v2sf) =	vpush v3, $0xF;
	_ =	sdelay $0xc  }
0x64: {  	s10 =	spop (v2sf)  }
0x65: {  	s0 =	sand.u32 $0x1FFFFF80, s10  }
0x66: {  	s0 =	sadd.s32 s1, s0;
	s30 =	spop (v2sf)  }
0x67: {  	[tilespmem:s19], [sflag:$0x4] =	stream.strided.gather [hbm4b:s0+s11], $0x1000, s12, s11, $0x38;
	[tilespmem:$0x9100] =	vst v63  }
0x68: {  	s0 =	sand.u32 $0x1FFFFF80, s30  }
0x69: {  	s0 =	sadd.s32 s2, s0  }
0x6a: {  	[tilespmem:s20], [sflag:$0x8] =	stream.strided.gather [hbm4b:s0+s11], $0x1000, s12, s11, $0x38;
	[tilespmem:$0x9100] =	vst v63  }
0x6b: {  	s3 =	simm.s32 $0x0;
	s0 =	simm.s32 $0x200  }
.LBB2_2:
0x6c: {  	_ =	swait.ge [sflag:s21], $0x1000  }
0x6d: {  	[sflag:s21] =	ssyncset.done $0x0  }
0x6e: {  	[sflag:s21] =	ssyncadd.s32 $0xFFFFF000  }
0x6f: {  	_ =	swait.ge [sflag:s22], $0x1000  }
0x70: {  	[sflag:s22] =	ssyncset.done $0x0  }
0x71: {  	s10 =	sand.u32 $0x10, s3;
	[sflag:s22] =	ssyncadd.s32 $0xFFFFF000  }
0x72: {  	v3 =	vld [tilespmem:s10+$0x0];
	_ =	sdelay $0x1  }
0x73: {  	v4 =	vld [tilespmem:s10+$0x80]  }
0x74: {  	s5 =	sand.u32 $0xC, s3  }
0x75: {  	v5 =	vmov s5  }
0x76: {  	vm4 =	veq.s32 v5, v0;
	v3 =	vxor.u32 $0x80000000, v3  }
0x77: {  	v3 =	vnsel vm4, $0x80000000, v3  }
0x78: {  	v4 =	vxor.u32 $0x80000000, v4;
	(xrf0) =	vmax.scan.msk.u32 $0xffff, v3  }
0x79: {  	v3 =	vnsel vm4, $0x80000000, v4  }
0x7a: {  	(xrf0) =	vmax.scan.msk.u32 $0xffff, v3;
	_ =	sdelay $0x3  }
0x7b: {  	v3, _, _ =	vpop (xrf0)  }
0x7c: {  	(v2sf) =	vpush v3, $0xF  }
0x7d: {  	v3, _, _ =	vpop (xrf0)  }
0x7e: {  	(v2sf) =	vpush v3, $0xF;
	_ =	sdelay $0xc  }
0x7f: {  	s6 =	spop (v2sf)  }
0x80: {  	s5 =	sand.u32 $0x7F, s6  }
0x81: {  	s30 =	spop (v2sf);
	v3 =	vor.u32 s5, v1  }
0x82: {  	s30 =	sand.u32 $0x7F, s30;
	v35 =	vor.u32 s5, v2  }
0x83: {  	v34 =	vor.u32 s30, v1  }
0x84: {  	v6 =	vor.u32 s30, v2;
	_ =	sdelay $0x1  }
0x85: {  	v3 =	vld.idx.msk [tilespmem:v3+s13+$0x0], $0xffff  }
0x86: {  	v5 =	vld.idx.msk [tilespmem:v35+s13+$0x0], $0xffff  }
0x87: {  	v4 =	vld.idx.msk [tilespmem:v34+s14+$0x0], $0xffff  }
0x88: {  	v6 =	vld.idx.msk [tilespmem:v6+s14+$0x0], $0xffff;
	_ =	sdelay $0x3  }
0x89: {  	v3 =	vadd.f32 v4, v3  }
0x8a: {  	p0 =	seq.s32 s3, $0x1C;
	v36 =	vadd.f32 v6, v5  }
0x8b: {  	s5 =	sadd.s32 @!p0 $0x4, s3;
	[tilespmem:s0+$0xFFFFFF00] =	vst v3  }
0x8c: {  	s30 =	sand.u32 @!p0 $0x30, s5;
	[tilespmem:s0+$0xFFFFFF10] =	vst v36  }
0x8d: {  	v4 =	vld @!p0 [tilespmem:s30+$0x0];
	_ =	sdelay $0x1  }
0x8e: {  	s5 =	sand.u32 @!p0 $0xC, s5  }
0x8f: {  	v5 =	vmov @!p0 s5;
	v3 =	vlaneseq.u32 @!p0  }
0x90: {  	vm4 =	veq.s32 @!p0 v5, v3;
	v5 =	vld @!p0 [tilespmem:s30+$0x80]  }
0x91: {  	v4 =	vxor.u32 @!p0 $0x80000000, v4  }
0x92: {  	v4 =	vnsel @!p0 vm4, $0x80000000, v4  }
0x93: {  	(xrf0) =	vmax.scan.msk.u32 @!p0 $0xffff, v4;
	_ =	sdelay $0x1  }
0x94: {  	v4 =	vxor.u32 @!p0 $0x80000000, v5  }
0x95: {  	v4 =	vnsel @!p0 vm4, $0x80000000, v4  }
0x96: {  	(xrf0) =	vmax.scan.msk.u32 @!p0 $0xffff, v4;
	_ =	sdelay $0x1  }
0x97: {  	v4, _, _ =	vpop @!p0 (xrf0)  }
0x98: {  	(v2sf) =	vpush @!p0 v4, $0xF;
	_ =	sdelay $0x2  }
0x99: {  	v4, _, _ =	vpop @!p0 (xrf0)  }
0x9a: {  	(v2sf) =	vpush @!p0 v4, $0xF;
	_ =	sdelay $0xa  }
0x9b: {  	s5 =	spop @!p0 (v2sf)  }
0x9c: {  	s7 =	simm.s32 @!p0 $0x1100;
	s5 =	sand.u32 @!p0 $0x1FFFFF80, s5  }
0x9d: {  	s30 =	simm.s32 @!p0 $0x400;
	s6 =	sadd.s32 @!p0 s1, s5;
	s5 =	simm.s32 @!p0 $0x7A1400  }
0x9e: {  	[tilespmem:s7], [sflag:$0x1] =	stream.strided.gather @!p0 [hbm4b:s6+s30], $0x1000, s5, s30, $0x38;
	[tilespmem:$0x9100] =	vst v63  }
0x9f: {  	s6 =	spop @!p0 (v2sf)  }
0xa0: {  	s6 =	sand.u32 @!p0 $0x1FFFFF80, s6  }
0xa1: {  	s7 =	simm.s32 @!p0 $0x5100;
	s6 =	sadd.s32 @!p0 s2, s6  }
0xa2: {  	[tilespmem:s7], [sflag:$0x5] =	stream.strided.gather @!p0 [hbm4b:s6+s30], $0x1000, s5, s30, $0x38;
	[tilespmem:$0x9100] =	vst v63  }
0xa3: {  	_ =	swait.ge [sflag:s23], $0x1000  }
0xa4: {  	[sflag:s23] =	ssyncset.done $0x0  }
0xa5: {  	[sflag:s23] =	ssyncadd.s32 $0xFFFFF000  }
0xa6: {  	_ =	swait.ge [sflag:s24], $0x1000  }
0xa7: {  	[sflag:s24] =	ssyncset.done $0x0  }
0xa8: {  	[sflag:s24] =	ssyncadd.s32 $0xFFFFF000  }
0xa9: {  	v37 =	vld [tilespmem:s10+$0x0];
	_ =	sdelay $0x1  }
0xaa: {  	s7 =	sadd.s32 $0x1, s3;
	v38 =	vld [tilespmem:s10+$0x80]  }
0xab: {  	s6 =	sand.u32 $0xD, s7  }
0xac: {  	v39 =	vmov s6  }
0xad: {  	vm4 =	veq.s32 v39, v0;
	v4 =	vxor.u32 $0x80000000, v37  }
0xae: {  	v4 =	vnsel vm4, $0x80000000, v4  }
0xaf: {  	v5 =	vxor.u32 $0x80000000, v38;
	(xrf0) =	vmax.scan.msk.u32 $0xffff, v4  }
0xb0: {  	v40 =	vnsel vm4, $0x80000000, v5  }
0xb1: {  	(xrf0) =	vmax.scan.msk.u32 $0xffff, v40;
	_ =	sdelay $0x3  }
0xb2: {  	v41, _, _ =	vpop (xrf0)  }
0xb3: {  	(v2sf) =	vpush v41, $0xF  }
0xb4: {  	v42, _, _ =	vpop (xrf0)  }
0xb5: {  	(v2sf) =	vpush v42, $0xF;
	_ =	sdelay $0xc  }
0xb6: {  	s7 =	spop (v2sf)  }
0xb7: {  	s6 =	sand.u32 $0x7F, s7  }
0xb8: {  	s7 =	spop (v2sf);
	v43 =	vor.u32 s6, v1  }
0xb9: {  	s7 =	sand.u32 $0x7F, s7;
	v45 =	vor.u32 s6, v2  }
0xba: {  	v44 =	vor.u32 s7, v1  }
0xbb: {  	v7 =	vor.u32 s7, v2;
	_ =	sdelay $0x1  }
0xbc: {  	v4 =	vld.idx.msk [tilespmem:v43+s15+$0x0], $0xffff  }
0xbd: {  	v6 =	vld.idx.msk [tilespmem:v45+s15+$0x0], $0xffff  }
0xbe: {  	v5 =	vld.idx.msk [tilespmem:v44+s16+$0x0], $0xffff  }
0xbf: {  	v7 =	vld.idx.msk [tilespmem:v7+s16+$0x0], $0xffff;
	_ =	sdelay $0x3  }
0xc0: {  	v4 =	vadd.f32 v5, v4  }
0xc1: {  	v46 =	vadd.f32 v7, v6  }
0xc2: {  	s6 =	sadd.s32 @!p0 $0x5, s3;
	[tilespmem:s0+$0xFFFFFF80] =	vst v4  }
0xc3: {  	s7 =	sand.u32 @!p0 $0x30, s6;
	[tilespmem:s0+$0xFFFFFF90] =	vst v46  }
0xc4: {  	v4 =	vld @!p0 [tilespmem:s7+$0x0];
	_ =	sdelay $0x2  }
0xc5: {  	s6 =	sand.u32 @!p0 $0xD, s6  }
0xc6: {  	v5 =	vmov @!p0 s6;
	v6 =	vld @!p0 [tilespmem:s7+$0x80]  }
0xc7: {  	vm4 =	veq.s32 @!p0 v5, v3;
	v4 =	vxor.u32 @!p0 $0x80000000, v4  }
0xc8: {  	v4 =	vnsel @!p0 vm4, $0x80000000, v4  }
0xc9: {  	(xrf0) =	vmax.scan.msk.u32 @!p0 $0xffff, v4;
	_ =	sdelay $0x1  }
0xca: {  	v4 =	vxor.u32 @!p0 $0x80000000, v6  }
0xcb: {  	v4 =	vnsel @!p0 vm4, $0x80000000, v4  }
0xcc: {  	(xrf0) =	vmax.scan.msk.u32 @!p0 $0xffff, v4;
	_ =	sdelay $0x1  }
0xcd: {  	v4, _, _ =	vpop @!p0 (xrf0)  }
0xce: {  	(v2sf) =	vpush @!p0 v4, $0xF;
	_ =	sdelay $0x2  }
0xcf: {  	v4, _, _ =	vpop @!p0 (xrf0)  }
0xd0: {  	(v2sf) =	vpush @!p0 v4, $0xF;
	_ =	sdelay $0xa  }
0xd1: {  	s6 =	spop @!p0 (v2sf)  }
0xd2: {  	s6 =	sand.u32 @!p0 $0x1FFFFF80, s6  }
0xd3: {  	s7 =	simm.s32 @!p0 $0x2100;
	s6 =	sadd.s32 @!p0 s1, s6  }
0xd4: {  	[tilespmem:s7], [sflag:$0x2] =	stream.strided.gather @!p0 [hbm4b:s6+s30], $0x1000, s5, s30, $0x38;
	[tilespmem:$0x9100] =	vst v63  }
0xd5: {  	s6 =	spop @!p0 (v2sf)  }
0xd6: {  	s6 =	sand.u32 @!p0 $0x1FFFFF80, s6  }
0xd7: {  	s7 =	simm.s32 @!p0 $0x6100;
	s6 =	sadd.s32 @!p0 s2, s6  }
0xd8: {  	[tilespmem:s7], [sflag:$0x6] =	stream.strided.gather @!p0 [hbm4b:s6+s30], $0x1000, s5, s30, $0x38;
	[tilespmem:$0x9100] =	vst v63  }
0xd9: {  	_ =	swait.ge [sflag:s25], $0x1000  }
0xda: {  	[sflag:s25] =	ssyncset.done $0x0  }
0xdb: {  	[sflag:s25] =	ssyncadd.s32 $0xFFFFF000  }
0xdc: {  	_ =	swait.ge [sflag:s26], $0x1000  }
0xdd: {  	[sflag:s26] =	ssyncset.done $0x0  }
0xde: {  	[sflag:s26] =	ssyncadd.s32 $0xFFFFF000  }
0xdf: {  	v47 =	vld [tilespmem:s10+$0x0];
	_ =	sdelay $0x1  }
0xe0: {  	s7 =	sadd.s32 $0x2, s3;
	v48 =	vld [tilespmem:s10+$0x80]  }
0xe1: {  	s6 =	sand.u32 $0xE, s7  }
0xe2: {  	v49 =	vmov s6  }
0xe3: {  	vm4 =	veq.s32 v49, v0;
	v4 =	vxor.u32 $0x80000000, v47  }
0xe4: {  	v4 =	vnsel vm4, $0x80000000, v4  }
0xe5: {  	v5 =	vxor.u32 $0x80000000, v48;
	(xrf0) =	vmax.scan.msk.u32 $0xffff, v4  }
0xe6: {  	v50 =	vnsel vm4, $0x80000000, v5  }
0xe7: {  	(xrf0) =	vmax.scan.msk.u32 $0xffff, v50;
	_ =	sdelay $0x3  }
0xe8: {  	v51, _, _ =	vpop (xrf0)  }
0xe9: {  	(v2sf) =	vpush v51, $0xF  }
0xea: {  	v52, _, _ =	vpop (xrf0)  }
0xeb: {  	(v2sf) =	vpush v52, $0xF;
	_ =	sdelay $0xc  }
0xec: {  	s7 =	spop (v2sf)  }
0xed: {  	s6 =	sand.u32 $0x7F, s7  }
0xee: {  	s7 =	spop (v2sf);
	v53 =	vor.u32 s6, v1  }
0xef: {  	s7 =	sand.u32 $0x7F, s7;
	v55 =	vor.u32 s6, v2  }
0xf0: {  	v54 =	vor.u32 s7, v1  }
0xf1: {  	v56 =	vor.u32 s7, v2;
	_ =	sdelay $0x1  }
0xf2: {  	v4 =	vld.idx.msk [tilespmem:v53+s17+$0x0], $0xffff  }
0xf3: {  	v6 =	vld.idx.msk [tilespmem:v55+s17+$0x0], $0xffff  }
0xf4: {  	v5 =	vld.idx.msk [tilespmem:v54+s18+$0x0], $0xffff  }
0xf5: {  	v7 =	vld.idx.msk [tilespmem:v56+s18+$0x0], $0xffff;
	_ =	sdelay $0x3  }
0xf6: {  	v4 =	vadd.f32 v5, v4  }
0xf7: {  	v57 =	vadd.f32 v7, v6  }
0xf8: {  	s6 =	sadd.s32 @!p0 $0x6, s3;
	[tilespmem:s0+$0x0] =	vst v4  }
0xf9: {  	s7 =	sand.u32 @!p0 $0x30, s6;
	[tilespmem:s0+$0x10] =	vst v57  }
0xfa: {  	v4 =	vld @!p0 [tilespmem:s7+$0x0];
	_ =	sdelay $0x2  }
0xfb: {  	s6 =	sand.u32 @!p0 $0xE, s6  }
0xfc: {  	v5 =	vmov @!p0 s6;
	v6 =	vld @!p0 [tilespmem:s7+$0x80]  }
0xfd: {  	vm4 =	veq.s32 @!p0 v5, v3;
	v3 =	vxor.u32 @!p0 $0x80000000, v4  }
0xfe: {  	v3 =	vnsel @!p0 vm4, $0x80000000, v3  }
0xff: {  	(xrf0) =	vmax.scan.msk.u32 @!p0 $0xffff, v3;
	_ =	sdelay $0x1  }
0x100: {  	v3 =	vxor.u32 @!p0 $0x80000000, v6  }
0x101: {  	v3 =	vnsel @!p0 vm4, $0x80000000, v3  }
0x102: {  	(xrf0) =	vmax.scan.msk.u32 @!p0 $0xffff, v3;
	_ =	sdelay $0x1  }
0x103: {  	v3, _, _ =	vpop @!p0 (xrf0)  }
0x104: {  	(v2sf) =	vpush @!p0 v3, $0xF;
	_ =	sdelay $0x2  }
0x105: {  	v3, _, _ =	vpop @!p0 (xrf0)  }
0x106: {  	(v2sf) =	vpush @!p0 v3, $0xF;
	_ =	sdelay $0xa  }
0x107: {  	s6 =	spop @!p0 (v2sf)  }
0x108: {  	s6 =	sand.u32 @!p0 $0x1FFFFF80, s6  }
0x109: {  	s7 =	simm.s32 @!p0 $0x3100;
	s6 =	sadd.s32 @!p0 s1, s6  }
0x10a: {  	[tilespmem:s7], [sflag:$0x3] =	stream.strided.gather @!p0 [hbm4b:s6+s30], $0x1000, s5, s30, $0x38;
	[tilespmem:$0x9100] =	vst v63  }
0x10b: {  	s6 =	spop @!p0 (v2sf)  }
0x10c: {  	s6 =	sand.u32 @!p0 $0x1FFFFF80, s6  }
0x10d: {  	s7 =	simm.s32 @!p0 $0x7100;
	s6 =	sadd.s32 @!p0 s2, s6  }
0x10e: {  	[tilespmem:s7], [sflag:$0x7] =	stream.strided.gather @!p0 [hbm4b:s6+s30], $0x1000, s5, s30, $0x38;
	[tilespmem:$0x9100] =	vst v63  }
0x10f: {  	_ =	swait.ge [sflag:s28], $0x1000  }
0x110: {  	[sflag:s28] =	ssyncset.done $0x0  }
0x111: {  	[sflag:s28] =	ssyncadd.s32 $0xFFFFF000  }
0x112: {  	_ =	swait.ge [sflag:s29], $0x1000  }
0x113: {  	[sflag:s29] =	ssyncset.done $0x0  }
0x114: {  	[sflag:s29] =	ssyncadd.s32 $0xFFFFF000  }
0x115: {  	v3 =	vld [tilespmem:s10+$0x0];
	_ =	sdelay $0x1  }
0x116: {  	s7 =	sadd.s32 $0x3, s3;
	v58 =	vld [tilespmem:s10+$0x80]  }
0x117: {  	s5 =	sand.u32 $0xF, s7  }
0x118: {  	v59 =	vmov s5  }
0x119: {  	vm4 =	veq.s32 v59, v0;
	v3 =	vxor.u32 $0x80000000, v3  }
0x11a: {  	v3 =	vnsel vm4, $0x80000000, v3  }
0x11b: {  	v4 =	vxor.u32 $0x80000000, v58;
	(xrf0) =	vmax.scan.msk.u32 $0xffff, v3  }
0x11c: {  	v3 =	vnsel vm4, $0x80000000, v4  }
0x11d: {  	(xrf0) =	vmax.scan.msk.u32 $0xffff, v3;
	_ =	sdelay $0x3  }
0x11e: {  	v3, _, _ =	vpop (xrf0)  }
0x11f: {  	(v2sf) =	vpush v3, $0xF  }
0x120: {  	v3, _, _ =	vpop (xrf0)  }
0x121: {  	(v2sf) =	vpush v3, $0xF;
	_ =	sdelay $0xc  }
0x122: {  	s10 =	spop (v2sf)  }
0x123: {  	s5 =	sand.u32 $0x7F, s10  }
0x124: {  	s30 =	spop (v2sf);
	v3 =	vor.u32 s5, v1  }
0x125: {  	s6 =	sand.u32 $0x7F, s30;
	v61 =	vor.u32 s5, v2  }
0x126: {  	v60 =	vor.u32 s6, v1  }
0x127: {  	v62 =	vor.u32 s6, v2;
	_ =	sdelay $0x1  }
0x128: {  	v3 =	vld.idx.msk [tilespmem:v3+s19+$0x0], $0xffff  }
0x129: {  	v5 =	vld.idx.msk [tilespmem:v61+s19+$0x0], $0xffff  }
0x12a: {  	v4 =	vld.idx.msk [tilespmem:v60+s20+$0x0], $0xffff  }
0x12b: {  	v6 =	vld.idx.msk [tilespmem:v62+s20+$0x0], $0xffff;
	_ =	sdelay $0x2  }
.Ltmp2:
0x12c: {  	_ = 	snop;
	(pc) =	sbr.rel @p0 .LBB2_4-.Ltmp2, $4  }
0x12d: {  	v3 =	vadd.f32 v4, v3  }
0x12e: {  	v63 =	vadd.f32 v6, v5  }
0x12f: {  	[tilespmem:s0+$0x80] =	vst v3  }
0x130: {  	[tilespmem:s0+$0x90] =	vst v63  }
0x131: {  	s5 =	sadd.s32 $0x7, s3  }
0x132: {  	s6 =	sand.u32 $0x30, s5  }
0x133: {  	v3 =	vld [tilespmem:s6+$0x0];
	_ =	sdelay $0x1  }
0x134: {  	v5 =	vld [tilespmem:s6+$0x80]  }
0x135: {  	s5 =	sand.u32 $0xF, s5  }
0x136: {  	v4 =	vmov s5  }
0x137: {  	vm4 =	veq.s32 v4, v0;
	v3 =	vxor.u32 $0x80000000, v3  }
0x138: {  	v3 =	vnsel vm4, $0x80000000, v3  }
0x139: {  	(xrf0) =	vmax.scan.msk.u32 $0xffff, v3;
	v3 =	vxor.u32 $0x80000000, v5  }
0x13a: {  	v3 =	vnsel vm4, $0x80000000, v3  }
0x13b: {  	(xrf0) =	vmax.scan.msk.u32 $0xffff, v3;
	_ =	sdelay $0x3  }
0x13c: {  	v3, _, _ =	vpop (xrf0)  }
0x13d: {  	(v2sf) =	vpush v3, $0xF  }
0x13e: {  	v3, _, _ =	vpop (xrf0)  }
0x13f: {  	(v2sf) =	vpush v3, $0xF;
	_ =	sdelay $0xc  }
0x140: {  	s10 =	spop (v2sf)  }
0x141: {  	s5 =	sand.u32 $0x1FFFFF80, s10  }
.Ltmp3:
0x142: {  	s5 =	sadd.s32 s1, s5;
	s30 =	spop (v2sf);
	(pc) =	sbr.rel .LBB2_2-.Ltmp3, $4  }
0x143: {  	[tilespmem:s19], [sflag:$0x4] =	stream.strided.gather [hbm4b:s5+s11], $0x1000, s12, s11, $0x38;
	[tilespmem:$0x9100] =	vst v63  }
0x144: {  	s5 =	sand.u32 $0x1FFFFF80, s30  }
0x145: {  	s3 =	sadd.s32 $0x4, s3;
	s0 =	sadd.s32 $0x200, s0;
	s5 =	sadd.s32 s2, s5  }
0x146: {  	[tilespmem:s20], [sflag:$0x8] =	stream.strided.gather [hbm4b:s5+s11], $0x1000, s12, s11, $0x38;
	[tilespmem:$0x9100] =	vst v63  }
.LBB2_5:
0x147: {  	_ =	sfence.sel $0x180000  }
0x148: {  	[bflag:$0x0] =	sbarrier.arrive $0xFFFF  }
0x149: {  	_ =	strace $0x90000047  }
0x14a: {  	s0 =	stileid.u32;
	[bflag:$0x2] =	sbarrier.arrive $0xFFFF  }
0x14b: {  	p0 =	sne.s32 s0, $0x0;
	s0 =	rddreg [dreg:$0x4]  }
0x14c: {  	s0 =	sadd.s32 @!p0 $0x100000, s0  }
0x14d: {  	[sflag:s0] =	ssyncadd.tile.s32 @!p0 $0x1;
	_ =	shalt  }
.Lfunc_end2:
_tile_overlayer_lowered:
.L_overlay_start_2:
0x14e: {  	(tag) =	ssettag $0x2  }
0x14f: {  	s0 =	rddreg [dreg:$0x0];
	s2 =	stileid.u32  }
0x150: {  	s1 =	rddreg [dreg:$0x1];
	p0 =	sne.s32 s2, $0x0  }
0x151: {  	s3 =	rddreg [dreg:$0x2];
	[bflag:$0x3] =	sbarrier.arrive $0xFFFF;
	s2 =	simm.s32 @!p0 $0x1C09  }
0x152: {  	[timem:s3], [sflag:s2] =	dma.local @!p0 [hbm:s0], s1  }
0x153: {  	s0 =	simm.s32 @!p0 $0x9  }
0x154: {  	_ =	swait.ge @!p0 [sflag:s0], s1  }
0x155: {  	s1 =	ssub.s32 @!p0 $0x0, s1;
	[sflag:s0] =	ssyncset.done @!p0 $0x0  }
0x156: {  	[sflag:s0] =	ssyncadd.s32 @!p0 s1  }
0x157: {  	[bflag:$0x3] =	sbarrier.arrive $0xFFFF  }
0x158: {  	_ =	shalt  }

// kernel: kernel.16.cloned.1.call-start
scs
__scs_entry_jumppad:
0x0: {  	(pc) =	sbr.rel $0x88, $3  }
0x1: {  	(tag) =	ssettag $0x0;
	lr =	simm.s32 $0x1  }
0x2: {  	[smem:$0x3F96] =	sst lr;
	_ =	strace $0xD0000000  }
0x3: {  	_ = 	snop  }
0x4: {  	_ = 	snop  }
0x5: {  	_ = 	snop  }
0x6: {  	_ = 	snop  }
0x7: {  	_ = 	snop  }
__scs_overlays_trampoline_lowered:
0x8: {  	[smem:$0x3FA5] =	sst s0  }
0x9: {  	[smem:$0x3FA6] =	sst s1  }
0xa: {  	[smem:$0x3FA7] =	sst s2  }
0xb: {  	[smem:$0x3FA8] =	sst s3  }
0xc: {  	[smem:$0x3FA9] =	sst s4  }
0xd: {  	[smem:$0x3FAA] =	sst s5  }
0xe: {  	[smem:$0x3FAB] =	sst s6  }
0xf: {  	[smem:$0x3FAC] =	sst s7  }
0x10: {  	[smem:$0x3FAD] =	sst s8  }
0x11: {  	[smem:$0x3FAE] =	sst s9;
	s0 =	simm.s32 @!p0 $0x0  }
0x12: {  	s1 =	sld [smem:$0x3F94];
	s0 =	simm.s32 @p0 $0x1  }
0x13: {  	[smem:$0x3FAF] =	sst s0;
	s0 =	simm.s32 @!p1 $0x0  }
0x14: {  	s2 =	sld [smem:$0x3F93];
	s0 =	simm.s32 @p1 $0x1  }
0x15: {  	[smem:$0x3FB0] =	sst s0;
	s0 =	simm.s32 @!p2 $0x0  }
0x16: {  	s3 =	sld [smem:$0x3FDB];
	s0 =	simm.s32 @p2 $0x1  }
0x17: {  	s4 =	simm.s32 $0x1BF5;
	[smem:$0x3FB2] =	sst s0  }
0x18: {  	s0 =	sld [smem:$0x3F95];
	_ =	swait.ge [sflag:s4], $0x0  }
0x19: {  	s7 =	sld [smem:$0x3F96]  }
0x1a: {  	s8 =	sadd.s32 $0xFFFFE003, lr  }
0x1b: {  	s9 =	sadd.s32 $0xFFFFFEF7, lr;
	s5 =	simm.s32 $0xFFFFFFFF;
	p2 =	slt.u32 s8, $0xFFFFF086  }
0x1c: {  	p1 =	slt.u32 s9, $0xF7A;
	s5 =	simm.s32 @!p2 $0x0  }
0x1d: {  	s5 =	simm.s32 @p1 $0x1;
	p0 =	seq.s32 s7, s2  }
0x1e: {  	s7 =	smul.u32 @!p0 $0xF7A, s2;
	p2 =	seq.s32 @!p0 s5, $0x0  }
0x1f: {  	s9 =	smul.u32 $0xF7A, s1;
	s8 =	simm.s32 @!p0 $0x1BF5;
	p2 =	por !p2, p0  }
0x20: {  	[sflag:s8] =	ssyncset.s32 @!p0 $0xFFFFF086;
	s6 =	sadd.s32 @!p0 s3, s7;
	s7 =	simm.s32 @!p0 $0x108  }
0x21: {  	s3 =	sadd.s32 s3, s9;
	s6 =	sadd.s32 @!p0 $0x88, s6;
	s7 =	simm.s32 @p2 $0x1082  }
0x22: {  	[simem:s7], [sflag:s8] =	dma.local @!p0 [hbm:s6], $0xF7A  }
0x23: {  	s9 =	sor.u32 $0xD0000000, s2;
	s6 =	simm.s32 $0x108;
	_ =	swait.ge @!p0 [sflag:s8], $0x0  }
0x24: {  	s3 =	sadd.s32 $0x88, s3;
	s6 =	simm.s32 @!p1 $0x1082;
	[sflag:s4] =	ssyncset.s32 $0xFFFFF086  }
0x25: {  	[simem:s6], [sflag:s4] =	dma.local [hbm:s3], $0xF7A  }
0x26: {  	[smem:$0x3F96] =	sst s1;
	(tag) =	ssettag s2;
	_ =	strace s9  }
0x27: {  	s1 =	sld [smem:$0x3FA6]  }
0x28: {  	s2 =	sld [smem:$0x3FA7]  }
0x29: {  	s4 =	sld [smem:$0x3FA9]  }
0x2a: {  	p0 =	seq.s32 s5, $0x0;
	s5 =	sld [smem:$0x3FAA]  }
0x2b: {  	s6 =	sld [smem:$0x3FAB]  }
0x2c: {  	s7 =	sld [smem:$0x3FAC]  }
0x2d: {  	s3 =	simm.s32 $0x108;
	s8 =	sld [smem:$0x3FAD]  }
0x2e: {  	s3 =	simm.s32 @!p0 $0x1082;
	s9 =	sld [smem:$0x3FAE]  }
0x2f: {  	lr =	sadd.s32 s0, s3;
	s0 =	sld [smem:$0x3FA5]  }
0x30: {  	s3 =	sld [smem:$0x3FA8]  }
0x31: {  	[smem:$0x3FB1] =	sst s10  }
0x32: {  	s10 =	sld [smem:$0x3FAF];
	_ =	sdelay $0x3  }
0x33: {  	p0 =	seq.s32 s10, $0x1;
	s10 =	sld [smem:$0x3FB1];
	_ =	sdelay $0x3  }
0x34: {  	[smem:$0x3FB1] =	sst s10  }
0x35: {  	s10 =	sld [smem:$0x3FB0];
	_ =	sdelay $0x3  }
0x36: {  	p1 =	seq.s32 s10, $0x1;
	s10 =	sld [smem:$0x3FB1];
	_ =	sdelay $0x3  }
0x37: {  	[smem:$0x3FB1] =	sst s10  }
0x38: {  	s10 =	sld [smem:$0x3FB2]  }
0x39: {  	_ = 	snop;
	(pc) =	sbr.ind lr, $3  }
0x3a: {  	_ = 	snop  }
0x3b: {  	_ = 	snop  }
0x3c: {  	p2 =	seq.s32 s10, $0x1;
	s10 =	sld [smem:$0x3FB1]  }
0x3d: {  	_ =	shalt  }
0x3e: {  	_ =	shalt  }
0x3f: {  	_ =	shalt  }
0x40: {  	_ =	shalt  }
0x41: {  	_ =	shalt  }
0x42: {  	_ =	shalt  }
0x43: {  	_ =	shalt  }
0x44: {  	_ =	shalt  }
0x45: {  	_ =	shalt  }
0x46: {  	_ =	shalt  }
0x47: {  	_ =	shalt  }
0x48: {  	_ =	shalt  }
0x49: {  	_ =	shalt  }
0x4a: {  	_ =	shalt  }
0x4b: {  	_ =	shalt  }
0x4c: {  	_ =	shalt  }
0x4d: {  	_ =	shalt  }
0x4e: {  	_ =	shalt  }
0x4f: {  	_ =	shalt  }
0x50: {  	_ =	shalt  }
0x51: {  	_ =	shalt  }
0x52: {  	_ =	shalt  }
0x53: {  	_ =	shalt  }
0x54: {  	_ =	shalt  }
0x55: {  	_ =	shalt  }
0x56: {  	_ =	shalt  }
0x57: {  	_ =	shalt  }
0x58: {  	_ =	shalt  }
0x59: {  	_ =	shalt  }
0x5a: {  	_ =	shalt  }
0x5b: {  	_ =	shalt  }
0x5c: {  	_ =	shalt  }
0x5d: {  	_ =	shalt  }
0x5e: {  	_ =	shalt  }
0x5f: {  	_ =	shalt  }
0x60: {  	_ =	shalt  }
0x61: {  	_ =	shalt  }
0x62: {  	_ =	shalt  }
0x63: {  	_ =	shalt  }
0x64: {  	_ =	shalt  }
0x65: {  	_ =	shalt  }
0x66: {  	_ =	shalt  }
0x67: {  	_ =	shalt  }
0x68: {  	_ =	shalt  }
0x69: {  	_ =	shalt  }
0x6a: {  	_ =	shalt  }
0x6b: {  	_ =	shalt  }
0x6c: {  	_ =	shalt  }
0x6d: {  	_ =	shalt  }
0x6e: {  	_ =	shalt  }
0x6f: {  	_ =	shalt  }
0x70: {  	_ =	shalt  }
0x71: {  	_ =	shalt  }
0x72: {  	_ =	shalt  }
0x73: {  	_ =	shalt  }
0x74: {  	_ =	shalt  }
0x75: {  	_ =	shalt  }
0x76: {  	_ =	shalt  }
0x77: {  	_ =	shalt  }
0x78: {  	_ =	shalt  }
0x79: {  	_ =	shalt  }
0x7a: {  	_ =	shalt  }
0x7b: {  	_ =	shalt  }
0x7c: {  	_ =	shalt  }
0x7d: {  	_ =	shalt  }
0x7e: {  	_ =	shalt  }
0x7f: {  	_ =	shalt  }
0x80: {  	_ =	shalt  }
0x81: {  	_ =	shalt  }
0x82: {  	_ =	shalt  }
0x83: {  	_ =	shalt  }
0x84: {  	_ =	shalt  }
0x85: {  	_ =	shalt  }
0x86: {  	_ =	shalt  }
0x87: {  	_ =	shalt  }
.Lfunc_end0:
.L_simem_size_0:
called_computation.2_lowered:
.L_overlay_start_0:
0x88: {  	s2 =	sld [smem:$0x3FD9]  }
0x89: {  	s3 =	sld [smem:$0x3FFE];
	_ =	sdelay $0x1  }
0x8a: {  	s1 =	srdreg.scid  }
0x8b: {  	s0 =	sand.u32 $0x1, s1  }
0x8c: {  	s17 =	sshll.u32 s0, $0xA;
	s2 =	sadd.s32 s3, s2  }
0x8d: {  	s2 =	sadd.s32 s2, s17  }
0x8e: {  	[smem:$0x3FBD] =	sst s2  }
0x8f: {  	_ = 	snop  }
0x90: {  	s18 =	sld [smem:$0x3FC8]  }
0x91: {  	s4 =	sld [smem:$0x3FC7];
	(tm) =	ssettm $0x1  }
0x92: {  	s19 =	sld [smem:$0x3FFB];
	_ =	sdelay $0x3  }
0x93: {  	_ =	strace s19  }
0x94: {  	s2 =	sld [smem:$0x3FFC];
	_ =	sdelay $0x3  }
0x95: {  	_ =	strace s2  }
0x96: {  	s2 =	sld [smem:$0x3FFD];
	_ =	sdelay $0x3  }
0x97: {  	_ =	strace s2  }
0x98: {  	_ =	strace $0x8FFFFFFF  }
0x99: {  	s20 =	sld [smem:$0x3FDB];
	_ =	sdelay $0x1  }
0x9a: {  	s5 =	simm.s32 $_scs_section_size  }
0x9b: {  	s6 =	simm.s32 $_size__tile_overlayer_lowered;
	s7 =	simm.s32 $_tile_overlayer_lowered  }
0x9c: {  	s8 =	simm.s32 $0x1BFF;
	s21 =	sshll.u32 s7, $0x1;
	s5 =	sadd.s32 s5, s20  }
0x9d: {  	s22 =	simm.s32 $0x0;
	s6 =	sshll.u32 s6, $0x1;
	s7 =	sadd.s32 s21, s5  }
0x9e: {  	[timem:s22], [sflag:s8] =	dma.local [hbm:s7], s6  }
0x9f: {  	_ =	swait.ge [sflag:s8], s6  }
0xa0: {  	s6 =	ssub.s32 $0x0, s6;
	[sflag:s8] =	ssyncset.done $0x0  }
0xa1: {  	[sflag:s8] =	ssyncadd.s32 s6;
	_ =	sdelay $0x1  }
0xa2: {  	s23 =	simm.s32 $0x1B8B  }
0xa3: {  	_ =	swait.ge [sflag:s23], $0x1  }
0xa4: {  	[sflag:s23] =	ssyncset.done $0x0  }
0xa5: {  	[sflag:s23] =	ssyncadd.s32 $0xFFFFFFFF  }
0xa6: {  	s6 =	sld [smem:$0x0]  }
0xa7: {  	s7 =	sand.u32 $0xFFFFFFFE, s1  }
0xa8: {  	p0 =	sne.s32 s1, s7  }
0xa9: {  	s7 =	sshll.u32 @p0 s7, $0xE  }
0xaa: {  	s7 =	sadd.s32 @p0 $0x11B8D, s7;
	s8 =	sshll.u32 @p0 s6, $0x11  }
0xab: {  	s7 =	sor.u32 @p0 s8, s7  }
0xac: {  	[sflag:s7] =	ssyncadd.remote.s32 @p0 $0x1;
	_ =	sdelay $0x1  }
0xad: {  	s7 =	simm.s32 @p0 $0x1B8D  }
0xae: {  	_ =	swait.eq @p0 [sflag:s7], $0x1  }
0xaf: {  	[sflag:s7] =	ssyncadd.s32 @p0 $0xFFFFFFFF  }
0xb0: {  	s8 =	sshll.u32 @!p0 s1, $0xE  }
0xb1: {  	s8 =	sor.u32 @!p0 $0x4000, s8;
	s7 =	simm.s32 @!p0 $0x1B8D  }
0xb2: {  	s6 =	sshll.u32 @!p0 s6, $0x11;
	s8 =	sadd.s32 @!p0 $0x11B8D, s8;
	_ =	swait.eq @!p0 [sflag:s7], $0x1  }
0xb3: {  	s6 =	sor.u32 @!p0 s6, s8;
	[sflag:s7] =	ssyncadd.s32 @!p0 $0xFFFFFFFF  }
0xb4: {  	s25 =	simm.s32 $0x1B8E;
	s24 =	sld [smem:$0x3FFE];
	[sflag:s6] =	ssyncadd.remote.s32 @!p0 $0x1  }
0xb5: {  	s26 =	simm.s32 $execute0_lowered;
	[smem:$0x3FD2] =	sst s25  }
0xb6: {  	s7 =	sshll.u32 s26, $0x1;
	_ =	strace $0x80000049;
	[dreg:$0x1] =	wrdreg $0xFFFFFFFF  }
0xb7: {  	s28 =	simm.s32 $_size_execute0_lowered;
	s5 =	sadd.s32 s5, s7;
	[dreg:$0x0] =	wrdreg $0x0  }
0xb8: {  	s7 =	sshll.u32 s28, $0x1;
	[dreg:$0x2] =	wrdreg s5  }
0xb9: {  	[dreg:$0x3] =	wrdreg s7  }
0xba: {  	[dreg:$0x4] =	wrdreg $0xC0  }
0xbb: {  	_ =	task [dreg:s22], $0x5FFFF  }
0xbc: {  	[dreg:$0x1] =	wrdreg $0xFFFFFFFF  }
0xbd: {  	[dreg:$0x0] =	wrdreg $0x60  }
0xbe: {  	[dreg:$0x2] =	wrdreg s18  }
0xbf: {  	[dreg:$0x3] =	wrdreg s4  }
0xc0: {  	[dreg:$0x4] =	wrdreg s24  }
0xc1: {  	[dreg:$0x5] =	wrdreg $0xB  }
0xc2: {  	_ =	task.clear_ibuf [dreg:s22], $0x6FFFF;
	_ =	strace $0x90000049  }
0xc3: {  	s29 =	simm.s32 $0xB;
	_ =	strace $0x8000004B  }
0xc4: {  	_ =	swait.ge [sflag:s29], $0x1  }
0xc5: {  	[sflag:s29] =	ssyncadd.s32 $0xFFFFFFFF  }
0xc6: {  	_ =	strace $0x9000004B  }
0xc7: {  	_ =	sfence  }
0xc8: {  	s30 =	sld [smem:$0x0];
	_ =	sdelay $0x2  }
0xc9: {  	s31 =	sshll.u32 s1, $0xD;
	s1 =	sshrl.u32 s1, $0x2  }
0xca: {  	s4 =	sand.u32 $0x4000, s31;
	s1 =	sadd.s32 s1, s30  }
0xcb: {  	s0 =	sor.u32 s4, s0;
	s1 =	sshll.u32 s1, $0x11  }
0xcc: {  	s0 =	sor.u32 s1, s0  }
0xcd: {  	s0 =	sadd.s32 $0x8F2B, s0  }
0xce: {  	[sflag:s0] =	ssyncadd.remote.s32 $0x1  }
0xcf: {  	_ =	sfence.sel $0xFFFF  }
0xd0: {  	[dreg:$0x0] =	wrdreg $0xFFFFFFFF;
	(pc) =	sbr.abs _section_cstart, $3  }
0xd1: {  	[dreg:$0x1] =	wrdreg $0xFFFFFFFF  }
0xd2: {  	_ =	task.clear_ibuf [dreg:s22], $0x2FFFF;
	_ =	strace $0x9FFFFFFF  }
0xd3: {  	(tm) =	ssettm $0x7FFFFFFF  }
tec
execute0_lowered:
.L_overlay_start_1:
0x0: {  	(tag) =	ssettag $0x1  }
0x1: {  	s1 =	rddreg [dreg:$0x0]  }
0x2: {  	s2 =	rddreg [dreg:$0x1]  }
0x3: {  	s0 =	rddreg [dreg:$0x2];
	s3 =	srdreg.scid;
	s4 =	simm.s32 $0x0  }
0x4: {  	s5 =	stileid.u32;
	s9 =	simm.s32 $0x9;
	s11 =	simm.s32 $0x400  }
0x5: {  	s12 =	simm.s32 $0x7A1400;
	s13 =	simm.s32 $0x1100;
	s14 =	simm.s32 $0x5100  }
0x6: {  	s15 =	simm.s32 $0x2100;
	s16 =	simm.s32 $0x6100;
	s17 =	simm.s32 $0x3100  }
0x7: {  	s18 =	simm.s32 $0x7100;
	s19 =	simm.s32 $0x4100;
	s20 =	simm.s32 $0x8100  }
0x8: {  	s21 =	simm.s32 $0x1;
	s22 =	simm.s32 $0x5;
	s23 =	simm.s32 $0x2  }
0x9: {  	s24 =	simm.s32 $0x6;
	s28 =	simm.s32 $0x4;
	s3 =	sand.u32 $0x1, s3  }
0xa: {  	s29 =	simm.s32 $0x8;
	s5 =	sshll.u32 s5, $0x6;
	s6 =	sshll.u32 s3, $0x5  }
0xb: {  	s31 =	simm.s32 $0x0;
	[smem:$0x7FF] =	sst s4;
	s5 =	sor.u32 s6, s5  }
0xc: {  	_ =	strace $0x8000004A;
	s3 =	ssub.s32 $0x2, s3;
	s6 =	sshrl.u32 s5, $0x3  }
.Ltmp0:
0xd: {  	s25 =	sshrl.u32 s3, $0x1;
	s6 =	sadd.s32 s6, s0;
	(pc) =	sbr.rel .LBB2_1-.Ltmp0, $4  }
0xe: {  	v0 =	vlaneseq.u32;
	s5 =	sshll.u32 s5, $0x4;
	s3 =	ssub.s32 s3, s25;
	s26 =	sadd.s32 $0x3200, s6  }
0xf: {  	v1 =	vmul.u32 $0x80, v0;
	s0 =	sadd.s32 s5, s0;
	s30 =	sadd.s32 $0x3000, s6;
	[dreg:$0x4] =	wrdreg s26  }
0x10: {  	vm0 =	vmmov $0x1;
	vm1 =	vcmask $0x308;
	s25 =	simm.s32 $0x3;
	s0 =	sadd.s32 $0x7800, s0;
	[dreg:$0x5] =	wrdreg s30  }
0x11: {  	vm2 =	vcmask $0x70C;
	vm3 =	vcmask $0xB10;
	v2 =	vor.u32 $0x800, v1;
	s8 =	smax.u32 s3, $0x1;
	[dreg:$0x6] =	wrdreg s0;
	s26 =	simm.s32 $0x7  }
.LBB2_4:
0x12: {  	s31 =	sadd.s32 $0x1, s31  }
0x13: {  	p0 =	sne.s32 s31, s8  }
.Ltmp1:
0x14: {  	s0 =	rddreg [dreg:$0x6];
	s3 =	simm.s32 $0x100;
	(pc) =	sbr.rel @!p0 .LBB2_5-.Ltmp1, $4  }
0x15: {  	[hbm4b:s0+s4] =	stream.linear.scatter [tilespmem:s3], [sflag:$0x9], $0x1000, $0x38;
	[tilespmem:$0x9100] =	vst v63  }
0x16: {  	_ =	swait.ge [sflag:s9], $0x1000  }
0x17: {  	[sflag:s9] =	ssyncset.done $0x0  }
0x18: {  	[sflag:s9] =	ssyncadd.s32 $0xFFFFF000  }
.LBB2_1:
0x19: {  	s0 =	rddreg [dreg:$0x4]  }
0x1a: {  	[tilespmem:s4], [sflag:$0x9] =	stream.linear.gather [hbm4b:s0+s4], $0x20, $0x38;
	[tilespmem:$0x9100] =	vst v63  }
0x1b: {  	_ =	swait.ge [sflag:s9], $0x20  }
0x1c: {  	[sflag:s9] =	ssyncset.done $0x0  }
0x1d: {  	s3 =	simm.s32 $0x80;
	s7 =	rddreg [dreg:$0x5];
	[sflag:s9] =	ssyncadd.s32 $0xFFFFFFE0  }
0x1e: {  	[tilespmem:s3], [sflag:$0x9] =	stream.linear.gather [hbm4b:s7+s4], $0x20, $0x38;
	[tilespmem:$0x9100] =	vst v63  }
0x1f: {  	_ =	swait.ge [sflag:s9], $0x20  }
0x20: {  	[sflag:s9] =	ssyncset.done $0x0  }
0x21: {  	[sflag:s9] =	ssyncadd.s32 $0xFFFFFFE0  }
0x22: {  	v3 =	vld [tilespmem:$0x0];
	_ =	sdelay $0x1  }
0x23: {  	v4 =	vld [tilespmem:$0x80];
	_ =	sdelay $0x2  }
0x24: {  	v3 =	vnsel vm0, $0x0, v3  }
0x25: {  	v3 =	vxor.u32 $0x80000000, v3  }
0x26: {  	(xrf0) =	vmax.scan.msk.u32 $0xffff, v3;
	v3 =	vnsel vm0, $0x0, v4  }
0x27: {  	v3 =	vxor.u32 $0x80000000, v3  }
0x28: {  	(xrf0) =	vmax.scan.msk.u32 $0xffff, v3;
	_ =	sdelay $0x3  }
0x29: {  	v3, _, _ =	vpop (xrf0)  }
0x2a: {  	(v2sf) =	vpush v3, $0xF  }
0x2b: {  	v3, _, _ =	vpop (xrf0)  }
0x2c: {  	(v2sf) =	vpush v3, $0xF;
	_ =	sdelay $0xc  }
0x2d: {  	s10 =	spop (v2sf)  }
0x2e: {  	s0 =	sand.u32 $0x1FFFFF80, s10  }
0x2f: {  	s0 =	sadd.s32 s1, s0;
	s30 =	spop (v2sf)  }
0x30: {  	[tilespmem:s13], [sflag:$0x1] =	stream.strided.gather [hbm4b:s0+s11], $0x1000, s12, s11, $0x38;
	[tilespmem:$0x9100] =	vst v63  }
0x31: {  	s0 =	sand.u32 $0x1FFFFF80, s30  }
0x32: {  	s0 =	sadd.s32 s2, s0  }
0x33: {  	[tilespmem:s14], [sflag:$0x5] =	stream.strided.gather [hbm4b:s0+s11], $0x1000, s12, s11, $0x38;
	[tilespmem:$0x9100] =	vst v63  }
0x34: {  	v3 =	vld [tilespmem:$0x0];
	_ =	sdelay $0x1  }
0x35: {  	v61 =	vld [tilespmem:$0x80];
	_ =	sdelay $0x2  }
0x36: {  	v3 =	vsel vm1, $0x0, v3  }
0x37: {  	v3 =	vxor.u32 $0x80000000, v3  }
0x38: {  	(xrf0) =	vmax.scan.msk.u32 $0xffff, v3;
	v3 =	vsel vm1, $0x0, v61  }
0x39: {  	v3 =	vxor.u32 $0x80000000, v3  }
0x3a: {  	(xrf0) =	vmax.scan.msk.u32 $0xffff, v3;
	_ =	sdelay $0x3  }
0x3b: {  	v3, _, _ =	vpop (xrf0)  }
0x3c: {  	(v2sf) =	vpush v3, $0xF  }
0x3d: {  	v3, _, _ =	vpop (xrf0)  }
0x3e: {  	(v2sf) =	vpush v3, $0xF;
	_ =	sdelay $0xc  }
0x3f: {  	s3 =	spop (v2sf)  }
0x40: {  	s0 =	sand.u32 $0x1FFFFF80, s3  }
0x41: {  	s0 =	sadd.s32 s1, s0;
	s5 =	spop (v2sf)  }
0x42: {  	[tilespmem:s15], [sflag:$0x2] =	stream.strided.gather [hbm4b:s0+s11], $0x1000, s12, s11, $0x38;
	[tilespmem:$0x9100] =	vst v63  }
0x43: {  	s0 =	sand.u32 $0x1FFFFF80, s5  }
0x44: {  	s0 =	sadd.s32 s2, s0  }
0x45: {  	[tilespmem:s16], [sflag:$0x6] =	stream.strided.gather [hbm4b:s0+s11], $0x1000, s12, s11, $0x38;
	[tilespmem:$0x9100] =	vst v63  }
0x46: {  	v3 =	vld [tilespmem:$0x0];
	_ =	sdelay $0x1  }
0x47: {  	v62 =	vld [tilespmem:$0x80];
	_ =	sdelay $0x2  }
0x48: {  	v3 =	vsel vm2, $0x0, v3  }
0x49: {  	v3 =	vxor.u32 $0x80000000, v3  }
0x4a: {  	(xrf0) =	vmax.scan.msk.u32 $0xffff, v3;
	v3 =	vsel vm2, $0x0, v62  }
0x4b: {  	v3 =	vxor.u32 $0x80000000, v3  }
0x4c: {  	(xrf0) =	vmax.scan.msk.u32 $0xffff, v3;
	_ =	sdelay $0x3  }
0x4d: {  	v3, _, _ =	vpop (xrf0)  }
0x4e: {  	(v2sf) =	vpush v3, $0xF  }
0x4f: {  	v3, _, _ =	vpop (xrf0)  }
0x50: {  	(v2sf) =	vpush v3, $0xF;
	_ =	sdelay $0xc  }
0x51: {  	s6 =	spop (v2sf)  }
0x52: {  	s0 =	sand.u32 $0x1FFFFF80, s6  }
0x53: {  	s0 =	sadd.s32 s1, s0;
	s7 =	spop (v2sf)  }
0x54: {  	[tilespmem:s17], [sflag:$0x3] =	stream.strided.gather [hbm4b:s0+s11], $0x1000, s12, s11, $0x38;
	[tilespmem:$0x9100] =	vst v63  }
0x55: {  	s0 =	sand.u32 $0x1FFFFF80, s7  }
0x56: {  	s0 =	sadd.s32 s2, s0  }
0x57: {  	[tilespmem:s18], [sflag:$0x7] =	stream.strided.gather [hbm4b:s0+s11], $0x1000, s12, s11, $0x38;
	[tilespmem:$0x9100] =	vst v63  }
0x58: {  	v3 =	vld [tilespmem:$0x0];
	_ =	sdelay $0x1  }
0x59: {  	v63 =	vld [tilespmem:$0x80];
	_ =	sdelay $0x2  }
0x5a: {  	v3 =	vsel vm3, $0x0, v3  }
0x5b: {  	v3 =	vxor.u32 $0x80000000, v3  }
0x5c: {  	(xrf0) =	vmax.scan.msk.u32 $0xffff, v3;
	v3 =	vsel vm3, $0x0, v63  }
0x5d: {  	v3 =	vxor.u32 $0x80000000, v3  }
0x5e: {  	(xrf0) =	vmax.scan.msk.u32 $0xffff, v3;
	_ =	sdelay $0x3  }
0x5f: {  	v3, _, _ =	vpop (xrf0)  }
0x60: {  	(v2sf) =	vpush v3, $0xF  }
0x61: {  	v3, _, _ =	vpop (xrf0)  }
0x62: {  	(v2sf) =	vpush v3, $0xF;
	_ =	sdelay $0xc  }
0x63: {  	s10 =	spop (v2sf)  }
0x64: {  	s0 =	sand.u32 $0x1FFFFF80, s10  }
0x65: {  	s0 =	sadd.s32 s1, s0;
	s30 =	spop (v2sf)  }
0x66: {  	[tilespmem:s19], [sflag:$0x4] =	stream.strided.gather [hbm4b:s0+s11], $0x1000, s12, s11, $0x38;
	[tilespmem:$0x9100] =	vst v63  }
0x67: {  	s0 =	sand.u32 $0x1FFFFF80, s30  }
0x68: {  	s0 =	sadd.s32 s2, s0  }
0x69: {  	[tilespmem:s20], [sflag:$0x8] =	stream.strided.gather [hbm4b:s0+s11], $0x1000, s12, s11, $0x38;
	[tilespmem:$0x9100] =	vst v63  }
0x6a: {  	s3 =	simm.s32 $0x0;
	s0 =	simm.s32 $0x200  }
.LBB2_2:
0x6b: {  	_ =	swait.ge [sflag:s21], $0x1000  }
0x6c: {  	[sflag:s21] =	ssyncset.done $0x0  }
0x6d: {  	[sflag:s21] =	ssyncadd.s32 $0xFFFFF000  }
0x6e: {  	_ =	swait.ge [sflag:s22], $0x1000  }
0x6f: {  	[sflag:s22] =	ssyncset.done $0x0  }
0x70: {  	s10 =	sand.u32 $0x10, s3;
	[sflag:s22] =	ssyncadd.s32 $0xFFFFF000  }
0x71: {  	v3 =	vld [tilespmem:s10+$0x0];
	_ =	sdelay $0x1  }
0x72: {  	v4 =	vld [tilespmem:s10+$0x80]  }
0x73: {  	s5 =	sand.u32 $0xC, s3  }
0x74: {  	v5 =	vmov s5  }
0x75: {  	vm4 =	veq.s32 v5, v0;
	v3 =	vxor.u32 $0x80000000, v3  }
0x76: {  	v3 =	vnsel vm4, $0x80000000, v3  }
0x77: {  	v4 =	vxor.u32 $0x80000000, v4;
	(xrf0) =	vmax.scan.msk.u32 $0xffff, v3  }
0x78: {  	v3 =	vnsel vm4, $0x80000000, v4  }
0x79: {  	(xrf0) =	vmax.scan.msk.u32 $0xffff, v3;
	_ =	sdelay $0x3  }
0x7a: {  	v3, _, _ =	vpop (xrf0)  }
0x7b: {  	(v2sf) =	vpush v3, $0xF  }
0x7c: {  	v3, _, _ =	vpop (xrf0)  }
0x7d: {  	(v2sf) =	vpush v3, $0xF;
	_ =	sdelay $0xc  }
0x7e: {  	s6 =	spop (v2sf)  }
0x7f: {  	s5 =	sand.u32 $0x7F, s6  }
0x80: {  	s30 =	spop (v2sf);
	v3 =	vor.u32 s5, v1  }
0x81: {  	s30 =	sand.u32 $0x7F, s30;
	v35 =	vor.u32 s5, v2  }
0x82: {  	v34 =	vor.u32 s30, v1  }
0x83: {  	v6 =	vor.u32 s30, v2;
	_ =	sdelay $0x1  }
0x84: {  	v3 =	vld.idx.msk [tilespmem:v3+s13+$0x0], $0xffff  }
0x85: {  	v5 =	vld.idx.msk [tilespmem:v35+s13+$0x0], $0xffff  }
0x86: {  	v4 =	vld.idx.msk [tilespmem:v34+s14+$0x0], $0xffff  }
0x87: {  	v6 =	vld.idx.msk [tilespmem:v6+s14+$0x0], $0xffff;
	_ =	sdelay $0x3  }
0x88: {  	v3 =	vadd.f32 v4, v3  }
0x89: {  	p0 =	seq.s32 s3, $0x1C;
	v36 =	vadd.f32 v6, v5  }
0x8a: {  	s5 =	sadd.s32 @!p0 $0x4, s3;
	[tilespmem:s0+$0xFFFFFF00] =	vst v3  }
0x8b: {  	s30 =	sand.u32 @!p0 $0x30, s5;
	[tilespmem:s0+$0xFFFFFF10] =	vst v36  }
0x8c: {  	v4 =	vld @!p0 [tilespmem:s30+$0x0];
	_ =	sdelay $0x1  }
0x8d: {  	s5 =	sand.u32 @!p0 $0xC, s5  }
0x8e: {  	v5 =	vmov @!p0 s5;
	v3 =	vlaneseq.u32 @!p0  }
0x8f: {  	vm4 =	veq.s32 @!p0 v5, v3;
	v5 =	vld @!p0 [tilespmem:s30+$0x80]  }
0x90: {  	v4 =	vxor.u32 @!p0 $0x80000000, v4  }
0x91: {  	v4 =	vnsel @!p0 vm4, $0x80000000, v4  }
0x92: {  	(xrf0) =	vmax.scan.msk.u32 @!p0 $0xffff, v4;
	_ =	sdelay $0x1  }
0x93: {  	v4 =	vxor.u32 @!p0 $0x80000000, v5  }
0x94: {  	v4 =	vnsel @!p0 vm4, $0x80000000, v4  }
0x95: {  	(xrf0) =	vmax.scan.msk.u32 @!p0 $0xffff, v4;
	_ =	sdelay $0x1  }
0x96: {  	v4, _, _ =	vpop @!p0 (xrf0)  }
0x97: {  	(v2sf) =	vpush @!p0 v4, $0xF;
	_ =	sdelay $0x2  }
0x98: {  	v4, _, _ =	vpop @!p0 (xrf0)  }
0x99: {  	(v2sf) =	vpush @!p0 v4, $0xF;
	_ =	sdelay $0xa  }
0x9a: {  	s5 =	spop @!p0 (v2sf)  }
0x9b: {  	s7 =	simm.s32 @!p0 $0x1100;
	s5 =	sand.u32 @!p0 $0x1FFFFF80, s5  }
0x9c: {  	s30 =	simm.s32 @!p0 $0x400;
	s6 =	sadd.s32 @!p0 s1, s5;
	s5 =	simm.s32 @!p0 $0x7A1400  }
0x9d: {  	[tilespmem:s7], [sflag:$0x1] =	stream.strided.gather @!p0 [hbm4b:s6+s30], $0x1000, s5, s30, $0x38;
	[tilespmem:$0x9100] =	vst v63  }
0x9e: {  	s6 =	spop @!p0 (v2sf)  }
0x9f: {  	s6 =	sand.u32 @!p0 $0x1FFFFF80, s6  }
0xa0: {  	s7 =	simm.s32 @!p0 $0x5100;
	s6 =	sadd.s32 @!p0 s2, s6  }
0xa1: {  	[tilespmem:s7], [sflag:$0x5] =	stream.strided.gather @!p0 [hbm4b:s6+s30], $0x1000, s5, s30, $0x38;
	[tilespmem:$0x9100] =	vst v63  }
0xa2: {  	_ =	swait.ge [sflag:s23], $0x1000  }
0xa3: {  	[sflag:s23] =	ssyncset.done $0x0  }
0xa4: {  	[sflag:s23] =	ssyncadd.s32 $0xFFFFF000  }
0xa5: {  	_ =	swait.ge [sflag:s24], $0x1000  }
0xa6: {  	[sflag:s24] =	ssyncset.done $0x0  }
0xa7: {  	[sflag:s24] =	ssyncadd.s32 $0xFFFFF000  }
0xa8: {  	v37 =	vld [tilespmem:s10+$0x0];
	_ =	sdelay $0x1  }
0xa9: {  	s7 =	sadd.s32 $0x1, s3;
	v38 =	vld [tilespmem:s10+$0x80]  }
0xaa: {  	s6 =	sand.u32 $0xD, s7  }
0xab: {  	v39 =	vmov s6  }
0xac: {  	vm4 =	veq.s32 v39, v0;
	v4 =	vxor.u32 $0x80000000, v37  }
0xad: {  	v4 =	vnsel vm4, $0x80000000, v4  }
0xae: {  	v5 =	vxor.u32 $0x80000000, v38;
	(xrf0) =	vmax.scan.msk.u32 $0xffff, v4  }
0xaf: {  	v40 =	vnsel vm4, $0x80000000, v5  }
0xb0: {  	(xrf0) =	vmax.scan.msk.u32 $0xffff, v40;
	_ =	sdelay $0x3  }
0xb1: {  	v41, _, _ =	vpop (xrf0)  }
0xb2: {  	(v2sf) =	vpush v41, $0xF  }
0xb3: {  	v42, _, _ =	vpop (xrf0)  }
0xb4: {  	(v2sf) =	vpush v42, $0xF;
	_ =	sdelay $0xc  }
0xb5: {  	s7 =	spop (v2sf)  }
0xb6: {  	s6 =	sand.u32 $0x7F, s7  }
0xb7: {  	s7 =	spop (v2sf);
	v43 =	vor.u32 s6, v1  }
0xb8: {  	s7 =	sand.u32 $0x7F, s7;
	v45 =	vor.u32 s6, v2  }
0xb9: {  	v44 =	vor.u32 s7, v1  }
0xba: {  	v7 =	vor.u32 s7, v2;
	_ =	sdelay $0x1  }
0xbb: {  	v4 =	vld.idx.msk [tilespmem:v43+s15+$0x0], $0xffff  }
0xbc: {  	v6 =	vld.idx.msk [tilespmem:v45+s15+$0x0], $0xffff  }
0xbd: {  	v5 =	vld.idx.msk [tilespmem:v44+s16+$0x0], $0xffff  }
0xbe: {  	v7 =	vld.idx.msk [tilespmem:v7+s16+$0x0], $0xffff;
	_ =	sdelay $0x3  }
0xbf: {  	v4 =	vadd.f32 v5, v4  }
0xc0: {  	v46 =	vadd.f32 v7, v6  }
0xc1: {  	s6 =	sadd.s32 @!p0 $0x5, s3;
	[tilespmem:s0+$0xFFFFFF80] =	vst v4  }
0xc2: {  	s7 =	sand.u32 @!p0 $0x30, s6;
	[tilespmem:s0+$0xFFFFFF90] =	vst v46  }
0xc3: {  	v4 =	vld @!p0 [tilespmem:s7+$0x0];
	_ =	sdelay $0x2  }
0xc4: {  	s6 =	sand.u32 @!p0 $0xD, s6  }
0xc5: {  	v5 =	vmov @!p0 s6;
	v6 =	vld @!p0 [tilespmem:s7+$0x80]  }
0xc6: {  	vm4 =	veq.s32 @!p0 v5, v3;
	v4 =	vxor.u32 @!p0 $0x80000000, v4  }
0xc7: {  	v4 =	vnsel @!p0 vm4, $0x80000000, v4  }
0xc8: {  	(xrf0) =	vmax.scan.msk.u32 @!p0 $0xffff, v4;
	_ =	sdelay $0x1  }
0xc9: {  	v4 =	vxor.u32 @!p0 $0x80000000, v6  }
0xca: {  	v4 =	vnsel @!p0 vm4, $0x80000000, v4  }
0xcb: {  	(xrf0) =	vmax.scan.msk.u32 @!p0 $0xffff, v4;
	_ =	sdelay $0x1  }
0xcc: {  	v4, _, _ =	vpop @!p0 (xrf0)  }
0xcd: {  	(v2sf) =	vpush @!p0 v4, $0xF;
	_ =	sdelay $0x2  }
0xce: {  	v4, _, _ =	vpop @!p0 (xrf0)  }
0xcf: {  	(v2sf) =	vpush @!p0 v4, $0xF;
	_ =	sdelay $0xa  }
0xd0: {  	s6 =	spop @!p0 (v2sf)  }
0xd1: {  	s6 =	sand.u32 @!p0 $0x1FFFFF80, s6  }
0xd2: {  	s7 =	simm.s32 @!p0 $0x2100;
	s6 =	sadd.s32 @!p0 s1, s6  }
0xd3: {  	[tilespmem:s7], [sflag:$0x2] =	stream.strided.gather @!p0 [hbm4b:s6+s30], $0x1000, s5, s30, $0x38;
	[tilespmem:$0x9100] =	vst v63  }
0xd4: {  	s6 =	spop @!p0 (v2sf)  }
0xd5: {  	s6 =	sand.u32 @!p0 $0x1FFFFF80, s6  }
0xd6: {  	s7 =	simm.s32 @!p0 $0x6100;
	s6 =	sadd.s32 @!p0 s2, s6  }
0xd7: {  	[tilespmem:s7], [sflag:$0x6] =	stream.strided.gather @!p0 [hbm4b:s6+s30], $0x1000, s5, s30, $0x38;
	[tilespmem:$0x9100] =	vst v63  }
0xd8: {  	_ =	swait.ge [sflag:s25], $0x1000  }
0xd9: {  	[sflag:s25] =	ssyncset.done $0x0  }
0xda: {  	[sflag:s25] =	ssyncadd.s32 $0xFFFFF000  }
0xdb: {  	_ =	swait.ge [sflag:s26], $0x1000  }
0xdc: {  	[sflag:s26] =	ssyncset.done $0x0  }
0xdd: {  	[sflag:s26] =	ssyncadd.s32 $0xFFFFF000  }
0xde: {  	v47 =	vld [tilespmem:s10+$0x0];
	_ =	sdelay $0x1  }
0xdf: {  	s7 =	sadd.s32 $0x2, s3;
	v48 =	vld [tilespmem:s10+$0x80]  }
0xe0: {  	s6 =	sand.u32 $0xE, s7  }
0xe1: {  	v49 =	vmov s6  }
0xe2: {  	vm4 =	veq.s32 v49, v0;
	v4 =	vxor.u32 $0x80000000, v47  }
0xe3: {  	v4 =	vnsel vm4, $0x80000000, v4  }
0xe4: {  	v5 =	vxor.u32 $0x80000000, v48;
	(xrf0) =	vmax.scan.msk.u32 $0xffff, v4  }
0xe5: {  	v50 =	vnsel vm4, $0x80000000, v5  }
0xe6: {  	(xrf0) =	vmax.scan.msk.u32 $0xffff, v50;
	_ =	sdelay $0x3  }
0xe7: {  	v51, _, _ =	vpop (xrf0)  }
0xe8: {  	(v2sf) =	vpush v51, $0xF  }
0xe9: {  	v52, _, _ =	vpop (xrf0)  }
0xea: {  	(v2sf) =	vpush v52, $0xF;
	_ =	sdelay $0xc  }
0xeb: {  	s7 =	spop (v2sf)  }
0xec: {  	s6 =	sand.u32 $0x7F, s7  }
0xed: {  	s7 =	spop (v2sf);
	v53 =	vor.u32 s6, v1  }
0xee: {  	s7 =	sand.u32 $0x7F, s7;
	v55 =	vor.u32 s6, v2  }
0xef: {  	v54 =	vor.u32 s7, v1  }
0xf0: {  	v56 =	vor.u32 s7, v2;
	_ =	sdelay $0x1  }
0xf1: {  	v4 =	vld.idx.msk [tilespmem:v53+s17+$0x0], $0xffff  }
0xf2: {  	v6 =	vld.idx.msk [tilespmem:v55+s17+$0x0], $0xffff  }
0xf3: {  	v5 =	vld.idx.msk [tilespmem:v54+s18+$0x0], $0xffff  }
0xf4: {  	v7 =	vld.idx.msk [tilespmem:v56+s18+$0x0], $0xffff;
	_ =	sdelay $0x3  }
0xf5: {  	v4 =	vadd.f32 v5, v4  }
0xf6: {  	v57 =	vadd.f32 v7, v6  }
0xf7: {  	s6 =	sadd.s32 @!p0 $0x6, s3;
	[tilespmem:s0+$0x0] =	vst v4  }
0xf8: {  	s7 =	sand.u32 @!p0 $0x30, s6;
	[tilespmem:s0+$0x10] =	vst v57  }
0xf9: {  	v4 =	vld @!p0 [tilespmem:s7+$0x0];
	_ =	sdelay $0x2  }
0xfa: {  	s6 =	sand.u32 @!p0 $0xE, s6  }
0xfb: {  	v5 =	vmov @!p0 s6;
	v6 =	vld @!p0 [tilespmem:s7+$0x80]  }
0xfc: {  	vm4 =	veq.s32 @!p0 v5, v3;
	v3 =	vxor.u32 @!p0 $0x80000000, v4  }
0xfd: {  	v3 =	vnsel @!p0 vm4, $0x80000000, v3  }
0xfe: {  	(xrf0) =	vmax.scan.msk.u32 @!p0 $0xffff, v3;
	_ =	sdelay $0x1  }
0xff: {  	v3 =	vxor.u32 @!p0 $0x80000000, v6  }
0x100: {  	v3 =	vnsel @!p0 vm4, $0x80000000, v3  }
0x101: {  	(xrf0) =	vmax.scan.msk.u32 @!p0 $0xffff, v3;
	_ =	sdelay $0x1  }
0x102: {  	v3, _, _ =	vpop @!p0 (xrf0)  }
0x103: {  	(v2sf) =	vpush @!p0 v3, $0xF;
	_ =	sdelay $0x2  }
0x104: {  	v3, _, _ =	vpop @!p0 (xrf0)  }
0x105: {  	(v2sf) =	vpush @!p0 v3, $0xF;
	_ =	sdelay $0xa  }
0x106: {  	s6 =	spop @!p0 (v2sf)  }
0x107: {  	s6 =	sand.u32 @!p0 $0x1FFFFF80, s6  }
0x108: {  	s7 =	simm.s32 @!p0 $0x3100;
	s6 =	sadd.s32 @!p0 s1, s6  }
0x109: {  	[tilespmem:s7], [sflag:$0x3] =	stream.strided.gather @!p0 [hbm4b:s6+s30], $0x1000, s5, s30, $0x38;
	[tilespmem:$0x9100] =	vst v63  }
0x10a: {  	s6 =	spop @!p0 (v2sf)  }
0x10b: {  	s6 =	sand.u32 @!p0 $0x1FFFFF80, s6  }
0x10c: {  	s7 =	simm.s32 @!p0 $0x7100;
	s6 =	sadd.s32 @!p0 s2, s6  }
0x10d: {  	[tilespmem:s7], [sflag:$0x7] =	stream.strided.gather @!p0 [hbm4b:s6+s30], $0x1000, s5, s30, $0x38;
	[tilespmem:$0x9100] =	vst v63  }
0x10e: {  	_ =	swait.ge [sflag:s28], $0x1000  }
0x10f: {  	[sflag:s28] =	ssyncset.done $0x0  }
0x110: {  	[sflag:s28] =	ssyncadd.s32 $0xFFFFF000  }
0x111: {  	_ =	swait.ge [sflag:s29], $0x1000  }
0x112: {  	[sflag:s29] =	ssyncset.done $0x0  }
0x113: {  	[sflag:s29] =	ssyncadd.s32 $0xFFFFF000  }
0x114: {  	v3 =	vld [tilespmem:s10+$0x0];
	_ =	sdelay $0x1  }
0x115: {  	s7 =	sadd.s32 $0x3, s3;
	v58 =	vld [tilespmem:s10+$0x80]  }
0x116: {  	s5 =	sand.u32 $0xF, s7  }
0x117: {  	v59 =	vmov s5  }
0x118: {  	vm4 =	veq.s32 v59, v0;
	v3 =	vxor.u32 $0x80000000, v3  }
0x119: {  	v3 =	vnsel vm4, $0x80000000, v3  }
0x11a: {  	v4 =	vxor.u32 $0x80000000, v58;
	(xrf0) =	vmax.scan.msk.u32 $0xffff, v3  }
0x11b: {  	v3 =	vnsel vm4, $0x80000000, v4  }
0x11c: {  	(xrf0) =	vmax.scan.msk.u32 $0xffff, v3;
	_ =	sdelay $0x3  }
0x11d: {  	v3, _, _ =	vpop (xrf0)  }
0x11e: {  	(v2sf) =	vpush v3, $0xF  }
0x11f: {  	v3, _, _ =	vpop (xrf0)  }
0x120: {  	(v2sf) =	vpush v3, $0xF;
	_ =	sdelay $0xc  }
0x121: {  	s10 =	spop (v2sf)  }
0x122: {  	s5 =	sand.u32 $0x7F, s10  }
0x123: {  	s30 =	spop (v2sf);
	v3 =	vor.u32 s5, v1  }
0x124: {  	s6 =	sand.u32 $0x7F, s30;
	v61 =	vor.u32 s5, v2  }
0x125: {  	v60 =	vor.u32 s6, v1  }
0x126: {  	v62 =	vor.u32 s6, v2;
	_ =	sdelay $0x1  }
0x127: {  	v3 =	vld.idx.msk [tilespmem:v3+s19+$0x0], $0xffff  }
0x128: {  	v5 =	vld.idx.msk [tilespmem:v61+s19+$0x0], $0xffff  }
0x129: {  	v4 =	vld.idx.msk [tilespmem:v60+s20+$0x0], $0xffff  }
0x12a: {  	v6 =	vld.idx.msk [tilespmem:v62+s20+$0x0], $0xffff;
	_ =	sdelay $0x2  }
.Ltmp2:
0x12b: {  	_ = 	snop;
	(pc) =	sbr.rel @p0 .LBB2_4-.Ltmp2, $4  }
0x12c: {  	v3 =	vadd.f32 v4, v3  }
0x12d: {  	v63 =	vadd.f32 v6, v5  }
0x12e: {  	[tilespmem:s0+$0x80] =	vst v3  }
0x12f: {  	[tilespmem:s0+$0x90] =	vst v63  }
0x130: {  	s5 =	sadd.s32 $0x7, s3  }
0x131: {  	s6 =	sand.u32 $0x30, s5  }
0x132: {  	v3 =	vld [tilespmem:s6+$0x0];
	_ =	sdelay $0x1  }
0x133: {  	v5 =	vld [tilespmem:s6+$0x80]  }
0x134: {  	s5 =	sand.u32 $0xF, s5  }
0x135: {  	v4 =	vmov s5  }
0x136: {  	vm4 =	veq.s32 v4, v0;
	v3 =	vxor.u32 $0x80000000, v3  }
0x137: {  	v3 =	vnsel vm4, $0x80000000, v3  }
0x138: {  	(xrf0) =	vmax.scan.msk.u32 $0xffff, v3;
	v3 =	vxor.u32 $0x80000000, v5  }
0x139: {  	v3 =	vnsel vm4, $0x80000000, v3  }
0x13a: {  	(xrf0) =	vmax.scan.msk.u32 $0xffff, v3;
	_ =	sdelay $0x3  }
0x13b: {  	v3, _, _ =	vpop (xrf0)  }
0x13c: {  	(v2sf) =	vpush v3, $0xF  }
0x13d: {  	v3, _, _ =	vpop (xrf0)  }
0x13e: {  	(v2sf) =	vpush v3, $0xF;
	_ =	sdelay $0xc  }
0x13f: {  	s10 =	spop (v2sf)  }
0x140: {  	s5 =	sand.u32 $0x1FFFFF80, s10  }
.Ltmp3:
0x141: {  	s5 =	sadd.s32 s1, s5;
	s30 =	spop (v2sf);
	(pc) =	sbr.rel .LBB2_2-.Ltmp3, $4  }
0x142: {  	[tilespmem:s19], [sflag:$0x4] =	stream.strided.gather [hbm4b:s5+s11], $0x1000, s12, s11, $0x38;
	[tilespmem:$0x9100] =	vst v63  }
0x143: {  	s5 =	sand.u32 $0x1FFFFF80, s30  }
0x144: {  	s3 =	sadd.s32 $0x4, s3;
	s0 =	sadd.s32 $0x200, s0;
	s5 =	sadd.s32 s2, s5  }
0x145: {  	[tilespmem:s20], [sflag:$0x8] =	stream.strided.gather [hbm4b:s5+s11], $0x1000, s12, s11, $0x38;
	[tilespmem:$0x9100] =	vst v63  }
.LBB2_5:
0x146: {  	_ =	sfence.sel $0x180000  }
0x147: {  	[bflag:$0x0] =	sbarrier.arrive $0xFFFF  }
0x148: {  	_ =	strace $0x9000004A  }
0x149: {  	s0 =	stileid.u32;
	[bflag:$0x2] =	sbarrier.arrive $0xFFFF  }
0x14a: {  	p0 =	sne.s32 s0, $0x0;
	s0 =	rddreg [dreg:$0x3]  }
0x14b: {  	s0 =	sadd.s32 @!p0 $0x100000, s0  }
0x14c: {  	[sflag:s0] =	ssyncadd.tile.s32 @!p0 $0x1;
	_ =	shalt  }
.Lfunc_end2:
_tile_overlayer_lowered:
.L_overlay_start_2:
0x14d: {  	(tag) =	ssettag $0x2  }
0x14e: {  	s0 =	rddreg [dreg:$0x0];
	s2 =	stileid.u32  }
0x14f: {  	s1 =	rddreg [dreg:$0x1];
	p0 =	sne.s32 s2, $0x0  }
0x150: {  	s3 =	rddreg [dreg:$0x2];
	[bflag:$0x3] =	sbarrier.arrive $0xFFFF;
	s2 =	simm.s32 @!p0 $0x1C09  }
0x151: {  	[timem:s3], [sflag:s2] =	dma.local @!p0 [hbm:s0], s1  }
0x152: {  	s0 =	simm.s32 @!p0 $0x9  }
0x153: {  	_ =	swait.ge @!p0 [sflag:s0], s1  }
0x154: {  	s1 =	ssub.s32 @!p0 $0x0, s1;
	[sflag:s0] =	ssyncset.done @!p0 $0x0  }
0x155: {  	[sflag:s0] =	ssyncadd.s32 @!p0 s1  }
0x156: {  	[bflag:$0x3] =	sbarrier.arrive $0xFFFF  }
0x157: {  	_ =	shalt  }

// kernel: kernel.19.cloned.1.call-start
scs
__scs_entry_jumppad:
0x0: {  	(pc) =	sbr.rel $0x88, $3  }
0x1: {  	(tag) =	ssettag $0x0;
	lr =	simm.s32 $0x1  }
0x2: {  	[smem:$0x3F96] =	sst lr;
	_ =	strace $0xD0000000  }
0x3: {  	_ = 	snop  }
0x4: {  	_ = 	snop  }
0x5: {  	_ = 	snop  }
0x6: {  	_ = 	snop  }
0x7: {  	_ = 	snop  }
__scs_overlays_trampoline_lowered:
0x8: {  	[smem:$0x3FA5] =	sst s0  }
0x9: {  	[smem:$0x3FA6] =	sst s1  }
0xa: {  	[smem:$0x3FA7] =	sst s2  }
0xb: {  	[smem:$0x3FA8] =	sst s3  }
0xc: {  	[smem:$0x3FA9] =	sst s4  }
0xd: {  	[smem:$0x3FAA] =	sst s5  }
0xe: {  	[smem:$0x3FAB] =	sst s6  }
0xf: {  	[smem:$0x3FAC] =	sst s7  }
0x10: {  	[smem:$0x3FAD] =	sst s8  }
0x11: {  	[smem:$0x3FAE] =	sst s9;
	s0 =	simm.s32 @!p0 $0x0  }
0x12: {  	s1 =	sld [smem:$0x3F94];
	s0 =	simm.s32 @p0 $0x1  }
0x13: {  	[smem:$0x3FAF] =	sst s0;
	s0 =	simm.s32 @!p1 $0x0  }
0x14: {  	s2 =	sld [smem:$0x3F93];
	s0 =	simm.s32 @p1 $0x1  }
0x15: {  	[smem:$0x3FB0] =	sst s0;
	s0 =	simm.s32 @!p2 $0x0  }
0x16: {  	s3 =	sld [smem:$0x3FDB];
	s0 =	simm.s32 @p2 $0x1  }
0x17: {  	s4 =	simm.s32 $0x1BF5;
	[smem:$0x3FB2] =	sst s0  }
0x18: {  	s0 =	sld [smem:$0x3F95];
	_ =	swait.ge [sflag:s4], $0x0  }
0x19: {  	s7 =	sld [smem:$0x3F96]  }
0x1a: {  	s8 =	sadd.s32 $0xFFFFE003, lr  }
0x1b: {  	s9 =	sadd.s32 $0xFFFFFEF7, lr;
	s5 =	simm.s32 $0xFFFFFFFF;
	p2 =	slt.u32 s8, $0xFFFFF086  }
0x1c: {  	p1 =	slt.u32 s9, $0xF7A;
	s5 =	simm.s32 @!p2 $0x0  }
0x1d: {  	s5 =	simm.s32 @p1 $0x1;
	p0 =	seq.s32 s7, s2  }
0x1e: {  	s7 =	smul.u32 @!p0 $0xF7A, s2;
	p2 =	seq.s32 @!p0 s5, $0x0  }
0x1f: {  	s9 =	smul.u32 $0xF7A, s1;
	s8 =	simm.s32 @!p0 $0x1BF5;
	p2 =	por !p2, p0  }
0x20: {  	[sflag:s8] =	ssyncset.s32 @!p0 $0xFFFFF086;
	s6 =	sadd.s32 @!p0 s3, s7;
	s7 =	simm.s32 @!p0 $0x108  }
0x21: {  	s3 =	sadd.s32 s3, s9;
	s6 =	sadd.s32 @!p0 $0x88, s6;
	s7 =	simm.s32 @p2 $0x1082  }
0x22: {  	[simem:s7], [sflag:s8] =	dma.local @!p0 [hbm:s6], $0xF7A  }
0x23: {  	s9 =	sor.u32 $0xD0000000, s2;
	s6 =	simm.s32 $0x108;
	_ =	swait.ge @!p0 [sflag:s8], $0x0  }
0x24: {  	s3 =	sadd.s32 $0x88, s3;
	s6 =	simm.s32 @!p1 $0x1082;
	[sflag:s4] =	ssyncset.s32 $0xFFFFF086  }
0x25: {  	[simem:s6], [sflag:s4] =	dma.local [hbm:s3], $0xF7A  }
0x26: {  	[smem:$0x3F96] =	sst s1;
	(tag) =	ssettag s2;
	_ =	strace s9  }
0x27: {  	s1 =	sld [smem:$0x3FA6]  }
0x28: {  	s2 =	sld [smem:$0x3FA7]  }
0x29: {  	s4 =	sld [smem:$0x3FA9]  }
0x2a: {  	p0 =	seq.s32 s5, $0x0;
	s5 =	sld [smem:$0x3FAA]  }
0x2b: {  	s6 =	sld [smem:$0x3FAB]  }
0x2c: {  	s7 =	sld [smem:$0x3FAC]  }
0x2d: {  	s3 =	simm.s32 $0x108;
	s8 =	sld [smem:$0x3FAD]  }
0x2e: {  	s3 =	simm.s32 @!p0 $0x1082;
	s9 =	sld [smem:$0x3FAE]  }
0x2f: {  	lr =	sadd.s32 s0, s3;
	s0 =	sld [smem:$0x3FA5]  }
0x30: {  	s3 =	sld [smem:$0x3FA8]  }
0x31: {  	[smem:$0x3FB1] =	sst s10  }
0x32: {  	s10 =	sld [smem:$0x3FAF];
	_ =	sdelay $0x3  }
0x33: {  	p0 =	seq.s32 s10, $0x1;
	s10 =	sld [smem:$0x3FB1];
	_ =	sdelay $0x3  }
0x34: {  	[smem:$0x3FB1] =	sst s10  }
0x35: {  	s10 =	sld [smem:$0x3FB0];
	_ =	sdelay $0x3  }
0x36: {  	p1 =	seq.s32 s10, $0x1;
	s10 =	sld [smem:$0x3FB1];
	_ =	sdelay $0x3  }
0x37: {  	[smem:$0x3FB1] =	sst s10  }
0x38: {  	s10 =	sld [smem:$0x3FB2]  }
0x39: {  	_ = 	snop;
	(pc) =	sbr.ind lr, $3  }
0x3a: {  	_ = 	snop  }
0x3b: {  	_ = 	snop  }
0x3c: {  	p2 =	seq.s32 s10, $0x1;
	s10 =	sld [smem:$0x3FB1]  }
0x3d: {  	_ =	shalt  }
0x3e: {  	_ =	shalt  }
0x3f: {  	_ =	shalt  }
0x40: {  	_ =	shalt  }
0x41: {  	_ =	shalt  }
0x42: {  	_ =	shalt  }
0x43: {  	_ =	shalt  }
0x44: {  	_ =	shalt  }
0x45: {  	_ =	shalt  }
0x46: {  	_ =	shalt  }
0x47: {  	_ =	shalt  }
0x48: {  	_ =	shalt  }
0x49: {  	_ =	shalt  }
0x4a: {  	_ =	shalt  }
0x4b: {  	_ =	shalt  }
0x4c: {  	_ =	shalt  }
0x4d: {  	_ =	shalt  }
0x4e: {  	_ =	shalt  }
0x4f: {  	_ =	shalt  }
0x50: {  	_ =	shalt  }
0x51: {  	_ =	shalt  }
0x52: {  	_ =	shalt  }
0x53: {  	_ =	shalt  }
0x54: {  	_ =	shalt  }
0x55: {  	_ =	shalt  }
0x56: {  	_ =	shalt  }
0x57: {  	_ =	shalt  }
0x58: {  	_ =	shalt  }
0x59: {  	_ =	shalt  }
0x5a: {  	_ =	shalt  }
0x5b: {  	_ =	shalt  }
0x5c: {  	_ =	shalt  }
0x5d: {  	_ =	shalt  }
0x5e: {  	_ =	shalt  }
0x5f: {  	_ =	shalt  }
0x60: {  	_ =	shalt  }
0x61: {  	_ =	shalt  }
0x62: {  	_ =	shalt  }
0x63: {  	_ =	shalt  }
0x64: {  	_ =	shalt  }
0x65: {  	_ =	shalt  }
0x66: {  	_ =	shalt  }
0x67: {  	_ =	shalt  }
0x68: {  	_ =	shalt  }
0x69: {  	_ =	shalt  }
0x6a: {  	_ =	shalt  }
0x6b: {  	_ =	shalt  }
0x6c: {  	_ =	shalt  }
0x6d: {  	_ =	shalt  }
0x6e: {  	_ =	shalt  }
0x6f: {  	_ =	shalt  }
0x70: {  	_ =	shalt  }
0x71: {  	_ =	shalt  }
0x72: {  	_ =	shalt  }
0x73: {  	_ =	shalt  }
0x74: {  	_ =	shalt  }
0x75: {  	_ =	shalt  }
0x76: {  	_ =	shalt  }
0x77: {  	_ =	shalt  }
0x78: {  	_ =	shalt  }
0x79: {  	_ =	shalt  }
0x7a: {  	_ =	shalt  }
0x7b: {  	_ =	shalt  }
0x7c: {  	_ =	shalt  }
0x7d: {  	_ =	shalt  }
0x7e: {  	_ =	shalt  }
0x7f: {  	_ =	shalt  }
0x80: {  	_ =	shalt  }
0x81: {  	_ =	shalt  }
0x82: {  	_ =	shalt  }
0x83: {  	_ =	shalt  }
0x84: {  	_ =	shalt  }
0x85: {  	_ =	shalt  }
0x86: {  	_ =	shalt  }
0x87: {  	_ =	shalt  }
.Lfunc_end0:
.L_simem_size_0:
called_computation.3_lowered:
.L_overlay_start_0:
0x88: {  	s2 =	sld [smem:$0x3FD9]  }
0x89: {  	s3 =	sld [smem:$0x3FFE];
	_ =	sdelay $0x1  }
0x8a: {  	s1 =	srdreg.scid  }
0x8b: {  	s0 =	sand.u32 $0x1, s1  }
0x8c: {  	s17 =	sshll.u32 s0, $0xA;
	s2 =	sadd.s32 s3, s2  }
0x8d: {  	s2 =	sadd.s32 s2, s17  }
0x8e: {  	[smem:$0x3FBD] =	sst s2  }
0x8f: {  	_ = 	snop  }
0x90: {  	s18 =	sld [smem:$0x3FC8]  }
0x91: {  	s4 =	sld [smem:$0x3FC7];
	(tm) =	ssettm $0x1  }
0x92: {  	s19 =	sld [smem:$0x3FFB];
	_ =	sdelay $0x3  }
0x93: {  	_ =	strace s19  }
0x94: {  	s2 =	sld [smem:$0x3FFC];
	_ =	sdelay $0x3  }
0x95: {  	_ =	strace s2  }
0x96: {  	s2 =	sld [smem:$0x3FFD];
	_ =	sdelay $0x3  }
0x97: {  	_ =	strace s2  }
0x98: {  	_ =	strace $0x8FFFFFFF  }
0x99: {  	s20 =	sld [smem:$0x3FDB];
	_ =	sdelay $0x1  }
0x9a: {  	s5 =	simm.s32 $_scs_section_size  }
0x9b: {  	s6 =	simm.s32 $_size__tile_overlayer_lowered;
	s7 =	simm.s32 $_tile_overlayer_lowered  }
0x9c: {  	s8 =	simm.s32 $0x1BFF;
	s21 =	sshll.u32 s7, $0x1;
	s5 =	sadd.s32 s5, s20  }
0x9d: {  	s22 =	simm.s32 $0x0;
	s6 =	sshll.u32 s6, $0x1;
	s7 =	sadd.s32 s21, s5  }
0x9e: {  	[timem:s22], [sflag:s8] =	dma.local [hbm:s7], s6  }
0x9f: {  	_ =	swait.ge [sflag:s8], s6  }
0xa0: {  	s6 =	ssub.s32 $0x0, s6;
	[sflag:s8] =	ssyncset.done $0x0  }
0xa1: {  	[sflag:s8] =	ssyncadd.s32 s6;
	_ =	sdelay $0x1  }
0xa2: {  	s23 =	simm.s32 $0x1B8B  }
0xa3: {  	_ =	swait.ge [sflag:s23], $0x1  }
0xa4: {  	[sflag:s23] =	ssyncset.done $0x0  }
0xa5: {  	[sflag:s23] =	ssyncadd.s32 $0xFFFFFFFF  }
0xa6: {  	s6 =	sld [smem:$0x0]  }
0xa7: {  	s7 =	sand.u32 $0xFFFFFFFE, s1  }
0xa8: {  	p0 =	sne.s32 s1, s7  }
0xa9: {  	s7 =	sshll.u32 @p0 s7, $0xE  }
0xaa: {  	s7 =	sadd.s32 @p0 $0x11B8D, s7;
	s8 =	sshll.u32 @p0 s6, $0x11  }
0xab: {  	s7 =	sor.u32 @p0 s8, s7  }
0xac: {  	[sflag:s7] =	ssyncadd.remote.s32 @p0 $0x1;
	_ =	sdelay $0x1  }
0xad: {  	s7 =	simm.s32 @p0 $0x1B8D  }
0xae: {  	_ =	swait.eq @p0 [sflag:s7], $0x1  }
0xaf: {  	[sflag:s7] =	ssyncadd.s32 @p0 $0xFFFFFFFF  }
0xb0: {  	s8 =	sshll.u32 @!p0 s1, $0xE  }
0xb1: {  	s8 =	sor.u32 @!p0 $0x4000, s8;
	s7 =	simm.s32 @!p0 $0x1B8D  }
0xb2: {  	s6 =	sshll.u32 @!p0 s6, $0x11;
	s8 =	sadd.s32 @!p0 $0x11B8D, s8;
	_ =	swait.eq @!p0 [sflag:s7], $0x1  }
0xb3: {  	s6 =	sor.u32 @!p0 s6, s8;
	[sflag:s7] =	ssyncadd.s32 @!p0 $0xFFFFFFFF  }
0xb4: {  	s25 =	simm.s32 $0x1B8E;
	s24 =	sld [smem:$0x3FFE];
	[sflag:s6] =	ssyncadd.remote.s32 @!p0 $0x1  }
0xb5: {  	s26 =	simm.s32 $execute0_lowered;
	[smem:$0x3FD2] =	sst s25  }
0xb6: {  	s7 =	sshll.u32 s26, $0x1;
	_ =	strace $0x8000004C;
	[dreg:$0x1] =	wrdreg $0xFFFFFFFF  }
0xb7: {  	s28 =	simm.s32 $_size_execute0_lowered;
	s5 =	sadd.s32 s5, s7;
	[dreg:$0x0] =	wrdreg $0x0  }
0xb8: {  	s7 =	sshll.u32 s28, $0x1;
	[dreg:$0x2] =	wrdreg s5  }
0xb9: {  	[dreg:$0x3] =	wrdreg s7  }
0xba: {  	[dreg:$0x4] =	wrdreg $0xC0  }
0xbb: {  	_ =	task [dreg:s22], $0x5FFFF  }
0xbc: {  	[dreg:$0x1] =	wrdreg $0xFFFFFFFF  }
0xbd: {  	[dreg:$0x0] =	wrdreg $0x60  }
0xbe: {  	[dreg:$0x2] =	wrdreg s18  }
0xbf: {  	[dreg:$0x3] =	wrdreg s4  }
0xc0: {  	[dreg:$0x4] =	wrdreg s24  }
0xc1: {  	[dreg:$0x5] =	wrdreg $0xC  }
0xc2: {  	_ =	task.clear_ibuf [dreg:s22], $0x6FFFF;
	_ =	strace $0x9000004C  }
0xc3: {  	s29 =	simm.s32 $0xC;
	_ =	strace $0x8000004E  }
0xc4: {  	_ =	swait.ge [sflag:s29], $0x1  }
0xc5: {  	[sflag:s29] =	ssyncadd.s32 $0xFFFFFFFF  }
0xc6: {  	_ =	strace $0x9000004E  }
0xc7: {  	_ =	sfence  }
0xc8: {  	s30 =	sld [smem:$0x0];
	_ =	sdelay $0x2  }
0xc9: {  	s31 =	sshll.u32 s1, $0xD;
	s1 =	sshrl.u32 s1, $0x2  }
0xca: {  	s4 =	sand.u32 $0x4000, s31;
	s1 =	sadd.s32 s1, s30  }
0xcb: {  	s0 =	sor.u32 s4, s0;
	s1 =	sshll.u32 s1, $0x11  }
0xcc: {  	s0 =	sor.u32 s1, s0  }
0xcd: {  	s0 =	sadd.s32 $0x8F2B, s0  }
0xce: {  	[sflag:s0] =	ssyncadd.remote.s32 $0x1  }
0xcf: {  	_ =	sfence.sel $0xFFFF  }
0xd0: {  	[dreg:$0x0] =	wrdreg $0xFFFFFFFF;
	(pc) =	sbr.abs _section_cstart, $3  }
0xd1: {  	[dreg:$0x1] =	wrdreg $0xFFFFFFFF  }
0xd2: {  	_ =	task.clear_ibuf [dreg:s22], $0x2FFFF;
	_ =	strace $0x9FFFFFFF  }
0xd3: {  	(tm) =	ssettm $0x7FFFFFFF  }
tec
execute0_lowered:
.L_overlay_start_1:
0x0: {  	(tag) =	ssettag $0x1  }
0x1: {  	s1 =	rddreg [dreg:$0x0]  }
0x2: {  	s2 =	rddreg [dreg:$0x1]  }
0x3: {  	s0 =	rddreg [dreg:$0x2];
	s3 =	srdreg.scid;
	s4 =	simm.s32 $0x0  }
0x4: {  	s5 =	stileid.u32;
	s9 =	simm.s32 $0x9;
	s11 =	simm.s32 $0x400  }
0x5: {  	s12 =	simm.s32 $0x7A1400;
	s13 =	simm.s32 $0x1100;
	s14 =	simm.s32 $0x5100  }
0x6: {  	s15 =	simm.s32 $0x2100;
	s16 =	simm.s32 $0x6100;
	s17 =	simm.s32 $0x3100  }
0x7: {  	s18 =	simm.s32 $0x7100;
	s19 =	simm.s32 $0x4100;
	s20 =	simm.s32 $0x8100  }
0x8: {  	s21 =	simm.s32 $0x1;
	s22 =	simm.s32 $0x5;
	s23 =	simm.s32 $0x2  }
0x9: {  	s24 =	simm.s32 $0x6;
	s28 =	simm.s32 $0x4;
	s3 =	sand.u32 $0x1, s3  }
0xa: {  	s29 =	simm.s32 $0x8;
	s5 =	sshll.u32 s5, $0x6;
	s6 =	sshll.u32 s3, $0x5  }
0xb: {  	s31 =	simm.s32 $0x0;
	[smem:$0x7FF] =	sst s4;
	s5 =	sor.u32 s6, s5  }
0xc: {  	_ =	strace $0x8000004D;
	s3 =	ssub.s32 $0x2, s3;
	s6 =	sshrl.u32 s5, $0x3  }
.Ltmp0:
0xd: {  	s25 =	sshrl.u32 s3, $0x1;
	s6 =	sadd.s32 s6, s0;
	(pc) =	sbr.rel .LBB2_1-.Ltmp0, $4  }
0xe: {  	v0 =	vlaneseq.u32;
	s5 =	sshll.u32 s5, $0x4;
	s3 =	ssub.s32 s3, s25;
	s26 =	sadd.s32 $0x3600, s6  }
0xf: {  	v1 =	vmul.u32 $0x80, v0;
	s0 =	sadd.s32 s5, s0;
	s30 =	sadd.s32 $0x3400, s6;
	[dreg:$0x4] =	wrdreg s26  }
0x10: {  	vm0 =	vmmov $0x1;
	vm1 =	vcmask $0x308;
	s25 =	simm.s32 $0x3;
	s0 =	sadd.s32 $0xB800, s0;
	[dreg:$0x5] =	wrdreg s30  }
0x11: {  	vm2 =	vcmask $0x70C;
	vm3 =	vcmask $0xB10;
	v2 =	vor.u32 $0x800, v1;
	s8 =	smax.u32 s3, $0x1;
	[dreg:$0x6] =	wrdreg s0;
	s26 =	simm.s32 $0x7  }
.LBB2_4:
0x12: {  	s31 =	sadd.s32 $0x1, s31  }
0x13: {  	p0 =	sne.s32 s31, s8  }
.Ltmp1:
0x14: {  	s0 =	rddreg [dreg:$0x6];
	s3 =	simm.s32 $0x100;
	(pc) =	sbr.rel @!p0 .LBB2_5-.Ltmp1, $4  }
0x15: {  	[hbm4b:s0+s4] =	stream.linear.scatter [tilespmem:s3], [sflag:$0x9], $0x1000, $0x38;
	[tilespmem:$0x9100] =	vst v63  }
0x16: {  	_ =	swait.ge [sflag:s9], $0x1000  }
0x17: {  	[sflag:s9] =	ssyncset.done $0x0  }
0x18: {  	[sflag:s9] =	ssyncadd.s32 $0xFFFFF000  }
.LBB2_1:
0x19: {  	s0 =	rddreg [dreg:$0x4]  }
0x1a: {  	[tilespmem:s4], [sflag:$0x9] =	stream.linear.gather [hbm4b:s0+s4], $0x20, $0x38;
	[tilespmem:$0x9100] =	vst v63  }
0x1b: {  	_ =	swait.ge [sflag:s9], $0x20  }
0x1c: {  	[sflag:s9] =	ssyncset.done $0x0  }
0x1d: {  	s3 =	simm.s32 $0x80;
	s7 =	rddreg [dreg:$0x5];
	[sflag:s9] =	ssyncadd.s32 $0xFFFFFFE0  }
0x1e: {  	[tilespmem:s3], [sflag:$0x9] =	stream.linear.gather [hbm4b:s7+s4], $0x20, $0x38;
	[tilespmem:$0x9100] =	vst v63  }
0x1f: {  	_ =	swait.ge [sflag:s9], $0x20  }
0x20: {  	[sflag:s9] =	ssyncset.done $0x0  }
0x21: {  	[sflag:s9] =	ssyncadd.s32 $0xFFFFFFE0  }
0x22: {  	v3 =	vld [tilespmem:$0x0];
	_ =	sdelay $0x1  }
0x23: {  	v4 =	vld [tilespmem:$0x80];
	_ =	sdelay $0x2  }
0x24: {  	v3 =	vnsel vm0, $0x0, v3  }
0x25: {  	v3 =	vxor.u32 $0x80000000, v3  }
0x26: {  	(xrf0) =	vmax.scan.msk.u32 $0xffff, v3;
	v3 =	vnsel vm0, $0x0, v4  }
0x27: {  	v3 =	vxor.u32 $0x80000000, v3  }
0x28: {  	(xrf0) =	vmax.scan.msk.u32 $0xffff, v3;
	_ =	sdelay $0x3  }
0x29: {  	v3, _, _ =	vpop (xrf0)  }
0x2a: {  	(v2sf) =	vpush v3, $0xF  }
0x2b: {  	v3, _, _ =	vpop (xrf0)  }
0x2c: {  	(v2sf) =	vpush v3, $0xF;
	_ =	sdelay $0xc  }
0x2d: {  	s10 =	spop (v2sf)  }
0x2e: {  	s0 =	sand.u32 $0x1FFFFF80, s10  }
0x2f: {  	s0 =	sadd.s32 s1, s0;
	s30 =	spop (v2sf)  }
0x30: {  	[tilespmem:s13], [sflag:$0x1] =	stream.strided.gather [hbm4b:s0+s11], $0x1000, s12, s11, $0x38;
	[tilespmem:$0x9100] =	vst v63  }
0x31: {  	s0 =	sand.u32 $0x1FFFFF80, s30  }
0x32: {  	s0 =	sadd.s32 s2, s0  }
0x33: {  	[tilespmem:s14], [sflag:$0x5] =	stream.strided.gather [hbm4b:s0+s11], $0x1000, s12, s11, $0x38;
	[tilespmem:$0x9100] =	vst v63  }
0x34: {  	v3 =	vld [tilespmem:$0x0];
	_ =	sdelay $0x1  }
0x35: {  	v61 =	vld [tilespmem:$0x80];
	_ =	sdelay $0x2  }
0x36: {  	v3 =	vsel vm1, $0x0, v3  }
0x37: {  	v3 =	vxor.u32 $0x80000000, v3  }
0x38: {  	(xrf0) =	vmax.scan.msk.u32 $0xffff, v3;
	v3 =	vsel vm1, $0x0, v61  }
0x39: {  	v3 =	vxor.u32 $0x80000000, v3  }
0x3a: {  	(xrf0) =	vmax.scan.msk.u32 $0xffff, v3;
	_ =	sdelay $0x3  }
0x3b: {  	v3, _, _ =	vpop (xrf0)  }
0x3c: {  	(v2sf) =	vpush v3, $0xF  }
0x3d: {  	v3, _, _ =	vpop (xrf0)  }
0x3e: {  	(v2sf) =	vpush v3, $0xF;
	_ =	sdelay $0xc  }
0x3f: {  	s3 =	spop (v2sf)  }
0x40: {  	s0 =	sand.u32 $0x1FFFFF80, s3  }
0x41: {  	s0 =	sadd.s32 s1, s0;
	s5 =	spop (v2sf)  }
0x42: {  	[tilespmem:s15], [sflag:$0x2] =	stream.strided.gather [hbm4b:s0+s11], $0x1000, s12, s11, $0x38;
	[tilespmem:$0x9100] =	vst v63  }
0x43: {  	s0 =	sand.u32 $0x1FFFFF80, s5  }
0x44: {  	s0 =	sadd.s32 s2, s0  }
0x45: {  	[tilespmem:s16], [sflag:$0x6] =	stream.strided.gather [hbm4b:s0+s11], $0x1000, s12, s11, $0x38;
	[tilespmem:$0x9100] =	vst v63  }
0x46: {  	v3 =	vld [tilespmem:$0x0];
	_ =	sdelay $0x1  }
0x47: {  	v62 =	vld [tilespmem:$0x80];
	_ =	sdelay $0x2  }
0x48: {  	v3 =	vsel vm2, $0x0, v3  }
0x49: {  	v3 =	vxor.u32 $0x80000000, v3  }
0x4a: {  	(xrf0) =	vmax.scan.msk.u32 $0xffff, v3;
	v3 =	vsel vm2, $0x0, v62  }
0x4b: {  	v3 =	vxor.u32 $0x80000000, v3  }
0x4c: {  	(xrf0) =	vmax.scan.msk.u32 $0xffff, v3;
	_ =	sdelay $0x3  }
0x4d: {  	v3, _, _ =	vpop (xrf0)  }
0x4e: {  	(v2sf) =	vpush v3, $0xF  }
0x4f: {  	v3, _, _ =	vpop (xrf0)  }
0x50: {  	(v2sf) =	vpush v3, $0xF;
	_ =	sdelay $0xc  }
0x51: {  	s6 =	spop (v2sf)  }
0x52: {  	s0 =	sand.u32 $0x1FFFFF80, s6  }
0x53: {  	s0 =	sadd.s32 s1, s0;
	s7 =	spop (v2sf)  }
0x54: {  	[tilespmem:s17], [sflag:$0x3] =	stream.strided.gather [hbm4b:s0+s11], $0x1000, s12, s11, $0x38;
	[tilespmem:$0x9100] =	vst v63  }
0x55: {  	s0 =	sand.u32 $0x1FFFFF80, s7  }
0x56: {  	s0 =	sadd.s32 s2, s0  }
0x57: {  	[tilespmem:s18], [sflag:$0x7] =	stream.strided.gather [hbm4b:s0+s11], $0x1000, s12, s11, $0x38;
	[tilespmem:$0x9100] =	vst v63  }
0x58: {  	v3 =	vld [tilespmem:$0x0];
	_ =	sdelay $0x1  }
0x59: {  	v63 =	vld [tilespmem:$0x80];
	_ =	sdelay $0x2  }
0x5a: {  	v3 =	vsel vm3, $0x0, v3  }
0x5b: {  	v3 =	vxor.u32 $0x80000000, v3  }
0x5c: {  	(xrf0) =	vmax.scan.msk.u32 $0xffff, v3;
	v3 =	vsel vm3, $0x0, v63  }
0x5d: {  	v3 =	vxor.u32 $0x80000000, v3  }
0x5e: {  	(xrf0) =	vmax.scan.msk.u32 $0xffff, v3;
	_ =	sdelay $0x3  }
0x5f: {  	v3, _, _ =	vpop (xrf0)  }
0x60: {  	(v2sf) =	vpush v3, $0xF  }
0x61: {  	v3, _, _ =	vpop (xrf0)  }
0x62: {  	(v2sf) =	vpush v3, $0xF;
	_ =	sdelay $0xc  }
0x63: {  	s10 =	spop (v2sf)  }
0x64: {  	s0 =	sand.u32 $0x1FFFFF80, s10  }
0x65: {  	s0 =	sadd.s32 s1, s0;
	s30 =	spop (v2sf)  }
0x66: {  	[tilespmem:s19], [sflag:$0x4] =	stream.strided.gather [hbm4b:s0+s11], $0x1000, s12, s11, $0x38;
	[tilespmem:$0x9100] =	vst v63  }
0x67: {  	s0 =	sand.u32 $0x1FFFFF80, s30  }
0x68: {  	s0 =	sadd.s32 s2, s0  }
0x69: {  	[tilespmem:s20], [sflag:$0x8] =	stream.strided.gather [hbm4b:s0+s11], $0x1000, s12, s11, $0x38;
	[tilespmem:$0x9100] =	vst v63  }
0x6a: {  	s3 =	simm.s32 $0x0;
	s0 =	simm.s32 $0x200  }
.LBB2_2:
0x6b: {  	_ =	swait.ge [sflag:s21], $0x1000  }
0x6c: {  	[sflag:s21] =	ssyncset.done $0x0  }
0x6d: {  	[sflag:s21] =	ssyncadd.s32 $0xFFFFF000  }
0x6e: {  	_ =	swait.ge [sflag:s22], $0x1000  }
0x6f: {  	[sflag:s22] =	ssyncset.done $0x0  }
0x70: {  	s10 =	sand.u32 $0x10, s3;
	[sflag:s22] =	ssyncadd.s32 $0xFFFFF000  }
0x71: {  	v3 =	vld [tilespmem:s10+$0x0];
	_ =	sdelay $0x1  }
0x72: {  	v4 =	vld [tilespmem:s10+$0x80]  }
0x73: {  	s5 =	sand.u32 $0xC, s3  }
0x74: {  	v5 =	vmov s5  }
0x75: {  	vm4 =	veq.s32 v5, v0;
	v3 =	vxor.u32 $0x80000000, v3  }
0x76: {  	v3 =	vnsel vm4, $0x80000000, v3  }
0x77: {  	v4 =	vxor.u32 $0x80000000, v4;
	(xrf0) =	vmax.scan.msk.u32 $0xffff, v3  }
0x78: {  	v3 =	vnsel vm4, $0x80000000, v4  }
0x79: {  	(xrf0) =	vmax.scan.msk.u32 $0xffff, v3;
	_ =	sdelay $0x3  }
0x7a: {  	v3, _, _ =	vpop (xrf0)  }
0x7b: {  	(v2sf) =	vpush v3, $0xF  }
0x7c: {  	v3, _, _ =	vpop (xrf0)  }
0x7d: {  	(v2sf) =	vpush v3, $0xF;
	_ =	sdelay $0xc  }
0x7e: {  	s6 =	spop (v2sf)  }
0x7f: {  	s5 =	sand.u32 $0x7F, s6  }
0x80: {  	s30 =	spop (v2sf);
	v3 =	vor.u32 s5, v1  }
0x81: {  	s30 =	sand.u32 $0x7F, s30;
	v35 =	vor.u32 s5, v2  }
0x82: {  	v34 =	vor.u32 s30, v1  }
0x83: {  	v6 =	vor.u32 s30, v2;
	_ =	sdelay $0x1  }
0x84: {  	v3 =	vld.idx.msk [tilespmem:v3+s13+$0x0], $0xffff  }
0x85: {  	v5 =	vld.idx.msk [tilespmem:v35+s13+$0x0], $0xffff  }
0x86: {  	v4 =	vld.idx.msk [tilespmem:v34+s14+$0x0], $0xffff  }
0x87: {  	v6 =	vld.idx.msk [tilespmem:v6+s14+$0x0], $0xffff;
	_ =	sdelay $0x3  }
0x88: {  	v3 =	vadd.f32 v4, v3  }
0x89: {  	p0 =	seq.s32 s3, $0x1C;
	v36 =	vadd.f32 v6, v5  }
0x8a: {  	s5 =	sadd.s32 @!p0 $0x4, s3;
	[tilespmem:s0+$0xFFFFFF00] =	vst v3  }
0x8b: {  	s30 =	sand.u32 @!p0 $0x30, s5;
	[tilespmem:s0+$0xFFFFFF10] =	vst v36  }
0x8c: {  	v4 =	vld @!p0 [tilespmem:s30+$0x0];
	_ =	sdelay $0x1  }
0x8d: {  	s5 =	sand.u32 @!p0 $0xC, s5  }
0x8e: {  	v5 =	vmov @!p0 s5;
	v3 =	vlaneseq.u32 @!p0  }
0x8f: {  	vm4 =	veq.s32 @!p0 v5, v3;
	v5 =	vld @!p0 [tilespmem:s30+$0x80]  }
0x90: {  	v4 =	vxor.u32 @!p0 $0x80000000, v4  }
0x91: {  	v4 =	vnsel @!p0 vm4, $0x80000000, v4  }
0x92: {  	(xrf0) =	vmax.scan.msk.u32 @!p0 $0xffff, v4;
	_ =	sdelay $0x1  }
0x93: {  	v4 =	vxor.u32 @!p0 $0x80000000, v5  }
0x94: {  	v4 =	vnsel @!p0 vm4, $0x80000000, v4  }
0x95: {  	(xrf0) =	vmax.scan.msk.u32 @!p0 $0xffff, v4;
	_ =	sdelay $0x1  }
0x96: {  	v4, _, _ =	vpop @!p0 (xrf0)  }
0x97: {  	(v2sf) =	vpush @!p0 v4, $0xF;
	_ =	sdelay $0x2  }
0x98: {  	v4, _, _ =	vpop @!p0 (xrf0)  }
0x99: {  	(v2sf) =	vpush @!p0 v4, $0xF;
	_ =	sdelay $0xa  }
0x9a: {  	s5 =	spop @!p0 (v2sf)  }
0x9b: {  	s7 =	simm.s32 @!p0 $0x1100;
	s5 =	sand.u32 @!p0 $0x1FFFFF80, s5  }
0x9c: {  	s30 =	simm.s32 @!p0 $0x400;
	s6 =	sadd.s32 @!p0 s1, s5;
	s5 =	simm.s32 @!p0 $0x7A1400  }
0x9d: {  	[tilespmem:s7], [sflag:$0x1] =	stream.strided.gather @!p0 [hbm4b:s6+s30], $0x1000, s5, s30, $0x38;
	[tilespmem:$0x9100] =	vst v63  }
0x9e: {  	s6 =	spop @!p0 (v2sf)  }
0x9f: {  	s6 =	sand.u32 @!p0 $0x1FFFFF80, s6  }
0xa0: {  	s7 =	simm.s32 @!p0 $0x5100;
	s6 =	sadd.s32 @!p0 s2, s6  }
0xa1: {  	[tilespmem:s7], [sflag:$0x5] =	stream.strided.gather @!p0 [hbm4b:s6+s30], $0x1000, s5, s30, $0x38;
	[tilespmem:$0x9100] =	vst v63  }
0xa2: {  	_ =	swait.ge [sflag:s23], $0x1000  }
0xa3: {  	[sflag:s23] =	ssyncset.done $0x0  }
0xa4: {  	[sflag:s23] =	ssyncadd.s32 $0xFFFFF000  }
0xa5: {  	_ =	swait.ge [sflag:s24], $0x1000  }
0xa6: {  	[sflag:s24] =	ssyncset.done $0x0  }
0xa7: {  	[sflag:s24] =	ssyncadd.s32 $0xFFFFF000  }
0xa8: {  	v37 =	vld [tilespmem:s10+$0x0];
	_ =	sdelay $0x1  }
0xa9: {  	s7 =	sadd.s32 $0x1, s3;
	v38 =	vld [tilespmem:s10+$0x80]  }
0xaa: {  	s6 =	sand.u32 $0xD, s7  }
0xab: {  	v39 =	vmov s6  }
0xac: {  	vm4 =	veq.s32 v39, v0;
	v4 =	vxor.u32 $0x80000000, v37  }
0xad: {  	v4 =	vnsel vm4, $0x80000000, v4  }
0xae: {  	v5 =	vxor.u32 $0x80000000, v38;
	(xrf0) =	vmax.scan.msk.u32 $0xffff, v4  }
0xaf: {  	v40 =	vnsel vm4, $0x80000000, v5  }
0xb0: {  	(xrf0) =	vmax.scan.msk.u32 $0xffff, v40;
	_ =	sdelay $0x3  }
0xb1: {  	v41, _, _ =	vpop (xrf0)  }
0xb2: {  	(v2sf) =	vpush v41, $0xF  }
0xb3: {  	v42, _, _ =	vpop (xrf0)  }
0xb4: {  	(v2sf) =	vpush v42, $0xF;
	_ =	sdelay $0xc  }
0xb5: {  	s7 =	spop (v2sf)  }
0xb6: {  	s6 =	sand.u32 $0x7F, s7  }
0xb7: {  	s7 =	spop (v2sf);
	v43 =	vor.u32 s6, v1  }
0xb8: {  	s7 =	sand.u32 $0x7F, s7;
	v45 =	vor.u32 s6, v2  }
0xb9: {  	v44 =	vor.u32 s7, v1  }
0xba: {  	v7 =	vor.u32 s7, v2;
	_ =	sdelay $0x1  }
0xbb: {  	v4 =	vld.idx.msk [tilespmem:v43+s15+$0x0], $0xffff  }
0xbc: {  	v6 =	vld.idx.msk [tilespmem:v45+s15+$0x0], $0xffff  }
0xbd: {  	v5 =	vld.idx.msk [tilespmem:v44+s16+$0x0], $0xffff  }
0xbe: {  	v7 =	vld.idx.msk [tilespmem:v7+s16+$0x0], $0xffff;
	_ =	sdelay $0x3  }
0xbf: {  	v4 =	vadd.f32 v5, v4  }
0xc0: {  	v46 =	vadd.f32 v7, v6  }
0xc1: {  	s6 =	sadd.s32 @!p0 $0x5, s3;
	[tilespmem:s0+$0xFFFFFF80] =	vst v4  }
0xc2: {  	s7 =	sand.u32 @!p0 $0x30, s6;
	[tilespmem:s0+$0xFFFFFF90] =	vst v46  }
0xc3: {  	v4 =	vld @!p0 [tilespmem:s7+$0x0];
	_ =	sdelay $0x2  }
0xc4: {  	s6 =	sand.u32 @!p0 $0xD, s6  }
0xc5: {  	v5 =	vmov @!p0 s6;
	v6 =	vld @!p0 [tilespmem:s7+$0x80]  }
0xc6: {  	vm4 =	veq.s32 @!p0 v5, v3;
	v4 =	vxor.u32 @!p0 $0x80000000, v4  }
0xc7: {  	v4 =	vnsel @!p0 vm4, $0x80000000, v4  }
0xc8: {  	(xrf0) =	vmax.scan.msk.u32 @!p0 $0xffff, v4;
	_ =	sdelay $0x1  }
0xc9: {  	v4 =	vxor.u32 @!p0 $0x80000000, v6  }
0xca: {  	v4 =	vnsel @!p0 vm4, $0x80000000, v4  }
0xcb: {  	(xrf0) =	vmax.scan.msk.u32 @!p0 $0xffff, v4;
	_ =	sdelay $0x1  }
0xcc: {  	v4, _, _ =	vpop @!p0 (xrf0)  }
0xcd: {  	(v2sf) =	vpush @!p0 v4, $0xF;
	_ =	sdelay $0x2  }
0xce: {  	v4, _, _ =	vpop @!p0 (xrf0)  }
0xcf: {  	(v2sf) =	vpush @!p0 v4, $0xF;
	_ =	sdelay $0xa  }
0xd0: {  	s6 =	spop @!p0 (v2sf)  }
0xd1: {  	s6 =	sand.u32 @!p0 $0x1FFFFF80, s6  }
0xd2: {  	s7 =	simm.s32 @!p0 $0x2100;
	s6 =	sadd.s32 @!p0 s1, s6  }
0xd3: {  	[tilespmem:s7], [sflag:$0x2] =	stream.strided.gather @!p0 [hbm4b:s6+s30], $0x1000, s5, s30, $0x38;
	[tilespmem:$0x9100] =	vst v63  }
0xd4: {  	s6 =	spop @!p0 (v2sf)  }
0xd5: {  	s6 =	sand.u32 @!p0 $0x1FFFFF80, s6  }
0xd6: {  	s7 =	simm.s32 @!p0 $0x6100;
	s6 =	sadd.s32 @!p0 s2, s6  }
0xd7: {  	[tilespmem:s7], [sflag:$0x6] =	stream.strided.gather @!p0 [hbm4b:s6+s30], $0x1000, s5, s30, $0x38;
	[tilespmem:$0x9100] =	vst v63  }
0xd8: {  	_ =	swait.ge [sflag:s25], $0x1000  }
0xd9: {  	[sflag:s25] =	ssyncset.done $0x0  }
0xda: {  	[sflag:s25] =	ssyncadd.s32 $0xFFFFF000  }
0xdb: {  	_ =	swait.ge [sflag:s26], $0x1000  }
0xdc: {  	[sflag:s26] =	ssyncset.done $0x0  }
0xdd: {  	[sflag:s26] =	ssyncadd.s32 $0xFFFFF000  }
0xde: {  	v47 =	vld [tilespmem:s10+$0x0];
	_ =	sdelay $0x1  }
0xdf: {  	s7 =	sadd.s32 $0x2, s3;
	v48 =	vld [tilespmem:s10+$0x80]  }
0xe0: {  	s6 =	sand.u32 $0xE, s7  }
0xe1: {  	v49 =	vmov s6  }
0xe2: {  	vm4 =	veq.s32 v49, v0;
	v4 =	vxor.u32 $0x80000000, v47  }
0xe3: {  	v4 =	vnsel vm4, $0x80000000, v4  }
0xe4: {  	v5 =	vxor.u32 $0x80000000, v48;
	(xrf0) =	vmax.scan.msk.u32 $0xffff, v4  }
0xe5: {  	v50 =	vnsel vm4, $0x80000000, v5  }
0xe6: {  	(xrf0) =	vmax.scan.msk.u32 $0xffff, v50;
	_ =	sdelay $0x3  }
0xe7: {  	v51, _, _ =	vpop (xrf0)  }
0xe8: {  	(v2sf) =	vpush v51, $0xF  }
0xe9: {  	v52, _, _ =	vpop (xrf0)  }
0xea: {  	(v2sf) =	vpush v52, $0xF;
	_ =	sdelay $0xc  }
0xeb: {  	s7 =	spop (v2sf)  }
0xec: {  	s6 =	sand.u32 $0x7F, s7  }
0xed: {  	s7 =	spop (v2sf);
	v53 =	vor.u32 s6, v1  }
0xee: {  	s7 =	sand.u32 $0x7F, s7;
	v55 =	vor.u32 s6, v2  }
0xef: {  	v54 =	vor.u32 s7, v1  }
0xf0: {  	v56 =	vor.u32 s7, v2;
	_ =	sdelay $0x1  }
0xf1: {  	v4 =	vld.idx.msk [tilespmem:v53+s17+$0x0], $0xffff  }
0xf2: {  	v6 =	vld.idx.msk [tilespmem:v55+s17+$0x0], $0xffff  }
0xf3: {  	v5 =	vld.idx.msk [tilespmem:v54+s18+$0x0], $0xffff  }
0xf4: {  	v7 =	vld.idx.msk [tilespmem:v56+s18+$0x0], $0xffff;
	_ =	sdelay $0x3  }
0xf5: {  	v4 =	vadd.f32 v5, v4  }
0xf6: {  	v57 =	vadd.f32 v7, v6  }
0xf7: {  	s6 =	sadd.s32 @!p0 $0x6, s3;
	[tilespmem:s0+$0x0] =	vst v4  }
0xf8: {  	s7 =	sand.u32 @!p0 $0x30, s6;
	[tilespmem:s0+$0x10] =	vst v57  }
0xf9: {  	v4 =	vld @!p0 [tilespmem:s7+$0x0];
	_ =	sdelay $0x2  }
0xfa: {  	s6 =	sand.u32 @!p0 $0xE, s6  }
0xfb: {  	v5 =	vmov @!p0 s6;
	v6 =	vld @!p0 [tilespmem:s7+$0x80]  }
0xfc: {  	vm4 =	veq.s32 @!p0 v5, v3;
	v3 =	vxor.u32 @!p0 $0x80000000, v4  }
0xfd: {  	v3 =	vnsel @!p0 vm4, $0x80000000, v3  }
0xfe: {  	(xrf0) =	vmax.scan.msk.u32 @!p0 $0xffff, v3;
	_ =	sdelay $0x1  }
0xff: {  	v3 =	vxor.u32 @!p0 $0x80000000, v6  }
0x100: {  	v3 =	vnsel @!p0 vm4, $0x80000000, v3  }
0x101: {  	(xrf0) =	vmax.scan.msk.u32 @!p0 $0xffff, v3;
	_ =	sdelay $0x1  }
0x102: {  	v3, _, _ =	vpop @!p0 (xrf0)  }
0x103: {  	(v2sf) =	vpush @!p0 v3, $0xF;
	_ =	sdelay $0x2  }
0x104: {  	v3, _, _ =	vpop @!p0 (xrf0)  }
0x105: {  	(v2sf) =	vpush @!p0 v3, $0xF;
	_ =	sdelay $0xa  }
0x106: {  	s6 =	spop @!p0 (v2sf)  }
0x107: {  	s6 =	sand.u32 @!p0 $0x1FFFFF80, s6  }
0x108: {  	s7 =	simm.s32 @!p0 $0x3100;
	s6 =	sadd.s32 @!p0 s1, s6  }
0x109: {  	[tilespmem:s7], [sflag:$0x3] =	stream.strided.gather @!p0 [hbm4b:s6+s30], $0x1000, s5, s30, $0x38;
	[tilespmem:$0x9100] =	vst v63  }
0x10a: {  	s6 =	spop @!p0 (v2sf)  }
0x10b: {  	s6 =	sand.u32 @!p0 $0x1FFFFF80, s6  }
0x10c: {  	s7 =	simm.s32 @!p0 $0x7100;
	s6 =	sadd.s32 @!p0 s2, s6  }
0x10d: {  	[tilespmem:s7], [sflag:$0x7] =	stream.strided.gather @!p0 [hbm4b:s6+s30], $0x1000, s5, s30, $0x38;
	[tilespmem:$0x9100] =	vst v63  }
0x10e: {  	_ =	swait.ge [sflag:s28], $0x1000  }
0x10f: {  	[sflag:s28] =	ssyncset.done $0x0  }
0x110: {  	[sflag:s28] =	ssyncadd.s32 $0xFFFFF000  }
0x111: {  	_ =	swait.ge [sflag:s29], $0x1000  }
0x112: {  	[sflag:s29] =	ssyncset.done $0x0  }
0x113: {  	[sflag:s29] =	ssyncadd.s32 $0xFFFFF000  }
0x114: {  	v3 =	vld [tilespmem:s10+$0x0];
	_ =	sdelay $0x1  }
0x115: {  	s7 =	sadd.s32 $0x3, s3;
	v58 =	vld [tilespmem:s10+$0x80]  }
0x116: {  	s5 =	sand.u32 $0xF, s7  }
0x117: {  	v59 =	vmov s5  }
0x118: {  	vm4 =	veq.s32 v59, v0;
	v3 =	vxor.u32 $0x80000000, v3  }
0x119: {  	v3 =	vnsel vm4, $0x80000000, v3  }
0x11a: {  	v4 =	vxor.u32 $0x80000000, v58;
	(xrf0) =	vmax.scan.msk.u32 $0xffff, v3  }
0x11b: {  	v3 =	vnsel vm4, $0x80000000, v4  }
0x11c: {  	(xrf0) =	vmax.scan.msk.u32 $0xffff, v3;
	_ =	sdelay $0x3  }
0x11d: {  	v3, _, _ =	vpop (xrf0)  }
0x11e: {  	(v2sf) =	vpush v3, $0xF  }
0x11f: {  	v3, _, _ =	vpop (xrf0)  }
0x120: {  	(v2sf) =	vpush v3, $0xF;
	_ =	sdelay $0xc  }
0x121: {  	s10 =	spop (v2sf)  }
0x122: {  	s5 =	sand.u32 $0x7F, s10  }
0x123: {  	s30 =	spop (v2sf);
	v3 =	vor.u32 s5, v1  }
0x124: {  	s6 =	sand.u32 $0x7F, s30;
	v61 =	vor.u32 s5, v2  }
0x125: {  	v60 =	vor.u32 s6, v1  }
0x126: {  	v62 =	vor.u32 s6, v2;
	_ =	sdelay $0x1  }
0x127: {  	v3 =	vld.idx.msk [tilespmem:v3+s19+$0x0], $0xffff  }
0x128: {  	v5 =	vld.idx.msk [tilespmem:v61+s19+$0x0], $0xffff  }
0x129: {  	v4 =	vld.idx.msk [tilespmem:v60+s20+$0x0], $0xffff  }
0x12a: {  	v6 =	vld.idx.msk [tilespmem:v62+s20+$0x0], $0xffff;
	_ =	sdelay $0x2  }
.Ltmp2:
0x12b: {  	_ = 	snop;
	(pc) =	sbr.rel @p0 .LBB2_4-.Ltmp2, $4  }
0x12c: {  	v3 =	vadd.f32 v4, v3  }
0x12d: {  	v63 =	vadd.f32 v6, v5  }
0x12e: {  	[tilespmem:s0+$0x80] =	vst v3  }
0x12f: {  	[tilespmem:s0+$0x90] =	vst v63  }
0x130: {  	s5 =	sadd.s32 $0x7, s3  }
0x131: {  	s6 =	sand.u32 $0x30, s5  }
0x132: {  	v3 =	vld [tilespmem:s6+$0x0];
	_ =	sdelay $0x1  }
0x133: {  	v5 =	vld [tilespmem:s6+$0x80]  }
0x134: {  	s5 =	sand.u32 $0xF, s5  }
0x135: {  	v4 =	vmov s5  }
0x136: {  	vm4 =	veq.s32 v4, v0;
	v3 =	vxor.u32 $0x80000000, v3  }
0x137: {  	v3 =	vnsel vm4, $0x80000000, v3  }
0x138: {  	(xrf0) =	vmax.scan.msk.u32 $0xffff, v3;
	v3 =	vxor.u32 $0x80000000, v5  }
0x139: {  	v3 =	vnsel vm4, $0x80000000, v3  }
0x13a: {  	(xrf0) =	vmax.scan.msk.u32 $0xffff, v3;
	_ =	sdelay $0x3  }
0x13b: {  	v3, _, _ =	vpop (xrf0)  }
0x13c: {  	(v2sf) =	vpush v3, $0xF  }
0x13d: {  	v3, _, _ =	vpop (xrf0)  }
0x13e: {  	(v2sf) =	vpush v3, $0xF;
	_ =	sdelay $0xc  }
0x13f: {  	s10 =	spop (v2sf)  }
0x140: {  	s5 =	sand.u32 $0x1FFFFF80, s10  }
.Ltmp3:
0x141: {  	s5 =	sadd.s32 s1, s5;
	s30 =	spop (v2sf);
	(pc) =	sbr.rel .LBB2_2-.Ltmp3, $4  }
0x142: {  	[tilespmem:s19], [sflag:$0x4] =	stream.strided.gather [hbm4b:s5+s11], $0x1000, s12, s11, $0x38;
	[tilespmem:$0x9100] =	vst v63  }
0x143: {  	s5 =	sand.u32 $0x1FFFFF80, s30  }
0x144: {  	s3 =	sadd.s32 $0x4, s3;
	s0 =	sadd.s32 $0x200, s0;
	s5 =	sadd.s32 s2, s5  }
0x145: {  	[tilespmem:s20], [sflag:$0x8] =	stream.strided.gather [hbm4b:s5+s11], $0x1000, s12, s11, $0x38;
	[tilespmem:$0x9100] =	vst v63  }
.LBB2_5:
0x146: {  	_ =	sfence.sel $0x180000  }
0x147: {  	[bflag:$0x0] =	sbarrier.arrive $0xFFFF  }
0x148: {  	_ =	strace $0x9000004D  }
0x149: {  	s0 =	stileid.u32;
	[bflag:$0x2] =	sbarrier.arrive $0xFFFF  }
0x14a: {  	p0 =	sne.s32 s0, $0x0;
	s0 =	rddreg [dreg:$0x3]  }
0x14b: {  	s0 =	sadd.s32 @!p0 $0x100000, s0  }
0x14c: {  	[sflag:s0] =	ssyncadd.tile.s32 @!p0 $0x1;
	_ =	shalt  }
.Lfunc_end2:
_tile_overlayer_lowered:
.L_overlay_start_2:
0x14d: {  	(tag) =	ssettag $0x2  }
0x14e: {  	s0 =	rddreg [dreg:$0x0];
	s2 =	stileid.u32  }
0x14f: {  	s1 =	rddreg [dreg:$0x1];
	p0 =	sne.s32 s2, $0x0  }
0x150: {  	s3 =	rddreg [dreg:$0x2];
	[bflag:$0x3] =	sbarrier.arrive $0xFFFF;
	s2 =	simm.s32 @!p0 $0x1C09  }
0x151: {  	[timem:s3], [sflag:s2] =	dma.local @!p0 [hbm:s0], s1  }
0x152: {  	s0 =	simm.s32 @!p0 $0x9  }
0x153: {  	_ =	swait.ge @!p0 [sflag:s0], s1  }
0x154: {  	s1 =	ssub.s32 @!p0 $0x0, s1;
	[sflag:s0] =	ssyncset.done @!p0 $0x0  }
0x155: {  	[sflag:s0] =	ssyncadd.s32 @!p0 s1  }
0x156: {  	[bflag:$0x3] =	sbarrier.arrive $0xFFFF  }
0x157: {  	_ =	shalt  }

</sc_bundles>
